<compile_context>
chip_gen: v7x
topology: tpu7x:2x2x1
jax: 0.10.2.dev20260603
libtpu: 0.0.44.dev20260713+nightly
codegen_flags: <defaults>
</compile_context>

<pallas_src>
import functools

import jax
import jax.numpy as jnp
from jax import lax
from jax.experimental import pallas as pl
from jax.experimental.pallas import tpu as pltpu
from jax.experimental.pallas import tpu_sc as plsc

N = 10000
NP = 10240
D = 128
E = 320000
NSC = 2
NSUB = 16
CHUNK = 80
RPS = NP // NSUB
BR = 2048

_sc_mesh = functools.partial(
    plsc.VectorSubcoreMesh, core_axis_name="c", subcore_axis_name="s")


def _seg_pipeline(nchunk, gath, gath_wait, scat, scat_wait,
                  idx_load, idx_ready):

  def step(j, b, first=False):
    gath_wait(j, b)
    scat(j, b)
    if not first:
      scat_wait(j - 1, (b + 3) % 4)

    @pl.when(j + 3 < nchunk)
    def _():
      idx_ready(j + 3, (b + 3) % 4)
      gath(j + 3, (b + 3) % 4)

    @pl.when(j + 4 < nchunk)
    def _():
      idx_load(j + 4, b % 2)

  idx_load(0, 0)
  idx_load(1, 1)
  idx_ready(0, 0)
  gath(0, 0)
  idx_load(2, 0)
  idx_ready(1, 1)
  gath(1, 1)
  idx_load(3, 1)
  idx_ready(2, 2)
  gath(2, 2)

  step(0, 0, first=True)
  for j in (1, 2, 3):
    step(j, j)

  nquads = nchunk // 4

  @pl.loop(1, nquads)
  def _(i):
    step(4 * i, 0)
    step(4 * i + 1, 1)
    step(4 * i + 2, 2)
    step(4 * i + 3, 3)

  for j in range(4 * nquads, nchunk):
    step(j, j % 4)
  scat_wait(nchunk - 1, (nchunk - 1) % 4)


def _seg_scratch(tail):
  return [
      pltpu.VMEM_SHARED((NP, D), jnp.float32),
      pltpu.VMEM_SHARED((NP,), jnp.float32),
      [pltpu.VMEM((CHUNK,), jnp.int32)] * 2,
      [pltpu.VMEM((CHUNK,), jnp.int32)] * 2,
      [pltpu.VMEM((CHUNK,), jnp.int32)] * 4,
      [pltpu.VMEM((CHUNK,), jnp.int32)] * 4,
      [pltpu.VMEM((CHUNK, D), jnp.float32)] * 4,
      pltpu.VMEM((CHUNK,), jnp.float32),
      pltpu.VMEM((tail,), jnp.int32),
      pltpu.VMEM((tail,), jnp.int32),
      pltpu.VMEM((tail, D), jnp.float32),
      pltpu.VMEM((tail,), jnp.float32),
      [pltpu.SemaphoreType.DMA] * 4,
      [pltpu.SemaphoreType.DMA] * 4,
      [pltpu.SemaphoreType.DMA] * 2,
  ]


def _seg_sum_split_edges(table, edges_flat, z2, z1):
  ept = E // (NSC * NSUB)
  nchunk = ept // CHUNK
  tail = ept - nchunk * CHUNK

  @functools.partial(
      pl.kernel,
      out_type=(jax.ShapeDtypeStruct((NSC, NP, D), jnp.float32),
                jax.ShapeDtypeStruct((NSC, NP), jnp.float32)),
      mesh=_sc_mesh(),
      scratch_types=_seg_scratch(tail),
  )
  def k(table_hbm, ei_hbm, z2_hbm, z1_hbm, agg_hbm, cnt_hbm,
        acc_sh, cnt_sh, psrc_v, pdst_v, src_v, dst_v, rows_v, ones_v,
        tsrc_v, tdst_v, trows_v, tones_v, g_s, s_s, i_s):
    cid = lax.axis_index("c")
    sid = lax.axis_index("s")
    r0 = sid * RPS
    pltpu.sync_copy(z2_hbm.at[pl.ds(r0, RPS)], acc_sh.at[pl.ds(r0, RPS)])
    pltpu.sync_copy(z1_hbm.at[pl.ds(r0, RPS)], cnt_sh.at[pl.ds(r0, RPS)])
    for i in range(CHUNK // 16):
      ones_v[pl.ds(i * 16, 16)] = jnp.ones((16,), jnp.float32)
    for i in range(tail // 16):
      tones_v[pl.ds(i * 16, 16)] = jnp.ones((16,), jnp.float32)
    plsc.subcore_barrier()

    base = (cid * NSUB + sid) * ept

    def idx_load(j, p):
      off = base + j * CHUNK
      pltpu.async_copy(ei_hbm.at[pl.ds(off, CHUNK)], psrc_v[p], i_s[p])
      pltpu.async_copy(ei_hbm.at[pl.ds(E + off, CHUNK)], pdst_v[p], i_s[p])

    def idx_ready(j, b):
      p = b % 2
      off = base + j * CHUNK
      pltpu.make_async_copy(ei_hbm.at[pl.ds(off, CHUNK)], psrc_v[p],
                            i_s[p]).wait()
      pltpu.make_async_copy(ei_hbm.at[pl.ds(E + off, CHUNK)], pdst_v[p],
                            i_s[p]).wait()
      for i in range(CHUNK // 16):
        sl = pl.ds(i * 16, 16)
        src_v[b][sl] = psrc_v[p][sl]
        dst_v[b][sl] = pdst_v[p][sl]

    def gath(j, x):
      pltpu.async_copy(table_hbm.at[src_v[x]], rows_v[x], g_s[x])

    def gath_wait(j, x):
      pltpu.make_async_copy(table_hbm.at[src_v[x]], rows_v[x],
                            g_s[x]).wait()

    def scat(j, x):
      pltpu.async_copy(rows_v[x], acc_sh.at[dst_v[x]], s_s[x], add=True)
      pltpu.async_copy(ones_v, cnt_sh.at[dst_v[x]], s_s[x], add=True)

    def scat_wait(j, x):
      pltpu.make_async_copy(rows_v[x], acc_sh.at[dst_v[x]], s_s[x]).wait()
      pltpu.make_async_copy(ones_v, cnt_sh.at[dst_v[x]], s_s[x]).wait()

    _seg_pipeline(nchunk, gath, gath_wait, scat, scat_wait,
                  idx_load, idx_ready)

    if tail:
      toff = base + nchunk * CHUNK
      pltpu.sync_copy(ei_hbm.at[pl.ds(toff, tail)], tsrc_v)
      pltpu.sync_copy(ei_hbm.at[pl.ds(E + toff, tail)], tdst_v)
      pltpu.sync_copy(table_hbm.at[tsrc_v], trows_v)
      pltpu.sync_copy(trows_v, acc_sh.at[tdst_v], add=True)
      pltpu.sync_copy(tones_v, cnt_sh.at[tdst_v], add=True)

    plsc.subcore_barrier()
    pltpu.sync_copy(acc_sh.at[pl.ds(r0, RPS)], agg_hbm.at[cid, pl.ds(r0, RPS)])
    pltpu.sync_copy(cnt_sh.at[pl.ds(r0, RPS)], cnt_hbm.at[cid, pl.ds(r0, RPS)])

  return k(table, edges_flat, z2, z1)


def _seg_sum_two_tables(tables_flat, edges_flat, z2, z1):
  ept = E // NSUB
  nchunk = ept // CHUNK
  tail = ept - nchunk * CHUNK

  @functools.partial(
      pl.kernel,
      out_type=(jax.ShapeDtypeStruct((NSC, NP, D), jnp.float32),
                jax.ShapeDtypeStruct((NP,), jnp.float32)),
      mesh=_sc_mesh(),
      scratch_types=_seg_scratch(tail),
  )
  def k(tab_hbm, ei_hbm, z2_hbm, z1_hbm, agg_hbm, cnt_hbm,
        acc_sh, cnt_sh, psrc_v, pdst_v, src_v, dst_v, rows_v, ones_v,
        tsrc_v, tdst_v, trows_v, tones_v, g_s, s_s, i_s):
    cid = lax.axis_index("c")
    sid = lax.axis_index("s")
    r0 = sid * RPS
    row_off = cid * NP
    pltpu.sync_copy(z2_hbm.at[pl.ds(r0, RPS)], acc_sh.at[pl.ds(r0, RPS)])

    @pl.when(cid == 0)
    def _():
      pltpu.sync_copy(z1_hbm.at[pl.ds(r0, RPS)], cnt_sh.at[pl.ds(r0, RPS)])

    for i in range(CHUNK // 16):
      ones_v[pl.ds(i * 16, 16)] = jnp.ones((16,), jnp.float32)
    for i in range(tail // 16):
      tones_v[pl.ds(i * 16, 16)] = jnp.ones((16,), jnp.float32)
    plsc.subcore_barrier()

    base = sid * ept

    def idx_load(j, p):
      off = base + j * CHUNK
      pltpu.async_copy(ei_hbm.at[pl.ds(off, CHUNK)], psrc_v[p], i_s[p])
      pltpu.async_copy(ei_hbm.at[pl.ds(E + off, CHUNK)], pdst_v[p], i_s[p])

    def idx_ready(j, b):
      p = b % 2
      off = base + j * CHUNK
      pltpu.make_async_copy(ei_hbm.at[pl.ds(off, CHUNK)], psrc_v[p],
                            i_s[p]).wait()
      pltpu.make_async_copy(ei_hbm.at[pl.ds(E + off, CHUNK)], pdst_v[p],
                            i_s[p]).wait()
      for i in range(CHUNK // 16):
        sl = pl.ds(i * 16, 16)
        src_v[b][sl] = psrc_v[p][sl] + row_off
        dst_v[b][sl] = pdst_v[p][sl]

    def gath(j, x):
      pltpu.async_copy(tab_hbm.at[src_v[x]], rows_v[x], g_s[x])

    def gath_wait(j, x):
      pltpu.make_async_copy(tab_hbm.at[src_v[x]], rows_v[x],
                            g_s[x]).wait()

    def scat(j, x):
      pltpu.async_copy(rows_v[x], acc_sh.at[dst_v[x]], s_s[x], add=True)

      @pl.when(cid == 0)
      def _():
        pltpu.async_copy(ones_v, cnt_sh.at[dst_v[x]], s_s[x], add=True)

    def scat_wait(j, x):
      pltpu.make_async_copy(rows_v[x], acc_sh.at[dst_v[x]], s_s[x]).wait()

      @pl.when(cid == 0)
      def _():
        pltpu.make_async_copy(ones_v, cnt_sh.at[dst_v[x]], s_s[x]).wait()

    _seg_pipeline(nchunk, gath, gath_wait, scat, scat_wait,
                  idx_load, idx_ready)

    if tail:
      toff = base + nchunk * CHUNK
      pltpu.sync_copy(ei_hbm.at[pl.ds(toff, tail)], tsrc_v)
      pltpu.sync_copy(ei_hbm.at[pl.ds(E + toff, tail)], tdst_v)
      for i in range(tail // 16):
        sl = pl.ds(i * 16, 16)
        tsrc_v[sl] = tsrc_v[sl] + row_off
      pltpu.sync_copy(tab_hbm.at[tsrc_v], trows_v)
      pltpu.sync_copy(trows_v, acc_sh.at[tdst_v], add=True)

      @pl.when(cid == 0)
      def _():
        pltpu.sync_copy(tones_v, cnt_sh.at[tdst_v], add=True)

    plsc.subcore_barrier()
    pltpu.sync_copy(acc_sh.at[pl.ds(r0, RPS)], agg_hbm.at[cid, pl.ds(r0, RPS)])

    @pl.when(cid == 0)
    def _():
      pltpu.sync_copy(cnt_sh.at[pl.ds(r0, RPS)], cnt_hbm.at[pl.ds(r0, RPS)])

  return k(tables_flat, edges_flat, z2, z1)


def _hop1_combine(aggP, cntP, x_item, wl, wr, b, bu):
  def body(a_ref, c_ref, xi_ref, wl_ref, wr_ref, b_ref, bu_ref, o_ref):
    agg = a_ref[0] + a_ref[1]
    cnt = c_ref[0] + c_ref[1]
    inv = 1.0 / jnp.maximum(cnt, 1.0)
    mask = jnp.where(cnt > 0.0, 1.0, 0.0)
    z = (jnp.dot(agg, wl_ref[...], preferred_element_type=jnp.float32,
                 precision=lax.Precision.DEFAULT)
         * inv[:, None]
         + mask[:, None] * bu_ref[0]
         + jnp.dot(xi_ref[...], wr_ref[...],
                   preferred_element_type=jnp.float32,
                   precision=lax.Precision.DEFAULT)
         + b_ref[0])
    h = jnp.maximum(z, 0.0)
    o_ref[0] = h[:, :D]
    o_ref[1] = h[:, D:]

  return pl.pallas_call(
      body,
      grid=(NP // BR,),
      in_specs=[
          pl.BlockSpec((2, BR, D), lambda i: (0, i, 0)),
          pl.BlockSpec((2, BR), lambda i: (0, i)),
          pl.BlockSpec((BR, D), lambda i: (i, 0)),
          pl.BlockSpec((D, 2 * D), lambda i: (0, 0)),
          pl.BlockSpec((D, 2 * D), lambda i: (0, 0)),
          pl.BlockSpec((1, 2 * D), lambda i: (0, 0)),
          pl.BlockSpec((1, 2 * D), lambda i: (0, 0)),
      ],
      out_specs=pl.BlockSpec((2, BR, D), lambda i: (0, i, 0)),
      out_shape=jax.ShapeDtypeStruct((2, NP, D), jnp.float32),
  )(aggP, cntP, x_item, wl, wr, b, bu)


def _hop2_final(agg2, cnt2, x_user, wlA, wrA, bA, wlB, wrB, bB, v0, v1, c):
  def body(c_s, a_ref, c2_ref, xu_ref, wla, wra, ba, wlb, wrb, bb,
           v0_ref, v1_ref, o_ref):
    inv = 1.0 / jnp.maximum(c2_ref[...], 1.0)
    xu_b = xu_ref[...]
    zA = (jnp.dot(a_ref[0], wla[...], preferred_element_type=jnp.float32,
                  precision=lax.Precision.DEFAULT)
          * inv[:, None]
          + jnp.dot(xu_b, wra[...], preferred_element_type=jnp.float32,
                    precision=lax.Precision.DEFAULT)
          + ba[0])
    zB = (jnp.dot(a_ref[1], wlb[...], preferred_element_type=jnp.float32,
                  precision=lax.Precision.DEFAULT)
          * inv[:, None]
          + jnp.dot(xu_b, wrb[...], preferred_element_type=jnp.float32,
                    precision=lax.Precision.DEFAULT)
          + bb[0])
    hA = jnp.maximum(zA, 0.0)
    hB = jnp.maximum(zB, 0.0)
    y = (jnp.sum(hA * v0_ref[0], axis=1)
         + jnp.sum(hB * v1_ref[0], axis=1) + c_s[0])
    o_ref[0, 0, :] = y

  return pl.pallas_call(
      body,
      grid=(NP // BR,),
      in_specs=[
          pl.BlockSpec(memory_space=pltpu.SMEM),
          pl.BlockSpec((2, BR, D), lambda i: (0, i, 0)),
          pl.BlockSpec((BR,), lambda i: (i,)),
          pl.BlockSpec((BR, D), lambda i: (i, 0)),
          pl.BlockSpec((D, D), lambda i: (0, 0)),
          pl.BlockSpec((D, D), lambda i: (0, 0)),
          pl.BlockSpec((1, D), lambda i: (0, 0)),
          pl.BlockSpec((D, D), lambda i: (0, 0)),
          pl.BlockSpec((D, D), lambda i: (0, 0)),
          pl.BlockSpec((1, D), lambda i: (0, 0)),
          pl.BlockSpec((1, D), lambda i: (0, 0)),
          pl.BlockSpec((1, D), lambda i: (0, 0)),
      ],
      out_specs=pl.BlockSpec((1, 1, BR), lambda i: (i, 0, 0)),
      out_shape=jax.ShapeDtypeStruct((NP // BR, 1, BR), jnp.float32),
  )(c, agg2, cnt2, x_user, wlA, wrA, bA, wlB, wrB, bB, v0, v1)


def kernel(x_user, x_item, edge_u2i, edge_i2u, W_enc_u, b_enc_u, W_enc_i,
           b_enc_i, Wl00, bl00, Wr00, Wl01, bl01, Wr01, Wp0, bp0, Wl10,
           bl10, Wr10, Wl11, bl11, Wr11, Wp1, bp1, W_reg, b_reg):
  f32 = jnp.float32

  wl1 = jnp.concatenate([Wl00.T, Wl10.T], axis=1)
  wr1 = jnp.concatenate([Wr00.T, Wr10.T], axis=1)
  bl1 = jnp.concatenate([bl00, bl10])
  wlB = W_enc_u.T @ wl1
  buB = (b_enc_u @ wl1)[None, :]
  wrB = W_enc_i.T @ wr1
  bB = (b_enc_i @ wr1 + bl1)[None, :]
  wlCA = Wl01.T
  wrCA = W_enc_u.T @ Wr01.T
  bCA = (b_enc_u @ Wr01.T + bl01)[None, :]
  buCA = jnp.zeros((1, D), f32)
  wlCB = Wl11.T
  wrCB = W_enc_u.T @ Wr11.T
  bCB = (b_enc_u @ Wr11.T + bl11)[None, :]
  buCB = jnp.zeros((1, D), f32)
  wreg = W_reg[0]
  v0 = (Wp0.T @ wreg[:64])[None, :]
  v1 = (Wp1.T @ wreg[64:])[None, :]
  c = (jnp.dot(bp0, wreg[:64]) + jnp.dot(bp1, wreg[64:])
       + b_reg[0]).reshape(1).astype(f32)

  z2 = jnp.zeros((NP, D), f32)
  z1 = jnp.zeros((NP,), f32)

  agg1P, cnt1P = _seg_sum_split_edges(x_user, edge_u2i.reshape(2 * E),
                                      z2, z1)
  h01 = _hop1_combine(agg1P, cnt1P, x_item, wlB, wrB, bB, buB)
  agg2, cnt2 = _seg_sum_two_tables(h01.reshape(NSC * NP, D),
                                   edge_i2u.reshape(2 * E), z2, z1)
  y = _hop2_final(agg2, cnt2, x_user, wlCA, wrCA, bCA, wlCB, wrCB, bCB,
                  v0, v1, c)
  return y.reshape(NP)[:N]

# --- scband reference (transcript-rebuilt; emitter-appended) ---
"""Pipeline reference for scband-mpsgnn-58987080843872 (READ-ONLY COPY).

The authoritative reference and input builder live on the scoring server;
editing this copy changes nothing except your own understanding.
"""

import jax, jax.numpy as jnp
import numpy as np

N = 10000
D = 128
H = 128
O = 64
E = 320000


def _sage(x_src, x_dst, ei, Wl, bl, Wr):
    # PyG SAGEConv with mean aggregation: lin_l(mean_agg(x_src)) + lin_r(x_dst)
    src, dst = ei[0], ei[1]
    agg = jax.ops.segment_sum(x_src[src], dst, num_segments=x_dst.shape[0])
    cnt = jax.ops.segment_sum(jnp.ones((src.shape[0],), x_src.dtype), dst, num_segments=x_dst.shape[0])
    agg = agg / jnp.clip(cnt, 1.0)[:, None]
    return agg @ Wl.T + bl + x_dst @ Wr.T


def setup_inputs(seed: int = 0):
    key = jax.random.key(seed)
    ks = jax.random.split(key, 32)
    s = 1.0 / np.sqrt(H)
    inp = {}
    inp['x_user'] = jax.random.normal(ks[0], (N, D), jnp.float32)
    inp['x_item'] = jax.random.normal(ks[1], (N, D), jnp.float32)
    inp['edge_u2i'] = jax.random.randint(ks[2], (2, E), 0, N, jnp.int32)
    inp['edge_i2u'] = jax.random.randint(ks[3], (2, E), 0, N, jnp.int32)
    # HeteroEncoder simplified to per-node-type linear projection D -> H
    inp['W_enc_u'] = jax.random.normal(ks[4], (H, D), jnp.float32) * s
    inp['b_enc_u'] = jnp.zeros((H,), jnp.float32)
    inp['W_enc_i'] = jax.random.normal(ks[5], (H, D), jnp.float32) * s
    inp['b_enc_i'] = jnp.zeros((H,), jnp.float32)
    k = 6
    for m in range(2):
        for c in range(2):
            inp['Wl%d%d' % (m, c)] = jax.random.normal(ks[k], (H, H), jnp.float32) * s; k += 1
            inp['bl%d%d' % (m, c)] = jnp.zeros((H,), jnp.float32)
            inp['Wr%d%d' % (m, c)] = jax.random.normal(ks[k], (H, H), jnp.float32) * s; k += 1
        inp['Wp%d' % m] = jax.random.normal(ks[k], (O, H), jnp.float32) * s; k += 1
        inp['bp%d' % m] = jnp.zeros((O,), jnp.float32)
    inp['W_reg'] = jax.random.normal(ks[k], (1, 2 * O), jnp.float32) * (1.0 / np.sqrt(2 * O))
    inp['b_reg'] = jnp.zeros((1,), jnp.float32)
    return inp


def reference(x_user, x_item, edge_u2i, edge_i2u, W_enc_u, b_enc_u, W_enc_i, b_enc_i,
              Wl00, bl00, Wr00, Wl01, bl01, Wr01, Wp0, bp0,
              Wl10, bl10, Wr10, Wl11, bl11, Wr11, Wp1, bp1,
              W_reg, b_reg):
    hu = x_user @ W_enc_u.T + b_enc_u
    hi = x_item @ W_enc_i.T + b_enc_i

    def metapath(Wl0, bl0, Wr0, Wl1, bl1, Wr1, Wp, bp):
        # hop 1: user -> item, hop 2: item -> user (h_dict updated in place)
        h_i = jax.nn.relu(_sage(hu, hi, edge_u2i, Wl0, bl0, Wr0))
        h_u = jax.nn.relu(_sage(h_i, hu, edge_i2u, Wl1, bl1, Wr1))
        return h_u @ Wp.T + bp

    e0 = metapath(Wl00, bl00, Wr00, Wl01, bl01, Wr01, Wp0, bp0)
    e1 = metapath(Wl10, bl10, Wr10, Wl11, bl11, Wr11, Wp1, bp1)
    cat = jnp.concatenate([e0, e1], axis=-1)
    return (cat @ W_reg.T + b_reg).squeeze(-1)

if __name__ == "__main__":
    import jax
    _d = setup_inputs()
    print(jax.jit(kernel)(*tuple(_d.values())))

</pallas_src>

<mosaic_0001>
#map = affine_map<(d0, d1) -> (0, 0)>
#map1 = affine_map<(d0, d1) -> (0)>
#map2 = affine_map<(d0, d1) -> (0, 0, 0)>
module attributes {stable_mosaic.version = 14 : i64} {
  func.func @k(%arg0: i32, %arg1: i32, %arg2: memref<20480x128xf32, #tpu.memory_space<hbm>>, %arg3: memref<640000xi32, #tpu.memory_space<hbm>>, %arg4: memref<10240x128xf32, #tpu.memory_space<hbm>>, %arg5: memref<10240xf32, #tpu.memory_space<hbm>>, %arg6: memref<2x10240x128xf32, #tpu.memory_space<hbm>>, %arg7: memref<10240xf32, #tpu.memory_space<hbm>>, %arg8: memref<10240x128xf32, #tpu.memory_space<vmem_shared>>, %arg9: memref<10240xf32, #tpu.memory_space<vmem_shared>>, %arg10: memref<80xi32, #tpu.memory_space<vmem>>, %arg11: memref<80xi32, #tpu.memory_space<vmem>>, %arg12: memref<80xi32, #tpu.memory_space<vmem>>, %arg13: memref<80xi32, #tpu.memory_space<vmem>>, %arg14: memref<80xi32, #tpu.memory_space<vmem>>, %arg15: memref<80xi32, #tpu.memory_space<vmem>>, %arg16: memref<80xi32, #tpu.memory_space<vmem>>, %arg17: memref<80xi32, #tpu.memory_space<vmem>>, %arg18: memref<80xi32, #tpu.memory_space<vmem>>, %arg19: memref<80xi32, #tpu.memory_space<vmem>>, %arg20: memref<80xi32, #tpu.memory_space<vmem>>, %arg21: memref<80xi32, #tpu.memory_space<vmem>>, %arg22: memref<80x128xf32, #tpu.memory_space<vmem>>, %arg23: memref<80x128xf32, #tpu.memory_space<vmem>>, %arg24: memref<80x128xf32, #tpu.memory_space<vmem>>, %arg25: memref<80x128xf32, #tpu.memory_space<vmem>>, %arg26: memref<80xf32, #tpu.memory_space<vmem>>, %arg27: memref<0xi32, #tpu.memory_space<vmem>>, %arg28: memref<0xi32, #tpu.memory_space<vmem>>, %arg29: memref<0x128xf32, #tpu.memory_space<vmem>>, %arg30: memref<0xf32, #tpu.memory_space<vmem>>, %arg31: memref<!tpu.dma_semaphore, #tpu.memory_space<semaphore_mem>>, %arg32: memref<!tpu.dma_semaphore, #tpu.memory_space<semaphore_mem>>, %arg33: memref<!tpu.dma_semaphore, #tpu.memory_space<semaphore_mem>>, %arg34: memref<!tpu.dma_semaphore, #tpu.memory_space<semaphore_mem>>, %arg35: memref<!tpu.dma_semaphore, #tpu.memory_space<semaphore_mem>>, %arg36: memref<!tpu.dma_semaphore, #tpu.memory_space<semaphore_mem>>, %arg37: memref<!tpu.dma_semaphore, #tpu.memory_space<semaphore_mem>>, %arg38: memref<!tpu.dma_semaphore, #tpu.memory_space<semaphore_mem>>, %arg39: memref<!tpu.dma_semaphore, #tpu.memory_space<semaphore_mem>>, %arg40: memref<!tpu.dma_semaphore, #tpu.memory_space<semaphore_mem>>) attributes {dimension_semantics = [#tpu.dimension_semantics<core_parallel>, #tpu.dimension_semantics<subcore_parallel>], iteration_bounds = array<i64: 2, 16>, scalar_prefetch = 0 : i64, scratch_operands = 33 : i64, tpu.core_type = #tpu.core_type<sc_vector_subcore>, window_params = [{transform_indices = #map}, {transform_indices = #map1}, {transform_indices = #map}, {transform_indices = #map1}, {transform_indices = #map2}, {transform_indices = #map1}]} {
    %mul3A = arith.constant 640 : i32
    %mul3A_0 = arith.muli %arg1, %mul3A : i32
    %mul3A_1 = arith.constant 10240 : i32
    %mul3A_2 = arith.muli %arg0, %mul3A_1 : i32
    "tpu.region"() ({
      %run_scoped3A = tpu.sem_alloc : memref<!tpu.dma_semaphore, #tpu.memory_space<semaphore_mem>>
      %dma_start3A_856 = arith.constant 0 : i32
      %dma_start3A_857 = tpu.memref_slice %arg8[%mul3A_0, %dma_start3A_856] : memref<10240x128xf32, #tpu.memory_space<vmem_shared>> -> memref<640x128xf32, #tpu.memory_space<vmem_shared>>
      %dma_start3A_858 = arith.constant 0 : i32
      %dma_start3A_859 = tpu.memref_slice %arg4[%mul3A_0, %dma_start3A_858] : memref<10240x128xf32, #tpu.memory_space<hbm>> -> memref<640x128xf32, #tpu.memory_space<hbm>>
      tpu.enqueue_dma source(%dma_start3A_859 : memref<640x128xf32, #tpu.memory_space<hbm>>) target(%dma_start3A_857 : memref<640x128xf32, #tpu.memory_space<vmem_shared>>) target_semaphore(%run_scoped3A : memref<!tpu.dma_semaphore, #tpu.memory_space<semaphore_mem>>)
      %dma_wait3A_860 = arith.constant 0 : i32
      %dma_wait3A_861 = tpu.memref_slice %arg8[%mul3A_0, %dma_wait3A_860] : memref<10240x128xf32, #tpu.memory_space<vmem_shared>> -> memref<640x128xf32, #tpu.memory_space<vmem_shared>>
      %dma_wait3A_862 = arith.constant 0 : i32
      %dma_wait3A_863 = tpu.memref_slice %arg4[%mul3A_0, %dma_wait3A_862] : memref<10240x128xf32, #tpu.memory_space<hbm>> -> memref<640x128xf32, #tpu.memory_space<hbm>>
      tpu.wait_dma2 semaphore(%run_scoped3A : memref<!tpu.dma_semaphore, #tpu.memory_space<semaphore_mem>>) src(%dma_wait3A_863 : memref<640x128xf32, #tpu.memory_space<hbm>>) dst(%dma_wait3A_861 : memref<640x128xf32, #tpu.memory_space<vmem_shared>>)
      tpu.yield
    }) : () -> ()
    %eq3A = arith.constant 0 : i32
    %eq3A_3 = arith.cmpi eq, %arg0, %eq3A : i32
    %convert_element_type3A = arith.extui %eq3A_3 : i1 to i32
    %cond3A = arith.constant 0 : i32
    %cond3A_4 = arith.cmpi ne, %convert_element_type3A, %cond3A : i32
    scf.if %cond3A_4 {
      "tpu.region"() ({
        %run_scoped3A = tpu.sem_alloc : memref<!tpu.dma_semaphore, #tpu.memory_space<semaphore_mem>>
        %dma_start3A_856 = tpu.memref_slice %arg9[%mul3A_0] : memref<10240xf32, #tpu.memory_space<vmem_shared>> -> memref<640xf32, #tpu.memory_space<vmem_shared>>
        %dma_start3A_857 = tpu.memref_slice %arg5[%mul3A_0] : memref<10240xf32, #tpu.memory_space<hbm>> -> memref<640xf32, #tpu.memory_space<hbm>>
        tpu.enqueue_dma source(%dma_start3A_857 : memref<640xf32, #tpu.memory_space<hbm>>) target(%dma_start3A_856 : memref<640xf32, #tpu.memory_space<vmem_shared>>) target_semaphore(%run_scoped3A : memref<!tpu.dma_semaphore, #tpu.memory_space<semaphore_mem>>)
        %dma_wait3A_858 = tpu.memref_slice %arg9[%mul3A_0] : memref<10240xf32, #tpu.memory_space<vmem_shared>> -> memref<640xf32, #tpu.memory_space<vmem_shared>>
        %dma_wait3A_859 = tpu.memref_slice %arg5[%mul3A_0] : memref<10240xf32, #tpu.memory_space<hbm>> -> memref<640xf32, #tpu.memory_space<hbm>>
        tpu.wait_dma2 semaphore(%run_scoped3A : memref<!tpu.dma_semaphore, #tpu.memory_space<semaphore_mem>>) src(%dma_wait3A_859 : memref<640xf32, #tpu.memory_space<hbm>>) dst(%dma_wait3A_858 : memref<640xf32, #tpu.memory_space<vmem_shared>>)
        tpu.yield
      }) : () -> ()
    } else {
    }
    %broadcast_in_dim3A = arith.constant 1.000000e+00 : f32
    %broadcast_in_dim3A_5 = vector.broadcast %broadcast_in_dim3A : f32 to vector<16xf32>
    %swap3A = arith.constant 0 : index
    %swap3A_6 = tpu.vector_load %arg26[%swap3A] {strides = array<i32>} : memref<80xf32, #tpu.memory_space<vmem>>, vector<16xf32>,
    %swap3A_7 = vector.shape_cast %swap3A_6 : vector<16xf32> to vector<16xf32>
    %swap3A_8 = vector.shape_cast %broadcast_in_dim3A_5 : vector<16xf32> to vector<16xf32>
    tpu.vector_store %arg26[%swap3A], %swap3A_8 {strides = array<i32>} : memref<80xf32, #tpu.memory_space<vmem>>, vector<16xf32>,
    %broadcast_in_dim3A_9 = arith.constant 1.000000e+00 : f32
    %broadcast_in_dim3A_10 = vector.broadcast %broadcast_in_dim3A_9 : f32 to vector<16xf32>
    %swap3A_11 = arith.constant 16 : index
    %swap3A_12 = tpu.vector_load %arg26[%swap3A_11] {strides = array<i32>} : memref<80xf32, #tpu.memory_space<vmem>>, vector<16xf32>,
    %swap3A_13 = vector.shape_cast %swap3A_12 : vector<16xf32> to vector<16xf32>
    %swap3A_14 = vector.shape_cast %broadcast_in_dim3A_10 : vector<16xf32> to vector<16xf32>
    tpu.vector_store %arg26[%swap3A_11], %swap3A_14 {strides = array<i32>} : memref<80xf32, #tpu.memory_space<vmem>>, vector<16xf32>,
    %broadcast_in_dim3A_15 = arith.constant 1.000000e+00 : f32
    %broadcast_in_dim3A_16 = vector.broadcast %broadcast_in_dim3A_15 : f32 to vector<16xf32>
    %swap3A_17 = arith.constant 32 : index
    %swap3A_18 = tpu.vector_load %arg26[%swap3A_17] {strides = array<i32>} : memref<80xf32, #tpu.memory_space<vmem>>, vector<16xf32>,
    %swap3A_19 = vector.shape_cast %swap3A_18 : vector<16xf32> to vector<16xf32>
    %swap3A_20 = vector.shape_cast %broadcast_in_dim3A_16 : vector<16xf32> to vector<16xf32>
    tpu.vector_store %arg26[%swap3A_17], %swap3A_20 {strides = array<i32>} : memref<80xf32, #tpu.memory_space<vmem>>, vector<16xf32>,
    %broadcast_in_dim3A_21 = arith.constant 1.000000e+00 : f32
    %broadcast_in_dim3A_22 = vector.broadcast %broadcast_in_dim3A_21 : f32 to vector<16xf32>
    %swap3A_23 = arith.constant 48 : index
    %swap3A_24 = tpu.vector_load %arg26[%swap3A_23] {strides = array<i32>} : memref<80xf32, #tpu.memory_space<vmem>>, vector<16xf32>,
    %swap3A_25 = vector.shape_cast %swap3A_24 : vector<16xf32> to vector<16xf32>
    %swap3A_26 = vector.shape_cast %broadcast_in_dim3A_22 : vector<16xf32> to vector<16xf32>
    tpu.vector_store %arg26[%swap3A_23], %swap3A_26 {strides = array<i32>} : memref<80xf32, #tpu.memory_space<vmem>>, vector<16xf32>,
    %broadcast_in_dim3A_27 = arith.constant 1.000000e+00 : f32
    %broadcast_in_dim3A_28 = vector.broadcast %broadcast_in_dim3A_27 : f32 to vector<16xf32>
    %swap3A_29 = arith.constant 64 : index
    %swap3A_30 = tpu.vector_load %arg26[%swap3A_29] {strides = array<i32>} : memref<80xf32, #tpu.memory_space<vmem>>, vector<16xf32>,
    %swap3A_31 = vector.shape_cast %swap3A_30 : vector<16xf32> to vector<16xf32>
    %swap3A_32 = vector.shape_cast %broadcast_in_dim3A_28 : vector<16xf32> to vector<16xf32>
    tpu.vector_store %arg26[%swap3A_29], %swap3A_32 {strides = array<i32>} : memref<80xf32, #tpu.memory_space<vmem>>, vector<16xf32>,
    %barrier3A = arith.constant 0 : index
    tpu.barrier barrier_id(%barrier3A)
    %mul3A_33 = arith.constant 20000 : i32
    %mul3A_34 = arith.muli %arg1, %mul3A_33 : i32
    %add3A = arith.constant 0 : i32
    %add3A_35 = arith.addi %mul3A_34, %add3A : i32
    %dma_start3A = tpu.memref_slice %arg3[%add3A_35] : memref<640000xi32, #tpu.memory_space<hbm>> -> memref<80xi32, #tpu.memory_space<hbm>>
    %dma_start3A_36 = tpu.memref_slice %arg3[%add3A_35] : memref<640000xi32, #tpu.memory_space<hbm>> -> memref<80xi32, #tpu.memory_space<hbm>>
    tpu.enqueue_dma source(%dma_start3A_36 : memref<80xi32, #tpu.memory_space<hbm>>) target(%arg10 : memref<80xi32, #tpu.memory_space<vmem>>) target_semaphore(%arg39 : memref<!tpu.dma_semaphore, #tpu.memory_space<semaphore_mem>>)
    %add3A_37 = arith.constant 320000 : i32
    %add3A_38 = arith.addi %add3A_37, %add3A_35 : i32
    %dma_start3A_39 = tpu.memref_slice %arg3[%add3A_38] : memref<640000xi32, #tpu.memory_space<hbm>> -> memref<80xi32, #tpu.memory_space<hbm>>
    %dma_start3A_40 = tpu.memref_slice %arg3[%add3A_38] : memref<640000xi32, #tpu.memory_space<hbm>> -> memref<80xi32, #tpu.memory_space<hbm>>
    tpu.enqueue_dma source(%dma_start3A_40 : memref<80xi32, #tpu.memory_space<hbm>>) target(%arg12 : memref<80xi32, #tpu.memory_space<vmem>>) target_semaphore(%arg39 : memref<!tpu.dma_semaphore, #tpu.memory_space<semaphore_mem>>)
    %add3A_41 = arith.constant 80 : i32
    %add3A_42 = arith.addi %mul3A_34, %add3A_41 : i32
    %dma_start3A_43 = tpu.memref_slice %arg3[%add3A_42] : memref<640000xi32, #tpu.memory_space<hbm>> -> memref<80xi32, #tpu.memory_space<hbm>>
    %dma_start3A_44 = tpu.memref_slice %arg3[%add3A_42] : memref<640000xi32, #tpu.memory_space<hbm>> -> memref<80xi32, #tpu.memory_space<hbm>>
    tpu.enqueue_dma source(%dma_start3A_44 : memref<80xi32, #tpu.memory_space<hbm>>) target(%arg11 : memref<80xi32, #tpu.memory_space<vmem>>) target_semaphore(%arg40 : memref<!tpu.dma_semaphore, #tpu.memory_space<semaphore_mem>>)
    %add3A_45 = arith.constant 320000 : i32
    %add3A_46 = arith.addi %add3A_45, %add3A_42 : i32
    %dma_start3A_47 = tpu.memref_slice %arg3[%add3A_46] : memref<640000xi32, #tpu.memory_space<hbm>> -> memref<80xi32, #tpu.memory_space<hbm>>
    %dma_start3A_48 = tpu.memref_slice %arg3[%add3A_46] : memref<640000xi32, #tpu.memory_space<hbm>> -> memref<80xi32, #tpu.memory_space<hbm>>
    tpu.enqueue_dma source(%dma_start3A_48 : memref<80xi32, #tpu.memory_space<hbm>>) target(%arg13 : memref<80xi32, #tpu.memory_space<vmem>>) target_semaphore(%arg40 : memref<!tpu.dma_semaphore, #tpu.memory_space<semaphore_mem>>)
    %add3A_49 = arith.constant 0 : i32
    %add3A_50 = arith.addi %mul3A_34, %add3A_49 : i32
    %dma_wait3A = tpu.memref_slice %arg3[%add3A_50] : memref<640000xi32, #tpu.memory_space<hbm>> -> memref<80xi32, #tpu.memory_space<hbm>>
    %dma_wait3A_51 = tpu.memref_slice %arg3[%add3A_50] : memref<640000xi32, #tpu.memory_space<hbm>> -> memref<80xi32, #tpu.memory_space<hbm>>
    tpu.wait_dma2 semaphore(%arg39 : memref<!tpu.dma_semaphore, #tpu.memory_space<semaphore_mem>>) src(%dma_wait3A_51 : memref<80xi32, #tpu.memory_space<hbm>>) dst(%arg10 : memref<80xi32, #tpu.memory_space<vmem>>)
    %add3A_52 = arith.constant 320000 : i32
    %add3A_53 = arith.addi %add3A_52, %add3A_50 : i32
    %dma_wait3A_54 = tpu.memref_slice %arg3[%add3A_53] : memref<640000xi32, #tpu.memory_space<hbm>> -> memref<80xi32, #tpu.memory_space<hbm>>
    %dma_wait3A_55 = tpu.memref_slice %arg3[%add3A_53] : memref<640000xi32, #tpu.memory_space<hbm>> -> memref<80xi32, #tpu.memory_space<hbm>>
    tpu.wait_dma2 semaphore(%arg39 : memref<!tpu.dma_semaphore, #tpu.memory_space<semaphore_mem>>) src(%dma_wait3A_55 : memref<80xi32, #tpu.memory_space<hbm>>) dst(%arg12 : memref<80xi32, #tpu.memory_space<vmem>>)
    %get3A = arith.constant 0 : index
    %get3A_56 = tpu.vector_load %arg10[%get3A] {strides = array<i32>} : memref<80xi32, #tpu.memory_space<vmem>>, vector<16xi32>,
    %get3A_57 = vector.shape_cast %get3A_56 : vector<16xi32> to vector<16xi32>
    %add3A_58 = vector.broadcast %mul3A_2 : i32 to vector<16xi32>
    %add3A_59 = arith.addi %get3A_57, %add3A_58 : vector<16xi32>
    %swap3A_60 = arith.constant 0 : index
    %swap3A_61 = tpu.vector_load %arg14[%swap3A_60] {strides = array<i32>} : memref<80xi32, #tpu.memory_space<vmem>>, vector<16xi32>,
    %swap3A_62 = vector.shape_cast %swap3A_61 : vector<16xi32> to vector<16xi32>
    %swap3A_63 = vector.shape_cast %add3A_59 : vector<16xi32> to vector<16xi32>
    tpu.vector_store %arg14[%swap3A_60], %swap3A_63 {strides = array<i32>} : memref<80xi32, #tpu.memory_space<vmem>>, vector<16xi32>,
    %get3A_64 = arith.constant 0 : index
    %get3A_65 = tpu.vector_load %arg12[%get3A_64] {strides = array<i32>} : memref<80xi32, #tpu.memory_space<vmem>>, vector<16xi32>,
    %get3A_66 = vector.shape_cast %get3A_65 : vector<16xi32> to vector<16xi32>
    %swap3A_67 = arith.constant 0 : index
    %swap3A_68 = tpu.vector_load %arg18[%swap3A_67] {strides = array<i32>} : memref<80xi32, #tpu.memory_space<vmem>>, vector<16xi32>,
    %swap3A_69 = vector.shape_cast %swap3A_68 : vector<16xi32> to vector<16xi32>
    %swap3A_70 = vector.shape_cast %get3A_66 : vector<16xi32> to vector<16xi32>
    tpu.vector_store %arg18[%swap3A_67], %swap3A_70 {strides = array<i32>} : memref<80xi32, #tpu.memory_space<vmem>>, vector<16xi32>,
    %get3A_71 = arith.constant 16 : index
    %get3A_72 = tpu.vector_load %arg10[%get3A_71] {strides = array<i32>} : memref<80xi32, #tpu.memory_space<vmem>>, vector<16xi32>,
    %get3A_73 = vector.shape_cast %get3A_72 : vector<16xi32> to vector<16xi32>
    %add3A_74 = vector.broadcast %mul3A_2 : i32 to vector<16xi32>
    %add3A_75 = arith.addi %get3A_73, %add3A_74 : vector<16xi32>
    %swap3A_76 = arith.constant 16 : index
    %swap3A_77 = tpu.vector_load %arg14[%swap3A_76] {strides = array<i32>} : memref<80xi32, #tpu.memory_space<vmem>>, vector<16xi32>,
    %swap3A_78 = vector.shape_cast %swap3A_77 : vector<16xi32> to vector<16xi32>
    %swap3A_79 = vector.shape_cast %add3A_75 : vector<16xi32> to vector<16xi32>
    tpu.vector_store %arg14[%swap3A_76], %swap3A_79 {strides = array<i32>} : memref<80xi32, #tpu.memory_space<vmem>>, vector<16xi32>,
    %get3A_80 = arith.constant 16 : index
    %get3A_81 = tpu.vector_load %arg12[%get3A_80] {strides = array<i32>} : memref<80xi32, #tpu.memory_space<vmem>>, vector<16xi32>,
    %get3A_82 = vector.shape_cast %get3A_81 : vector<16xi32> to vector<16xi32>
    %swap3A_83 = arith.constant 16 : index
    %swap3A_84 = tpu.vector_load %arg18[%swap3A_83] {strides = array<i32>} : memref<80xi32, #tpu.memory_space<vmem>>, vector<16xi32>,
    %swap3A_85 = vector.shape_cast %swap3A_84 : vector<16xi32> to vector<16xi32>
    %swap3A_86 = vector.shape_cast %get3A_82 : vector<16xi32> to vector<16xi32>
    tpu.vector_store %arg18[%swap3A_83], %swap3A_86 {strides = array<i32>} : memref<80xi32, #tpu.memory_space<vmem>>, vector<16xi32>,
    %get3A_87 = arith.constant 32 : index
    %get3A_88 = tpu.vector_load %arg10[%get3A_87] {strides = array<i32>} : memref<80xi32, #tpu.memory_space<vmem>>, vector<16xi32>,
    %get3A_89 = vector.shape_cast %get3A_88 : vector<16xi32> to vector<16xi32>
    %add3A_90 = vector.broadcast %mul3A_2 : i32 to vector<16xi32>
    %add3A_91 = arith.addi %get3A_89, %add3A_90 : vector<16xi32>
    %swap3A_92 = arith.constant 32 : index
    %swap3A_93 = tpu.vector_load %arg14[%swap3A_92] {strides = array<i32>} : memref<80xi32, #tpu.memory_space<vmem>>, vector<16xi32>,
    %swap3A_94 = vector.shape_cast %swap3A_93 : vector<16xi32> to vector<16xi32>
    %swap3A_95 = vector.shape_cast %add3A_91 : vector<16xi32> to vector<16xi32>
    tpu.vector_store %arg14[%swap3A_92], %swap3A_95 {strides = array<i32>} : memref<80xi32, #tpu.memory_space<vmem>>, vector<16xi32>,
    %get3A_96 = arith.constant 32 : index
    %get3A_97 = tpu.vector_load %arg12[%get3A_96] {strides = array<i32>} : memref<80xi32, #tpu.memory_space<vmem>>, vector<16xi32>,
    %get3A_98 = vector.shape_cast %get3A_97 : vector<16xi32> to vector<16xi32>
    %swap3A_99 = arith.constant 32 : index
    %swap3A_100 = tpu.vector_load %arg18[%swap3A_99] {strides = array<i32>} : memref<80xi32, #tpu.memory_space<vmem>>, vector<16xi32>,
    %swap3A_101 = vector.shape_cast %swap3A_100 : vector<16xi32> to vector<16xi32>
    %swap3A_102 = vector.shape_cast %get3A_98 : vector<16xi32> to vector<16xi32>
    tpu.vector_store %arg18[%swap3A_99], %swap3A_102 {strides = array<i32>} : memref<80xi32, #tpu.memory_space<vmem>>, vector<16xi32>,
    %get3A_103 = arith.constant 48 : index
    %get3A_104 = tpu.vector_load %arg10[%get3A_103] {strides = array<i32>} : memref<80xi32, #tpu.memory_space<vmem>>, vector<16xi32>,
    %get3A_105 = vector.shape_cast %get3A_104 : vector<16xi32> to vector<16xi32>
    %add3A_106 = vector.broadcast %mul3A_2 : i32 to vector<16xi32>
    %add3A_107 = arith.addi %get3A_105, %add3A_106 : vector<16xi32>
    %swap3A_108 = arith.constant 48 : index
    %swap3A_109 = tpu.vector_load %arg14[%swap3A_108] {strides = array<i32>} : memref<80xi32, #tpu.memory_space<vmem>>, vector<16xi32>,
    %swap3A_110 = vector.shape_cast %swap3A_109 : vector<16xi32> to vector<16xi32>
    %swap3A_111 = vector.shape_cast %add3A_107 : vector<16xi32> to vector<16xi32>
    tpu.vector_store %arg14[%swap3A_108], %swap3A_111 {strides = array<i32>} : memref<80xi32, #tpu.memory_space<vmem>>, vector<16xi32>,
    %get3A_112 = arith.constant 48 : index
    %get3A_113 = tpu.vector_load %arg12[%get3A_112] {strides = array<i32>} : memref<80xi32, #tpu.memory_space<vmem>>, vector<16xi32>,
    %get3A_114 = vector.shape_cast %get3A_113 : vector<16xi32> to vector<16xi32>
    %swap3A_115 = arith.constant 48 : index
    %swap3A_116 = tpu.vector_load %arg18[%swap3A_115] {strides = array<i32>} : memref<80xi32, #tpu.memory_space<vmem>>, vector<16xi32>,
    %swap3A_117 = vector.shape_cast %swap3A_116 : vector<16xi32> to vector<16xi32>
    %swap3A_118 = vector.shape_cast %get3A_114 : vector<16xi32> to vector<16xi32>
    tpu.vector_store %arg18[%swap3A_115], %swap3A_118 {strides = array<i32>} : memref<80xi32, #tpu.memory_space<vmem>>, vector<16xi32>,
    %get3A_119 = arith.constant 64 : index
    %get3A_120 = tpu.vector_load %arg10[%get3A_119] {strides = array<i32>} : memref<80xi32, #tpu.memory_space<vmem>>, vector<16xi32>,
    %get3A_121 = vector.shape_cast %get3A_120 : vector<16xi32> to vector<16xi32>
    %add3A_122 = vector.broadcast %mul3A_2 : i32 to vector<16xi32>
    %add3A_123 = arith.addi %get3A_121, %add3A_122 : vector<16xi32>
    %swap3A_124 = arith.constant 64 : index
    %swap3A_125 = tpu.vector_load %arg14[%swap3A_124] {strides = array<i32>} : memref<80xi32, #tpu.memory_space<vmem>>, vector<16xi32>,
    %swap3A_126 = vector.shape_cast %swap3A_125 : vector<16xi32> to vector<16xi32>
    %swap3A_127 = vector.shape_cast %add3A_123 : vector<16xi32> to vector<16xi32>
    tpu.vector_store %arg14[%swap3A_124], %swap3A_127 {strides = array<i32>} : memref<80xi32, #tpu.memory_space<vmem>>, vector<16xi32>,
    %get3A_128 = arith.constant 64 : index
    %get3A_129 = tpu.vector_load %arg12[%get3A_128] {strides = array<i32>} : memref<80xi32, #tpu.memory_space<vmem>>, vector<16xi32>,
    %get3A_130 = vector.shape_cast %get3A_129 : vector<16xi32> to vector<16xi32>
    %swap3A_131 = arith.constant 64 : index
    %swap3A_132 = tpu.vector_load %arg18[%swap3A_131] {strides = array<i32>} : memref<80xi32, #tpu.memory_space<vmem>>, vector<16xi32>,
    %swap3A_133 = vector.shape_cast %swap3A_132 : vector<16xi32> to vector<16xi32>
    %swap3A_134 = vector.shape_cast %get3A_130 : vector<16xi32> to vector<16xi32>
    tpu.vector_store %arg18[%swap3A_131], %swap3A_134 {strides = array<i32>} : memref<80xi32, #tpu.memory_space<vmem>>, vector<16xi32>,
    %dma_start3A_135 = arith.constant 0 : i32
    %dma_start3A_136 = arith.constant 0 : i32
    %dma_start3A_137 = tpu.memref_slice %arg2[%dma_start3A_135, %dma_start3A_136] : memref<20480x128xf32, #tpu.memory_space<hbm>> -> memref<20480x128xf32, #tpu.memory_space<hbm>>
    tpu.enqueue_indirect_dma source(%dma_start3A_137 : memref<20480x128xf32, #tpu.memory_space<hbm>>) target(%arg22 : memref<80x128xf32, #tpu.memory_space<vmem>>) offsets(%arg14 : memref<80xi32, #tpu.memory_space<vmem>>) semaphore(%arg31 : memref<!tpu.dma_semaphore, #tpu.memory_space<semaphore_mem>>)
    %add3A_138 = arith.constant 160 : i32
    %add3A_139 = arith.addi %mul3A_34, %add3A_138 : i32
    %dma_start3A_140 = tpu.memref_slice %arg3[%add3A_139] : memref<640000xi32, #tpu.memory_space<hbm>> -> memref<80xi32, #tpu.memory_space<hbm>>
    %dma_start3A_141 = tpu.memref_slice %arg3[%add3A_139] : memref<640000xi32, #tpu.memory_space<hbm>> -> memref<80xi32, #tpu.memory_space<hbm>>
    tpu.enqueue_dma source(%dma_start3A_141 : memref<80xi32, #tpu.memory_space<hbm>>) target(%arg10 : memref<80xi32, #tpu.memory_space<vmem>>) target_semaphore(%arg39 : memref<!tpu.dma_semaphore, #tpu.memory_space<semaphore_mem>>)
    %add3A_142 = arith.constant 320000 : i32
    %add3A_143 = arith.addi %add3A_142, %add3A_139 : i32
    %dma_start3A_144 = tpu.memref_slice %arg3[%add3A_143] : memref<640000xi32, #tpu.memory_space<hbm>> -> memref<80xi32, #tpu.memory_space<hbm>>
    %dma_start3A_145 = tpu.memref_slice %arg3[%add3A_143] : memref<640000xi32, #tpu.memory_space<hbm>> -> memref<80xi32, #tpu.memory_space<hbm>>
    tpu.enqueue_dma source(%dma_start3A_145 : memref<80xi32, #tpu.memory_space<hbm>>) target(%arg12 : memref<80xi32, #tpu.memory_space<vmem>>) target_semaphore(%arg39 : memref<!tpu.dma_semaphore, #tpu.memory_space<semaphore_mem>>)
    %add3A_146 = arith.constant 80 : i32
    %add3A_147 = arith.addi %mul3A_34, %add3A_146 : i32
    %dma_wait3A_148 = tpu.memref_slice %arg3[%add3A_147] : memref<640000xi32, #tpu.memory_space<hbm>> -> memref<80xi32, #tpu.memory_space<hbm>>
    %dma_wait3A_149 = tpu.memref_slice %arg3[%add3A_147] : memref<640000xi32, #tpu.memory_space<hbm>> -> memref<80xi32, #tpu.memory_space<hbm>>
    tpu.wait_dma2 semaphore(%arg40 : memref<!tpu.dma_semaphore, #tpu.memory_space<semaphore_mem>>) src(%dma_wait3A_149 : memref<80xi32, #tpu.memory_space<hbm>>) dst(%arg11 : memref<80xi32, #tpu.memory_space<vmem>>)
    %add3A_150 = arith.constant 320000 : i32
    %add3A_151 = arith.addi %add3A_150, %add3A_147 : i32
    %dma_wait3A_152 = tpu.memref_slice %arg3[%add3A_151] : memref<640000xi32, #tpu.memory_space<hbm>> -> memref<80xi32, #tpu.memory_space<hbm>>
    %dma_wait3A_153 = tpu.memref_slice %arg3[%add3A_151] : memref<640000xi32, #tpu.memory_space<hbm>> -> memref<80xi32, #tpu.memory_space<hbm>>
    tpu.wait_dma2 semaphore(%arg40 : memref<!tpu.dma_semaphore, #tpu.memory_space<semaphore_mem>>) src(%dma_wait3A_153 : memref<80xi32, #tpu.memory_space<hbm>>) dst(%arg13 : memref<80xi32, #tpu.memory_space<vmem>>)
    %get3A_154 = arith.constant 0 : index
    %get3A_155 = tpu.vector_load %arg11[%get3A_154] {strides = array<i32>} : memref<80xi32, #tpu.memory_space<vmem>>, vector<16xi32>,
    %get3A_156 = vector.shape_cast %get3A_155 : vector<16xi32> to vector<16xi32>
    %add3A_157 = vector.broadcast %mul3A_2 : i32 to vector<16xi32>
    %add3A_158 = arith.addi %get3A_156, %add3A_157 : vector<16xi32>
    %swap3A_159 = arith.constant 0 : index
    %swap3A_160 = tpu.vector_load %arg15[%swap3A_159] {strides = array<i32>} : memref<80xi32, #tpu.memory_space<vmem>>, vector<16xi32>,
    %swap3A_161 = vector.shape_cast %swap3A_160 : vector<16xi32> to vector<16xi32>
    %swap3A_162 = vector.shape_cast %add3A_158 : vector<16xi32> to vector<16xi32>
    tpu.vector_store %arg15[%swap3A_159], %swap3A_162 {strides = array<i32>} : memref<80xi32, #tpu.memory_space<vmem>>, vector<16xi32>,
    %get3A_163 = arith.constant 0 : index
    %get3A_164 = tpu.vector_load %arg13[%get3A_163] {strides = array<i32>} : memref<80xi32, #tpu.memory_space<vmem>>, vector<16xi32>,
    %get3A_165 = vector.shape_cast %get3A_164 : vector<16xi32> to vector<16xi32>
    %swap3A_166 = arith.constant 0 : index
    %swap3A_167 = tpu.vector_load %arg19[%swap3A_166] {strides = array<i32>} : memref<80xi32, #tpu.memory_space<vmem>>, vector<16xi32>,
    %swap3A_168 = vector.shape_cast %swap3A_167 : vector<16xi32> to vector<16xi32>
    %swap3A_169 = vector.shape_cast %get3A_165 : vector<16xi32> to vector<16xi32>
    tpu.vector_store %arg19[%swap3A_166], %swap3A_169 {strides = array<i32>} : memref<80xi32, #tpu.memory_space<vmem>>, vector<16xi32>,
    %get3A_170 = arith.constant 16 : index
    %get3A_171 = tpu.vector_load %arg11[%get3A_170] {strides = array<i32>} : memref<80xi32, #tpu.memory_space<vmem>>, vector<16xi32>,
    %get3A_172 = vector.shape_cast %get3A_171 : vector<16xi32> to vector<16xi32>
    %add3A_173 = vector.broadcast %mul3A_2 : i32 to vector<16xi32>
    %add3A_174 = arith.addi %get3A_172, %add3A_173 : vector<16xi32>
    %swap3A_175 = arith.constant 16 : index
    %swap3A_176 = tpu.vector_load %arg15[%swap3A_175] {strides = array<i32>} : memref<80xi32, #tpu.memory_space<vmem>>, vector<16xi32>,
    %swap3A_177 = vector.shape_cast %swap3A_176 : vector<16xi32> to vector<16xi32>
    %swap3A_178 = vector.shape_cast %add3A_174 : vector<16xi32> to vector<16xi32>
    tpu.vector_store %arg15[%swap3A_175], %swap3A_178 {strides = array<i32>} : memref<80xi32, #tpu.memory_space<vmem>>, vector<16xi32>,
    %get3A_179 = arith.constant 16 : index
    %get3A_180 = tpu.vector_load %arg13[%get3A_179] {strides = array<i32>} : memref<80xi32, #tpu.memory_space<vmem>>, vector<16xi32>,
    %get3A_181 = vector.shape_cast %get3A_180 : vector<16xi32> to vector<16xi32>
    %swap3A_182 = arith.constant 16 : index
    %swap3A_183 = tpu.vector_load %arg19[%swap3A_182] {strides = array<i32>} : memref<80xi32, #tpu.memory_space<vmem>>, vector<16xi32>,
    %swap3A_184 = vector.shape_cast %swap3A_183 : vector<16xi32> to vector<16xi32>
    %swap3A_185 = vector.shape_cast %get3A_181 : vector<16xi32> to vector<16xi32>
    tpu.vector_store %arg19[%swap3A_182], %swap3A_185 {strides = array<i32>} : memref<80xi32, #tpu.memory_space<vmem>>, vector<16xi32>,
    %get3A_186 = arith.constant 32 : index
    %get3A_187 = tpu.vector_load %arg11[%get3A_186] {strides = array<i32>} : memref<80xi32, #tpu.memory_space<vmem>>, vector<16xi32>,
    %get3A_188 = vector.shape_cast %get3A_187 : vector<16xi32> to vector<16xi32>
    %add3A_189 = vector.broadcast %mul3A_2 : i32 to vector<16xi32>
    %add3A_190 = arith.addi %get3A_188, %add3A_189 : vector<16xi32>
    %swap3A_191 = arith.constant 32 : index
    %swap3A_192 = tpu.vector_load %arg15[%swap3A_191] {strides = array<i32>} : memref<80xi32, #tpu.memory_space<vmem>>, vector<16xi32>,
    %swap3A_193 = vector.shape_cast %swap3A_192 : vector<16xi32> to vector<16xi32>
    %swap3A_194 = vector.shape_cast %add3A_190 : vector<16xi32> to vector<16xi32>
    tpu.vector_store %arg15[%swap3A_191], %swap3A_194 {strides = array<i32>} : memref<80xi32, #tpu.memory_space<vmem>>, vector<16xi32>,
    %get3A_195 = arith.constant 32 : index
    %get3A_196 = tpu.vector_load %arg13[%get3A_195] {strides = array<i32>} : memref<80xi32, #tpu.memory_space<vmem>>, vector<16xi32>,
    %get3A_197 = vector.shape_cast %get3A_196 : vector<16xi32> to vector<16xi32>
    %swap3A_198 = arith.constant 32 : index
    %swap3A_199 = tpu.vector_load %arg19[%swap3A_198] {strides = array<i32>} : memref<80xi32, #tpu.memory_space<vmem>>, vector<16xi32>,
    %swap3A_200 = vector.shape_cast %swap3A_199 : vector<16xi32> to vector<16xi32>
    %swap3A_201 = vector.shape_cast %get3A_197 : vector<16xi32> to vector<16xi32>
    tpu.vector_store %arg19[%swap3A_198], %swap3A_201 {strides = array<i32>} : memref<80xi32, #tpu.memory_space<vmem>>, vector<16xi32>,
    %get3A_202 = arith.constant 48 : index
    %get3A_203 = tpu.vector_load %arg11[%get3A_202] {strides = array<i32>} : memref<80xi32, #tpu.memory_space<vmem>>, vector<16xi32>,
    %get3A_204 = vector.shape_cast %get3A_203 : vector<16xi32> to vector<16xi32>
    %add3A_205 = vector.broadcast %mul3A_2 : i32 to vector<16xi32>
    %add3A_206 = arith.addi %get3A_204, %add3A_205 : vector<16xi32>
    %swap3A_207 = arith.constant 48 : index
    %swap3A_208 = tpu.vector_load %arg15[%swap3A_207] {strides = array<i32>} : memref<80xi32, #tpu.memory_space<vmem>>, vector<16xi32>,
    %swap3A_209 = vector.shape_cast %swap3A_208 : vector<16xi32> to vector<16xi32>
    %swap3A_210 = vector.shape_cast %add3A_206 : vector<16xi32> to vector<16xi32>
    tpu.vector_store %arg15[%swap3A_207], %swap3A_210 {strides = array<i32>} : memref<80xi32, #tpu.memory_space<vmem>>, vector<16xi32>,
    %get3A_211 = arith.constant 48 : index
    %get3A_212 = tpu.vector_load %arg13[%get3A_211] {strides = array<i32>} : memref<80xi32, #tpu.memory_space<vmem>>, vector<16xi32>,
    %get3A_213 = vector.shape_cast %get3A_212 : vector<16xi32> to vector<16xi32>
    %swap3A_214 = arith.constant 48 : index
    %swap3A_215 = tpu.vector_load %arg19[%swap3A_214] {strides = array<i32>} : memref<80xi32, #tpu.memory_space<vmem>>, vector<16xi32>,
    %swap3A_216 = vector.shape_cast %swap3A_215 : vector<16xi32> to vector<16xi32>
    %swap3A_217 = vector.shape_cast %get3A_213 : vector<16xi32> to vector<16xi32>
    tpu.vector_store %arg19[%swap3A_214], %swap3A_217 {strides = array<i32>} : memref<80xi32, #tpu.memory_space<vmem>>, vector<16xi32>,
    %get3A_218 = arith.constant 64 : index
    %get3A_219 = tpu.vector_load %arg11[%get3A_218] {strides = array<i32>} : memref<80xi32, #tpu.memory_space<vmem>>, vector<16xi32>,
    %get3A_220 = vector.shape_cast %get3A_219 : vector<16xi32> to vector<16xi32>
    %add3A_221 = vector.broadcast %mul3A_2 : i32 to vector<16xi32>
    %add3A_222 = arith.addi %get3A_220, %add3A_221 : vector<16xi32>
    %swap3A_223 = arith.constant 64 : index
    %swap3A_224 = tpu.vector_load %arg15[%swap3A_223] {strides = array<i32>} : memref<80xi32, #tpu.memory_space<vmem>>, vector<16xi32>,
    %swap3A_225 = vector.shape_cast %swap3A_224 : vector<16xi32> to vector<16xi32>
    %swap3A_226 = vector.shape_cast %add3A_222 : vector<16xi32> to vector<16xi32>
    tpu.vector_store %arg15[%swap3A_223], %swap3A_226 {strides = array<i32>} : memref<80xi32, #tpu.memory_space<vmem>>, vector<16xi32>,
    %get3A_227 = arith.constant 64 : index
    %get3A_228 = tpu.vector_load %arg13[%get3A_227] {strides = array<i32>} : memref<80xi32, #tpu.memory_space<vmem>>, vector<16xi32>,
    %get3A_229 = vector.shape_cast %get3A_228 : vector<16xi32> to vector<16xi32>
    %swap3A_230 = arith.constant 64 : index
    %swap3A_231 = tpu.vector_load %arg19[%swap3A_230] {strides = array<i32>} : memref<80xi32, #tpu.memory_space<vmem>>, vector<16xi32>,
    %swap3A_232 = vector.shape_cast %swap3A_231 : vector<16xi32> to vector<16xi32>
    %swap3A_233 = vector.shape_cast %get3A_229 : vector<16xi32> to vector<16xi32>
    tpu.vector_store %arg19[%swap3A_230], %swap3A_233 {strides = array<i32>} : memref<80xi32, #tpu.memory_space<vmem>>, vector<16xi32>,
    %dma_start3A_234 = arith.constant 0 : i32
    %dma_start3A_235 = arith.constant 0 : i32
    %dma_start3A_236 = tpu.memref_slice %arg2[%dma_start3A_234, %dma_start3A_235] : memref<20480x128xf32, #tpu.memory_space<hbm>> -> memref<20480x128xf32, #tpu.memory_space<hbm>>
    tpu.enqueue_indirect_dma source(%dma_start3A_236 : memref<20480x128xf32, #tpu.memory_space<hbm>>) target(%arg23 : memref<80x128xf32, #tpu.memory_space<vmem>>) offsets(%arg15 : memref<80xi32, #tpu.memory_space<vmem>>) semaphore(%arg32 : memref<!tpu.dma_semaphore, #tpu.memory_space<semaphore_mem>>)
    %add3A_237 = arith.constant 240 : i32
    %add3A_238 = arith.addi %mul3A_34, %add3A_237 : i32
    %dma_start3A_239 = tpu.memref_slice %arg3[%add3A_238] : memref<640000xi32, #tpu.memory_space<hbm>> -> memref<80xi32, #tpu.memory_space<hbm>>
    %dma_start3A_240 = tpu.memref_slice %arg3[%add3A_238] : memref<640000xi32, #tpu.memory_space<hbm>> -> memref<80xi32, #tpu.memory_space<hbm>>
    tpu.enqueue_dma source(%dma_start3A_240 : memref<80xi32, #tpu.memory_space<hbm>>) target(%arg11 : memref<80xi32, #tpu.memory_space<vmem>>) target_semaphore(%arg40 : memref<!tpu.dma_semaphore, #tpu.memory_space<semaphore_mem>>)
    %add3A_241 = arith.constant 320000 : i32
    %add3A_242 = arith.addi %add3A_241, %add3A_238 : i32
    %dma_start3A_243 = tpu.memref_slice %arg3[%add3A_242] : memref<640000xi32, #tpu.memory_space<hbm>> -> memref<80xi32, #tpu.memory_space<hbm>>
    %dma_start3A_244 = tpu.memref_slice %arg3[%add3A_242] : memref<640000xi32, #tpu.memory_space<hbm>> -> memref<80xi32, #tpu.memory_space<hbm>>
    tpu.enqueue_dma source(%dma_start3A_244 : memref<80xi32, #tpu.memory_space<hbm>>) target(%arg13 : memref<80xi32, #tpu.memory_space<vmem>>) target_semaphore(%arg40 : memref<!tpu.dma_semaphore, #tpu.memory_space<semaphore_mem>>)
    %add3A_245 = arith.constant 160 : i32
    %add3A_246 = arith.addi %mul3A_34, %add3A_245 : i32
    %dma_wait3A_247 = tpu.memref_slice %arg3[%add3A_246] : memref<640000xi32, #tpu.memory_space<hbm>> -> memref<80xi32, #tpu.memory_space<hbm>>
    %dma_wait3A_248 = tpu.memref_slice %arg3[%add3A_246] : memref<640000xi32, #tpu.memory_space<hbm>> -> memref<80xi32, #tpu.memory_space<hbm>>
    tpu.wait_dma2 semaphore(%arg39 : memref<!tpu.dma_semaphore, #tpu.memory_space<semaphore_mem>>) src(%dma_wait3A_248 : memref<80xi32, #tpu.memory_space<hbm>>) dst(%arg10 : memref<80xi32, #tpu.memory_space<vmem>>)
    %add3A_249 = arith.constant 320000 : i32
    %add3A_250 = arith.addi %add3A_249, %add3A_246 : i32
    %dma_wait3A_251 = tpu.memref_slice %arg3[%add3A_250] : memref<640000xi32, #tpu.memory_space<hbm>> -> memref<80xi32, #tpu.memory_space<hbm>>
    %dma_wait3A_252 = tpu.memref_slice %arg3[%add3A_250] : memref<640000xi32, #tpu.memory_space<hbm>> -> memref<80xi32, #tpu.memory_space<hbm>>
    tpu.wait_dma2 semaphore(%arg39 : memref<!tpu.dma_semaphore, #tpu.memory_space<semaphore_mem>>) src(%dma_wait3A_252 : memref<80xi32, #tpu.memory_space<hbm>>) dst(%arg12 : memref<80xi32, #tpu.memory_space<vmem>>)
    %get3A_253 = arith.constant 0 : index
    %get3A_254 = tpu.vector_load %arg10[%get3A_253] {strides = array<i32>} : memref<80xi32, #tpu.memory_space<vmem>>, vector<16xi32>,
    %get3A_255 = vector.shape_cast %get3A_254 : vector<16xi32> to vector<16xi32>
    %add3A_256 = vector.broadcast %mul3A_2 : i32 to vector<16xi32>
    %add3A_257 = arith.addi %get3A_255, %add3A_256 : vector<16xi32>
    %swap3A_258 = arith.constant 0 : index
    %swap3A_259 = tpu.vector_load %arg16[%swap3A_258] {strides = array<i32>} : memref<80xi32, #tpu.memory_space<vmem>>, vector<16xi32>,
    %swap3A_260 = vector.shape_cast %swap3A_259 : vector<16xi32> to vector<16xi32>
    %swap3A_261 = vector.shape_cast %add3A_257 : vector<16xi32> to vector<16xi32>
    tpu.vector_store %arg16[%swap3A_258], %swap3A_261 {strides = array<i32>} : memref<80xi32, #tpu.memory_space<vmem>>, vector<16xi32>,
    %get3A_262 = arith.constant 0 : index
    %get3A_263 = tpu.vector_load %arg12[%get3A_262] {strides = array<i32>} : memref<80xi32, #tpu.memory_space<vmem>>, vector<16xi32>,
    %get3A_264 = vector.shape_cast %get3A_263 : vector<16xi32> to vector<16xi32>
    %swap3A_265 = arith.constant 0 : index
    %swap3A_266 = tpu.vector_load %arg20[%swap3A_265] {strides = array<i32>} : memref<80xi32, #tpu.memory_space<vmem>>, vector<16xi32>,
    %swap3A_267 = vector.shape_cast %swap3A_266 : vector<16xi32> to vector<16xi32>
    %swap3A_268 = vector.shape_cast %get3A_264 : vector<16xi32> to vector<16xi32>
    tpu.vector_store %arg20[%swap3A_265], %swap3A_268 {strides = array<i32>} : memref<80xi32, #tpu.memory_space<vmem>>, vector<16xi32>,
    %get3A_269 = arith.constant 16 : index
    %get3A_270 = tpu.vector_load %arg10[%get3A_269] {strides = array<i32>} : memref<80xi32, #tpu.memory_space<vmem>>, vector<16xi32>,
    %get3A_271 = vector.shape_cast %get3A_270 : vector<16xi32> to vector<16xi32>
    %add3A_272 = vector.broadcast %mul3A_2 : i32 to vector<16xi32>
    %add3A_273 = arith.addi %get3A_271, %add3A_272 : vector<16xi32>
    %swap3A_274 = arith.constant 16 : index
    %swap3A_275 = tpu.vector_load %arg16[%swap3A_274] {strides = array<i32>} : memref<80xi32, #tpu.memory_space<vmem>>, vector<16xi32>,
    %swap3A_276 = vector.shape_cast %swap3A_275 : vector<16xi32> to vector<16xi32>
    %swap3A_277 = vector.shape_cast %add3A_273 : vector<16xi32> to vector<16xi32>
    tpu.vector_store %arg16[%swap3A_274], %swap3A_277 {strides = array<i32>} : memref<80xi32, #tpu.memory_space<vmem>>, vector<16xi32>,
    %get3A_278 = arith.constant 16 : index
    %get3A_279 = tpu.vector_load %arg12[%get3A_278] {strides = array<i32>} : memref<80xi32, #tpu.memory_space<vmem>>, vector<16xi32>,
    %get3A_280 = vector.shape_cast %get3A_279 : vector<16xi32> to vector<16xi32>
    %swap3A_281 = arith.constant 16 : index
    %swap3A_282 = tpu.vector_load %arg20[%swap3A_281] {strides = array<i32>} : memref<80xi32, #tpu.memory_space<vmem>>, vector<16xi32>,
    %swap3A_283 = vector.shape_cast %swap3A_282 : vector<16xi32> to vector<16xi32>
    %swap3A_284 = vector.shape_cast %get3A_280 : vector<16xi32> to vector<16xi32>
    tpu.vector_store %arg20[%swap3A_281], %swap3A_284 {strides = array<i32>} : memref<80xi32, #tpu.memory_space<vmem>>, vector<16xi32>,
    %get3A_285 = arith.constant 32 : index
    %get3A_286 = tpu.vector_load %arg10[%get3A_285] {strides = array<i32>} : memref<80xi32, #tpu.memory_space<vmem>>, vector<16xi32>,
    %get3A_287 = vector.shape_cast %get3A_286 : vector<16xi32> to vector<16xi32>
    %add3A_288 = vector.broadcast %mul3A_2 : i32 to vector<16xi32>
    %add3A_289 = arith.addi %get3A_287, %add3A_288 : vector<16xi32>
    %swap3A_290 = arith.constant 32 : index
    %swap3A_291 = tpu.vector_load %arg16[%swap3A_290] {strides = array<i32>} : memref<80xi32, #tpu.memory_space<vmem>>, vector<16xi32>,
    %swap3A_292 = vector.shape_cast %swap3A_291 : vector<16xi32> to vector<16xi32>
    %swap3A_293 = vector.shape_cast %add3A_289 : vector<16xi32> to vector<16xi32>
    tpu.vector_store %arg16[%swap3A_290], %swap3A_293 {strides = array<i32>} : memref<80xi32, #tpu.memory_space<vmem>>, vector<16xi32>,
    %get3A_294 = arith.constant 32 : index
    %get3A_295 = tpu.vector_load %arg12[%get3A_294] {strides = array<i32>} : memref<80xi32, #tpu.memory_space<vmem>>, vector<16xi32>,
    %get3A_296 = vector.shape_cast %get3A_295 : vector<16xi32> to vector<16xi32>
    %swap3A_297 = arith.constant 32 : index
    %swap3A_298 = tpu.vector_load %arg20[%swap3A_297] {strides = array<i32>} : memref<80xi32, #tpu.memory_space<vmem>>, vector<16xi32>,
    %swap3A_299 = vector.shape_cast %swap3A_298 : vector<16xi32> to vector<16xi32>
    %swap3A_300 = vector.shape_cast %get3A_296 : vector<16xi32> to vector<16xi32>
    tpu.vector_store %arg20[%swap3A_297], %swap3A_300 {strides = array<i32>} : memref<80xi32, #tpu.memory_space<vmem>>, vector<16xi32>,
    %get3A_301 = arith.constant 48 : index
    %get3A_302 = tpu.vector_load %arg10[%get3A_301] {strides = array<i32>} : memref<80xi32, #tpu.memory_space<vmem>>, vector<16xi32>,
    %get3A_303 = vector.shape_cast %get3A_302 : vector<16xi32> to vector<16xi32>
    %add3A_304 = vector.broadcast %mul3A_2 : i32 to vector<16xi32>
    %add3A_305 = arith.addi %get3A_303, %add3A_304 : vector<16xi32>
    %swap3A_306 = arith.constant 48 : index
    %swap3A_307 = tpu.vector_load %arg16[%swap3A_306] {strides = array<i32>} : memref<80xi32, #tpu.memory_space<vmem>>, vector<16xi32>,
    %swap3A_308 = vector.shape_cast %swap3A_307 : vector<16xi32> to vector<16xi32>
    %swap3A_309 = vector.shape_cast %add3A_305 : vector<16xi32> to vector<16xi32>
    tpu.vector_store %arg16[%swap3A_306], %swap3A_309 {strides = array<i32>} : memref<80xi32, #tpu.memory_space<vmem>>, vector<16xi32>,
    %get3A_310 = arith.constant 48 : index
    %get3A_311 = tpu.vector_load %arg12[%get3A_310] {strides = array<i32>} : memref<80xi32, #tpu.memory_space<vmem>>, vector<16xi32>,
    %get3A_312 = vector.shape_cast %get3A_311 : vector<16xi32> to vector<16xi32>
    %swap3A_313 = arith.constant 48 : index
    %swap3A_314 = tpu.vector_load %arg20[%swap3A_313] {strides = array<i32>} : memref<80xi32, #tpu.memory_space<vmem>>, vector<16xi32>,
    %swap3A_315 = vector.shape_cast %swap3A_314 : vector<16xi32> to vector<16xi32>
    %swap3A_316 = vector.shape_cast %get3A_312 : vector<16xi32> to vector<16xi32>
    tpu.vector_store %arg20[%swap3A_313], %swap3A_316 {strides = array<i32>} : memref<80xi32, #tpu.memory_space<vmem>>, vector<16xi32>,
    %get3A_317 = arith.constant 64 : index
    %get3A_318 = tpu.vector_load %arg10[%get3A_317] {strides = array<i32>} : memref<80xi32, #tpu.memory_space<vmem>>, vector<16xi32>,
    %get3A_319 = vector.shape_cast %get3A_318 : vector<16xi32> to vector<16xi32>
    %add3A_320 = vector.broadcast %mul3A_2 : i32 to vector<16xi32>
    %add3A_321 = arith.addi %get3A_319, %add3A_320 : vector<16xi32>
    %swap3A_322 = arith.constant 64 : index
    %swap3A_323 = tpu.vector_load %arg16[%swap3A_322] {strides = array<i32>} : memref<80xi32, #tpu.memory_space<vmem>>, vector<16xi32>,
    %swap3A_324 = vector.shape_cast %swap3A_323 : vector<16xi32> to vector<16xi32>
    %swap3A_325 = vector.shape_cast %add3A_321 : vector<16xi32> to vector<16xi32>
    tpu.vector_store %arg16[%swap3A_322], %swap3A_325 {strides = array<i32>} : memref<80xi32, #tpu.memory_space<vmem>>, vector<16xi32>,
    %get3A_326 = arith.constant 64 : index
    %get3A_327 = tpu.vector_load %arg12[%get3A_326] {strides = array<i32>} : memref<80xi32, #tpu.memory_space<vmem>>, vector<16xi32>,
    %get3A_328 = vector.shape_cast %get3A_327 : vector<16xi32> to vector<16xi32>
    %swap3A_329 = arith.constant 64 : index
    %swap3A_330 = tpu.vector_load %arg20[%swap3A_329] {strides = array<i32>} : memref<80xi32, #tpu.memory_space<vmem>>, vector<16xi32>,
    %swap3A_331 = vector.shape_cast %swap3A_330 : vector<16xi32> to vector<16xi32>
    %swap3A_332 = vector.shape_cast %get3A_328 : vector<16xi32> to vector<16xi32>
    tpu.vector_store %arg20[%swap3A_329], %swap3A_332 {strides = array<i32>} : memref<80xi32, #tpu.memory_space<vmem>>, vector<16xi32>,
    %dma_start3A_333 = arith.constant 0 : i32
    %dma_start3A_334 = arith.constant 0 : i32
    %dma_start3A_335 = tpu.memref_slice %arg2[%dma_start3A_333, %dma_start3A_334] : memref<20480x128xf32, #tpu.memory_space<hbm>> -> memref<20480x128xf32, #tpu.memory_space<hbm>>
    tpu.enqueue_indirect_dma source(%dma_start3A_335 : memref<20480x128xf32, #tpu.memory_space<hbm>>) target(%arg24 : memref<80x128xf32, #tpu.memory_space<vmem>>) offsets(%arg16 : memref<80xi32, #tpu.memory_space<vmem>>) semaphore(%arg33 : memref<!tpu.dma_semaphore, #tpu.memory_space<semaphore_mem>>)
    %dma_wait3A_336 = arith.constant 0 : i32
    %dma_wait3A_337 = arith.constant 0 : i32
    %dma_wait3A_338 = tpu.memref_slice %arg2[%dma_wait3A_336, %dma_wait3A_337] : memref<20480x128xf32, #tpu.memory_space<hbm>> -> memref<20480x128xf32, #tpu.memory_space<hbm>>
    tpu.wait_indirect_dma semaphore(%arg31 : memref<!tpu.dma_semaphore, #tpu.memory_space<semaphore_mem>>) src(%dma_wait3A_338 : memref<20480x128xf32, #tpu.memory_space<hbm>>) dst(%arg22 : memref<80x128xf32, #tpu.memory_space<vmem>>)
    %dma_start3A_339 = arith.constant 0 : i32
    %dma_start3A_340 = arith.constant 0 : i32
    %dma_start3A_341 = tpu.memref_slice %arg8[%dma_start3A_339, %dma_start3A_340] : memref<10240x128xf32, #tpu.memory_space<vmem_shared>> -> memref<10240x128xf32, #tpu.memory_space<vmem_shared>>
    tpu.enqueue_indirect_dma source(%arg22 : memref<80x128xf32, #tpu.memory_space<vmem>>) target(%dma_start3A_341 : memref<10240x128xf32, #tpu.memory_space<vmem_shared>>) offsets(%arg18 : memref<80xi32, #tpu.memory_space<vmem>>) semaphore(%arg35 : memref<!tpu.dma_semaphore, #tpu.memory_space<semaphore_mem>>) {add = true}
    %eq3A_342 = arith.constant 0 : i32
    %eq3A_343 = arith.cmpi eq, %arg0, %eq3A_342 : i32
    %convert_element_type3A_344 = arith.extui %eq3A_343 : i1 to i32
    %cond3A_345 = arith.constant 0 : i32
    %cond3A_346 = arith.cmpi ne, %convert_element_type3A_344, %cond3A_345 : i32
    scf.if %cond3A_346 {
      %dma_start3A_856 = arith.constant 0 : i32
      %dma_start3A_857 = tpu.memref_slice %arg9[%dma_start3A_856] : memref<10240xf32, #tpu.memory_space<vmem_shared>> -> memref<10240xf32, #tpu.memory_space<vmem_shared>>
      tpu.enqueue_indirect_dma source(%arg26 : memref<80xf32, #tpu.memory_space<vmem>>) target(%dma_start3A_857 : memref<10240xf32, #tpu.memory_space<vmem_shared>>) offsets(%arg18 : memref<80xi32, #tpu.memory_space<vmem>>) semaphore(%arg35 : memref<!tpu.dma_semaphore, #tpu.memory_space<semaphore_mem>>) {add = true}
    } else {
    }
    %add3A_347 = arith.constant 240 : i32
    %add3A_348 = arith.addi %mul3A_34, %add3A_347 : i32
    %dma_wait3A_349 = tpu.memref_slice %arg3[%add3A_348] : memref<640000xi32, #tpu.memory_space<hbm>> -> memref<80xi32, #tpu.memory_space<hbm>>
    %dma_wait3A_350 = tpu.memref_slice %arg3[%add3A_348] : memref<640000xi32, #tpu.memory_space<hbm>> -> memref<80xi32, #tpu.memory_space<hbm>>
    tpu.wait_dma2 semaphore(%arg40 : memref<!tpu.dma_semaphore, #tpu.memory_space<semaphore_mem>>) src(%dma_wait3A_350 : memref<80xi32, #tpu.memory_space<hbm>>) dst(%arg11 : memref<80xi32, #tpu.memory_space<vmem>>)
    %add3A_351 = arith.constant 320000 : i32
    %add3A_352 = arith.addi %add3A_351, %add3A_348 : i32
    %dma_wait3A_353 = tpu.memref_slice %arg3[%add3A_352] : memref<640000xi32, #tpu.memory_space<hbm>> -> memref<80xi32, #tpu.memory_space<hbm>>
    %dma_wait3A_354 = tpu.memref_slice %arg3[%add3A_352] : memref<640000xi32, #tpu.memory_space<hbm>> -> memref<80xi32, #tpu.memory_space<hbm>>
    tpu.wait_dma2 semaphore(%arg40 : memref<!tpu.dma_semaphore, #tpu.memory_space<semaphore_mem>>) src(%dma_wait3A_354 : memref<80xi32, #tpu.memory_space<hbm>>) dst(%arg13 : memref<80xi32, #tpu.memory_space<vmem>>)
    %get3A_355 = arith.constant 0 : index
    %get3A_356 = tpu.vector_load %arg11[%get3A_355] {strides = array<i32>} : memref<80xi32, #tpu.memory_space<vmem>>, vector<16xi32>,
    %get3A_357 = vector.shape_cast %get3A_356 : vector<16xi32> to vector<16xi32>
    %add3A_358 = vector.broadcast %mul3A_2 : i32 to vector<16xi32>
    %add3A_359 = arith.addi %get3A_357, %add3A_358 : vector<16xi32>
    %swap3A_360 = arith.constant 0 : index
    %swap3A_361 = tpu.vector_load %arg17[%swap3A_360] {strides = array<i32>} : memref<80xi32, #tpu.memory_space<vmem>>, vector<16xi32>,
    %swap3A_362 = vector.shape_cast %swap3A_361 : vector<16xi32> to vector<16xi32>
    %swap3A_363 = vector.shape_cast %add3A_359 : vector<16xi32> to vector<16xi32>
    tpu.vector_store %arg17[%swap3A_360], %swap3A_363 {strides = array<i32>} : memref<80xi32, #tpu.memory_space<vmem>>, vector<16xi32>,
    %get3A_364 = arith.constant 0 : index
    %get3A_365 = tpu.vector_load %arg13[%get3A_364] {strides = array<i32>} : memref<80xi32, #tpu.memory_space<vmem>>, vector<16xi32>,
    %get3A_366 = vector.shape_cast %get3A_365 : vector<16xi32> to vector<16xi32>
    %swap3A_367 = arith.constant 0 : index
    %swap3A_368 = tpu.vector_load %arg21[%swap3A_367] {strides = array<i32>} : memref<80xi32, #tpu.memory_space<vmem>>, vector<16xi32>,
    %swap3A_369 = vector.shape_cast %swap3A_368 : vector<16xi32> to vector<16xi32>
    %swap3A_370 = vector.shape_cast %get3A_366 : vector<16xi32> to vector<16xi32>
    tpu.vector_store %arg21[%swap3A_367], %swap3A_370 {strides = array<i32>} : memref<80xi32, #tpu.memory_space<vmem>>, vector<16xi32>,
    %get3A_371 = arith.constant 16 : index
    %get3A_372 = tpu.vector_load %arg11[%get3A_371] {strides = array<i32>} : memref<80xi32, #tpu.memory_space<vmem>>, vector<16xi32>,
    %get3A_373 = vector.shape_cast %get3A_372 : vector<16xi32> to vector<16xi32>
    %add3A_374 = vector.broadcast %mul3A_2 : i32 to vector<16xi32>
    %add3A_375 = arith.addi %get3A_373, %add3A_374 : vector<16xi32>
    %swap3A_376 = arith.constant 16 : index
    %swap3A_377 = tpu.vector_load %arg17[%swap3A_376] {strides = array<i32>} : memref<80xi32, #tpu.memory_space<vmem>>, vector<16xi32>,
    %swap3A_378 = vector.shape_cast %swap3A_377 : vector<16xi32> to vector<16xi32>
    %swap3A_379 = vector.shape_cast %add3A_375 : vector<16xi32> to vector<16xi32>
    tpu.vector_store %arg17[%swap3A_376], %swap3A_379 {strides = array<i32>} : memref<80xi32, #tpu.memory_space<vmem>>, vector<16xi32>,
    %get3A_380 = arith.constant 16 : index
    %get3A_381 = tpu.vector_load %arg13[%get3A_380] {strides = array<i32>} : memref<80xi32, #tpu.memory_space<vmem>>, vector<16xi32>,
    %get3A_382 = vector.shape_cast %get3A_381 : vector<16xi32> to vector<16xi32>
    %swap3A_383 = arith.constant 16 : index
    %swap3A_384 = tpu.vector_load %arg21[%swap3A_383] {strides = array<i32>} : memref<80xi32, #tpu.memory_space<vmem>>, vector<16xi32>,
    %swap3A_385 = vector.shape_cast %swap3A_384 : vector<16xi32> to vector<16xi32>
    %swap3A_386 = vector.shape_cast %get3A_382 : vector<16xi32> to vector<16xi32>
    tpu.vector_store %arg21[%swap3A_383], %swap3A_386 {strides = array<i32>} : memref<80xi32, #tpu.memory_space<vmem>>, vector<16xi32>,
    %get3A_387 = arith.constant 32 : index
    %get3A_388 = tpu.vector_load %arg11[%get3A_387] {strides = array<i32>} : memref<80xi32, #tpu.memory_space<vmem>>, vector<16xi32>,
    %get3A_389 = vector.shape_cast %get3A_388 : vector<16xi32> to vector<16xi32>
    %add3A_390 = vector.broadcast %mul3A_2 : i32 to vector<16xi32>
    %add3A_391 = arith.addi %get3A_389, %add3A_390 : vector<16xi32>
    %swap3A_392 = arith.constant 32 : index
    %swap3A_393 = tpu.vector_load %arg17[%swap3A_392] {strides = array<i32>} : memref<80xi32, #tpu.memory_space<vmem>>, vector<16xi32>,
    %swap3A_394 = vector.shape_cast %swap3A_393 : vector<16xi32> to vector<16xi32>
    %swap3A_395 = vector.shape_cast %add3A_391 : vector<16xi32> to vector<16xi32>
    tpu.vector_store %arg17[%swap3A_392], %swap3A_395 {strides = array<i32>} : memref<80xi32, #tpu.memory_space<vmem>>, vector<16xi32>,
    %get3A_396 = arith.constant 32 : index
    %get3A_397 = tpu.vector_load %arg13[%get3A_396] {strides = array<i32>} : memref<80xi32, #tpu.memory_space<vmem>>, vector<16xi32>,
    %get3A_398 = vector.shape_cast %get3A_397 : vector<16xi32> to vector<16xi32>
    %swap3A_399 = arith.constant 32 : index
    %swap3A_400 = tpu.vector_load %arg21[%swap3A_399] {strides = array<i32>} : memref<80xi32, #tpu.memory_space<vmem>>, vector<16xi32>,
    %swap3A_401 = vector.shape_cast %swap3A_400 : vector<16xi32> to vector<16xi32>
    %swap3A_402 = vector.shape_cast %get3A_398 : vector<16xi32> to vector<16xi32>
    tpu.vector_store %arg21[%swap3A_399], %swap3A_402 {strides = array<i32>} : memref<80xi32, #tpu.memory_space<vmem>>, vector<16xi32>,
    %get3A_403 = arith.constant 48 : index
    %get3A_404 = tpu.vector_load %arg11[%get3A_403] {strides = array<i32>} : memref<80xi32, #tpu.memory_space<vmem>>, vector<16xi32>,
    %get3A_405 = vector.shape_cast %get3A_404 : vector<16xi32> to vector<16xi32>
    %add3A_406 = vector.broadcast %mul3A_2 : i32 to vector<16xi32>
    %add3A_407 = arith.addi %get3A_405, %add3A_406 : vector<16xi32>
    %swap3A_408 = arith.constant 48 : index
    %swap3A_409 = tpu.vector_load %arg17[%swap3A_408] {strides = array<i32>} : memref<80xi32, #tpu.memory_space<vmem>>, vector<16xi32>,
    %swap3A_410 = vector.shape_cast %swap3A_409 : vector<16xi32> to vector<16xi32>
    %swap3A_411 = vector.shape_cast %add3A_407 : vector<16xi32> to vector<16xi32>
    tpu.vector_store %arg17[%swap3A_408], %swap3A_411 {strides = array<i32>} : memref<80xi32, #tpu.memory_space<vmem>>, vector<16xi32>,
    %get3A_412 = arith.constant 48 : index
    %get3A_413 = tpu.vector_load %arg13[%get3A_412] {strides = array<i32>} : memref<80xi32, #tpu.memory_space<vmem>>, vector<16xi32>,
    %get3A_414 = vector.shape_cast %get3A_413 : vector<16xi32> to vector<16xi32>
    %swap3A_415 = arith.constant 48 : index
    %swap3A_416 = tpu.vector_load %arg21[%swap3A_415] {strides = array<i32>} : memref<80xi32, #tpu.memory_space<vmem>>, vector<16xi32>,
    %swap3A_417 = vector.shape_cast %swap3A_416 : vector<16xi32> to vector<16xi32>
    %swap3A_418 = vector.shape_cast %get3A_414 : vector<16xi32> to vector<16xi32>
    tpu.vector_store %arg21[%swap3A_415], %swap3A_418 {strides = array<i32>} : memref<80xi32, #tpu.memory_space<vmem>>, vector<16xi32>,
    %get3A_419 = arith.constant 64 : index
    %get3A_420 = tpu.vector_load %arg11[%get3A_419] {strides = array<i32>} : memref<80xi32, #tpu.memory_space<vmem>>, vector<16xi32>,
    %get3A_421 = vector.shape_cast %get3A_420 : vector<16xi32> to vector<16xi32>
    %add3A_422 = vector.broadcast %mul3A_2 : i32 to vector<16xi32>
    %add3A_423 = arith.addi %get3A_421, %add3A_422 : vector<16xi32>
    %swap3A_424 = arith.constant 64 : index
    %swap3A_425 = tpu.vector_load %arg17[%swap3A_424] {strides = array<i32>} : memref<80xi32, #tpu.memory_space<vmem>>, vector<16xi32>,
    %swap3A_426 = vector.shape_cast %swap3A_425 : vector<16xi32> to vector<16xi32>
    %swap3A_427 = vector.shape_cast %add3A_423 : vector<16xi32> to vector<16xi32>
    tpu.vector_store %arg17[%swap3A_424], %swap3A_427 {strides = array<i32>} : memref<80xi32, #tpu.memory_space<vmem>>, vector<16xi32>,
    %get3A_428 = arith.constant 64 : index
    %get3A_429 = tpu.vector_load %arg13[%get3A_428] {strides = array<i32>} : memref<80xi32, #tpu.memory_space<vmem>>, vector<16xi32>,
    %get3A_430 = vector.shape_cast %get3A_429 : vector<16xi32> to vector<16xi32>
    %swap3A_431 = arith.constant 64 : index
    %swap3A_432 = tpu.vector_load %arg21[%swap3A_431] {strides = array<i32>} : memref<80xi32, #tpu.memory_space<vmem>>, vector<16xi32>,
    %swap3A_433 = vector.shape_cast %swap3A_432 : vector<16xi32> to vector<16xi32>
    %swap3A_434 = vector.shape_cast %get3A_430 : vector<16xi32> to vector<16xi32>
    tpu.vector_store %arg21[%swap3A_431], %swap3A_434 {strides = array<i32>} : memref<80xi32, #tpu.memory_space<vmem>>, vector<16xi32>,
    %dma_start3A_435 = arith.constant 0 : i32
    %dma_start3A_436 = arith.constant 0 : i32
    %dma_start3A_437 = tpu.memref_slice %arg2[%dma_start3A_435, %dma_start3A_436] : memref<20480x128xf32, #tpu.memory_space<hbm>> -> memref<20480x128xf32, #tpu.memory_space<hbm>>
    tpu.enqueue_indirect_dma source(%dma_start3A_437 : memref<20480x128xf32, #tpu.memory_space<hbm>>) target(%arg25 : memref<80x128xf32, #tpu.memory_space<vmem>>) offsets(%arg17 : memref<80xi32, #tpu.memory_space<vmem>>) semaphore(%arg34 : memref<!tpu.dma_semaphore, #tpu.memory_space<semaphore_mem>>)
    %add3A_438 = arith.constant 320 : i32
    %add3A_439 = arith.addi %mul3A_34, %add3A_438 : i32
    %dma_start3A_440 = tpu.memref_slice %arg3[%add3A_439] : memref<640000xi32, #tpu.memory_space<hbm>> -> memref<80xi32, #tpu.memory_space<hbm>>
    %dma_start3A_441 = tpu.memref_slice %arg3[%add3A_439] : memref<640000xi32, #tpu.memory_space<hbm>> -> memref<80xi32, #tpu.memory_space<hbm>>
    tpu.enqueue_dma source(%dma_start3A_441 : memref<80xi32, #tpu.memory_space<hbm>>) target(%arg10 : memref<80xi32, #tpu.memory_space<vmem>>) target_semaphore(%arg39 : memref<!tpu.dma_semaphore, #tpu.memory_space<semaphore_mem>>)
    %add3A_442 = arith.constant 320000 : i32
    %add3A_443 = arith.addi %add3A_442, %add3A_439 : i32
    %dma_start3A_444 = tpu.memref_slice %arg3[%add3A_443] : memref<640000xi32, #tpu.memory_space<hbm>> -> memref<80xi32, #tpu.memory_space<hbm>>
    %dma_start3A_445 = tpu.memref_slice %arg3[%add3A_443] : memref<640000xi32, #tpu.memory_space<hbm>> -> memref<80xi32, #tpu.memory_space<hbm>>
    tpu.enqueue_dma source(%dma_start3A_445 : memref<80xi32, #tpu.memory_space<hbm>>) target(%arg12 : memref<80xi32, #tpu.memory_space<vmem>>) target_semaphore(%arg39 : memref<!tpu.dma_semaphore, #tpu.memory_space<semaphore_mem>>)
    %dma_wait3A_446 = arith.constant 0 : i32
    %dma_wait3A_447 = arith.constant 0 : i32
    %dma_wait3A_448 = tpu.memref_slice %arg2[%dma_wait3A_446, %dma_wait3A_447] : memref<20480x128xf32, #tpu.memory_space<hbm>> -> memref<20480x128xf32, #tpu.memory_space<hbm>>
    tpu.wait_indirect_dma semaphore(%arg32 : memref<!tpu.dma_semaphore, #tpu.memory_space<semaphore_mem>>) src(%dma_wait3A_448 : memref<20480x128xf32, #tpu.memory_space<hbm>>) dst(%arg23 : memref<80x128xf32, #tpu.memory_space<vmem>>)
    %dma_start3A_449 = arith.constant 0 : i32
    %dma_start3A_450 = arith.constant 0 : i32
    %dma_start3A_451 = tpu.memref_slice %arg8[%dma_start3A_449, %dma_start3A_450] : memref<10240x128xf32, #tpu.memory_space<vmem_shared>> -> memref<10240x128xf32, #tpu.memory_space<vmem_shared>>
    tpu.enqueue_indirect_dma source(%arg23 : memref<80x128xf32, #tpu.memory_space<vmem>>) target(%dma_start3A_451 : memref<10240x128xf32, #tpu.memory_space<vmem_shared>>) offsets(%arg19 : memref<80xi32, #tpu.memory_space<vmem>>) semaphore(%arg36 : memref<!tpu.dma_semaphore, #tpu.memory_space<semaphore_mem>>) {add = true}
    %eq3A_452 = arith.constant 0 : i32
    %eq3A_453 = arith.cmpi eq, %arg0, %eq3A_452 : i32
    %convert_element_type3A_454 = arith.extui %eq3A_453 : i1 to i32
    %cond3A_455 = arith.constant 0 : i32
    %cond3A_456 = arith.cmpi ne, %convert_element_type3A_454, %cond3A_455 : i32
    scf.if %cond3A_456 {
      %dma_start3A_856 = arith.constant 0 : i32
      %dma_start3A_857 = tpu.memref_slice %arg9[%dma_start3A_856] : memref<10240xf32, #tpu.memory_space<vmem_shared>> -> memref<10240xf32, #tpu.memory_space<vmem_shared>>
      tpu.enqueue_indirect_dma source(%arg26 : memref<80xf32, #tpu.memory_space<vmem>>) target(%dma_start3A_857 : memref<10240xf32, #tpu.memory_space<vmem_shared>>) offsets(%arg19 : memref<80xi32, #tpu.memory_space<vmem>>) semaphore(%arg36 : memref<!tpu.dma_semaphore, #tpu.memory_space<semaphore_mem>>) {add = true}
    } else {
    }
    %dma_wait3A_457 = arith.constant 0 : i32
    %dma_wait3A_458 = arith.constant 0 : i32
    %dma_wait3A_459 = tpu.memref_slice %arg8[%dma_wait3A_457, %dma_wait3A_458] : memref<10240x128xf32, #tpu.memory_space<vmem_shared>> -> memref<10240x128xf32, #tpu.memory_space<vmem_shared>>
    tpu.wait_indirect_dma semaphore(%arg35 : memref<!tpu.dma_semaphore, #tpu.memory_space<semaphore_mem>>) src(%arg22 : memref<80x128xf32, #tpu.memory_space<vmem>>) dst(%dma_wait3A_459 : memref<10240x128xf32, #tpu.memory_space<vmem_shared>>)
    %eq3A_460 = arith.constant 0 : i32
    %eq3A_461 = arith.cmpi eq, %arg0, %eq3A_460 : i32
    %convert_element_type3A_462 = arith.extui %eq3A_461 : i1 to i32
    %cond3A_463 = arith.constant 0 : i32
    %cond3A_464 = arith.cmpi ne, %convert_element_type3A_462, %cond3A_463 : i32
    scf.if %cond3A_464 {
      %dma_wait3A_856 = arith.constant 0 : i32
      %dma_wait3A_857 = tpu.memref_slice %arg9[%dma_wait3A_856] : memref<10240xf32, #tpu.memory_space<vmem_shared>> -> memref<10240xf32, #tpu.memory_space<vmem_shared>>
      tpu.wait_indirect_dma semaphore(%arg35 : memref<!tpu.dma_semaphore, #tpu.memory_space<semaphore_mem>>) src(%arg26 : memref<80xf32, #tpu.memory_space<vmem>>) dst(%dma_wait3A_857 : memref<10240xf32, #tpu.memory_space<vmem_shared>>)
    } else {
    }
    %add3A_465 = arith.constant 320 : i32
    %add3A_466 = arith.addi %mul3A_34, %add3A_465 : i32
    %dma_wait3A_467 = tpu.memref_slice %arg3[%add3A_466] : memref<640000xi32, #tpu.memory_space<hbm>> -> memref<80xi32, #tpu.memory_space<hbm>>
    %dma_wait3A_468 = tpu.memref_slice %arg3[%add3A_466] : memref<640000xi32, #tpu.memory_space<hbm>> -> memref<80xi32, #tpu.memory_space<hbm>>
    tpu.wait_dma2 semaphore(%arg39 : memref<!tpu.dma_semaphore, #tpu.memory_space<semaphore_mem>>) src(%dma_wait3A_468 : memref<80xi32, #tpu.memory_space<hbm>>) dst(%arg10 : memref<80xi32, #tpu.memory_space<vmem>>)
    %add3A_469 = arith.constant 320000 : i32
    %add3A_470 = arith.addi %add3A_469, %add3A_466 : i32
    %dma_wait3A_471 = tpu.memref_slice %arg3[%add3A_470] : memref<640000xi32, #tpu.memory_space<hbm>> -> memref<80xi32, #tpu.memory_space<hbm>>
    %dma_wait3A_472 = tpu.memref_slice %arg3[%add3A_470] : memref<640000xi32, #tpu.memory_space<hbm>> -> memref<80xi32, #tpu.memory_space<hbm>>
    tpu.wait_dma2 semaphore(%arg39 : memref<!tpu.dma_semaphore, #tpu.memory_space<semaphore_mem>>) src(%dma_wait3A_472 : memref<80xi32, #tpu.memory_space<hbm>>) dst(%arg12 : memref<80xi32, #tpu.memory_space<vmem>>)
    %get3A_473 = arith.constant 0 : index
    %get3A_474 = tpu.vector_load %arg10[%get3A_473] {strides = array<i32>} : memref<80xi32, #tpu.memory_space<vmem>>, vector<16xi32>,
    %get3A_475 = vector.shape_cast %get3A_474 : vector<16xi32> to vector<16xi32>
    %add3A_476 = vector.broadcast %mul3A_2 : i32 to vector<16xi32>
    %add3A_477 = arith.addi %get3A_475, %add3A_476 : vector<16xi32>
    %swap3A_478 = arith.constant 0 : index
    %swap3A_479 = tpu.vector_load %arg14[%swap3A_478] {strides = array<i32>} : memref<80xi32, #tpu.memory_space<vmem>>, vector<16xi32>,
    %swap3A_480 = vector.shape_cast %swap3A_479 : vector<16xi32> to vector<16xi32>
    %swap3A_481 = vector.shape_cast %add3A_477 : vector<16xi32> to vector<16xi32>
    tpu.vector_store %arg14[%swap3A_478], %swap3A_481 {strides = array<i32>} : memref<80xi32, #tpu.memory_space<vmem>>, vector<16xi32>,
    %get3A_482 = arith.constant 0 : index
    %get3A_483 = tpu.vector_load %arg12[%get3A_482] {strides = array<i32>} : memref<80xi32, #tpu.memory_space<vmem>>, vector<16xi32>,
    %get3A_484 = vector.shape_cast %get3A_483 : vector<16xi32> to vector<16xi32>
    %swap3A_485 = arith.constant 0 : index
    %swap3A_486 = tpu.vector_load %arg18[%swap3A_485] {strides = array<i32>} : memref<80xi32, #tpu.memory_space<vmem>>, vector<16xi32>,
    %swap3A_487 = vector.shape_cast %swap3A_486 : vector<16xi32> to vector<16xi32>
    %swap3A_488 = vector.shape_cast %get3A_484 : vector<16xi32> to vector<16xi32>
    tpu.vector_store %arg18[%swap3A_485], %swap3A_488 {strides = array<i32>} : memref<80xi32, #tpu.memory_space<vmem>>, vector<16xi32>,
    %get3A_489 = arith.constant 16 : index
    %get3A_490 = tpu.vector_load %arg10[%get3A_489] {strides = array<i32>} : memref<80xi32, #tpu.memory_space<vmem>>, vector<16xi32>,
    %get3A_491 = vector.shape_cast %get3A_490 : vector<16xi32> to vector<16xi32>
    %add3A_492 = vector.broadcast %mul3A_2 : i32 to vector<16xi32>
    %add3A_493 = arith.addi %get3A_491, %add3A_492 : vector<16xi32>
    %swap3A_494 = arith.constant 16 : index
    %swap3A_495 = tpu.vector_load %arg14[%swap3A_494] {strides = array<i32>} : memref<80xi32, #tpu.memory_space<vmem>>, vector<16xi32>,
    %swap3A_496 = vector.shape_cast %swap3A_495 : vector<16xi32> to vector<16xi32>
    %swap3A_497 = vector.shape_cast %add3A_493 : vector<16xi32> to vector<16xi32>
    tpu.vector_store %arg14[%swap3A_494], %swap3A_497 {strides = array<i32>} : memref<80xi32, #tpu.memory_space<vmem>>, vector<16xi32>,
    %get3A_498 = arith.constant 16 : index
    %get3A_499 = tpu.vector_load %arg12[%get3A_498] {strides = array<i32>} : memref<80xi32, #tpu.memory_space<vmem>>, vector<16xi32>,
    %get3A_500 = vector.shape_cast %get3A_499 : vector<16xi32> to vector<16xi32>
    %swap3A_501 = arith.constant 16 : index
    %swap3A_502 = tpu.vector_load %arg18[%swap3A_501] {strides = array<i32>} : memref<80xi32, #tpu.memory_space<vmem>>, vector<16xi32>,
    %swap3A_503 = vector.shape_cast %swap3A_502 : vector<16xi32> to vector<16xi32>
    %swap3A_504 = vector.shape_cast %get3A_500 : vector<16xi32> to vector<16xi32>
    tpu.vector_store %arg18[%swap3A_501], %swap3A_504 {strides = array<i32>} : memref<80xi32, #tpu.memory_space<vmem>>, vector<16xi32>,
    %get3A_505 = arith.constant 32 : index
    %get3A_506 = tpu.vector_load %arg10[%get3A_505] {strides = array<i32>} : memref<80xi32, #tpu.memory_space<vmem>>, vector<16xi32>,
    %get3A_507 = vector.shape_cast %get3A_506 : vector<16xi32> to vector<16xi32>
    %add3A_508 = vector.broadcast %mul3A_2 : i32 to vector<16xi32>
    %add3A_509 = arith.addi %get3A_507, %add3A_508 : vector<16xi32>
    %swap3A_510 = arith.constant 32 : index
    %swap3A_511 = tpu.vector_load %arg14[%swap3A_510] {strides = array<i32>} : memref<80xi32, #tpu.memory_space<vmem>>, vector<16xi32>,
    %swap3A_512 = vector.shape_cast %swap3A_511 : vector<16xi32> to vector<16xi32>
    %swap3A_513 = vector.shape_cast %add3A_509 : vector<16xi32> to vector<16xi32>
    tpu.vector_store %arg14[%swap3A_510], %swap3A_513 {strides = array<i32>} : memref<80xi32, #tpu.memory_space<vmem>>, vector<16xi32>,
    %get3A_514 = arith.constant 32 : index
    %get3A_515 = tpu.vector_load %arg12[%get3A_514] {strides = array<i32>} : memref<80xi32, #tpu.memory_space<vmem>>, vector<16xi32>,
    %get3A_516 = vector.shape_cast %get3A_515 : vector<16xi32> to vector<16xi32>
    %swap3A_517 = arith.constant 32 : index
    %swap3A_518 = tpu.vector_load %arg18[%swap3A_517] {strides = array<i32>} : memref<80xi32, #tpu.memory_space<vmem>>, vector<16xi32>,
    %swap3A_519 = vector.shape_cast %swap3A_518 : vector<16xi32> to vector<16xi32>
    %swap3A_520 = vector.shape_cast %get3A_516 : vector<16xi32> to vector<16xi32>
    tpu.vector_store %arg18[%swap3A_517], %swap3A_520 {strides = array<i32>} : memref<80xi32, #tpu.memory_space<vmem>>, vector<16xi32>,
    %get3A_521 = arith.constant 48 : index
    %get3A_522 = tpu.vector_load %arg10[%get3A_521] {strides = array<i32>} : memref<80xi32, #tpu.memory_space<vmem>>, vector<16xi32>,
    %get3A_523 = vector.shape_cast %get3A_522 : vector<16xi32> to vector<16xi32>
    %add3A_524 = vector.broadcast %mul3A_2 : i32 to vector<16xi32>
    %add3A_525 = arith.addi %get3A_523, %add3A_524 : vector<16xi32>
    %swap3A_526 = arith.constant 48 : index
    %swap3A_527 = tpu.vector_load %arg14[%swap3A_526] {strides = array<i32>} : memref<80xi32, #tpu.memory_space<vmem>>, vector<16xi32>,
    %swap3A_528 = vector.shape_cast %swap3A_527 : vector<16xi32> to vector<16xi32>
    %swap3A_529 = vector.shape_cast %add3A_525 : vector<16xi32> to vector<16xi32>
    tpu.vector_store %arg14[%swap3A_526], %swap3A_529 {strides = array<i32>} : memref<80xi32, #tpu.memory_space<vmem>>, vector<16xi32>,
    %get3A_530 = arith.constant 48 : index
    %get3A_531 = tpu.vector_load %arg12[%get3A_530] {strides = array<i32>} : memref<80xi32, #tpu.memory_space<vmem>>, vector<16xi32>,
    %get3A_532 = vector.shape_cast %get3A_531 : vector<16xi32> to vector<16xi32>
    %swap3A_533 = arith.constant 48 : index
    %swap3A_534 = tpu.vector_load %arg18[%swap3A_533] {strides = array<i32>} : memref<80xi32, #tpu.memory_space<vmem>>, vector<16xi32>,
    %swap3A_535 = vector.shape_cast %swap3A_534 : vector<16xi32> to vector<16xi32>
    %swap3A_536 = vector.shape_cast %get3A_532 : vector<16xi32> to vector<16xi32>
    tpu.vector_store %arg18[%swap3A_533], %swap3A_536 {strides = array<i32>} : memref<80xi32, #tpu.memory_space<vmem>>, vector<16xi32>,
    %get3A_537 = arith.constant 64 : index
    %get3A_538 = tpu.vector_load %arg10[%get3A_537] {strides = array<i32>} : memref<80xi32, #tpu.memory_space<vmem>>, vector<16xi32>,
    %get3A_539 = vector.shape_cast %get3A_538 : vector<16xi32> to vector<16xi32>
    %add3A_540 = vector.broadcast %mul3A_2 : i32 to vector<16xi32>
    %add3A_541 = arith.addi %get3A_539, %add3A_540 : vector<16xi32>
    %swap3A_542 = arith.constant 64 : index
    %swap3A_543 = tpu.vector_load %arg14[%swap3A_542] {strides = array<i32>} : memref<80xi32, #tpu.memory_space<vmem>>, vector<16xi32>,
    %swap3A_544 = vector.shape_cast %swap3A_543 : vector<16xi32> to vector<16xi32>
    %swap3A_545 = vector.shape_cast %add3A_541 : vector<16xi32> to vector<16xi32>
    tpu.vector_store %arg14[%swap3A_542], %swap3A_545 {strides = array<i32>} : memref<80xi32, #tpu.memory_space<vmem>>, vector<16xi32>,
    %get3A_546 = arith.constant 64 : index
    %get3A_547 = tpu.vector_load %arg12[%get3A_546] {strides = array<i32>} : memref<80xi32, #tpu.memory_space<vmem>>, vector<16xi32>,
    %get3A_548 = vector.shape_cast %get3A_547 : vector<16xi32> to vector<16xi32>
    %swap3A_549 = arith.constant 64 : index
    %swap3A_550 = tpu.vector_load %arg18[%swap3A_549] {strides = array<i32>} : memref<80xi32, #tpu.memory_space<vmem>>, vector<16xi32>,
    %swap3A_551 = vector.shape_cast %swap3A_550 : vector<16xi32> to vector<16xi32>
    %swap3A_552 = vector.shape_cast %get3A_548 : vector<16xi32> to vector<16xi32>
    tpu.vector_store %arg18[%swap3A_549], %swap3A_552 {strides = array<i32>} : memref<80xi32, #tpu.memory_space<vmem>>, vector<16xi32>,
    %dma_start3A_553 = arith.constant 0 : i32
    %dma_start3A_554 = arith.constant 0 : i32
    %dma_start3A_555 = tpu.memref_slice %arg2[%dma_start3A_553, %dma_start3A_554] : memref<20480x128xf32, #tpu.memory_space<hbm>> -> memref<20480x128xf32, #tpu.memory_space<hbm>>
    tpu.enqueue_indirect_dma source(%dma_start3A_555 : memref<20480x128xf32, #tpu.memory_space<hbm>>) target(%arg22 : memref<80x128xf32, #tpu.memory_space<vmem>>) offsets(%arg14 : memref<80xi32, #tpu.memory_space<vmem>>) semaphore(%arg31 : memref<!tpu.dma_semaphore, #tpu.memory_space<semaphore_mem>>)
    %add3A_556 = arith.constant 400 : i32
    %add3A_557 = arith.addi %mul3A_34, %add3A_556 : i32
    %dma_start3A_558 = tpu.memref_slice %arg3[%add3A_557] : memref<640000xi32, #tpu.memory_space<hbm>> -> memref<80xi32, #tpu.memory_space<hbm>>
    %dma_start3A_559 = tpu.memref_slice %arg3[%add3A_557] : memref<640000xi32, #tpu.memory_space<hbm>> -> memref<80xi32, #tpu.memory_space<hbm>>
    tpu.enqueue_dma source(%dma_start3A_559 : memref<80xi32, #tpu.memory_space<hbm>>) target(%arg11 : memref<80xi32, #tpu.memory_space<vmem>>) target_semaphore(%arg40 : memref<!tpu.dma_semaphore, #tpu.memory_space<semaphore_mem>>)
    %add3A_560 = arith.constant 320000 : i32
    %add3A_561 = arith.addi %add3A_560, %add3A_557 : i32
    %dma_start3A_562 = tpu.memref_slice %arg3[%add3A_561] : memref<640000xi32, #tpu.memory_space<hbm>> -> memref<80xi32, #tpu.memory_space<hbm>>
    %dma_start3A_563 = tpu.memref_slice %arg3[%add3A_561] : memref<640000xi32, #tpu.memory_space<hbm>> -> memref<80xi32, #tpu.memory_space<hbm>>
    tpu.enqueue_dma source(%dma_start3A_563 : memref<80xi32, #tpu.memory_space<hbm>>) target(%arg13 : memref<80xi32, #tpu.memory_space<vmem>>) target_semaphore(%arg40 : memref<!tpu.dma_semaphore, #tpu.memory_space<semaphore_mem>>)
    %dma_wait3A_564 = arith.constant 0 : i32
    %dma_wait3A_565 = arith.constant 0 : i32
    %dma_wait3A_566 = tpu.memref_slice %arg2[%dma_wait3A_564, %dma_wait3A_565] : memref<20480x128xf32, #tpu.memory_space<hbm>> -> memref<20480x128xf32, #tpu.memory_space<hbm>>
    tpu.wait_indirect_dma semaphore(%arg33 : memref<!tpu.dma_semaphore, #tpu.memory_space<semaphore_mem>>) src(%dma_wait3A_566 : memref<20480x128xf32, #tpu.memory_space<hbm>>) dst(%arg24 : memref<80x128xf32, #tpu.memory_space<vmem>>)
    %dma_start3A_567 = arith.constant 0 : i32
    %dma_start3A_568 = arith.constant 0 : i32
    %dma_start3A_569 = tpu.memref_slice %arg8[%dma_start3A_567, %dma_start3A_568] : memref<10240x128xf32, #tpu.memory_space<vmem_shared>> -> memref<10240x128xf32, #tpu.memory_space<vmem_shared>>
    tpu.enqueue_indirect_dma source(%arg24 : memref<80x128xf32, #tpu.memory_space<vmem>>) target(%dma_start3A_569 : memref<10240x128xf32, #tpu.memory_space<vmem_shared>>) offsets(%arg20 : memref<80xi32, #tpu.memory_space<vmem>>) semaphore(%arg37 : memref<!tpu.dma_semaphore, #tpu.memory_space<semaphore_mem>>) {add = true}
    %eq3A_570 = arith.constant 0 : i32
    %eq3A_571 = arith.cmpi eq, %arg0, %eq3A_570 : i32
    %convert_element_type3A_572 = arith.extui %eq3A_571 : i1 to i32
    %cond3A_573 = arith.constant 0 : i32
    %cond3A_574 = arith.cmpi ne, %convert_element_type3A_572, %cond3A_573 : i32
    scf.if %cond3A_574 {
      %dma_start3A_856 = arith.constant 0 : i32
      %dma_start3A_857 = tpu.memref_slice %arg9[%dma_start3A_856] : memref<10240xf32, #tpu.memory_space<vmem_shared>> -> memref<10240xf32, #tpu.memory_space<vmem_shared>>
      tpu.enqueue_indirect_dma source(%arg26 : memref<80xf32, #tpu.memory_space<vmem>>) target(%dma_start3A_857 : memref<10240xf32, #tpu.memory_space<vmem_shared>>) offsets(%arg20 : memref<80xi32, #tpu.memory_space<vmem>>) semaphore(%arg37 : memref<!tpu.dma_semaphore, #tpu.memory_space<semaphore_mem>>) {add = true}
    } else {
    }
    %dma_wait3A_575 = arith.constant 0 : i32
    %dma_wait3A_576 = arith.constant 0 : i32
    %dma_wait3A_577 = tpu.memref_slice %arg8[%dma_wait3A_575, %dma_wait3A_576] : memref<10240x128xf32, #tpu.memory_space<vmem_shared>> -> memref<10240x128xf32, #tpu.memory_space<vmem_shared>>
    tpu.wait_indirect_dma semaphore(%arg36 : memref<!tpu.dma_semaphore, #tpu.memory_space<semaphore_mem>>) src(%arg23 : memref<80x128xf32, #tpu.memory_space<vmem>>) dst(%dma_wait3A_577 : memref<10240x128xf32, #tpu.memory_space<vmem_shared>>)
    %eq3A_578 = arith.constant 0 : i32
    %eq3A_579 = arith.cmpi eq, %arg0, %eq3A_578 : i32
    %convert_element_type3A_580 = arith.extui %eq3A_579 : i1 to i32
    %cond3A_581 = arith.constant 0 : i32
    %cond3A_582 = arith.cmpi ne, %convert_element_type3A_580, %cond3A_581 : i32
    scf.if %cond3A_582 {
      %dma_wait3A_856 = arith.constant 0 : i32
      %dma_wait3A_857 = tpu.memref_slice %arg9[%dma_wait3A_856] : memref<10240xf32, #tpu.memory_space<vmem_shared>> -> memref<10240xf32, #tpu.memory_space<vmem_shared>>
      tpu.wait_indirect_dma semaphore(%arg36 : memref<!tpu.dma_semaphore, #tpu.memory_space<semaphore_mem>>) src(%arg26 : memref<80xf32, #tpu.memory_space<vmem>>) dst(%dma_wait3A_857 : memref<10240xf32, #tpu.memory_space<vmem_shared>>)
    } else {
    }
    %add3A_583 = arith.constant 400 : i32
    %add3A_584 = arith.addi %mul3A_34, %add3A_583 : i32
    %dma_wait3A_585 = tpu.memref_slice %arg3[%add3A_584] : memref<640000xi32, #tpu.memory_space<hbm>> -> memref<80xi32, #tpu.memory_space<hbm>>
    %dma_wait3A_586 = tpu.memref_slice %arg3[%add3A_584] : memref<640000xi32, #tpu.memory_space<hbm>> -> memref<80xi32, #tpu.memory_space<hbm>>
    tpu.wait_dma2 semaphore(%arg40 : memref<!tpu.dma_semaphore, #tpu.memory_space<semaphore_mem>>) src(%dma_wait3A_586 : memref<80xi32, #tpu.memory_space<hbm>>) dst(%arg11 : memref<80xi32, #tpu.memory_space<vmem>>)
    %add3A_587 = arith.constant 320000 : i32
    %add3A_588 = arith.addi %add3A_587, %add3A_584 : i32
    %dma_wait3A_589 = tpu.memref_slice %arg3[%add3A_588] : memref<640000xi32, #tpu.memory_space<hbm>> -> memref<80xi32, #tpu.memory_space<hbm>>
    %dma_wait3A_590 = tpu.memref_slice %arg3[%add3A_588] : memref<640000xi32, #tpu.memory_space<hbm>> -> memref<80xi32, #tpu.memory_space<hbm>>
    tpu.wait_dma2 semaphore(%arg40 : memref<!tpu.dma_semaphore, #tpu.memory_space<semaphore_mem>>) src(%dma_wait3A_590 : memref<80xi32, #tpu.memory_space<hbm>>) dst(%arg13 : memref<80xi32, #tpu.memory_space<vmem>>)
    %get3A_591 = arith.constant 0 : index
    %get3A_592 = tpu.vector_load %arg11[%get3A_591] {strides = array<i32>} : memref<80xi32, #tpu.memory_space<vmem>>, vector<16xi32>,
    %get3A_593 = vector.shape_cast %get3A_592 : vector<16xi32> to vector<16xi32>
    %add3A_594 = vector.broadcast %mul3A_2 : i32 to vector<16xi32>
    %add3A_595 = arith.addi %get3A_593, %add3A_594 : vector<16xi32>
    %swap3A_596 = arith.constant 0 : index
    %swap3A_597 = tpu.vector_load %arg15[%swap3A_596] {strides = array<i32>} : memref<80xi32, #tpu.memory_space<vmem>>, vector<16xi32>,
    %swap3A_598 = vector.shape_cast %swap3A_597 : vector<16xi32> to vector<16xi32>
    %swap3A_599 = vector.shape_cast %add3A_595 : vector<16xi32> to vector<16xi32>
    tpu.vector_store %arg15[%swap3A_596], %swap3A_599 {strides = array<i32>} : memref<80xi32, #tpu.memory_space<vmem>>, vector<16xi32>,
    %get3A_600 = arith.constant 0 : index
    %get3A_601 = tpu.vector_load %arg13[%get3A_600] {strides = array<i32>} : memref<80xi32, #tpu.memory_space<vmem>>, vector<16xi32>,
    %get3A_602 = vector.shape_cast %get3A_601 : vector<16xi32> to vector<16xi32>
    %swap3A_603 = arith.constant 0 : index
    %swap3A_604 = tpu.vector_load %arg19[%swap3A_603] {strides = array<i32>} : memref<80xi32, #tpu.memory_space<vmem>>, vector<16xi32>,
    %swap3A_605 = vector.shape_cast %swap3A_604 : vector<16xi32> to vector<16xi32>
    %swap3A_606 = vector.shape_cast %get3A_602 : vector<16xi32> to vector<16xi32>
    tpu.vector_store %arg19[%swap3A_603], %swap3A_606 {strides = array<i32>} : memref<80xi32, #tpu.memory_space<vmem>>, vector<16xi32>,
    %get3A_607 = arith.constant 16 : index
    %get3A_608 = tpu.vector_load %arg11[%get3A_607] {strides = array<i32>} : memref<80xi32, #tpu.memory_space<vmem>>, vector<16xi32>,
    %get3A_609 = vector.shape_cast %get3A_608 : vector<16xi32> to vector<16xi32>
    %add3A_610 = vector.broadcast %mul3A_2 : i32 to vector<16xi32>
    %add3A_611 = arith.addi %get3A_609, %add3A_610 : vector<16xi32>
    %swap3A_612 = arith.constant 16 : index
    %swap3A_613 = tpu.vector_load %arg15[%swap3A_612] {strides = array<i32>} : memref<80xi32, #tpu.memory_space<vmem>>, vector<16xi32>,
    %swap3A_614 = vector.shape_cast %swap3A_613 : vector<16xi32> to vector<16xi32>
    %swap3A_615 = vector.shape_cast %add3A_611 : vector<16xi32> to vector<16xi32>
    tpu.vector_store %arg15[%swap3A_612], %swap3A_615 {strides = array<i32>} : memref<80xi32, #tpu.memory_space<vmem>>, vector<16xi32>,
    %get3A_616 = arith.constant 16 : index
    %get3A_617 = tpu.vector_load %arg13[%get3A_616] {strides = array<i32>} : memref<80xi32, #tpu.memory_space<vmem>>, vector<16xi32>,
    %get3A_618 = vector.shape_cast %get3A_617 : vector<16xi32> to vector<16xi32>
    %swap3A_619 = arith.constant 16 : index
    %swap3A_620 = tpu.vector_load %arg19[%swap3A_619] {strides = array<i32>} : memref<80xi32, #tpu.memory_space<vmem>>, vector<16xi32>,
    %swap3A_621 = vector.shape_cast %swap3A_620 : vector<16xi32> to vector<16xi32>
    %swap3A_622 = vector.shape_cast %get3A_618 : vector<16xi32> to vector<16xi32>
    tpu.vector_store %arg19[%swap3A_619], %swap3A_622 {strides = array<i32>} : memref<80xi32, #tpu.memory_space<vmem>>, vector<16xi32>,
    %get3A_623 = arith.constant 32 : index
    %get3A_624 = tpu.vector_load %arg11[%get3A_623] {strides = array<i32>} : memref<80xi32, #tpu.memory_space<vmem>>, vector<16xi32>,
    %get3A_625 = vector.shape_cast %get3A_624 : vector<16xi32> to vector<16xi32>
    %add3A_626 = vector.broadcast %mul3A_2 : i32 to vector<16xi32>
    %add3A_627 = arith.addi %get3A_625, %add3A_626 : vector<16xi32>
    %swap3A_628 = arith.constant 32 : index
    %swap3A_629 = tpu.vector_load %arg15[%swap3A_628] {strides = array<i32>} : memref<80xi32, #tpu.memory_space<vmem>>, vector<16xi32>,
    %swap3A_630 = vector.shape_cast %swap3A_629 : vector<16xi32> to vector<16xi32>
    %swap3A_631 = vector.shape_cast %add3A_627 : vector<16xi32> to vector<16xi32>
    tpu.vector_store %arg15[%swap3A_628], %swap3A_631 {strides = array<i32>} : memref<80xi32, #tpu.memory_space<vmem>>, vector<16xi32>,
    %get3A_632 = arith.constant 32 : index
    %get3A_633 = tpu.vector_load %arg13[%get3A_632] {strides = array<i32>} : memref<80xi32, #tpu.memory_space<vmem>>, vector<16xi32>,
    %get3A_634 = vector.shape_cast %get3A_633 : vector<16xi32> to vector<16xi32>
    %swap3A_635 = arith.constant 32 : index
    %swap3A_636 = tpu.vector_load %arg19[%swap3A_635] {strides = array<i32>} : memref<80xi32, #tpu.memory_space<vmem>>, vector<16xi32>,
    %swap3A_637 = vector.shape_cast %swap3A_636 : vector<16xi32> to vector<16xi32>
    %swap3A_638 = vector.shape_cast %get3A_634 : vector<16xi32> to vector<16xi32>
    tpu.vector_store %arg19[%swap3A_635], %swap3A_638 {strides = array<i32>} : memref<80xi32, #tpu.memory_space<vmem>>, vector<16xi32>,
    %get3A_639 = arith.constant 48 : index
    %get3A_640 = tpu.vector_load %arg11[%get3A_639] {strides = array<i32>} : memref<80xi32, #tpu.memory_space<vmem>>, vector<16xi32>,
    %get3A_641 = vector.shape_cast %get3A_640 : vector<16xi32> to vector<16xi32>
    %add3A_642 = vector.broadcast %mul3A_2 : i32 to vector<16xi32>
    %add3A_643 = arith.addi %get3A_641, %add3A_642 : vector<16xi32>
    %swap3A_644 = arith.constant 48 : index
    %swap3A_645 = tpu.vector_load %arg15[%swap3A_644] {strides = array<i32>} : memref<80xi32, #tpu.memory_space<vmem>>, vector<16xi32>,
    %swap3A_646 = vector.shape_cast %swap3A_645 : vector<16xi32> to vector<16xi32>
    %swap3A_647 = vector.shape_cast %add3A_643 : vector<16xi32> to vector<16xi32>
    tpu.vector_store %arg15[%swap3A_644], %swap3A_647 {strides = array<i32>} : memref<80xi32, #tpu.memory_space<vmem>>, vector<16xi32>,
    %get3A_648 = arith.constant 48 : index
    %get3A_649 = tpu.vector_load %arg13[%get3A_648] {strides = array<i32>} : memref<80xi32, #tpu.memory_space<vmem>>, vector<16xi32>,
    %get3A_650 = vector.shape_cast %get3A_649 : vector<16xi32> to vector<16xi32>
    %swap3A_651 = arith.constant 48 : index
    %swap3A_652 = tpu.vector_load %arg19[%swap3A_651] {strides = array<i32>} : memref<80xi32, #tpu.memory_space<vmem>>, vector<16xi32>,
    %swap3A_653 = vector.shape_cast %swap3A_652 : vector<16xi32> to vector<16xi32>
    %swap3A_654 = vector.shape_cast %get3A_650 : vector<16xi32> to vector<16xi32>
    tpu.vector_store %arg19[%swap3A_651], %swap3A_654 {strides = array<i32>} : memref<80xi32, #tpu.memory_space<vmem>>, vector<16xi32>,
    %get3A_655 = arith.constant 64 : index
    %get3A_656 = tpu.vector_load %arg11[%get3A_655] {strides = array<i32>} : memref<80xi32, #tpu.memory_space<vmem>>, vector<16xi32>,
    %get3A_657 = vector.shape_cast %get3A_656 : vector<16xi32> to vector<16xi32>
    %add3A_658 = vector.broadcast %mul3A_2 : i32 to vector<16xi32>
    %add3A_659 = arith.addi %get3A_657, %add3A_658 : vector<16xi32>
    %swap3A_660 = arith.constant 64 : index
    %swap3A_661 = tpu.vector_load %arg15[%swap3A_660] {strides = array<i32>} : memref<80xi32, #tpu.memory_space<vmem>>, vector<16xi32>,
    %swap3A_662 = vector.shape_cast %swap3A_661 : vector<16xi32> to vector<16xi32>
    %swap3A_663 = vector.shape_cast %add3A_659 : vector<16xi32> to vector<16xi32>
    tpu.vector_store %arg15[%swap3A_660], %swap3A_663 {strides = array<i32>} : memref<80xi32, #tpu.memory_space<vmem>>, vector<16xi32>,
    %get3A_664 = arith.constant 64 : index
    %get3A_665 = tpu.vector_load %arg13[%get3A_664] {strides = array<i32>} : memref<80xi32, #tpu.memory_space<vmem>>, vector<16xi32>,
    %get3A_666 = vector.shape_cast %get3A_665 : vector<16xi32> to vector<16xi32>
    %swap3A_667 = arith.constant 64 : index
    %swap3A_668 = tpu.vector_load %arg19[%swap3A_667] {strides = array<i32>} : memref<80xi32, #tpu.memory_space<vmem>>, vector<16xi32>,
    %swap3A_669 = vector.shape_cast %swap3A_668 : vector<16xi32> to vector<16xi32>
    %swap3A_670 = vector.shape_cast %get3A_666 : vector<16xi32> to vector<16xi32>
    tpu.vector_store %arg19[%swap3A_667], %swap3A_670 {strides = array<i32>} : memref<80xi32, #tpu.memory_space<vmem>>, vector<16xi32>,
    %dma_start3A_671 = arith.constant 0 : i32
    %dma_start3A_672 = arith.constant 0 : i32
    %dma_start3A_673 = tpu.memref_slice %arg2[%dma_start3A_671, %dma_start3A_672] : memref<20480x128xf32, #tpu.memory_space<hbm>> -> memref<20480x128xf32, #tpu.memory_space<hbm>>
    tpu.enqueue_indirect_dma source(%dma_start3A_673 : memref<20480x128xf32, #tpu.memory_space<hbm>>) target(%arg23 : memref<80x128xf32, #tpu.memory_space<vmem>>) offsets(%arg15 : memref<80xi32, #tpu.memory_space<vmem>>) semaphore(%arg32 : memref<!tpu.dma_semaphore, #tpu.memory_space<semaphore_mem>>)
    %add3A_674 = arith.constant 480 : i32
    %add3A_675 = arith.addi %mul3A_34, %add3A_674 : i32
    %dma_start3A_676 = tpu.memref_slice %arg3[%add3A_675] : memref<640000xi32, #tpu.memory_space<hbm>> -> memref<80xi32, #tpu.memory_space<hbm>>
    %dma_start3A_677 = tpu.memref_slice %arg3[%add3A_675] : memref<640000xi32, #tpu.memory_space<hbm>> -> memref<80xi32, #tpu.memory_space<hbm>>
    tpu.enqueue_dma source(%dma_start3A_677 : memref<80xi32, #tpu.memory_space<hbm>>) target(%arg10 : memref<80xi32, #tpu.memory_space<vmem>>) target_semaphore(%arg39 : memref<!tpu.dma_semaphore, #tpu.memory_space<semaphore_mem>>)
    %add3A_678 = arith.constant 320000 : i32
    %add3A_679 = arith.addi %add3A_678, %add3A_675 : i32
    %dma_start3A_680 = tpu.memref_slice %arg3[%add3A_679] : memref<640000xi32, #tpu.memory_space<hbm>> -> memref<80xi32, #tpu.memory_space<hbm>>
    %dma_start3A_681 = tpu.memref_slice %arg3[%add3A_679] : memref<640000xi32, #tpu.memory_space<hbm>> -> memref<80xi32, #tpu.memory_space<hbm>>
    tpu.enqueue_dma source(%dma_start3A_681 : memref<80xi32, #tpu.memory_space<hbm>>) target(%arg12 : memref<80xi32, #tpu.memory_space<vmem>>) target_semaphore(%arg39 : memref<!tpu.dma_semaphore, #tpu.memory_space<semaphore_mem>>)
    %dma_wait3A_682 = arith.constant 0 : i32
    %dma_wait3A_683 = arith.constant 0 : i32
    %dma_wait3A_684 = tpu.memref_slice %arg2[%dma_wait3A_682, %dma_wait3A_683] : memref<20480x128xf32, #tpu.memory_space<hbm>> -> memref<20480x128xf32, #tpu.memory_space<hbm>>
    tpu.wait_indirect_dma semaphore(%arg34 : memref<!tpu.dma_semaphore, #tpu.memory_space<semaphore_mem>>) src(%dma_wait3A_684 : memref<20480x128xf32, #tpu.memory_space<hbm>>) dst(%arg25 : memref<80x128xf32, #tpu.memory_space<vmem>>)
    %dma_start3A_685 = arith.constant 0 : i32
    %dma_start3A_686 = arith.constant 0 : i32
    %dma_start3A_687 = tpu.memref_slice %arg8[%dma_start3A_685, %dma_start3A_686] : memref<10240x128xf32, #tpu.memory_space<vmem_shared>> -> memref<10240x128xf32, #tpu.memory_space<vmem_shared>>
    tpu.enqueue_indirect_dma source(%arg25 : memref<80x128xf32, #tpu.memory_space<vmem>>) target(%dma_start3A_687 : memref<10240x128xf32, #tpu.memory_space<vmem_shared>>) offsets(%arg21 : memref<80xi32, #tpu.memory_space<vmem>>) semaphore(%arg38 : memref<!tpu.dma_semaphore, #tpu.memory_space<semaphore_mem>>) {add = true}
    %eq3A_688 = arith.constant 0 : i32
    %eq3A_689 = arith.cmpi eq, %arg0, %eq3A_688 : i32
    %convert_element_type3A_690 = arith.extui %eq3A_689 : i1 to i32
    %cond3A_691 = arith.constant 0 : i32
    %cond3A_692 = arith.cmpi ne, %convert_element_type3A_690, %cond3A_691 : i32
    scf.if %cond3A_692 {
      %dma_start3A_856 = arith.constant 0 : i32
      %dma_start3A_857 = tpu.memref_slice %arg9[%dma_start3A_856] : memref<10240xf32, #tpu.memory_space<vmem_shared>> -> memref<10240xf32, #tpu.memory_space<vmem_shared>>
      tpu.enqueue_indirect_dma source(%arg26 : memref<80xf32, #tpu.memory_space<vmem>>) target(%dma_start3A_857 : memref<10240xf32, #tpu.memory_space<vmem_shared>>) offsets(%arg21 : memref<80xi32, #tpu.memory_space<vmem>>) semaphore(%arg38 : memref<!tpu.dma_semaphore, #tpu.memory_space<semaphore_mem>>) {add = true}
    } else {
    }
    %dma_wait3A_693 = arith.constant 0 : i32
    %dma_wait3A_694 = arith.constant 0 : i32
    %dma_wait3A_695 = tpu.memref_slice %arg8[%dma_wait3A_693, %dma_wait3A_694] : memref<10240x128xf32, #tpu.memory_space<vmem_shared>> -> memref<10240x128xf32, #tpu.memory_space<vmem_shared>>
    tpu.wait_indirect_dma semaphore(%arg37 : memref<!tpu.dma_semaphore, #tpu.memory_space<semaphore_mem>>) src(%arg24 : memref<80x128xf32, #tpu.memory_space<vmem>>) dst(%dma_wait3A_695 : memref<10240x128xf32, #tpu.memory_space<vmem_shared>>)
    %eq3A_696 = arith.constant 0 : i32
    %eq3A_697 = arith.cmpi eq, %arg0, %eq3A_696 : i32
    %convert_element_type3A_698 = arith.extui %eq3A_697 : i1 to i32
    %cond3A_699 = arith.constant 0 : i32
    %cond3A_700 = arith.cmpi ne, %convert_element_type3A_698, %cond3A_699 : i32
    scf.if %cond3A_700 {
      %dma_wait3A_856 = arith.constant 0 : i32
      %dma_wait3A_857 = tpu.memref_slice %arg9[%dma_wait3A_856] : memref<10240xf32, #tpu.memory_space<vmem_shared>> -> memref<10240xf32, #tpu.memory_space<vmem_shared>>
      tpu.wait_indirect_dma semaphore(%arg37 : memref<!tpu.dma_semaphore, #tpu.memory_space<semaphore_mem>>) src(%arg26 : memref<80xf32, #tpu.memory_space<vmem>>) dst(%dma_wait3A_857 : memref<10240xf32, #tpu.memory_space<vmem_shared>>)
    } else {
    }
    %add3A_701 = arith.constant 480 : i32
    %add3A_702 = arith.addi %mul3A_34, %add3A_701 : i32
    %dma_wait3A_703 = tpu.memref_slice %arg3[%add3A_702] : memref<640000xi32, #tpu.memory_space<hbm>> -> memref<80xi32, #tpu.memory_space<hbm>>
    %dma_wait3A_704 = tpu.memref_slice %arg3[%add3A_702] : memref<640000xi32, #tpu.memory_space<hbm>> -> memref<80xi32, #tpu.memory_space<hbm>>
    tpu.wait_dma2 semaphore(%arg39 : memref<!tpu.dma_semaphore, #tpu.memory_space<semaphore_mem>>) src(%dma_wait3A_704 : memref<80xi32, #tpu.memory_space<hbm>>) dst(%arg10 : memref<80xi32, #tpu.memory_space<vmem>>)
    %add3A_705 = arith.constant 320000 : i32
    %add3A_706 = arith.addi %add3A_705, %add3A_702 : i32
    %dma_wait3A_707 = tpu.memref_slice %arg3[%add3A_706] : memref<640000xi32, #tpu.memory_space<hbm>> -> memref<80xi32, #tpu.memory_space<hbm>>
    %dma_wait3A_708 = tpu.memref_slice %arg3[%add3A_706] : memref<640000xi32, #tpu.memory_space<hbm>> -> memref<80xi32, #tpu.memory_space<hbm>>
    tpu.wait_dma2 semaphore(%arg39 : memref<!tpu.dma_semaphore, #tpu.memory_space<semaphore_mem>>) src(%dma_wait3A_708 : memref<80xi32, #tpu.memory_space<hbm>>) dst(%arg12 : memref<80xi32, #tpu.memory_space<vmem>>)
    %get3A_709 = arith.constant 0 : index
    %get3A_710 = tpu.vector_load %arg10[%get3A_709] {strides = array<i32>} : memref<80xi32, #tpu.memory_space<vmem>>, vector<16xi32>,
    %get3A_711 = vector.shape_cast %get3A_710 : vector<16xi32> to vector<16xi32>
    %add3A_712 = vector.broadcast %mul3A_2 : i32 to vector<16xi32>
    %add3A_713 = arith.addi %get3A_711, %add3A_712 : vector<16xi32>
    %swap3A_714 = arith.constant 0 : index
    %swap3A_715 = tpu.vector_load %arg16[%swap3A_714] {strides = array<i32>} : memref<80xi32, #tpu.memory_space<vmem>>, vector<16xi32>,
    %swap3A_716 = vector.shape_cast %swap3A_715 : vector<16xi32> to vector<16xi32>
    %swap3A_717 = vector.shape_cast %add3A_713 : vector<16xi32> to vector<16xi32>
    tpu.vector_store %arg16[%swap3A_714], %swap3A_717 {strides = array<i32>} : memref<80xi32, #tpu.memory_space<vmem>>, vector<16xi32>,
    %get3A_718 = arith.constant 0 : index
    %get3A_719 = tpu.vector_load %arg12[%get3A_718] {strides = array<i32>} : memref<80xi32, #tpu.memory_space<vmem>>, vector<16xi32>,
    %get3A_720 = vector.shape_cast %get3A_719 : vector<16xi32> to vector<16xi32>
    %swap3A_721 = arith.constant 0 : index
    %swap3A_722 = tpu.vector_load %arg20[%swap3A_721] {strides = array<i32>} : memref<80xi32, #tpu.memory_space<vmem>>, vector<16xi32>,
    %swap3A_723 = vector.shape_cast %swap3A_722 : vector<16xi32> to vector<16xi32>
    %swap3A_724 = vector.shape_cast %get3A_720 : vector<16xi32> to vector<16xi32>
    tpu.vector_store %arg20[%swap3A_721], %swap3A_724 {strides = array<i32>} : memref<80xi32, #tpu.memory_space<vmem>>, vector<16xi32>,
    %get3A_725 = arith.constant 16 : index
    %get3A_726 = tpu.vector_load %arg10[%get3A_725] {strides = array<i32>} : memref<80xi32, #tpu.memory_space<vmem>>, vector<16xi32>,
    %get3A_727 = vector.shape_cast %get3A_726 : vector<16xi32> to vector<16xi32>
    %add3A_728 = vector.broadcast %mul3A_2 : i32 to vector<16xi32>
    %add3A_729 = arith.addi %get3A_727, %add3A_728 : vector<16xi32>
    %swap3A_730 = arith.constant 16 : index
    %swap3A_731 = tpu.vector_load %arg16[%swap3A_730] {strides = array<i32>} : memref<80xi32, #tpu.memory_space<vmem>>, vector<16xi32>,
    %swap3A_732 = vector.shape_cast %swap3A_731 : vector<16xi32> to vector<16xi32>
    %swap3A_733 = vector.shape_cast %add3A_729 : vector<16xi32> to vector<16xi32>
    tpu.vector_store %arg16[%swap3A_730], %swap3A_733 {strides = array<i32>} : memref<80xi32, #tpu.memory_space<vmem>>, vector<16xi32>,
    %get3A_734 = arith.constant 16 : index
    %get3A_735 = tpu.vector_load %arg12[%get3A_734] {strides = array<i32>} : memref<80xi32, #tpu.memory_space<vmem>>, vector<16xi32>,
    %get3A_736 = vector.shape_cast %get3A_735 : vector<16xi32> to vector<16xi32>
    %swap3A_737 = arith.constant 16 : index
    %swap3A_738 = tpu.vector_load %arg20[%swap3A_737] {strides = array<i32>} : memref<80xi32, #tpu.memory_space<vmem>>, vector<16xi32>,
    %swap3A_739 = vector.shape_cast %swap3A_738 : vector<16xi32> to vector<16xi32>
    %swap3A_740 = vector.shape_cast %get3A_736 : vector<16xi32> to vector<16xi32>
    tpu.vector_store %arg20[%swap3A_737], %swap3A_740 {strides = array<i32>} : memref<80xi32, #tpu.memory_space<vmem>>, vector<16xi32>,
    %get3A_741 = arith.constant 32 : index
    %get3A_742 = tpu.vector_load %arg10[%get3A_741] {strides = array<i32>} : memref<80xi32, #tpu.memory_space<vmem>>, vector<16xi32>,
    %get3A_743 = vector.shape_cast %get3A_742 : vector<16xi32> to vector<16xi32>
    %add3A_744 = vector.broadcast %mul3A_2 : i32 to vector<16xi32>
    %add3A_745 = arith.addi %get3A_743, %add3A_744 : vector<16xi32>
    %swap3A_746 = arith.constant 32 : index
    %swap3A_747 = tpu.vector_load %arg16[%swap3A_746] {strides = array<i32>} : memref<80xi32, #tpu.memory_space<vmem>>, vector<16xi32>,
    %swap3A_748 = vector.shape_cast %swap3A_747 : vector<16xi32> to vector<16xi32>
    %swap3A_749 = vector.shape_cast %add3A_745 : vector<16xi32> to vector<16xi32>
    tpu.vector_store %arg16[%swap3A_746], %swap3A_749 {strides = array<i32>} : memref<80xi32, #tpu.memory_space<vmem>>, vector<16xi32>,
    %get3A_750 = arith.constant 32 : index
    %get3A_751 = tpu.vector_load %arg12[%get3A_750] {strides = array<i32>} : memref<80xi32, #tpu.memory_space<vmem>>, vector<16xi32>,
    %get3A_752 = vector.shape_cast %get3A_751 : vector<16xi32> to vector<16xi32>
    %swap3A_753 = arith.constant 32 : index
    %swap3A_754 = tpu.vector_load %arg20[%swap3A_753] {strides = array<i32>} : memref<80xi32, #tpu.memory_space<vmem>>, vector<16xi32>,
    %swap3A_755 = vector.shape_cast %swap3A_754 : vector<16xi32> to vector<16xi32>
    %swap3A_756 = vector.shape_cast %get3A_752 : vector<16xi32> to vector<16xi32>
    tpu.vector_store %arg20[%swap3A_753], %swap3A_756 {strides = array<i32>} : memref<80xi32, #tpu.memory_space<vmem>>, vector<16xi32>,
    %get3A_757 = arith.constant 48 : index
    %get3A_758 = tpu.vector_load %arg10[%get3A_757] {strides = array<i32>} : memref<80xi32, #tpu.memory_space<vmem>>, vector<16xi32>,
    %get3A_759 = vector.shape_cast %get3A_758 : vector<16xi32> to vector<16xi32>
    %add3A_760 = vector.broadcast %mul3A_2 : i32 to vector<16xi32>
    %add3A_761 = arith.addi %get3A_759, %add3A_760 : vector<16xi32>
    %swap3A_762 = arith.constant 48 : index
    %swap3A_763 = tpu.vector_load %arg16[%swap3A_762] {strides = array<i32>} : memref<80xi32, #tpu.memory_space<vmem>>, vector<16xi32>,
    %swap3A_764 = vector.shape_cast %swap3A_763 : vector<16xi32> to vector<16xi32>
    %swap3A_765 = vector.shape_cast %add3A_761 : vector<16xi32> to vector<16xi32>
    tpu.vector_store %arg16[%swap3A_762], %swap3A_765 {strides = array<i32>} : memref<80xi32, #tpu.memory_space<vmem>>, vector<16xi32>,
    %get3A_766 = arith.constant 48 : index
    %get3A_767 = tpu.vector_load %arg12[%get3A_766] {strides = array<i32>} : memref<80xi32, #tpu.memory_space<vmem>>, vector<16xi32>,
    %get3A_768 = vector.shape_cast %get3A_767 : vector<16xi32> to vector<16xi32>
    %swap3A_769 = arith.constant 48 : index
    %swap3A_770 = tpu.vector_load %arg20[%swap3A_769] {strides = array<i32>} : memref<80xi32, #tpu.memory_space<vmem>>, vector<16xi32>,
    %swap3A_771 = vector.shape_cast %swap3A_770 : vector<16xi32> to vector<16xi32>
    %swap3A_772 = vector.shape_cast %get3A_768 : vector<16xi32> to vector<16xi32>
    tpu.vector_store %arg20[%swap3A_769], %swap3A_772 {strides = array<i32>} : memref<80xi32, #tpu.memory_space<vmem>>, vector<16xi32>,
    %get3A_773 = arith.constant 64 : index
    %get3A_774 = tpu.vector_load %arg10[%get3A_773] {strides = array<i32>} : memref<80xi32, #tpu.memory_space<vmem>>, vector<16xi32>,
    %get3A_775 = vector.shape_cast %get3A_774 : vector<16xi32> to vector<16xi32>
    %add3A_776 = vector.broadcast %mul3A_2 : i32 to vector<16xi32>
    %add3A_777 = arith.addi %get3A_775, %add3A_776 : vector<16xi32>
    %swap3A_778 = arith.constant 64 : index
    %swap3A_779 = tpu.vector_load %arg16[%swap3A_778] {strides = array<i32>} : memref<80xi32, #tpu.memory_space<vmem>>, vector<16xi32>,
    %swap3A_780 = vector.shape_cast %swap3A_779 : vector<16xi32> to vector<16xi32>
    %swap3A_781 = vector.shape_cast %add3A_777 : vector<16xi32> to vector<16xi32>
    tpu.vector_store %arg16[%swap3A_778], %swap3A_781 {strides = array<i32>} : memref<80xi32, #tpu.memory_space<vmem>>, vector<16xi32>,
    %get3A_782 = arith.constant 64 : index
    %get3A_783 = tpu.vector_load %arg12[%get3A_782] {strides = array<i32>} : memref<80xi32, #tpu.memory_space<vmem>>, vector<16xi32>,
    %get3A_784 = vector.shape_cast %get3A_783 : vector<16xi32> to vector<16xi32>
    %swap3A_785 = arith.constant 64 : index
    %swap3A_786 = tpu.vector_load %arg20[%swap3A_785] {strides = array<i32>} : memref<80xi32, #tpu.memory_space<vmem>>, vector<16xi32>,
    %swap3A_787 = vector.shape_cast %swap3A_786 : vector<16xi32> to vector<16xi32>
    %swap3A_788 = vector.shape_cast %get3A_784 : vector<16xi32> to vector<16xi32>
    tpu.vector_store %arg20[%swap3A_785], %swap3A_788 {strides = array<i32>} : memref<80xi32, #tpu.memory_space<vmem>>, vector<16xi32>,
    %dma_start3A_789 = arith.constant 0 : i32
    %dma_start3A_790 = arith.constant 0 : i32
    %dma_start3A_791 = tpu.memref_slice %arg2[%dma_start3A_789, %dma_start3A_790] : memref<20480x128xf32, #tpu.memory_space<hbm>> -> memref<20480x128xf32, #tpu.memory_space<hbm>>
    tpu.enqueue_indirect_dma source(%dma_start3A_791 : memref<20480x128xf32, #tpu.memory_space<hbm>>) target(%arg24 : memref<80x128xf32, #tpu.memory_space<vmem>>) offsets(%arg16 : memref<80xi32, #tpu.memory_space<vmem>>) semaphore(%arg33 : memref<!tpu.dma_semaphore, #tpu.memory_space<semaphore_mem>>)
    %add3A_792 = arith.constant 560 : i32
    %add3A_793 = arith.addi %mul3A_34, %add3A_792 : i32
    %dma_start3A_794 = tpu.memref_slice %arg3[%add3A_793] : memref<640000xi32, #tpu.memory_space<hbm>> -> memref<80xi32, #tpu.memory_space<hbm>>
    %dma_start3A_795 = tpu.memref_slice %arg3[%add3A_793] : memref<640000xi32, #tpu.memory_space<hbm>> -> memref<80xi32, #tpu.memory_space<hbm>>
    tpu.enqueue_dma source(%dma_start3A_795 : memref<80xi32, #tpu.memory_space<hbm>>) target(%arg11 : memref<80xi32, #tpu.memory_space<vmem>>) target_semaphore(%arg40 : memref<!tpu.dma_semaphore, #tpu.memory_space<semaphore_mem>>)
    %add3A_796 = arith.constant 320000 : i32
    %add3A_797 = arith.addi %add3A_796, %add3A_793 : i32
    %dma_start3A_798 = tpu.memref_slice %arg3[%add3A_797] : memref<640000xi32, #tpu.memory_space<hbm>> -> memref<80xi32, #tpu.memory_space<hbm>>
    %dma_start3A_799 = tpu.memref_slice %arg3[%add3A_797] : memref<640000xi32, #tpu.memory_space<hbm>> -> memref<80xi32, #tpu.memory_space<hbm>>
    tpu.enqueue_dma source(%dma_start3A_799 : memref<80xi32, #tpu.memory_space<hbm>>) target(%arg13 : memref<80xi32, #tpu.memory_space<vmem>>) target_semaphore(%arg40 : memref<!tpu.dma_semaphore, #tpu.memory_space<semaphore_mem>>)
    %scan3A = arith.constant 0 : i32
    %scan3A_800 = arith.constant 61 : i32
    %scan3A_801 = arith.addi %scan3A, %scan3A_800 : i32
    %scan3A_802 = arith.constant 1 : i32
    scf.for %scan3A_856 = %scan3A to %scan3A_801 step %scan3A_802  : i32 {
      %mul3A_857 = arith.constant 1 : i32
      %mul3A_858 = arith.muli %scan3A_856, %mul3A_857 : i32
      %add3A_859 = arith.constant 1 : i32
      %add3A_860 = arith.addi %add3A_859, %mul3A_858 : i32
      %mul3A_861 = arith.constant 4 : i32
      %mul3A_862 = arith.muli %mul3A_861, %add3A_860 : i32
      %dma_wait3A_863 = arith.constant 0 : i32
      %dma_wait3A_864 = arith.constant 0 : i32
      %dma_wait3A_865 = tpu.memref_slice %arg2[%dma_wait3A_863, %dma_wait3A_864] : memref<20480x128xf32, #tpu.memory_space<hbm>> -> memref<20480x128xf32, #tpu.memory_space<hbm>>
      tpu.wait_indirect_dma semaphore(%arg31 : memref<!tpu.dma_semaphore, #tpu.memory_space<semaphore_mem>>) src(%dma_wait3A_865 : memref<20480x128xf32, #tpu.memory_space<hbm>>) dst(%arg22 : memref<80x128xf32, #tpu.memory_space<vmem>>)
      %dma_start3A_866 = arith.constant 0 : i32
      %dma_start3A_867 = arith.constant 0 : i32
      %dma_start3A_868 = tpu.memref_slice %arg8[%dma_start3A_866, %dma_start3A_867] : memref<10240x128xf32, #tpu.memory_space<vmem_shared>> -> memref<10240x128xf32, #tpu.memory_space<vmem_shared>>
      tpu.enqueue_indirect_dma source(%arg22 : memref<80x128xf32, #tpu.memory_space<vmem>>) target(%dma_start3A_868 : memref<10240x128xf32, #tpu.memory_space<vmem_shared>>) offsets(%arg18 : memref<80xi32, #tpu.memory_space<vmem>>) semaphore(%arg35 : memref<!tpu.dma_semaphore, #tpu.memory_space<semaphore_mem>>) {add = true}
      %eq3A_869 = arith.constant 0 : i32
      %eq3A_870 = arith.cmpi eq, %arg0, %eq3A_869 : i32
      %convert_element_type3A_871 = arith.extui %eq3A_870 : i1 to i32
      %cond3A_872 = arith.constant 0 : i32
      %cond3A_873 = arith.cmpi ne, %convert_element_type3A_871, %cond3A_872 : i32
      scf.if %cond3A_873 {
        %dma_start3A_1013 = arith.constant 0 : i32
        %dma_start3A_1014 = tpu.memref_slice %arg9[%dma_start3A_1013] : memref<10240xf32, #tpu.memory_space<vmem_shared>> -> memref<10240xf32, #tpu.memory_space<vmem_shared>>
        tpu.enqueue_indirect_dma source(%arg26 : memref<80xf32, #tpu.memory_space<vmem>>) target(%dma_start3A_1014 : memref<10240xf32, #tpu.memory_space<vmem_shared>>) offsets(%arg18 : memref<80xi32, #tpu.memory_space<vmem>>) semaphore(%arg35 : memref<!tpu.dma_semaphore, #tpu.memory_space<semaphore_mem>>) {add = true}
      } else {
      }
      %sub3A = arith.constant 1 : i32
      %sub3A_874 = arith.subi %mul3A_862, %sub3A : i32
      %dma_wait3A_875 = arith.constant 0 : i32
      %dma_wait3A_876 = arith.constant 0 : i32
      %dma_wait3A_877 = tpu.memref_slice %arg8[%dma_wait3A_875, %dma_wait3A_876] : memref<10240x128xf32, #tpu.memory_space<vmem_shared>> -> memref<10240x128xf32, #tpu.memory_space<vmem_shared>>
      tpu.wait_indirect_dma semaphore(%arg38 : memref<!tpu.dma_semaphore, #tpu.memory_space<semaphore_mem>>) src(%arg25 : memref<80x128xf32, #tpu.memory_space<vmem>>) dst(%dma_wait3A_877 : memref<10240x128xf32, #tpu.memory_space<vmem_shared>>)
      %eq3A_878 = arith.constant 0 : i32
      %eq3A_879 = arith.cmpi eq, %arg0, %eq3A_878 : i32
      %convert_element_type3A_880 = arith.extui %eq3A_879 : i1 to i32
      %cond3A_881 = arith.constant 0 : i32
      %cond3A_882 = arith.cmpi ne, %convert_element_type3A_880, %cond3A_881 : i32
      scf.if %cond3A_882 {
        %dma_wait3A_1013 = arith.constant 0 : i32
        %dma_wait3A_1014 = tpu.memref_slice %arg9[%dma_wait3A_1013] : memref<10240xf32, #tpu.memory_space<vmem_shared>> -> memref<10240xf32, #tpu.memory_space<vmem_shared>>
        tpu.wait_indirect_dma semaphore(%arg38 : memref<!tpu.dma_semaphore, #tpu.memory_space<semaphore_mem>>) src(%arg26 : memref<80xf32, #tpu.memory_space<vmem>>) dst(%dma_wait3A_1014 : memref<10240xf32, #tpu.memory_space<vmem_shared>>)
      } else {
      }
      %add3A_883 = arith.constant 3 : i32
      %add3A_884 = arith.addi %mul3A_862, %add3A_883 : i32
      %lt3A = arith.constant 250 : i32
      %lt3A_885 = arith.cmpi slt, %add3A_884, %lt3A : i32
      %convert_element_type3A_886 = arith.extui %lt3A_885 : i1 to i32
      %cond3A_887 = arith.constant 0 : i32
      %cond3A_888 = arith.cmpi ne, %convert_element_type3A_886, %cond3A_887 : i32
      scf.if %cond3A_888 {
        %add3A_1013 = arith.constant 3 : i32
        %add3A_1014 = arith.addi %mul3A_862, %add3A_1013 : i32
        %mul3A_1015 = arith.constant 80 : i32
        %mul3A_1016 = arith.muli %add3A_1014, %mul3A_1015 : i32
        %add3A_1017 = arith.addi %mul3A_34, %mul3A_1016 : i32
        %dma_wait3A_1018 = tpu.memref_slice %arg3[%add3A_1017] : memref<640000xi32, #tpu.memory_space<hbm>> -> memref<80xi32, #tpu.memory_space<hbm>>
        %dma_wait3A_1019 = tpu.memref_slice %arg3[%add3A_1017] : memref<640000xi32, #tpu.memory_space<hbm>> -> memref<80xi32, #tpu.memory_space<hbm>>
        tpu.wait_dma2 semaphore(%arg40 : memref<!tpu.dma_semaphore, #tpu.memory_space<semaphore_mem>>) src(%dma_wait3A_1019 : memref<80xi32, #tpu.memory_space<hbm>>) dst(%arg11 : memref<80xi32, #tpu.memory_space<vmem>>)
        %add3A_1020 = arith.constant 320000 : i32
        %add3A_1021 = arith.addi %add3A_1020, %add3A_1017 : i32
        %dma_wait3A_1022 = tpu.memref_slice %arg3[%add3A_1021] : memref<640000xi32, #tpu.memory_space<hbm>> -> memref<80xi32, #tpu.memory_space<hbm>>
        %dma_wait3A_1023 = tpu.memref_slice %arg3[%add3A_1021] : memref<640000xi32, #tpu.memory_space<hbm>> -> memref<80xi32, #tpu.memory_space<hbm>>
        tpu.wait_dma2 semaphore(%arg40 : memref<!tpu.dma_semaphore, #tpu.memory_space<semaphore_mem>>) src(%dma_wait3A_1023 : memref<80xi32, #tpu.memory_space<hbm>>) dst(%arg13 : memref<80xi32, #tpu.memory_space<vmem>>)
        %get3A_1024 = arith.constant 0 : index
        %get3A_1025 = tpu.vector_load %arg11[%get3A_1024] {strides = array<i32>} : memref<80xi32, #tpu.memory_space<vmem>>, vector<16xi32>,
        %get3A_1026 = vector.shape_cast %get3A_1025 : vector<16xi32> to vector<16xi32>
        %add3A_1027 = vector.broadcast %mul3A_2 : i32 to vector<16xi32>
        %add3A_1028 = arith.addi %get3A_1026, %add3A_1027 : vector<16xi32>
        %swap3A_1029 = arith.constant 0 : index
        %swap3A_1030 = tpu.vector_load %arg17[%swap3A_1029] {strides = array<i32>} : memref<80xi32, #tpu.memory_space<vmem>>, vector<16xi32>,
        %swap3A_1031 = vector.shape_cast %swap3A_1030 : vector<16xi32> to vector<16xi32>
        %swap3A_1032 = vector.shape_cast %add3A_1028 : vector<16xi32> to vector<16xi32>
        tpu.vector_store %arg17[%swap3A_1029], %swap3A_1032 {strides = array<i32>} : memref<80xi32, #tpu.memory_space<vmem>>, vector<16xi32>,
        %get3A_1033 = arith.constant 0 : index
        %get3A_1034 = tpu.vector_load %arg13[%get3A_1033] {strides = array<i32>} : memref<80xi32, #tpu.memory_space<vmem>>, vector<16xi32>,
        %get3A_1035 = vector.shape_cast %get3A_1034 : vector<16xi32> to vector<16xi32>
        %swap3A_1036 = arith.constant 0 : index
        %swap3A_1037 = tpu.vector_load %arg21[%swap3A_1036] {strides = array<i32>} : memref<80xi32, #tpu.memory_space<vmem>>, vector<16xi32>,
        %swap3A_1038 = vector.shape_cast %swap3A_1037 : vector<16xi32> to vector<16xi32>
        %swap3A_1039 = vector.shape_cast %get3A_1035 : vector<16xi32> to vector<16xi32>
        tpu.vector_store %arg21[%swap3A_1036], %swap3A_1039 {strides = array<i32>} : memref<80xi32, #tpu.memory_space<vmem>>, vector<16xi32>,
        %get3A_1040 = arith.constant 16 : index
        %get3A_1041 = tpu.vector_load %arg11[%get3A_1040] {strides = array<i32>} : memref<80xi32, #tpu.memory_space<vmem>>, vector<16xi32>,
        %get3A_1042 = vector.shape_cast %get3A_1041 : vector<16xi32> to vector<16xi32>
        %add3A_1043 = vector.broadcast %mul3A_2 : i32 to vector<16xi32>
        %add3A_1044 = arith.addi %get3A_1042, %add3A_1043 : vector<16xi32>
        %swap3A_1045 = arith.constant 16 : index
        %swap3A_1046 = tpu.vector_load %arg17[%swap3A_1045] {strides = array<i32>} : memref<80xi32, #tpu.memory_space<vmem>>, vector<16xi32>,
        %swap3A_1047 = vector.shape_cast %swap3A_1046 : vector<16xi32> to vector<16xi32>
        %swap3A_1048 = vector.shape_cast %add3A_1044 : vector<16xi32> to vector<16xi32>
        tpu.vector_store %arg17[%swap3A_1045], %swap3A_1048 {strides = array<i32>} : memref<80xi32, #tpu.memory_space<vmem>>, vector<16xi32>,
        %get3A_1049 = arith.constant 16 : index
        %get3A_1050 = tpu.vector_load %arg13[%get3A_1049] {strides = array<i32>} : memref<80xi32, #tpu.memory_space<vmem>>, vector<16xi32>,
        %get3A_1051 = vector.shape_cast %get3A_1050 : vector<16xi32> to vector<16xi32>
        %swap3A_1052 = arith.constant 16 : index
        %swap3A_1053 = tpu.vector_load %arg21[%swap3A_1052] {strides = array<i32>} : memref<80xi32, #tpu.memory_space<vmem>>, vector<16xi32>,
        %swap3A_1054 = vector.shape_cast %swap3A_1053 : vector<16xi32> to vector<16xi32>
        %swap3A_1055 = vector.shape_cast %get3A_1051 : vector<16xi32> to vector<16xi32>
        tpu.vector_store %arg21[%swap3A_1052], %swap3A_1055 {strides = array<i32>} : memref<80xi32, #tpu.memory_space<vmem>>, vector<16xi32>,
        %get3A_1056 = arith.constant 32 : index
        %get3A_1057 = tpu.vector_load %arg11[%get3A_1056] {strides = array<i32>} : memref<80xi32, #tpu.memory_space<vmem>>, vector<16xi32>,
        %get3A_1058 = vector.shape_cast %get3A_1057 : vector<16xi32> to vector<16xi32>
        %add3A_1059 = vector.broadcast %mul3A_2 : i32 to vector<16xi32>
        %add3A_1060 = arith.addi %get3A_1058, %add3A_1059 : vector<16xi32>
        %swap3A_1061 = arith.constant 32 : index
        %swap3A_1062 = tpu.vector_load %arg17[%swap3A_1061] {strides = array<i32>} : memref<80xi32, #tpu.memory_space<vmem>>, vector<16xi32>,
        %swap3A_1063 = vector.shape_cast %swap3A_1062 : vector<16xi32> to vector<16xi32>
        %swap3A_1064 = vector.shape_cast %add3A_1060 : vector<16xi32> to vector<16xi32>
        tpu.vector_store %arg17[%swap3A_1061], %swap3A_1064 {strides = array<i32>} : memref<80xi32, #tpu.memory_space<vmem>>, vector<16xi32>,
        %get3A_1065 = arith.constant 32 : index
        %get3A_1066 = tpu.vector_load %arg13[%get3A_1065] {strides = array<i32>} : memref<80xi32, #tpu.memory_space<vmem>>, vector<16xi32>,
        %get3A_1067 = vector.shape_cast %get3A_1066 : vector<16xi32> to vector<16xi32>
        %swap3A_1068 = arith.constant 32 : index
        %swap3A_1069 = tpu.vector_load %arg21[%swap3A_1068] {strides = array<i32>} : memref<80xi32, #tpu.memory_space<vmem>>, vector<16xi32>,
        %swap3A_1070 = vector.shape_cast %swap3A_1069 : vector<16xi32> to vector<16xi32>
        %swap3A_1071 = vector.shape_cast %get3A_1067 : vector<16xi32> to vector<16xi32>
        tpu.vector_store %arg21[%swap3A_1068], %swap3A_1071 {strides = array<i32>} : memref<80xi32, #tpu.memory_space<vmem>>, vector<16xi32>,
        %get3A_1072 = arith.constant 48 : index
        %get3A_1073 = tpu.vector_load %arg11[%get3A_1072] {strides = array<i32>} : memref<80xi32, #tpu.memory_space<vmem>>, vector<16xi32>,
        %get3A_1074 = vector.shape_cast %get3A_1073 : vector<16xi32> to vector<16xi32>
        %add3A_1075 = vector.broadcast %mul3A_2 : i32 to vector<16xi32>
        %add3A_1076 = arith.addi %get3A_1074, %add3A_1075 : vector<16xi32>
        %swap3A_1077 = arith.constant 48 : index
        %swap3A_1078 = tpu.vector_load %arg17[%swap3A_1077] {strides = array<i32>} : memref<80xi32, #tpu.memory_space<vmem>>, vector<16xi32>,
        %swap3A_1079 = vector.shape_cast %swap3A_1078 : vector<16xi32> to vector<16xi32>
        %swap3A_1080 = vector.shape_cast %add3A_1076 : vector<16xi32> to vector<16xi32>
        tpu.vector_store %arg17[%swap3A_1077], %swap3A_1080 {strides = array<i32>} : memref<80xi32, #tpu.memory_space<vmem>>, vector<16xi32>,
        %get3A_1081 = arith.constant 48 : index
        %get3A_1082 = tpu.vector_load %arg13[%get3A_1081] {strides = array<i32>} : memref<80xi32, #tpu.memory_space<vmem>>, vector<16xi32>,
        %get3A_1083 = vector.shape_cast %get3A_1082 : vector<16xi32> to vector<16xi32>
        %swap3A_1084 = arith.constant 48 : index
        %swap3A_1085 = tpu.vector_load %arg21[%swap3A_1084] {strides = array<i32>} : memref<80xi32, #tpu.memory_space<vmem>>, vector<16xi32>,
        %swap3A_1086 = vector.shape_cast %swap3A_1085 : vector<16xi32> to vector<16xi32>
        %swap3A_1087 = vector.shape_cast %get3A_1083 : vector<16xi32> to vector<16xi32>
        tpu.vector_store %arg21[%swap3A_1084], %swap3A_1087 {strides = array<i32>} : memref<80xi32, #tpu.memory_space<vmem>>, vector<16xi32>,
        %get3A_1088 = arith.constant 64 : index
        %get3A_1089 = tpu.vector_load %arg11[%get3A_1088] {strides = array<i32>} : memref<80xi32, #tpu.memory_space<vmem>>, vector<16xi32>,
        %get3A_1090 = vector.shape_cast %get3A_1089 : vector<16xi32> to vector<16xi32>
        %add3A_1091 = vector.broadcast %mul3A_2 : i32 to vector<16xi32>
        %add3A_1092 = arith.addi %get3A_1090, %add3A_1091 : vector<16xi32>
        %swap3A_1093 = arith.constant 64 : index
        %swap3A_1094 = tpu.vector_load %arg17[%swap3A_1093] {strides = array<i32>} : memref<80xi32, #tpu.memory_space<vmem>>, vector<16xi32>,
        %swap3A_1095 = vector.shape_cast %swap3A_1094 : vector<16xi32> to vector<16xi32>
        %swap3A_1096 = vector.shape_cast %add3A_1092 : vector<16xi32> to vector<16xi32>
        tpu.vector_store %arg17[%swap3A_1093], %swap3A_1096 {strides = array<i32>} : memref<80xi32, #tpu.memory_space<vmem>>, vector<16xi32>,
        %get3A_1097 = arith.constant 64 : index
        %get3A_1098 = tpu.vector_load %arg13[%get3A_1097] {strides = array<i32>} : memref<80xi32, #tpu.memory_space<vmem>>, vector<16xi32>,
        %get3A_1099 = vector.shape_cast %get3A_1098 : vector<16xi32> to vector<16xi32>
        %swap3A_1100 = arith.constant 64 : index
        %swap3A_1101 = tpu.vector_load %arg21[%swap3A_1100] {strides = array<i32>} : memref<80xi32, #tpu.memory_space<vmem>>, vector<16xi32>,
        %swap3A_1102 = vector.shape_cast %swap3A_1101 : vector<16xi32> to vector<16xi32>
        %swap3A_1103 = vector.shape_cast %get3A_1099 : vector<16xi32> to vector<16xi32>
        tpu.vector_store %arg21[%swap3A_1100], %swap3A_1103 {strides = array<i32>} : memref<80xi32, #tpu.memory_space<vmem>>, vector<16xi32>,
        %add3A_1104 = arith.constant 3 : i32
        %add3A_1105 = arith.addi %mul3A_862, %add3A_1104 : i32
        %dma_start3A_1106 = arith.constant 0 : i32
        %dma_start3A_1107 = arith.constant 0 : i32
        %dma_start3A_1108 = tpu.memref_slice %arg2[%dma_start3A_1106, %dma_start3A_1107] : memref<20480x128xf32, #tpu.memory_space<hbm>> -> memref<20480x128xf32, #tpu.memory_space<hbm>>
        tpu.enqueue_indirect_dma source(%dma_start3A_1108 : memref<20480x128xf32, #tpu.memory_space<hbm>>) target(%arg25 : memref<80x128xf32, #tpu.memory_space<vmem>>) offsets(%arg17 : memref<80xi32, #tpu.memory_space<vmem>>) semaphore(%arg34 : memref<!tpu.dma_semaphore, #tpu.memory_space<semaphore_mem>>)
      } else {
      }
      %add3A_889 = arith.constant 4 : i32
      %add3A_890 = arith.addi %mul3A_862, %add3A_889 : i32
      %lt3A_891 = arith.constant 250 : i32
      %lt3A_892 = arith.cmpi slt, %add3A_890, %lt3A_891 : i32
      %convert_element_type3A_893 = arith.extui %lt3A_892 : i1 to i32
      %cond3A_894 = arith.constant 0 : i32
      %cond3A_895 = arith.cmpi ne, %convert_element_type3A_893, %cond3A_894 : i32
      scf.if %cond3A_895 {
        %add3A_1013 = arith.constant 4 : i32
        %add3A_1014 = arith.addi %mul3A_862, %add3A_1013 : i32
        %mul3A_1015 = arith.constant 80 : i32
        %mul3A_1016 = arith.muli %add3A_1014, %mul3A_1015 : i32
        %add3A_1017 = arith.addi %mul3A_34, %mul3A_1016 : i32
        %dma_start3A_1018 = tpu.memref_slice %arg3[%add3A_1017] : memref<640000xi32, #tpu.memory_space<hbm>> -> memref<80xi32, #tpu.memory_space<hbm>>
        %dma_start3A_1019 = tpu.memref_slice %arg3[%add3A_1017] : memref<640000xi32, #tpu.memory_space<hbm>> -> memref<80xi32, #tpu.memory_space<hbm>>
        tpu.enqueue_dma source(%dma_start3A_1019 : memref<80xi32, #tpu.memory_space<hbm>>) target(%arg10 : memref<80xi32, #tpu.memory_space<vmem>>) target_semaphore(%arg39 : memref<!tpu.dma_semaphore, #tpu.memory_space<semaphore_mem>>)
        %add3A_1020 = arith.constant 320000 : i32
        %add3A_1021 = arith.addi %add3A_1020, %add3A_1017 : i32
        %dma_start3A_1022 = tpu.memref_slice %arg3[%add3A_1021] : memref<640000xi32, #tpu.memory_space<hbm>> -> memref<80xi32, #tpu.memory_space<hbm>>
        %dma_start3A_1023 = tpu.memref_slice %arg3[%add3A_1021] : memref<640000xi32, #tpu.memory_space<hbm>> -> memref<80xi32, #tpu.memory_space<hbm>>
        tpu.enqueue_dma source(%dma_start3A_1023 : memref<80xi32, #tpu.memory_space<hbm>>) target(%arg12 : memref<80xi32, #tpu.memory_space<vmem>>) target_semaphore(%arg39 : memref<!tpu.dma_semaphore, #tpu.memory_space<semaphore_mem>>)
      } else {
      }
      %mul3A_896 = arith.constant 4 : i32
      %mul3A_897 = arith.muli %mul3A_896, %add3A_860 : i32
      %add3A_898 = arith.constant 1 : i32
      %add3A_899 = arith.addi %mul3A_897, %add3A_898 : i32
      %dma_wait3A_900 = arith.constant 0 : i32
      %dma_wait3A_901 = arith.constant 0 : i32
      %dma_wait3A_902 = tpu.memref_slice %arg2[%dma_wait3A_900, %dma_wait3A_901] : memref<20480x128xf32, #tpu.memory_space<hbm>> -> memref<20480x128xf32, #tpu.memory_space<hbm>>
      tpu.wait_indirect_dma semaphore(%arg32 : memref<!tpu.dma_semaphore, #tpu.memory_space<semaphore_mem>>) src(%dma_wait3A_902 : memref<20480x128xf32, #tpu.memory_space<hbm>>) dst(%arg23 : memref<80x128xf32, #tpu.memory_space<vmem>>)
      %dma_start3A_903 = arith.constant 0 : i32
      %dma_start3A_904 = arith.constant 0 : i32
      %dma_start3A_905 = tpu.memref_slice %arg8[%dma_start3A_903, %dma_start3A_904] : memref<10240x128xf32, #tpu.memory_space<vmem_shared>> -> memref<10240x128xf32, #tpu.memory_space<vmem_shared>>
      tpu.enqueue_indirect_dma source(%arg23 : memref<80x128xf32, #tpu.memory_space<vmem>>) target(%dma_start3A_905 : memref<10240x128xf32, #tpu.memory_space<vmem_shared>>) offsets(%arg19 : memref<80xi32, #tpu.memory_space<vmem>>) semaphore(%arg36 : memref<!tpu.dma_semaphore, #tpu.memory_space<semaphore_mem>>) {add = true}
      %eq3A_906 = arith.constant 0 : i32
      %eq3A_907 = arith.cmpi eq, %arg0, %eq3A_906 : i32
      %convert_element_type3A_908 = arith.extui %eq3A_907 : i1 to i32
      %cond3A_909 = arith.constant 0 : i32
      %cond3A_910 = arith.cmpi ne, %convert_element_type3A_908, %cond3A_909 : i32
      scf.if %cond3A_910 {
        %dma_start3A_1013 = arith.constant 0 : i32
        %dma_start3A_1014 = tpu.memref_slice %arg9[%dma_start3A_1013] : memref<10240xf32, #tpu.memory_space<vmem_shared>> -> memref<10240xf32, #tpu.memory_space<vmem_shared>>
        tpu.enqueue_indirect_dma source(%arg26 : memref<80xf32, #tpu.memory_space<vmem>>) target(%dma_start3A_1014 : memref<10240xf32, #tpu.memory_space<vmem_shared>>) offsets(%arg19 : memref<80xi32, #tpu.memory_space<vmem>>) semaphore(%arg36 : memref<!tpu.dma_semaphore, #tpu.memory_space<semaphore_mem>>) {add = true}
      } else {
      }
      %sub3A_911 = arith.constant 1 : i32
      %sub3A_912 = arith.subi %add3A_899, %sub3A_911 : i32
      %dma_wait3A_913 = arith.constant 0 : i32
      %dma_wait3A_914 = arith.constant 0 : i32
      %dma_wait3A_915 = tpu.memref_slice %arg8[%dma_wait3A_913, %dma_wait3A_914] : memref<10240x128xf32, #tpu.memory_space<vmem_shared>> -> memref<10240x128xf32, #tpu.memory_space<vmem_shared>>
      tpu.wait_indirect_dma semaphore(%arg35 : memref<!tpu.dma_semaphore, #tpu.memory_space<semaphore_mem>>) src(%arg22 : memref<80x128xf32, #tpu.memory_space<vmem>>) dst(%dma_wait3A_915 : memref<10240x128xf32, #tpu.memory_space<vmem_shared>>)
      %eq3A_916 = arith.constant 0 : i32
      %eq3A_917 = arith.cmpi eq, %arg0, %eq3A_916 : i32
      %convert_element_type3A_918 = arith.extui %eq3A_917 : i1 to i32
      %cond3A_919 = arith.constant 0 : i32
      %cond3A_920 = arith.cmpi ne, %convert_element_type3A_918, %cond3A_919 : i32
      scf.if %cond3A_920 {
        %dma_wait3A_1013 = arith.constant 0 : i32
        %dma_wait3A_1014 = tpu.memref_slice %arg9[%dma_wait3A_1013] : memref<10240xf32, #tpu.memory_space<vmem_shared>> -> memref<10240xf32, #tpu.memory_space<vmem_shared>>
        tpu.wait_indirect_dma semaphore(%arg35 : memref<!tpu.dma_semaphore, #tpu.memory_space<semaphore_mem>>) src(%arg26 : memref<80xf32, #tpu.memory_space<vmem>>) dst(%dma_wait3A_1014 : memref<10240xf32, #tpu.memory_space<vmem_shared>>)
      } else {
      }
      %add3A_921 = arith.constant 3 : i32
      %add3A_922 = arith.addi %add3A_899, %add3A_921 : i32
      %lt3A_923 = arith.constant 250 : i32
      %lt3A_924 = arith.cmpi slt, %add3A_922, %lt3A_923 : i32
      %convert_element_type3A_925 = arith.extui %lt3A_924 : i1 to i32
      %cond3A_926 = arith.constant 0 : i32
      %cond3A_927 = arith.cmpi ne, %convert_element_type3A_925, %cond3A_926 : i32
      scf.if %cond3A_927 {
        %add3A_1013 = arith.constant 3 : i32
        %add3A_1014 = arith.addi %add3A_899, %add3A_1013 : i32
        %mul3A_1015 = arith.constant 80 : i32
        %mul3A_1016 = arith.muli %add3A_1014, %mul3A_1015 : i32
        %add3A_1017 = arith.addi %mul3A_34, %mul3A_1016 : i32
        %dma_wait3A_1018 = tpu.memref_slice %arg3[%add3A_1017] : memref<640000xi32, #tpu.memory_space<hbm>> -> memref<80xi32, #tpu.memory_space<hbm>>
        %dma_wait3A_1019 = tpu.memref_slice %arg3[%add3A_1017] : memref<640000xi32, #tpu.memory_space<hbm>> -> memref<80xi32, #tpu.memory_space<hbm>>
        tpu.wait_dma2 semaphore(%arg39 : memref<!tpu.dma_semaphore, #tpu.memory_space<semaphore_mem>>) src(%dma_wait3A_1019 : memref<80xi32, #tpu.memory_space<hbm>>) dst(%arg10 : memref<80xi32, #tpu.memory_space<vmem>>)
        %add3A_1020 = arith.constant 320000 : i32
        %add3A_1021 = arith.addi %add3A_1020, %add3A_1017 : i32
        %dma_wait3A_1022 = tpu.memref_slice %arg3[%add3A_1021] : memref<640000xi32, #tpu.memory_space<hbm>> -> memref<80xi32, #tpu.memory_space<hbm>>
        %dma_wait3A_1023 = tpu.memref_slice %arg3[%add3A_1021] : memref<640000xi32, #tpu.memory_space<hbm>> -> memref<80xi32, #tpu.memory_space<hbm>>
        tpu.wait_dma2 semaphore(%arg39 : memref<!tpu.dma_semaphore, #tpu.memory_space<semaphore_mem>>) src(%dma_wait3A_1023 : memref<80xi32, #tpu.memory_space<hbm>>) dst(%arg12 : memref<80xi32, #tpu.memory_space<vmem>>)
        %get3A_1024 = arith.constant 0 : index
        %get3A_1025 = tpu.vector_load %arg10[%get3A_1024] {strides = array<i32>} : memref<80xi32, #tpu.memory_space<vmem>>, vector<16xi32>,
        %get3A_1026 = vector.shape_cast %get3A_1025 : vector<16xi32> to vector<16xi32>
        %add3A_1027 = vector.broadcast %mul3A_2 : i32 to vector<16xi32>
        %add3A_1028 = arith.addi %get3A_1026, %add3A_1027 : vector<16xi32>
        %swap3A_1029 = arith.constant 0 : index
        %swap3A_1030 = tpu.vector_load %arg14[%swap3A_1029] {strides = array<i32>} : memref<80xi32, #tpu.memory_space<vmem>>, vector<16xi32>,
        %swap3A_1031 = vector.shape_cast %swap3A_1030 : vector<16xi32> to vector<16xi32>
        %swap3A_1032 = vector.shape_cast %add3A_1028 : vector<16xi32> to vector<16xi32>
        tpu.vector_store %arg14[%swap3A_1029], %swap3A_1032 {strides = array<i32>} : memref<80xi32, #tpu.memory_space<vmem>>, vector<16xi32>,
        %get3A_1033 = arith.constant 0 : index
        %get3A_1034 = tpu.vector_load %arg12[%get3A_1033] {strides = array<i32>} : memref<80xi32, #tpu.memory_space<vmem>>, vector<16xi32>,
        %get3A_1035 = vector.shape_cast %get3A_1034 : vector<16xi32> to vector<16xi32>
        %swap3A_1036 = arith.constant 0 : index
        %swap3A_1037 = tpu.vector_load %arg18[%swap3A_1036] {strides = array<i32>} : memref<80xi32, #tpu.memory_space<vmem>>, vector<16xi32>,
        %swap3A_1038 = vector.shape_cast %swap3A_1037 : vector<16xi32> to vector<16xi32>
        %swap3A_1039 = vector.shape_cast %get3A_1035 : vector<16xi32> to vector<16xi32>
        tpu.vector_store %arg18[%swap3A_1036], %swap3A_1039 {strides = array<i32>} : memref<80xi32, #tpu.memory_space<vmem>>, vector<16xi32>,
        %get3A_1040 = arith.constant 16 : index
        %get3A_1041 = tpu.vector_load %arg10[%get3A_1040] {strides = array<i32>} : memref<80xi32, #tpu.memory_space<vmem>>, vector<16xi32>,
        %get3A_1042 = vector.shape_cast %get3A_1041 : vector<16xi32> to vector<16xi32>
        %add3A_1043 = vector.broadcast %mul3A_2 : i32 to vector<16xi32>
        %add3A_1044 = arith.addi %get3A_1042, %add3A_1043 : vector<16xi32>
        %swap3A_1045 = arith.constant 16 : index
        %swap3A_1046 = tpu.vector_load %arg14[%swap3A_1045] {strides = array<i32>} : memref<80xi32, #tpu.memory_space<vmem>>, vector<16xi32>,
        %swap3A_1047 = vector.shape_cast %swap3A_1046 : vector<16xi32> to vector<16xi32>
        %swap3A_1048 = vector.shape_cast %add3A_1044 : vector<16xi32> to vector<16xi32>
        tpu.vector_store %arg14[%swap3A_1045], %swap3A_1048 {strides = array<i32>} : memref<80xi32, #tpu.memory_space<vmem>>, vector<16xi32>,
        %get3A_1049 = arith.constant 16 : index
        %get3A_1050 = tpu.vector_load %arg12[%get3A_1049] {strides = array<i32>} : memref<80xi32, #tpu.memory_space<vmem>>, vector<16xi32>,
        %get3A_1051 = vector.shape_cast %get3A_1050 : vector<16xi32> to vector<16xi32>
        %swap3A_1052 = arith.constant 16 : index
        %swap3A_1053 = tpu.vector_load %arg18[%swap3A_1052] {strides = array<i32>} : memref<80xi32, #tpu.memory_space<vmem>>, vector<16xi32>,
        %swap3A_1054 = vector.shape_cast %swap3A_1053 : vector<16xi32> to vector<16xi32>
        %swap3A_1055 = vector.shape_cast %get3A_1051 : vector<16xi32> to vector<16xi32>
        tpu.vector_store %arg18[%swap3A_1052], %swap3A_1055 {strides = array<i32>} : memref<80xi32, #tpu.memory_space<vmem>>, vector<16xi32>,
        %get3A_1056 = arith.constant 32 : index
        %get3A_1057 = tpu.vector_load %arg10[%get3A_1056] {strides = array<i32>} : memref<80xi32, #tpu.memory_space<vmem>>, vector<16xi32>,
        %get3A_1058 = vector.shape_cast %get3A_1057 : vector<16xi32> to vector<16xi32>
        %add3A_1059 = vector.broadcast %mul3A_2 : i32 to vector<16xi32>
        %add3A_1060 = arith.addi %get3A_1058, %add3A_1059 : vector<16xi32>
        %swap3A_1061 = arith.constant 32 : index
        %swap3A_1062 = tpu.vector_load %arg14[%swap3A_1061] {strides = array<i32>} : memref<80xi32, #tpu.memory_space<vmem>>, vector<16xi32>,
        %swap3A_1063 = vector.shape_cast %swap3A_1062 : vector<16xi32> to vector<16xi32>
        %swap3A_1064 = vector.shape_cast %add3A_1060 : vector<16xi32> to vector<16xi32>
        tpu.vector_store %arg14[%swap3A_1061], %swap3A_1064 {strides = array<i32>} : memref<80xi32, #tpu.memory_space<vmem>>, vector<16xi32>,
        %get3A_1065 = arith.constant 32 : index
        %get3A_1066 = tpu.vector_load %arg12[%get3A_1065] {strides = array<i32>} : memref<80xi32, #tpu.memory_space<vmem>>, vector<16xi32>,
        %get3A_1067 = vector.shape_cast %get3A_1066 : vector<16xi32> to vector<16xi32>
        %swap3A_1068 = arith.constant 32 : index
        %swap3A_1069 = tpu.vector_load %arg18[%swap3A_1068] {strides = array<i32>} : memref<80xi32, #tpu.memory_space<vmem>>, vector<16xi32>,
        %swap3A_1070 = vector.shape_cast %swap3A_1069 : vector<16xi32> to vector<16xi32>
        %swap3A_1071 = vector.shape_cast %get3A_1067 : vector<16xi32> to vector<16xi32>
        tpu.vector_store %arg18[%swap3A_1068], %swap3A_1071 {strides = array<i32>} : memref<80xi32, #tpu.memory_space<vmem>>, vector<16xi32>,
        %get3A_1072 = arith.constant 48 : index
        %get3A_1073 = tpu.vector_load %arg10[%get3A_1072] {strides = array<i32>} : memref<80xi32, #tpu.memory_space<vmem>>, vector<16xi32>,
        %get3A_1074 = vector.shape_cast %get3A_1073 : vector<16xi32> to vector<16xi32>
        %add3A_1075 = vector.broadcast %mul3A_2 : i32 to vector<16xi32>
        %add3A_1076 = arith.addi %get3A_1074, %add3A_1075 : vector<16xi32>
        %swap3A_1077 = arith.constant 48 : index
        %swap3A_1078 = tpu.vector_load %arg14[%swap3A_1077] {strides = array<i32>} : memref<80xi32, #tpu.memory_space<vmem>>, vector<16xi32>,
        %swap3A_1079 = vector.shape_cast %swap3A_1078 : vector<16xi32> to vector<16xi32>
        %swap3A_1080 = vector.shape_cast %add3A_1076 : vector<16xi32> to vector<16xi32>
        tpu.vector_store %arg14[%swap3A_1077], %swap3A_1080 {strides = array<i32>} : memref<80xi32, #tpu.memory_space<vmem>>, vector<16xi32>,
        %get3A_1081 = arith.constant 48 : index
        %get3A_1082 = tpu.vector_load %arg12[%get3A_1081] {strides = array<i32>} : memref<80xi32, #tpu.memory_space<vmem>>, vector<16xi32>,
        %get3A_1083 = vector.shape_cast %get3A_1082 : vector<16xi32> to vector<16xi32>
        %swap3A_1084 = arith.constant 48 : index
        %swap3A_1085 = tpu.vector_load %arg18[%swap3A_1084] {strides = array<i32>} : memref<80xi32, #tpu.memory_space<vmem>>, vector<16xi32>,
        %swap3A_1086 = vector.shape_cast %swap3A_1085 : vector<16xi32> to vector<16xi32>
        %swap3A_1087 = vector.shape_cast %get3A_1083 : vector<16xi32> to vector<16xi32>
        tpu.vector_store %arg18[%swap3A_1084], %swap3A_1087 {strides = array<i32>} : memref<80xi32, #tpu.memory_space<vmem>>, vector<16xi32>,
        %get3A_1088 = arith.constant 64 : index
        %get3A_1089 = tpu.vector_load %arg10[%get3A_1088] {strides = array<i32>} : memref<80xi32, #tpu.memory_space<vmem>>, vector<16xi32>,
        %get3A_1090 = vector.shape_cast %get3A_1089 : vector<16xi32> to vector<16xi32>
        %add3A_1091 = vector.broadcast %mul3A_2 : i32 to vector<16xi32>
        %add3A_1092 = arith.addi %get3A_1090, %add3A_1091 : vector<16xi32>
        %swap3A_1093 = arith.constant 64 : index
        %swap3A_1094 = tpu.vector_load %arg14[%swap3A_1093] {strides = array<i32>} : memref<80xi32, #tpu.memory_space<vmem>>, vector<16xi32>,
        %swap3A_1095 = vector.shape_cast %swap3A_1094 : vector<16xi32> to vector<16xi32>
        %swap3A_1096 = vector.shape_cast %add3A_1092 : vector<16xi32> to vector<16xi32>
        tpu.vector_store %arg14[%swap3A_1093], %swap3A_1096 {strides = array<i32>} : memref<80xi32, #tpu.memory_space<vmem>>, vector<16xi32>,
        %get3A_1097 = arith.constant 64 : index
        %get3A_1098 = tpu.vector_load %arg12[%get3A_1097] {strides = array<i32>} : memref<80xi32, #tpu.memory_space<vmem>>, vector<16xi32>,
        %get3A_1099 = vector.shape_cast %get3A_1098 : vector<16xi32> to vector<16xi32>
        %swap3A_1100 = arith.constant 64 : index
        %swap3A_1101 = tpu.vector_load %arg18[%swap3A_1100] {strides = array<i32>} : memref<80xi32, #tpu.memory_space<vmem>>, vector<16xi32>,
        %swap3A_1102 = vector.shape_cast %swap3A_1101 : vector<16xi32> to vector<16xi32>
        %swap3A_1103 = vector.shape_cast %get3A_1099 : vector<16xi32> to vector<16xi32>
        tpu.vector_store %arg18[%swap3A_1100], %swap3A_1103 {strides = array<i32>} : memref<80xi32, #tpu.memory_space<vmem>>, vector<16xi32>,
        %add3A_1104 = arith.constant 3 : i32
        %add3A_1105 = arith.addi %add3A_899, %add3A_1104 : i32
        %dma_start3A_1106 = arith.constant 0 : i32
        %dma_start3A_1107 = arith.constant 0 : i32
        %dma_start3A_1108 = tpu.memref_slice %arg2[%dma_start3A_1106, %dma_start3A_1107] : memref<20480x128xf32, #tpu.memory_space<hbm>> -> memref<20480x128xf32, #tpu.memory_space<hbm>>
        tpu.enqueue_indirect_dma source(%dma_start3A_1108 : memref<20480x128xf32, #tpu.memory_space<hbm>>) target(%arg22 : memref<80x128xf32, #tpu.memory_space<vmem>>) offsets(%arg14 : memref<80xi32, #tpu.memory_space<vmem>>) semaphore(%arg31 : memref<!tpu.dma_semaphore, #tpu.memory_space<semaphore_mem>>)
      } else {
      }
      %add3A_928 = arith.constant 4 : i32
      %add3A_929 = arith.addi %add3A_899, %add3A_928 : i32
      %lt3A_930 = arith.constant 250 : i32
      %lt3A_931 = arith.cmpi slt, %add3A_929, %lt3A_930 : i32
      %convert_element_type3A_932 = arith.extui %lt3A_931 : i1 to i32
      %cond3A_933 = arith.constant 0 : i32
      %cond3A_934 = arith.cmpi ne, %convert_element_type3A_932, %cond3A_933 : i32
      scf.if %cond3A_934 {
        %add3A_1013 = arith.constant 4 : i32
        %add3A_1014 = arith.addi %add3A_899, %add3A_1013 : i32
        %mul3A_1015 = arith.constant 80 : i32
        %mul3A_1016 = arith.muli %add3A_1014, %mul3A_1015 : i32
        %add3A_1017 = arith.addi %mul3A_34, %mul3A_1016 : i32
        %dma_start3A_1018 = tpu.memref_slice %arg3[%add3A_1017] : memref<640000xi32, #tpu.memory_space<hbm>> -> memref<80xi32, #tpu.memory_space<hbm>>
        %dma_start3A_1019 = tpu.memref_slice %arg3[%add3A_1017] : memref<640000xi32, #tpu.memory_space<hbm>> -> memref<80xi32, #tpu.memory_space<hbm>>
        tpu.enqueue_dma source(%dma_start3A_1019 : memref<80xi32, #tpu.memory_space<hbm>>) target(%arg11 : memref<80xi32, #tpu.memory_space<vmem>>) target_semaphore(%arg40 : memref<!tpu.dma_semaphore, #tpu.memory_space<semaphore_mem>>)
        %add3A_1020 = arith.constant 320000 : i32
        %add3A_1021 = arith.addi %add3A_1020, %add3A_1017 : i32
        %dma_start3A_1022 = tpu.memref_slice %arg3[%add3A_1021] : memref<640000xi32, #tpu.memory_space<hbm>> -> memref<80xi32, #tpu.memory_space<hbm>>
        %dma_start3A_1023 = tpu.memref_slice %arg3[%add3A_1021] : memref<640000xi32, #tpu.memory_space<hbm>> -> memref<80xi32, #tpu.memory_space<hbm>>
        tpu.enqueue_dma source(%dma_start3A_1023 : memref<80xi32, #tpu.memory_space<hbm>>) target(%arg13 : memref<80xi32, #tpu.memory_space<vmem>>) target_semaphore(%arg40 : memref<!tpu.dma_semaphore, #tpu.memory_space<semaphore_mem>>)
      } else {
      }
      %mul3A_935 = arith.constant 4 : i32
      %mul3A_936 = arith.muli %mul3A_935, %add3A_860 : i32
      %add3A_937 = arith.constant 2 : i32
      %add3A_938 = arith.addi %mul3A_936, %add3A_937 : i32
      %dma_wait3A_939 = arith.constant 0 : i32
      %dma_wait3A_940 = arith.constant 0 : i32
      %dma_wait3A_941 = tpu.memref_slice %arg2[%dma_wait3A_939, %dma_wait3A_940] : memref<20480x128xf32, #tpu.memory_space<hbm>> -> memref<20480x128xf32, #tpu.memory_space<hbm>>
      tpu.wait_indirect_dma semaphore(%arg33 : memref<!tpu.dma_semaphore, #tpu.memory_space<semaphore_mem>>) src(%dma_wait3A_941 : memref<20480x128xf32, #tpu.memory_space<hbm>>) dst(%arg24 : memref<80x128xf32, #tpu.memory_space<vmem>>)
      %dma_start3A_942 = arith.constant 0 : i32
      %dma_start3A_943 = arith.constant 0 : i32
      %dma_start3A_944 = tpu.memref_slice %arg8[%dma_start3A_942, %dma_start3A_943] : memref<10240x128xf32, #tpu.memory_space<vmem_shared>> -> memref<10240x128xf32, #tpu.memory_space<vmem_shared>>
      tpu.enqueue_indirect_dma source(%arg24 : memref<80x128xf32, #tpu.memory_space<vmem>>) target(%dma_start3A_944 : memref<10240x128xf32, #tpu.memory_space<vmem_shared>>) offsets(%arg20 : memref<80xi32, #tpu.memory_space<vmem>>) semaphore(%arg37 : memref<!tpu.dma_semaphore, #tpu.memory_space<semaphore_mem>>) {add = true}
      %eq3A_945 = arith.constant 0 : i32
      %eq3A_946 = arith.cmpi eq, %arg0, %eq3A_945 : i32
      %convert_element_type3A_947 = arith.extui %eq3A_946 : i1 to i32
      %cond3A_948 = arith.constant 0 : i32
      %cond3A_949 = arith.cmpi ne, %convert_element_type3A_947, %cond3A_948 : i32
      scf.if %cond3A_949 {
        %dma_start3A_1013 = arith.constant 0 : i32
        %dma_start3A_1014 = tpu.memref_slice %arg9[%dma_start3A_1013] : memref<10240xf32, #tpu.memory_space<vmem_shared>> -> memref<10240xf32, #tpu.memory_space<vmem_shared>>
        tpu.enqueue_indirect_dma source(%arg26 : memref<80xf32, #tpu.memory_space<vmem>>) target(%dma_start3A_1014 : memref<10240xf32, #tpu.memory_space<vmem_shared>>) offsets(%arg20 : memref<80xi32, #tpu.memory_space<vmem>>) semaphore(%arg37 : memref<!tpu.dma_semaphore, #tpu.memory_space<semaphore_mem>>) {add = true}
      } else {
      }
      %sub3A_950 = arith.constant 1 : i32
      %sub3A_951 = arith.subi %add3A_938, %sub3A_950 : i32
      %dma_wait3A_952 = arith.constant 0 : i32
      %dma_wait3A_953 = arith.constant 0 : i32
      %dma_wait3A_954 = tpu.memref_slice %arg8[%dma_wait3A_952, %dma_wait3A_953] : memref<10240x128xf32, #tpu.memory_space<vmem_shared>> -> memref<10240x128xf32, #tpu.memory_space<vmem_shared>>
      tpu.wait_indirect_dma semaphore(%arg36 : memref<!tpu.dma_semaphore, #tpu.memory_space<semaphore_mem>>) src(%arg23 : memref<80x128xf32, #tpu.memory_space<vmem>>) dst(%dma_wait3A_954 : memref<10240x128xf32, #tpu.memory_space<vmem_shared>>)
      %eq3A_955 = arith.constant 0 : i32
      %eq3A_956 = arith.cmpi eq, %arg0, %eq3A_955 : i32
      %convert_element_type3A_957 = arith.extui %eq3A_956 : i1 to i32
      %cond3A_958 = arith.constant 0 : i32
      %cond3A_959 = arith.cmpi ne, %convert_element_type3A_957, %cond3A_958 : i32
      scf.if %cond3A_959 {
        %dma_wait3A_1013 = arith.constant 0 : i32
        %dma_wait3A_1014 = tpu.memref_slice %arg9[%dma_wait3A_1013] : memref<10240xf32, #tpu.memory_space<vmem_shared>> -> memref<10240xf32, #tpu.memory_space<vmem_shared>>
        tpu.wait_indirect_dma semaphore(%arg36 : memref<!tpu.dma_semaphore, #tpu.memory_space<semaphore_mem>>) src(%arg26 : memref<80xf32, #tpu.memory_space<vmem>>) dst(%dma_wait3A_1014 : memref<10240xf32, #tpu.memory_space<vmem_shared>>)
      } else {
      }
      %add3A_960 = arith.constant 3 : i32
      %add3A_961 = arith.addi %add3A_938, %add3A_960 : i32
      %lt3A_962 = arith.constant 250 : i32
      %lt3A_963 = arith.cmpi slt, %add3A_961, %lt3A_962 : i32
      %convert_element_type3A_964 = arith.extui %lt3A_963 : i1 to i32
      %cond3A_965 = arith.constant 0 : i32
      %cond3A_966 = arith.cmpi ne, %convert_element_type3A_964, %cond3A_965 : i32
      scf.if %cond3A_966 {
        %add3A_1013 = arith.constant 3 : i32
        %add3A_1014 = arith.addi %add3A_938, %add3A_1013 : i32
        %mul3A_1015 = arith.constant 80 : i32
        %mul3A_1016 = arith.muli %add3A_1014, %mul3A_1015 : i32
        %add3A_1017 = arith.addi %mul3A_34, %mul3A_1016 : i32
        %dma_wait3A_1018 = tpu.memref_slice %arg3[%add3A_1017] : memref<640000xi32, #tpu.memory_space<hbm>> -> memref<80xi32, #tpu.memory_space<hbm>>
        %dma_wait3A_1019 = tpu.memref_slice %arg3[%add3A_1017] : memref<640000xi32, #tpu.memory_space<hbm>> -> memref<80xi32, #tpu.memory_space<hbm>>
        tpu.wait_dma2 semaphore(%arg40 : memref<!tpu.dma_semaphore, #tpu.memory_space<semaphore_mem>>) src(%dma_wait3A_1019 : memref<80xi32, #tpu.memory_space<hbm>>) dst(%arg11 : memref<80xi32, #tpu.memory_space<vmem>>)
        %add3A_1020 = arith.constant 320000 : i32
        %add3A_1021 = arith.addi %add3A_1020, %add3A_1017 : i32
        %dma_wait3A_1022 = tpu.memref_slice %arg3[%add3A_1021] : memref<640000xi32, #tpu.memory_space<hbm>> -> memref<80xi32, #tpu.memory_space<hbm>>
        %dma_wait3A_1023 = tpu.memref_slice %arg3[%add3A_1021] : memref<640000xi32, #tpu.memory_space<hbm>> -> memref<80xi32, #tpu.memory_space<hbm>>
        tpu.wait_dma2 semaphore(%arg40 : memref<!tpu.dma_semaphore, #tpu.memory_space<semaphore_mem>>) src(%dma_wait3A_1023 : memref<80xi32, #tpu.memory_space<hbm>>) dst(%arg13 : memref<80xi32, #tpu.memory_space<vmem>>)
        %get3A_1024 = arith.constant 0 : index
        %get3A_1025 = tpu.vector_load %arg11[%get3A_1024] {strides = array<i32>} : memref<80xi32, #tpu.memory_space<vmem>>, vector<16xi32>,
        %get3A_1026 = vector.shape_cast %get3A_1025 : vector<16xi32> to vector<16xi32>
        %add3A_1027 = vector.broadcast %mul3A_2 : i32 to vector<16xi32>
        %add3A_1028 = arith.addi %get3A_1026, %add3A_1027 : vector<16xi32>
        %swap3A_1029 = arith.constant 0 : index
        %swap3A_1030 = tpu.vector_load %arg15[%swap3A_1029] {strides = array<i32>} : memref<80xi32, #tpu.memory_space<vmem>>, vector<16xi32>,
        %swap3A_1031 = vector.shape_cast %swap3A_1030 : vector<16xi32> to vector<16xi32>
        %swap3A_1032 = vector.shape_cast %add3A_1028 : vector<16xi32> to vector<16xi32>
        tpu.vector_store %arg15[%swap3A_1029], %swap3A_1032 {strides = array<i32>} : memref<80xi32, #tpu.memory_space<vmem>>, vector<16xi32>,
        %get3A_1033 = arith.constant 0 : index
        %get3A_1034 = tpu.vector_load %arg13[%get3A_1033] {strides = array<i32>} : memref<80xi32, #tpu.memory_space<vmem>>, vector<16xi32>,
        %get3A_1035 = vector.shape_cast %get3A_1034 : vector<16xi32> to vector<16xi32>
        %swap3A_1036 = arith.constant 0 : index
        %swap3A_1037 = tpu.vector_load %arg19[%swap3A_1036] {strides = array<i32>} : memref<80xi32, #tpu.memory_space<vmem>>, vector<16xi32>,
        %swap3A_1038 = vector.shape_cast %swap3A_1037 : vector<16xi32> to vector<16xi32>
        %swap3A_1039 = vector.shape_cast %get3A_1035 : vector<16xi32> to vector<16xi32>
        tpu.vector_store %arg19[%swap3A_1036], %swap3A_1039 {strides = array<i32>} : memref<80xi32, #tpu.memory_space<vmem>>, vector<16xi32>,
        %get3A_1040 = arith.constant 16 : index
        %get3A_1041 = tpu.vector_load %arg11[%get3A_1040] {strides = array<i32>} : memref<80xi32, #tpu.memory_space<vmem>>, vector<16xi32>,
        %get3A_1042 = vector.shape_cast %get3A_1041 : vector<16xi32> to vector<16xi32>
        %add3A_1043 = vector.broadcast %mul3A_2 : i32 to vector<16xi32>
        %add3A_1044 = arith.addi %get3A_1042, %add3A_1043 : vector<16xi32>
        %swap3A_1045 = arith.constant 16 : index
        %swap3A_1046 = tpu.vector_load %arg15[%swap3A_1045] {strides = array<i32>} : memref<80xi32, #tpu.memory_space<vmem>>, vector<16xi32>,
        %swap3A_1047 = vector.shape_cast %swap3A_1046 : vector<16xi32> to vector<16xi32>
        %swap3A_1048 = vector.shape_cast %add3A_1044 : vector<16xi32> to vector<16xi32>
        tpu.vector_store %arg15[%swap3A_1045], %swap3A_1048 {strides = array<i32>} : memref<80xi32, #tpu.memory_space<vmem>>, vector<16xi32>,
        %get3A_1049 = arith.constant 16 : index
        %get3A_1050 = tpu.vector_load %arg13[%get3A_1049] {strides = array<i32>} : memref<80xi32, #tpu.memory_space<vmem>>, vector<16xi32>,
        %get3A_1051 = vector.shape_cast %get3A_1050 : vector<16xi32> to vector<16xi32>
        %swap3A_1052 = arith.constant 16 : index
        %swap3A_1053 = tpu.vector_load %arg19[%swap3A_1052] {strides = array<i32>} : memref<80xi32, #tpu.memory_space<vmem>>, vector<16xi32>,
        %swap3A_1054 = vector.shape_cast %swap3A_1053 : vector<16xi32> to vector<16xi32>
        %swap3A_1055 = vector.shape_cast %get3A_1051 : vector<16xi32> to vector<16xi32>
        tpu.vector_store %arg19[%swap3A_1052], %swap3A_1055 {strides = array<i32>} : memref<80xi32, #tpu.memory_space<vmem>>, vector<16xi32>,
        %get3A_1056 = arith.constant 32 : index
        %get3A_1057 = tpu.vector_load %arg11[%get3A_1056] {strides = array<i32>} : memref<80xi32, #tpu.memory_space<vmem>>, vector<16xi32>,
        %get3A_1058 = vector.shape_cast %get3A_1057 : vector<16xi32> to vector<16xi32>
        %add3A_1059 = vector.broadcast %mul3A_2 : i32 to vector<16xi32>
        %add3A_1060 = arith.addi %get3A_1058, %add3A_1059 : vector<16xi32>
        %swap3A_1061 = arith.constant 32 : index
        %swap3A_1062 = tpu.vector_load %arg15[%swap3A_1061] {strides = array<i32>} : memref<80xi32, #tpu.memory_space<vmem>>, vector<16xi32>,
        %swap3A_1063 = vector.shape_cast %swap3A_1062 : vector<16xi32> to vector<16xi32>
        %swap3A_1064 = vector.shape_cast %add3A_1060 : vector<16xi32> to vector<16xi32>
        tpu.vector_store %arg15[%swap3A_1061], %swap3A_1064 {strides = array<i32>} : memref<80xi32, #tpu.memory_space<vmem>>, vector<16xi32>,
        %get3A_1065 = arith.constant 32 : index
        %get3A_1066 = tpu.vector_load %arg13[%get3A_1065] {strides = array<i32>} : memref<80xi32, #tpu.memory_space<vmem>>, vector<16xi32>,
        %get3A_1067 = vector.shape_cast %get3A_1066 : vector<16xi32> to vector<16xi32>
        %swap3A_1068 = arith.constant 32 : index
        %swap3A_1069 = tpu.vector_load %arg19[%swap3A_1068] {strides = array<i32>} : memref<80xi32, #tpu.memory_space<vmem>>, vector<16xi32>,
        %swap3A_1070 = vector.shape_cast %swap3A_1069 : vector<16xi32> to vector<16xi32>
        %swap3A_1071 = vector.shape_cast %get3A_1067 : vector<16xi32> to vector<16xi32>
        tpu.vector_store %arg19[%swap3A_1068], %swap3A_1071 {strides = array<i32>} : memref<80xi32, #tpu.memory_space<vmem>>, vector<16xi32>,
        %get3A_1072 = arith.constant 48 : index
        %get3A_1073 = tpu.vector_load %arg11[%get3A_1072] {strides = array<i32>} : memref<80xi32, #tpu.memory_space<vmem>>, vector<16xi32>,
        %get3A_1074 = vector.shape_cast %get3A_1073 : vector<16xi32> to vector<16xi32>
        %add3A_1075 = vector.broadcast %mul3A_2 : i32 to vector<16xi32>
        %add3A_1076 = arith.addi %get3A_1074, %add3A_1075 : vector<16xi32>
        %swap3A_1077 = arith.constant 48 : index
        %swap3A_1078 = tpu.vector_load %arg15[%swap3A_1077] {strides = array<i32>} : memref<80xi32, #tpu.memory_space<vmem>>, vector<16xi32>,
        %swap3A_1079 = vector.shape_cast %swap3A_1078 : vector<16xi32> to vector<16xi32>
        %swap3A_1080 = vector.shape_cast %add3A_1076 : vector<16xi32> to vector<16xi32>
        tpu.vector_store %arg15[%swap3A_1077], %swap3A_1080 {strides = array<i32>} : memref<80xi32, #tpu.memory_space<vmem>>, vector<16xi32>,
        %get3A_1081 = arith.constant 48 : index
        %get3A_1082 = tpu.vector_load %arg13[%get3A_1081] {strides = array<i32>} : memref<80xi32, #tpu.memory_space<vmem>>, vector<16xi32>,
        %get3A_1083 = vector.shape_cast %get3A_1082 : vector<16xi32> to vector<16xi32>
        %swap3A_1084 = arith.constant 48 : index
        %swap3A_1085 = tpu.vector_load %arg19[%swap3A_1084] {strides = array<i32>} : memref<80xi32, #tpu.memory_space<vmem>>, vector<16xi32>,
        %swap3A_1086 = vector.shape_cast %swap3A_1085 : vector<16xi32> to vector<16xi32>
        %swap3A_1087 = vector.shape_cast %get3A_1083 : vector<16xi32> to vector<16xi32>
        tpu.vector_store %arg19[%swap3A_1084], %swap3A_1087 {strides = array<i32>} : memref<80xi32, #tpu.memory_space<vmem>>, vector<16xi32>,
        %get3A_1088 = arith.constant 64 : index
        %get3A_1089 = tpu.vector_load %arg11[%get3A_1088] {strides = array<i32>} : memref<80xi32, #tpu.memory_space<vmem>>, vector<16xi32>,
        %get3A_1090 = vector.shape_cast %get3A_1089 : vector<16xi32> to vector<16xi32>
        %add3A_1091 = vector.broadcast %mul3A_2 : i32 to vector<16xi32>
        %add3A_1092 = arith.addi %get3A_1090, %add3A_1091 : vector<16xi32>
        %swap3A_1093 = arith.constant 64 : index
        %swap3A_1094 = tpu.vector_load %arg15[%swap3A_1093] {strides = array<i32>} : memref<80xi32, #tpu.memory_space<vmem>>, vector<16xi32>,
        %swap3A_1095 = vector.shape_cast %swap3A_1094 : vector<16xi32> to vector<16xi32>
        %swap3A_1096 = vector.shape_cast %add3A_1092 : vector<16xi32> to vector<16xi32>
        tpu.vector_store %arg15[%swap3A_1093], %swap3A_1096 {strides = array<i32>} : memref<80xi32, #tpu.memory_space<vmem>>, vector<16xi32>,
        %get3A_1097 = arith.constant 64 : index
        %get3A_1098 = tpu.vector_load %arg13[%get3A_1097] {strides = array<i32>} : memref<80xi32, #tpu.memory_space<vmem>>, vector<16xi32>,
        %get3A_1099 = vector.shape_cast %get3A_1098 : vector<16xi32> to vector<16xi32>
        %swap3A_1100 = arith.constant 64 : index
        %swap3A_1101 = tpu.vector_load %arg19[%swap3A_1100] {strides = array<i32>} : memref<80xi32, #tpu.memory_space<vmem>>, vector<16xi32>,
        %swap3A_1102 = vector.shape_cast %swap3A_1101 : vector<16xi32> to vector<16xi32>
        %swap3A_1103 = vector.shape_cast %get3A_1099 : vector<16xi32> to vector<16xi32>
        tpu.vector_store %arg19[%swap3A_1100], %swap3A_1103 {strides = array<i32>} : memref<80xi32, #tpu.memory_space<vmem>>, vector<16xi32>,
        %add3A_1104 = arith.constant 3 : i32
        %add3A_1105 = arith.addi %add3A_938, %add3A_1104 : i32
        %dma_start3A_1106 = arith.constant 0 : i32
        %dma_start3A_1107 = arith.constant 0 : i32
        %dma_start3A_1108 = tpu.memref_slice %arg2[%dma_start3A_1106, %dma_start3A_1107] : memref<20480x128xf32, #tpu.memory_space<hbm>> -> memref<20480x128xf32, #tpu.memory_space<hbm>>
        tpu.enqueue_indirect_dma source(%dma_start3A_1108 : memref<20480x128xf32, #tpu.memory_space<hbm>>) target(%arg23 : memref<80x128xf32, #tpu.memory_space<vmem>>) offsets(%arg15 : memref<80xi32, #tpu.memory_space<vmem>>) semaphore(%arg32 : memref<!tpu.dma_semaphore, #tpu.memory_space<semaphore_mem>>)
      } else {
      }
      %add3A_967 = arith.constant 4 : i32
      %add3A_968 = arith.addi %add3A_938, %add3A_967 : i32
      %lt3A_969 = arith.constant 250 : i32
      %lt3A_970 = arith.cmpi slt, %add3A_968, %lt3A_969 : i32
      %convert_element_type3A_971 = arith.extui %lt3A_970 : i1 to i32
      %cond3A_972 = arith.constant 0 : i32
      %cond3A_973 = arith.cmpi ne, %convert_element_type3A_971, %cond3A_972 : i32
      scf.if %cond3A_973 {
        %add3A_1013 = arith.constant 4 : i32
        %add3A_1014 = arith.addi %add3A_938, %add3A_1013 : i32
        %mul3A_1015 = arith.constant 80 : i32
        %mul3A_1016 = arith.muli %add3A_1014, %mul3A_1015 : i32
        %add3A_1017 = arith.addi %mul3A_34, %mul3A_1016 : i32
        %dma_start3A_1018 = tpu.memref_slice %arg3[%add3A_1017] : memref<640000xi32, #tpu.memory_space<hbm>> -> memref<80xi32, #tpu.memory_space<hbm>>
        %dma_start3A_1019 = tpu.memref_slice %arg3[%add3A_1017] : memref<640000xi32, #tpu.memory_space<hbm>> -> memref<80xi32, #tpu.memory_space<hbm>>
        tpu.enqueue_dma source(%dma_start3A_1019 : memref<80xi32, #tpu.memory_space<hbm>>) target(%arg10 : memref<80xi32, #tpu.memory_space<vmem>>) target_semaphore(%arg39 : memref<!tpu.dma_semaphore, #tpu.memory_space<semaphore_mem>>)
        %add3A_1020 = arith.constant 320000 : i32
        %add3A_1021 = arith.addi %add3A_1020, %add3A_1017 : i32
        %dma_start3A_1022 = tpu.memref_slice %arg3[%add3A_1021] : memref<640000xi32, #tpu.memory_space<hbm>> -> memref<80xi32, #tpu.memory_space<hbm>>
        %dma_start3A_1023 = tpu.memref_slice %arg3[%add3A_1021] : memref<640000xi32, #tpu.memory_space<hbm>> -> memref<80xi32, #tpu.memory_space<hbm>>
        tpu.enqueue_dma source(%dma_start3A_1023 : memref<80xi32, #tpu.memory_space<hbm>>) target(%arg12 : memref<80xi32, #tpu.memory_space<vmem>>) target_semaphore(%arg39 : memref<!tpu.dma_semaphore, #tpu.memory_space<semaphore_mem>>)
      } else {
      }
      %mul3A_974 = arith.constant 4 : i32
      %mul3A_975 = arith.muli %mul3A_974, %add3A_860 : i32
      %add3A_976 = arith.constant 3 : i32
      %add3A_977 = arith.addi %mul3A_975, %add3A_976 : i32
      %dma_wait3A_978 = arith.constant 0 : i32
      %dma_wait3A_979 = arith.constant 0 : i32
      %dma_wait3A_980 = tpu.memref_slice %arg2[%dma_wait3A_978, %dma_wait3A_979] : memref<20480x128xf32, #tpu.memory_space<hbm>> -> memref<20480x128xf32, #tpu.memory_space<hbm>>
      tpu.wait_indirect_dma semaphore(%arg34 : memref<!tpu.dma_semaphore, #tpu.memory_space<semaphore_mem>>) src(%dma_wait3A_980 : memref<20480x128xf32, #tpu.memory_space<hbm>>) dst(%arg25 : memref<80x128xf32, #tpu.memory_space<vmem>>)
      %dma_start3A_981 = arith.constant 0 : i32
      %dma_start3A_982 = arith.constant 0 : i32
      %dma_start3A_983 = tpu.memref_slice %arg8[%dma_start3A_981, %dma_start3A_982] : memref<10240x128xf32, #tpu.memory_space<vmem_shared>> -> memref<10240x128xf32, #tpu.memory_space<vmem_shared>>
      tpu.enqueue_indirect_dma source(%arg25 : memref<80x128xf32, #tpu.memory_space<vmem>>) target(%dma_start3A_983 : memref<10240x128xf32, #tpu.memory_space<vmem_shared>>) offsets(%arg21 : memref<80xi32, #tpu.memory_space<vmem>>) semaphore(%arg38 : memref<!tpu.dma_semaphore, #tpu.memory_space<semaphore_mem>>) {add = true}
      %eq3A_984 = arith.constant 0 : i32
      %eq3A_985 = arith.cmpi eq, %arg0, %eq3A_984 : i32
      %convert_element_type3A_986 = arith.extui %eq3A_985 : i1 to i32
      %cond3A_987 = arith.constant 0 : i32
      %cond3A_988 = arith.cmpi ne, %convert_element_type3A_986, %cond3A_987 : i32
      scf.if %cond3A_988 {
        %dma_start3A_1013 = arith.constant 0 : i32
        %dma_start3A_1014 = tpu.memref_slice %arg9[%dma_start3A_1013] : memref<10240xf32, #tpu.memory_space<vmem_shared>> -> memref<10240xf32, #tpu.memory_space<vmem_shared>>
        tpu.enqueue_indirect_dma source(%arg26 : memref<80xf32, #tpu.memory_space<vmem>>) target(%dma_start3A_1014 : memref<10240xf32, #tpu.memory_space<vmem_shared>>) offsets(%arg21 : memref<80xi32, #tpu.memory_space<vmem>>) semaphore(%arg38 : memref<!tpu.dma_semaphore, #tpu.memory_space<semaphore_mem>>) {add = true}
      } else {
      }
      %sub3A_989 = arith.constant 1 : i32
      %sub3A_990 = arith.subi %add3A_977, %sub3A_989 : i32
      %dma_wait3A_991 = arith.constant 0 : i32
      %dma_wait3A_992 = arith.constant 0 : i32
      %dma_wait3A_993 = tpu.memref_slice %arg8[%dma_wait3A_991, %dma_wait3A_992] : memref<10240x128xf32, #tpu.memory_space<vmem_shared>> -> memref<10240x128xf32, #tpu.memory_space<vmem_shared>>
      tpu.wait_indirect_dma semaphore(%arg37 : memref<!tpu.dma_semaphore, #tpu.memory_space<semaphore_mem>>) src(%arg24 : memref<80x128xf32, #tpu.memory_space<vmem>>) dst(%dma_wait3A_993 : memref<10240x128xf32, #tpu.memory_space<vmem_shared>>)
      %eq3A_994 = arith.constant 0 : i32
      %eq3A_995 = arith.cmpi eq, %arg0, %eq3A_994 : i32
      %convert_element_type3A_996 = arith.extui %eq3A_995 : i1 to i32
      %cond3A_997 = arith.constant 0 : i32
      %cond3A_998 = arith.cmpi ne, %convert_element_type3A_996, %cond3A_997 : i32
      scf.if %cond3A_998 {
        %dma_wait3A_1013 = arith.constant 0 : i32
        %dma_wait3A_1014 = tpu.memref_slice %arg9[%dma_wait3A_1013] : memref<10240xf32, #tpu.memory_space<vmem_shared>> -> memref<10240xf32, #tpu.memory_space<vmem_shared>>
        tpu.wait_indirect_dma semaphore(%arg37 : memref<!tpu.dma_semaphore, #tpu.memory_space<semaphore_mem>>) src(%arg26 : memref<80xf32, #tpu.memory_space<vmem>>) dst(%dma_wait3A_1014 : memref<10240xf32, #tpu.memory_space<vmem_shared>>)
      } else {
      }
      %add3A_999 = arith.constant 3 : i32
      %add3A_1000 = arith.addi %add3A_977, %add3A_999 : i32
      %lt3A_1001 = arith.constant 250 : i32
      %lt3A_1002 = arith.cmpi slt, %add3A_1000, %lt3A_1001 : i32
      %convert_element_type3A_1003 = arith.extui %lt3A_1002 : i1 to i32
      %cond3A_1004 = arith.constant 0 : i32
      %cond3A_1005 = arith.cmpi ne, %convert_element_type3A_1003, %cond3A_1004 : i32
      scf.if %cond3A_1005 {
        %add3A_1013 = arith.constant 3 : i32
        %add3A_1014 = arith.addi %add3A_977, %add3A_1013 : i32
        %mul3A_1015 = arith.constant 80 : i32
        %mul3A_1016 = arith.muli %add3A_1014, %mul3A_1015 : i32
        %add3A_1017 = arith.addi %mul3A_34, %mul3A_1016 : i32
        %dma_wait3A_1018 = tpu.memref_slice %arg3[%add3A_1017] : memref<640000xi32, #tpu.memory_space<hbm>> -> memref<80xi32, #tpu.memory_space<hbm>>
        %dma_wait3A_1019 = tpu.memref_slice %arg3[%add3A_1017] : memref<640000xi32, #tpu.memory_space<hbm>> -> memref<80xi32, #tpu.memory_space<hbm>>
        tpu.wait_dma2 semaphore(%arg39 : memref<!tpu.dma_semaphore, #tpu.memory_space<semaphore_mem>>) src(%dma_wait3A_1019 : memref<80xi32, #tpu.memory_space<hbm>>) dst(%arg10 : memref<80xi32, #tpu.memory_space<vmem>>)
        %add3A_1020 = arith.constant 320000 : i32
        %add3A_1021 = arith.addi %add3A_1020, %add3A_1017 : i32
        %dma_wait3A_1022 = tpu.memref_slice %arg3[%add3A_1021] : memref<640000xi32, #tpu.memory_space<hbm>> -> memref<80xi32, #tpu.memory_space<hbm>>
        %dma_wait3A_1023 = tpu.memref_slice %arg3[%add3A_1021] : memref<640000xi32, #tpu.memory_space<hbm>> -> memref<80xi32, #tpu.memory_space<hbm>>
        tpu.wait_dma2 semaphore(%arg39 : memref<!tpu.dma_semaphore, #tpu.memory_space<semaphore_mem>>) src(%dma_wait3A_1023 : memref<80xi32, #tpu.memory_space<hbm>>) dst(%arg12 : memref<80xi32, #tpu.memory_space<vmem>>)
        %get3A_1024 = arith.constant 0 : index
        %get3A_1025 = tpu.vector_load %arg10[%get3A_1024] {strides = array<i32>} : memref<80xi32, #tpu.memory_space<vmem>>, vector<16xi32>,
        %get3A_1026 = vector.shape_cast %get3A_1025 : vector<16xi32> to vector<16xi32>
        %add3A_1027 = vector.broadcast %mul3A_2 : i32 to vector<16xi32>
        %add3A_1028 = arith.addi %get3A_1026, %add3A_1027 : vector<16xi32>
        %swap3A_1029 = arith.constant 0 : index
        %swap3A_1030 = tpu.vector_load %arg16[%swap3A_1029] {strides = array<i32>} : memref<80xi32, #tpu.memory_space<vmem>>, vector<16xi32>,
        %swap3A_1031 = vector.shape_cast %swap3A_1030 : vector<16xi32> to vector<16xi32>
        %swap3A_1032 = vector.shape_cast %add3A_1028 : vector<16xi32> to vector<16xi32>
        tpu.vector_store %arg16[%swap3A_1029], %swap3A_1032 {strides = array<i32>} : memref<80xi32, #tpu.memory_space<vmem>>, vector<16xi32>,
        %get3A_1033 = arith.constant 0 : index
        %get3A_1034 = tpu.vector_load %arg12[%get3A_1033] {strides = array<i32>} : memref<80xi32, #tpu.memory_space<vmem>>, vector<16xi32>,
        %get3A_1035 = vector.shape_cast %get3A_1034 : vector<16xi32> to vector<16xi32>
        %swap3A_1036 = arith.constant 0 : index
        %swap3A_1037 = tpu.vector_load %arg20[%swap3A_1036] {strides = array<i32>} : memref<80xi32, #tpu.memory_space<vmem>>, vector<16xi32>,
        %swap3A_1038 = vector.shape_cast %swap3A_1037 : vector<16xi32> to vector<16xi32>
        %swap3A_1039 = vector.shape_cast %get3A_1035 : vector<16xi32> to vector<16xi32>
        tpu.vector_store %arg20[%swap3A_1036], %swap3A_1039 {strides = array<i32>} : memref<80xi32, #tpu.memory_space<vmem>>, vector<16xi32>,
        %get3A_1040 = arith.constant 16 : index
        %get3A_1041 = tpu.vector_load %arg10[%get3A_1040] {strides = array<i32>} : memref<80xi32, #tpu.memory_space<vmem>>, vector<16xi32>,
        %get3A_1042 = vector.shape_cast %get3A_1041 : vector<16xi32> to vector<16xi32>
        %add3A_1043 = vector.broadcast %mul3A_2 : i32 to vector<16xi32>
        %add3A_1044 = arith.addi %get3A_1042, %add3A_1043 : vector<16xi32>
        %swap3A_1045 = arith.constant 16 : index
        %swap3A_1046 = tpu.vector_load %arg16[%swap3A_1045] {strides = array<i32>} : memref<80xi32, #tpu.memory_space<vmem>>, vector<16xi32>,
        %swap3A_1047 = vector.shape_cast %swap3A_1046 : vector<16xi32> to vector<16xi32>
        %swap3A_1048 = vector.shape_cast %add3A_1044 : vector<16xi32> to vector<16xi32>
        tpu.vector_store %arg16[%swap3A_1045], %swap3A_1048 {strides = array<i32>} : memref<80xi32, #tpu.memory_space<vmem>>, vector<16xi32>,
        %get3A_1049 = arith.constant 16 : index
        %get3A_1050 = tpu.vector_load %arg12[%get3A_1049] {strides = array<i32>} : memref<80xi32, #tpu.memory_space<vmem>>, vector<16xi32>,
        %get3A_1051 = vector.shape_cast %get3A_1050 : vector<16xi32> to vector<16xi32>
        %swap3A_1052 = arith.constant 16 : index
        %swap3A_1053 = tpu.vector_load %arg20[%swap3A_1052] {strides = array<i32>} : memref<80xi32, #tpu.memory_space<vmem>>, vector<16xi32>,
        %swap3A_1054 = vector.shape_cast %swap3A_1053 : vector<16xi32> to vector<16xi32>
        %swap3A_1055 = vector.shape_cast %get3A_1051 : vector<16xi32> to vector<16xi32>
        tpu.vector_store %arg20[%swap3A_1052], %swap3A_1055 {strides = array<i32>} : memref<80xi32, #tpu.memory_space<vmem>>, vector<16xi32>,
        %get3A_1056 = arith.constant 32 : index
        %get3A_1057 = tpu.vector_load %arg10[%get3A_1056] {strides = array<i32>} : memref<80xi32, #tpu.memory_space<vmem>>, vector<16xi32>,
        %get3A_1058 = vector.shape_cast %get3A_1057 : vector<16xi32> to vector<16xi32>
        %add3A_1059 = vector.broadcast %mul3A_2 : i32 to vector<16xi32>
        %add3A_1060 = arith.addi %get3A_1058, %add3A_1059 : vector<16xi32>
        %swap3A_1061 = arith.constant 32 : index
        %swap3A_1062 = tpu.vector_load %arg16[%swap3A_1061] {strides = array<i32>} : memref<80xi32, #tpu.memory_space<vmem>>, vector<16xi32>,
        %swap3A_1063 = vector.shape_cast %swap3A_1062 : vector<16xi32> to vector<16xi32>
        %swap3A_1064 = vector.shape_cast %add3A_1060 : vector<16xi32> to vector<16xi32>
        tpu.vector_store %arg16[%swap3A_1061], %swap3A_1064 {strides = array<i32>} : memref<80xi32, #tpu.memory_space<vmem>>, vector<16xi32>,
        %get3A_1065 = arith.constant 32 : index
        %get3A_1066 = tpu.vector_load %arg12[%get3A_1065] {strides = array<i32>} : memref<80xi32, #tpu.memory_space<vmem>>, vector<16xi32>,
        %get3A_1067 = vector.shape_cast %get3A_1066 : vector<16xi32> to vector<16xi32>
        %swap3A_1068 = arith.constant 32 : index
        %swap3A_1069 = tpu.vector_load %arg20[%swap3A_1068] {strides = array<i32>} : memref<80xi32, #tpu.memory_space<vmem>>, vector<16xi32>,
        %swap3A_1070 = vector.shape_cast %swap3A_1069 : vector<16xi32> to vector<16xi32>
        %swap3A_1071 = vector.shape_cast %get3A_1067 : vector<16xi32> to vector<16xi32>
        tpu.vector_store %arg20[%swap3A_1068], %swap3A_1071 {strides = array<i32>} : memref<80xi32, #tpu.memory_space<vmem>>, vector<16xi32>,
        %get3A_1072 = arith.constant 48 : index
        %get3A_1073 = tpu.vector_load %arg10[%get3A_1072] {strides = array<i32>} : memref<80xi32, #tpu.memory_space<vmem>>, vector<16xi32>,
        %get3A_1074 = vector.shape_cast %get3A_1073 : vector<16xi32> to vector<16xi32>
        %add3A_1075 = vector.broadcast %mul3A_2 : i32 to vector<16xi32>
        %add3A_1076 = arith.addi %get3A_1074, %add3A_1075 : vector<16xi32>
        %swap3A_1077 = arith.constant 48 : index
        %swap3A_1078 = tpu.vector_load %arg16[%swap3A_1077] {strides = array<i32>} : memref<80xi32, #tpu.memory_space<vmem>>, vector<16xi32>,
        %swap3A_1079 = vector.shape_cast %swap3A_1078 : vector<16xi32> to vector<16xi32>
        %swap3A_1080 = vector.shape_cast %add3A_1076 : vector<16xi32> to vector<16xi32>
        tpu.vector_store %arg16[%swap3A_1077], %swap3A_1080 {strides = array<i32>} : memref<80xi32, #tpu.memory_space<vmem>>, vector<16xi32>,
        %get3A_1081 = arith.constant 48 : index
        %get3A_1082 = tpu.vector_load %arg12[%get3A_1081] {strides = array<i32>} : memref<80xi32, #tpu.memory_space<vmem>>, vector<16xi32>,
        %get3A_1083 = vector.shape_cast %get3A_1082 : vector<16xi32> to vector<16xi32>
        %swap3A_1084 = arith.constant 48 : index
        %swap3A_1085 = tpu.vector_load %arg20[%swap3A_1084] {strides = array<i32>} : memref<80xi32, #tpu.memory_space<vmem>>, vector<16xi32>,
        %swap3A_1086 = vector.shape_cast %swap3A_1085 : vector<16xi32> to vector<16xi32>
        %swap3A_1087 = vector.shape_cast %get3A_1083 : vector<16xi32> to vector<16xi32>
        tpu.vector_store %arg20[%swap3A_1084], %swap3A_1087 {strides = array<i32>} : memref<80xi32, #tpu.memory_space<vmem>>, vector<16xi32>,
        %get3A_1088 = arith.constant 64 : index
        %get3A_1089 = tpu.vector_load %arg10[%get3A_1088] {strides = array<i32>} : memref<80xi32, #tpu.memory_space<vmem>>, vector<16xi32>,
        %get3A_1090 = vector.shape_cast %get3A_1089 : vector<16xi32> to vector<16xi32>
        %add3A_1091 = vector.broadcast %mul3A_2 : i32 to vector<16xi32>
        %add3A_1092 = arith.addi %get3A_1090, %add3A_1091 : vector<16xi32>
        %swap3A_1093 = arith.constant 64 : index
        %swap3A_1094 = tpu.vector_load %arg16[%swap3A_1093] {strides = array<i32>} : memref<80xi32, #tpu.memory_space<vmem>>, vector<16xi32>,
        %swap3A_1095 = vector.shape_cast %swap3A_1094 : vector<16xi32> to vector<16xi32>
        %swap3A_1096 = vector.shape_cast %add3A_1092 : vector<16xi32> to vector<16xi32>
        tpu.vector_store %arg16[%swap3A_1093], %swap3A_1096 {strides = array<i32>} : memref<80xi32, #tpu.memory_space<vmem>>, vector<16xi32>,
        %get3A_1097 = arith.constant 64 : index
        %get3A_1098 = tpu.vector_load %arg12[%get3A_1097] {strides = array<i32>} : memref<80xi32, #tpu.memory_space<vmem>>, vector<16xi32>,
        %get3A_1099 = vector.shape_cast %get3A_1098 : vector<16xi32> to vector<16xi32>
        %swap3A_1100 = arith.constant 64 : index
        %swap3A_1101 = tpu.vector_load %arg20[%swap3A_1100] {strides = array<i32>} : memref<80xi32, #tpu.memory_space<vmem>>, vector<16xi32>,
        %swap3A_1102 = vector.shape_cast %swap3A_1101 : vector<16xi32> to vector<16xi32>
        %swap3A_1103 = vector.shape_cast %get3A_1099 : vector<16xi32> to vector<16xi32>
        tpu.vector_store %arg20[%swap3A_1100], %swap3A_1103 {strides = array<i32>} : memref<80xi32, #tpu.memory_space<vmem>>, vector<16xi32>,
        %add3A_1104 = arith.constant 3 : i32
        %add3A_1105 = arith.addi %add3A_977, %add3A_1104 : i32
        %dma_start3A_1106 = arith.constant 0 : i32
        %dma_start3A_1107 = arith.constant 0 : i32
        %dma_start3A_1108 = tpu.memref_slice %arg2[%dma_start3A_1106, %dma_start3A_1107] : memref<20480x128xf32, #tpu.memory_space<hbm>> -> memref<20480x128xf32, #tpu.memory_space<hbm>>
        tpu.enqueue_indirect_dma source(%dma_start3A_1108 : memref<20480x128xf32, #tpu.memory_space<hbm>>) target(%arg24 : memref<80x128xf32, #tpu.memory_space<vmem>>) offsets(%arg16 : memref<80xi32, #tpu.memory_space<vmem>>) semaphore(%arg33 : memref<!tpu.dma_semaphore, #tpu.memory_space<semaphore_mem>>)
      } else {
      }
      %add3A_1006 = arith.constant 4 : i32
      %add3A_1007 = arith.addi %add3A_977, %add3A_1006 : i32
      %lt3A_1008 = arith.constant 250 : i32
      %lt3A_1009 = arith.cmpi slt, %add3A_1007, %lt3A_1008 : i32
      %convert_element_type3A_1010 = arith.extui %lt3A_1009 : i1 to i32
      %cond3A_1011 = arith.constant 0 : i32
      %cond3A_1012 = arith.cmpi ne, %convert_element_type3A_1010, %cond3A_1011 : i32
      scf.if %cond3A_1012 {
        %add3A_1013 = arith.constant 4 : i32
        %add3A_1014 = arith.addi %add3A_977, %add3A_1013 : i32
        %mul3A_1015 = arith.constant 80 : i32
        %mul3A_1016 = arith.muli %add3A_1014, %mul3A_1015 : i32
        %add3A_1017 = arith.addi %mul3A_34, %mul3A_1016 : i32
        %dma_start3A_1018 = tpu.memref_slice %arg3[%add3A_1017] : memref<640000xi32, #tpu.memory_space<hbm>> -> memref<80xi32, #tpu.memory_space<hbm>>
        %dma_start3A_1019 = tpu.memref_slice %arg3[%add3A_1017] : memref<640000xi32, #tpu.memory_space<hbm>> -> memref<80xi32, #tpu.memory_space<hbm>>
        tpu.enqueue_dma source(%dma_start3A_1019 : memref<80xi32, #tpu.memory_space<hbm>>) target(%arg11 : memref<80xi32, #tpu.memory_space<vmem>>) target_semaphore(%arg40 : memref<!tpu.dma_semaphore, #tpu.memory_space<semaphore_mem>>)
        %add3A_1020 = arith.constant 320000 : i32
        %add3A_1021 = arith.addi %add3A_1020, %add3A_1017 : i32
        %dma_start3A_1022 = tpu.memref_slice %arg3[%add3A_1021] : memref<640000xi32, #tpu.memory_space<hbm>> -> memref<80xi32, #tpu.memory_space<hbm>>
        %dma_start3A_1023 = tpu.memref_slice %arg3[%add3A_1021] : memref<640000xi32, #tpu.memory_space<hbm>> -> memref<80xi32, #tpu.memory_space<hbm>>
        tpu.enqueue_dma source(%dma_start3A_1023 : memref<80xi32, #tpu.memory_space<hbm>>) target(%arg13 : memref<80xi32, #tpu.memory_space<vmem>>) target_semaphore(%arg40 : memref<!tpu.dma_semaphore, #tpu.memory_space<semaphore_mem>>)
      } else {
      }
    }
    %scan3A_803 = arith.constant 61 : i32
    %dma_wait3A_804 = arith.constant 0 : i32
    %dma_wait3A_805 = arith.constant 0 : i32
    %dma_wait3A_806 = tpu.memref_slice %arg2[%dma_wait3A_804, %dma_wait3A_805] : memref<20480x128xf32, #tpu.memory_space<hbm>> -> memref<20480x128xf32, #tpu.memory_space<hbm>>
    tpu.wait_indirect_dma semaphore(%arg31 : memref<!tpu.dma_semaphore, #tpu.memory_space<semaphore_mem>>) src(%dma_wait3A_806 : memref<20480x128xf32, #tpu.memory_space<hbm>>) dst(%arg22 : memref<80x128xf32, #tpu.memory_space<vmem>>)
    %dma_start3A_807 = arith.constant 0 : i32
    %dma_start3A_808 = arith.constant 0 : i32
    %dma_start3A_809 = tpu.memref_slice %arg8[%dma_start3A_807, %dma_start3A_808] : memref<10240x128xf32, #tpu.memory_space<vmem_shared>> -> memref<10240x128xf32, #tpu.memory_space<vmem_shared>>
    tpu.enqueue_indirect_dma source(%arg22 : memref<80x128xf32, #tpu.memory_space<vmem>>) target(%dma_start3A_809 : memref<10240x128xf32, #tpu.memory_space<vmem_shared>>) offsets(%arg18 : memref<80xi32, #tpu.memory_space<vmem>>) semaphore(%arg35 : memref<!tpu.dma_semaphore, #tpu.memory_space<semaphore_mem>>) {add = true}
    %eq3A_810 = arith.constant 0 : i32
    %eq3A_811 = arith.cmpi eq, %arg0, %eq3A_810 : i32
    %convert_element_type3A_812 = arith.extui %eq3A_811 : i1 to i32
    %cond3A_813 = arith.constant 0 : i32
    %cond3A_814 = arith.cmpi ne, %convert_element_type3A_812, %cond3A_813 : i32
    scf.if %cond3A_814 {
      %dma_start3A_856 = arith.constant 0 : i32
      %dma_start3A_857 = tpu.memref_slice %arg9[%dma_start3A_856] : memref<10240xf32, #tpu.memory_space<vmem_shared>> -> memref<10240xf32, #tpu.memory_space<vmem_shared>>
      tpu.enqueue_indirect_dma source(%arg26 : memref<80xf32, #tpu.memory_space<vmem>>) target(%dma_start3A_857 : memref<10240xf32, #tpu.memory_space<vmem_shared>>) offsets(%arg18 : memref<80xi32, #tpu.memory_space<vmem>>) semaphore(%arg35 : memref<!tpu.dma_semaphore, #tpu.memory_space<semaphore_mem>>) {add = true}
    } else {
    }
    %dma_wait3A_815 = arith.constant 0 : i32
    %dma_wait3A_816 = arith.constant 0 : i32
    %dma_wait3A_817 = tpu.memref_slice %arg8[%dma_wait3A_815, %dma_wait3A_816] : memref<10240x128xf32, #tpu.memory_space<vmem_shared>> -> memref<10240x128xf32, #tpu.memory_space<vmem_shared>>
    tpu.wait_indirect_dma semaphore(%arg38 : memref<!tpu.dma_semaphore, #tpu.memory_space<semaphore_mem>>) src(%arg25 : memref<80x128xf32, #tpu.memory_space<vmem>>) dst(%dma_wait3A_817 : memref<10240x128xf32, #tpu.memory_space<vmem_shared>>)
    %eq3A_818 = arith.constant 0 : i32
    %eq3A_819 = arith.cmpi eq, %arg0, %eq3A_818 : i32
    %convert_element_type3A_820 = arith.extui %eq3A_819 : i1 to i32
    %cond3A_821 = arith.constant 0 : i32
    %cond3A_822 = arith.cmpi ne, %convert_element_type3A_820, %cond3A_821 : i32
    scf.if %cond3A_822 {
      %dma_wait3A_856 = arith.constant 0 : i32
      %dma_wait3A_857 = tpu.memref_slice %arg9[%dma_wait3A_856] : memref<10240xf32, #tpu.memory_space<vmem_shared>> -> memref<10240xf32, #tpu.memory_space<vmem_shared>>
      tpu.wait_indirect_dma semaphore(%arg38 : memref<!tpu.dma_semaphore, #tpu.memory_space<semaphore_mem>>) src(%arg26 : memref<80xf32, #tpu.memory_space<vmem>>) dst(%dma_wait3A_857 : memref<10240xf32, #tpu.memory_space<vmem_shared>>)
    } else {
    }
    %dma_wait3A_823 = arith.constant 0 : i32
    %dma_wait3A_824 = arith.constant 0 : i32
    %dma_wait3A_825 = tpu.memref_slice %arg2[%dma_wait3A_823, %dma_wait3A_824] : memref<20480x128xf32, #tpu.memory_space<hbm>> -> memref<20480x128xf32, #tpu.memory_space<hbm>>
    tpu.wait_indirect_dma semaphore(%arg32 : memref<!tpu.dma_semaphore, #tpu.memory_space<semaphore_mem>>) src(%dma_wait3A_825 : memref<20480x128xf32, #tpu.memory_space<hbm>>) dst(%arg23 : memref<80x128xf32, #tpu.memory_space<vmem>>)
    %dma_start3A_826 = arith.constant 0 : i32
    %dma_start3A_827 = arith.constant 0 : i32
    %dma_start3A_828 = tpu.memref_slice %arg8[%dma_start3A_826, %dma_start3A_827] : memref<10240x128xf32, #tpu.memory_space<vmem_shared>> -> memref<10240x128xf32, #tpu.memory_space<vmem_shared>>
    tpu.enqueue_indirect_dma source(%arg23 : memref<80x128xf32, #tpu.memory_space<vmem>>) target(%dma_start3A_828 : memref<10240x128xf32, #tpu.memory_space<vmem_shared>>) offsets(%arg19 : memref<80xi32, #tpu.memory_space<vmem>>) semaphore(%arg36 : memref<!tpu.dma_semaphore, #tpu.memory_space<semaphore_mem>>) {add = true}
    %eq3A_829 = arith.constant 0 : i32
    %eq3A_830 = arith.cmpi eq, %arg0, %eq3A_829 : i32
    %convert_element_type3A_831 = arith.extui %eq3A_830 : i1 to i32
    %cond3A_832 = arith.constant 0 : i32
    %cond3A_833 = arith.cmpi ne, %convert_element_type3A_831, %cond3A_832 : i32
    scf.if %cond3A_833 {
      %dma_start3A_856 = arith.constant 0 : i32
      %dma_start3A_857 = tpu.memref_slice %arg9[%dma_start3A_856] : memref<10240xf32, #tpu.memory_space<vmem_shared>> -> memref<10240xf32, #tpu.memory_space<vmem_shared>>
      tpu.enqueue_indirect_dma source(%arg26 : memref<80xf32, #tpu.memory_space<vmem>>) target(%dma_start3A_857 : memref<10240xf32, #tpu.memory_space<vmem_shared>>) offsets(%arg19 : memref<80xi32, #tpu.memory_space<vmem>>) semaphore(%arg36 : memref<!tpu.dma_semaphore, #tpu.memory_space<semaphore_mem>>) {add = true}
    } else {
    }
    %dma_wait3A_834 = arith.constant 0 : i32
    %dma_wait3A_835 = arith.constant 0 : i32
    %dma_wait3A_836 = tpu.memref_slice %arg8[%dma_wait3A_834, %dma_wait3A_835] : memref<10240x128xf32, #tpu.memory_space<vmem_shared>> -> memref<10240x128xf32, #tpu.memory_space<vmem_shared>>
    tpu.wait_indirect_dma semaphore(%arg35 : memref<!tpu.dma_semaphore, #tpu.memory_space<semaphore_mem>>) src(%arg22 : memref<80x128xf32, #tpu.memory_space<vmem>>) dst(%dma_wait3A_836 : memref<10240x128xf32, #tpu.memory_space<vmem_shared>>)
    %eq3A_837 = arith.constant 0 : i32
    %eq3A_838 = arith.cmpi eq, %arg0, %eq3A_837 : i32
    %convert_element_type3A_839 = arith.extui %eq3A_838 : i1 to i32
    %cond3A_840 = arith.constant 0 : i32
    %cond3A_841 = arith.cmpi ne, %convert_element_type3A_839, %cond3A_840 : i32
    scf.if %cond3A_841 {
      %dma_wait3A_856 = arith.constant 0 : i32
      %dma_wait3A_857 = tpu.memref_slice %arg9[%dma_wait3A_856] : memref<10240xf32, #tpu.memory_space<vmem_shared>> -> memref<10240xf32, #tpu.memory_space<vmem_shared>>
      tpu.wait_indirect_dma semaphore(%arg35 : memref<!tpu.dma_semaphore, #tpu.memory_space<semaphore_mem>>) src(%arg26 : memref<80xf32, #tpu.memory_space<vmem>>) dst(%dma_wait3A_857 : memref<10240xf32, #tpu.memory_space<vmem_shared>>)
    } else {
    }
    %dma_wait3A_842 = arith.constant 0 : i32
    %dma_wait3A_843 = arith.constant 0 : i32
    %dma_wait3A_844 = tpu.memref_slice %arg8[%dma_wait3A_842, %dma_wait3A_843] : memref<10240x128xf32, #tpu.memory_space<vmem_shared>> -> memref<10240x128xf32, #tpu.memory_space<vmem_shared>>
    tpu.wait_indirect_dma semaphore(%arg36 : memref<!tpu.dma_semaphore, #tpu.memory_space<semaphore_mem>>) src(%arg23 : memref<80x128xf32, #tpu.memory_space<vmem>>) dst(%dma_wait3A_844 : memref<10240x128xf32, #tpu.memory_space<vmem_shared>>)
    %eq3A_845 = arith.constant 0 : i32
    %eq3A_846 = arith.cmpi eq, %arg0, %eq3A_845 : i32
    %convert_element_type3A_847 = arith.extui %eq3A_846 : i1 to i32
    %cond3A_848 = arith.constant 0 : i32
    %cond3A_849 = arith.cmpi ne, %convert_element_type3A_847, %cond3A_848 : i32
    scf.if %cond3A_849 {
      %dma_wait3A_856 = arith.constant 0 : i32
      %dma_wait3A_857 = tpu.memref_slice %arg9[%dma_wait3A_856] : memref<10240xf32, #tpu.memory_space<vmem_shared>> -> memref<10240xf32, #tpu.memory_space<vmem_shared>>
      tpu.wait_indirect_dma semaphore(%arg36 : memref<!tpu.dma_semaphore, #tpu.memory_space<semaphore_mem>>) src(%arg26 : memref<80xf32, #tpu.memory_space<vmem>>) dst(%dma_wait3A_857 : memref<10240xf32, #tpu.memory_space<vmem_shared>>)
    } else {
    }
    %barrier3A_850 = arith.constant 0 : index
    tpu.barrier barrier_id(%barrier3A_850)
    "tpu.region"() ({
      %run_scoped3A = tpu.sem_alloc : memref<!tpu.dma_semaphore, #tpu.memory_space<semaphore_mem>>
      %dma_start3A_856 = arith.constant 0 : i32
      %dma_start3A_857 = tpu.memref_slice %arg6[%arg0, %mul3A_0, %dma_start3A_856] : memref<2x10240x128xf32, #tpu.memory_space<hbm>> -> memref<1x640x128xf32, #tpu.memory_space<hbm>>
      %dma_start3A_858 = tpu.memref_squeeze %dma_start3A_857 : memref<1x640x128xf32, #tpu.memory_space<hbm>> -> memref<640x128xf32, #tpu.memory_space<hbm>>
      %dma_start3A_859 = arith.constant 0 : i32
      %dma_start3A_860 = tpu.memref_slice %arg8[%mul3A_0, %dma_start3A_859] : memref<10240x128xf32, #tpu.memory_space<vmem_shared>> -> memref<640x128xf32, #tpu.memory_space<vmem_shared>>
      tpu.enqueue_dma source(%dma_start3A_860 : memref<640x128xf32, #tpu.memory_space<vmem_shared>>) target(%dma_start3A_858 : memref<640x128xf32, #tpu.memory_space<hbm>>) target_semaphore(%run_scoped3A : memref<!tpu.dma_semaphore, #tpu.memory_space<semaphore_mem>>)
      %dma_wait3A_861 = arith.constant 0 : i32
      %dma_wait3A_862 = tpu.memref_slice %arg6[%arg0, %mul3A_0, %dma_wait3A_861] : memref<2x10240x128xf32, #tpu.memory_space<hbm>> -> memref<1x640x128xf32, #tpu.memory_space<hbm>>
      %dma_wait3A_863 = tpu.memref_squeeze %dma_wait3A_862 : memref<1x640x128xf32, #tpu.memory_space<hbm>> -> memref<640x128xf32, #tpu.memory_space<hbm>>
      %dma_wait3A_864 = arith.constant 0 : i32
      %dma_wait3A_865 = tpu.memref_slice %arg8[%mul3A_0, %dma_wait3A_864] : memref<10240x128xf32, #tpu.memory_space<vmem_shared>> -> memref<640x128xf32, #tpu.memory_space<vmem_shared>>
      tpu.wait_dma2 semaphore(%run_scoped3A : memref<!tpu.dma_semaphore, #tpu.memory_space<semaphore_mem>>) src(%dma_wait3A_865 : memref<640x128xf32, #tpu.memory_space<vmem_shared>>) dst(%dma_wait3A_863 : memref<640x128xf32, #tpu.memory_space<hbm>>)
      tpu.yield
    }) : () -> ()
    %eq3A_851 = arith.constant 0 : i32
    %eq3A_852 = arith.cmpi eq, %arg0, %eq3A_851 : i32
    %convert_element_type3A_853 = arith.extui %eq3A_852 : i1 to i32
    %cond3A_854 = arith.constant 0 : i32
    %cond3A_855 = arith.cmpi ne, %convert_element_type3A_853, %cond3A_854 : i32
    scf.if %cond3A_855 {
      "tpu.region"() ({
        %run_scoped3A = tpu.sem_alloc : memref<!tpu.dma_semaphore, #tpu.memory_space<semaphore_mem>>
        %dma_start3A_856 = tpu.memref_slice %arg7[%mul3A_0] : memref<10240xf32, #tpu.memory_space<hbm>> -> memref<640xf32, #tpu.memory_space<hbm>>
        %dma_start3A_857 = tpu.memref_slice %arg9[%mul3A_0] : memref<10240xf32, #tpu.memory_space<vmem_shared>> -> memref<640xf32, #tpu.memory_space<vmem_shared>>
        tpu.enqueue_dma source(%dma_start3A_857 : memref<640xf32, #tpu.memory_space<vmem_shared>>) target(%dma_start3A_856 : memref<640xf32, #tpu.memory_space<hbm>>) target_semaphore(%run_scoped3A : memref<!tpu.dma_semaphore, #tpu.memory_space<semaphore_mem>>)
        %dma_wait3A_858 = tpu.memref_slice %arg7[%mul3A_0] : memref<10240xf32, #tpu.memory_space<hbm>> -> memref<640xf32, #tpu.memory_space<hbm>>
        %dma_wait3A_859 = tpu.memref_slice %arg9[%mul3A_0] : memref<10240xf32, #tpu.memory_space<vmem_shared>> -> memref<640xf32, #tpu.memory_space<vmem_shared>>
        tpu.wait_dma2 semaphore(%run_scoped3A : memref<!tpu.dma_semaphore, #tpu.memory_space<semaphore_mem>>) src(%dma_wait3A_859 : memref<640xf32, #tpu.memory_space<vmem_shared>>) dst(%dma_wait3A_858 : memref<640xf32, #tpu.memory_space<hbm>>)
        tpu.yield
      }) : () -> ()
    } else {
    }
    return
  }
}

#map = affine_map<(d0, d1) -> (0, 0)>
#map1 = affine_map<(d0, d1) -> (0)>
#map2 = affine_map<(d0, d1) -> (0, 0, 0)>
module attributes {stable_mosaic.version = 14 : i64} {
  func.func @k(%arg0: i32, %arg1: i32, %arg2: memref<10000x128xf32, #tpu.memory_space<hbm>>, %arg3: memref<640000xi32, #tpu.memory_space<hbm>>, %arg4: memref<10240x128xf32, #tpu.memory_space<hbm>>, %arg5: memref<10240xf32, #tpu.memory_space<hbm>>, %arg6: memref<2x10240x128xf32, #tpu.memory_space<hbm>>, %arg7: memref<2x10240xf32, #tpu.memory_space<hbm>>, %arg8: memref<10240x128xf32, #tpu.memory_space<vmem_shared>>, %arg9: memref<10240xf32, #tpu.memory_space<vmem_shared>>, %arg10: memref<80xi32, #tpu.memory_space<vmem>>, %arg11: memref<80xi32, #tpu.memory_space<vmem>>, %arg12: memref<80xi32, #tpu.memory_space<vmem>>, %arg13: memref<80xi32, #tpu.memory_space<vmem>>, %arg14: memref<80xi32, #tpu.memory_space<vmem>>, %arg15: memref<80xi32, #tpu.memory_space<vmem>>, %arg16: memref<80xi32, #tpu.memory_space<vmem>>, %arg17: memref<80xi32, #tpu.memory_space<vmem>>, %arg18: memref<80xi32, #tpu.memory_space<vmem>>, %arg19: memref<80xi32, #tpu.memory_space<vmem>>, %arg20: memref<80xi32, #tpu.memory_space<vmem>>, %arg21: memref<80xi32, #tpu.memory_space<vmem>>, %arg22: memref<80x128xf32, #tpu.memory_space<vmem>>, %arg23: memref<80x128xf32, #tpu.memory_space<vmem>>, %arg24: memref<80x128xf32, #tpu.memory_space<vmem>>, %arg25: memref<80x128xf32, #tpu.memory_space<vmem>>, %arg26: memref<80xf32, #tpu.memory_space<vmem>>, %arg27: memref<0xi32, #tpu.memory_space<vmem>>, %arg28: memref<0xi32, #tpu.memory_space<vmem>>, %arg29: memref<0x128xf32, #tpu.memory_space<vmem>>, %arg30: memref<0xf32, #tpu.memory_space<vmem>>, %arg31: memref<!tpu.dma_semaphore, #tpu.memory_space<semaphore_mem>>, %arg32: memref<!tpu.dma_semaphore, #tpu.memory_space<semaphore_mem>>, %arg33: memref<!tpu.dma_semaphore, #tpu.memory_space<semaphore_mem>>, %arg34: memref<!tpu.dma_semaphore, #tpu.memory_space<semaphore_mem>>, %arg35: memref<!tpu.dma_semaphore, #tpu.memory_space<semaphore_mem>>, %arg36: memref<!tpu.dma_semaphore, #tpu.memory_space<semaphore_mem>>, %arg37: memref<!tpu.dma_semaphore, #tpu.memory_space<semaphore_mem>>, %arg38: memref<!tpu.dma_semaphore, #tpu.memory_space<semaphore_mem>>, %arg39: memref<!tpu.dma_semaphore, #tpu.memory_space<semaphore_mem>>, %arg40: memref<!tpu.dma_semaphore, #tpu.memory_space<semaphore_mem>>) attributes {dimension_semantics = [#tpu.dimension_semantics<core_parallel>, #tpu.dimension_semantics<subcore_parallel>], iteration_bounds = array<i64: 2, 16>, scalar_prefetch = 0 : i64, scratch_operands = 33 : i64, tpu.core_type = #tpu.core_type<sc_vector_subcore>, window_params = [{transform_indices = #map}, {transform_indices = #map1}, {transform_indices = #map}, {transform_indices = #map1}, {transform_indices = #map2}, {transform_indices = #map}]} {
    %mul3A = arith.constant 640 : i32
    %mul3A_0 = arith.muli %arg1, %mul3A : i32
    "tpu.region"() ({
      %run_scoped3A = tpu.sem_alloc : memref<!tpu.dma_semaphore, #tpu.memory_space<semaphore_mem>>
      %dma_start3A_731 = arith.constant 0 : i32
      %dma_start3A_732 = tpu.memref_slice %arg8[%mul3A_0, %dma_start3A_731] : memref<10240x128xf32, #tpu.memory_space<vmem_shared>> -> memref<640x128xf32, #tpu.memory_space<vmem_shared>>
      %dma_start3A_733 = arith.constant 0 : i32
      %dma_start3A_734 = tpu.memref_slice %arg4[%mul3A_0, %dma_start3A_733] : memref<10240x128xf32, #tpu.memory_space<hbm>> -> memref<640x128xf32, #tpu.memory_space<hbm>>
      tpu.enqueue_dma source(%dma_start3A_734 : memref<640x128xf32, #tpu.memory_space<hbm>>) target(%dma_start3A_732 : memref<640x128xf32, #tpu.memory_space<vmem_shared>>) target_semaphore(%run_scoped3A : memref<!tpu.dma_semaphore, #tpu.memory_space<semaphore_mem>>)
      %dma_wait3A_735 = arith.constant 0 : i32
      %dma_wait3A_736 = tpu.memref_slice %arg8[%mul3A_0, %dma_wait3A_735] : memref<10240x128xf32, #tpu.memory_space<vmem_shared>> -> memref<640x128xf32, #tpu.memory_space<vmem_shared>>
      %dma_wait3A_737 = arith.constant 0 : i32
      %dma_wait3A_738 = tpu.memref_slice %arg4[%mul3A_0, %dma_wait3A_737] : memref<10240x128xf32, #tpu.memory_space<hbm>> -> memref<640x128xf32, #tpu.memory_space<hbm>>
      tpu.wait_dma2 semaphore(%run_scoped3A : memref<!tpu.dma_semaphore, #tpu.memory_space<semaphore_mem>>) src(%dma_wait3A_738 : memref<640x128xf32, #tpu.memory_space<hbm>>) dst(%dma_wait3A_736 : memref<640x128xf32, #tpu.memory_space<vmem_shared>>)
      tpu.yield
    }) : () -> ()
    "tpu.region"() ({
      %run_scoped3A = tpu.sem_alloc : memref<!tpu.dma_semaphore, #tpu.memory_space<semaphore_mem>>
      %dma_start3A_731 = tpu.memref_slice %arg9[%mul3A_0] : memref<10240xf32, #tpu.memory_space<vmem_shared>> -> memref<640xf32, #tpu.memory_space<vmem_shared>>
      %dma_start3A_732 = tpu.memref_slice %arg5[%mul3A_0] : memref<10240xf32, #tpu.memory_space<hbm>> -> memref<640xf32, #tpu.memory_space<hbm>>
      tpu.enqueue_dma source(%dma_start3A_732 : memref<640xf32, #tpu.memory_space<hbm>>) target(%dma_start3A_731 : memref<640xf32, #tpu.memory_space<vmem_shared>>) target_semaphore(%run_scoped3A : memref<!tpu.dma_semaphore, #tpu.memory_space<semaphore_mem>>)
      %dma_wait3A_733 = tpu.memref_slice %arg9[%mul3A_0] : memref<10240xf32, #tpu.memory_space<vmem_shared>> -> memref<640xf32, #tpu.memory_space<vmem_shared>>
      %dma_wait3A_734 = tpu.memref_slice %arg5[%mul3A_0] : memref<10240xf32, #tpu.memory_space<hbm>> -> memref<640xf32, #tpu.memory_space<hbm>>
      tpu.wait_dma2 semaphore(%run_scoped3A : memref<!tpu.dma_semaphore, #tpu.memory_space<semaphore_mem>>) src(%dma_wait3A_734 : memref<640xf32, #tpu.memory_space<hbm>>) dst(%dma_wait3A_733 : memref<640xf32, #tpu.memory_space<vmem_shared>>)
      tpu.yield
    }) : () -> ()
    %broadcast_in_dim3A = arith.constant 1.000000e+00 : f32
    %broadcast_in_dim3A_1 = vector.broadcast %broadcast_in_dim3A : f32 to vector<16xf32>
    %swap3A = arith.constant 0 : index
    %swap3A_2 = tpu.vector_load %arg26[%swap3A] {strides = array<i32>} : memref<80xf32, #tpu.memory_space<vmem>>, vector<16xf32>,
    %swap3A_3 = vector.shape_cast %swap3A_2 : vector<16xf32> to vector<16xf32>
    %swap3A_4 = vector.shape_cast %broadcast_in_dim3A_1 : vector<16xf32> to vector<16xf32>
    tpu.vector_store %arg26[%swap3A], %swap3A_4 {strides = array<i32>} : memref<80xf32, #tpu.memory_space<vmem>>, vector<16xf32>,
    %broadcast_in_dim3A_5 = arith.constant 1.000000e+00 : f32
    %broadcast_in_dim3A_6 = vector.broadcast %broadcast_in_dim3A_5 : f32 to vector<16xf32>
    %swap3A_7 = arith.constant 16 : index
    %swap3A_8 = tpu.vector_load %arg26[%swap3A_7] {strides = array<i32>} : memref<80xf32, #tpu.memory_space<vmem>>, vector<16xf32>,
    %swap3A_9 = vector.shape_cast %swap3A_8 : vector<16xf32> to vector<16xf32>
    %swap3A_10 = vector.shape_cast %broadcast_in_dim3A_6 : vector<16xf32> to vector<16xf32>
    tpu.vector_store %arg26[%swap3A_7], %swap3A_10 {strides = array<i32>} : memref<80xf32, #tpu.memory_space<vmem>>, vector<16xf32>,
    %broadcast_in_dim3A_11 = arith.constant 1.000000e+00 : f32
    %broadcast_in_dim3A_12 = vector.broadcast %broadcast_in_dim3A_11 : f32 to vector<16xf32>
    %swap3A_13 = arith.constant 32 : index
    %swap3A_14 = tpu.vector_load %arg26[%swap3A_13] {strides = array<i32>} : memref<80xf32, #tpu.memory_space<vmem>>, vector<16xf32>,
    %swap3A_15 = vector.shape_cast %swap3A_14 : vector<16xf32> to vector<16xf32>
    %swap3A_16 = vector.shape_cast %broadcast_in_dim3A_12 : vector<16xf32> to vector<16xf32>
    tpu.vector_store %arg26[%swap3A_13], %swap3A_16 {strides = array<i32>} : memref<80xf32, #tpu.memory_space<vmem>>, vector<16xf32>,
    %broadcast_in_dim3A_17 = arith.constant 1.000000e+00 : f32
    %broadcast_in_dim3A_18 = vector.broadcast %broadcast_in_dim3A_17 : f32 to vector<16xf32>
    %swap3A_19 = arith.constant 48 : index
    %swap3A_20 = tpu.vector_load %arg26[%swap3A_19] {strides = array<i32>} : memref<80xf32, #tpu.memory_space<vmem>>, vector<16xf32>,
    %swap3A_21 = vector.shape_cast %swap3A_20 : vector<16xf32> to vector<16xf32>
    %swap3A_22 = vector.shape_cast %broadcast_in_dim3A_18 : vector<16xf32> to vector<16xf32>
    tpu.vector_store %arg26[%swap3A_19], %swap3A_22 {strides = array<i32>} : memref<80xf32, #tpu.memory_space<vmem>>, vector<16xf32>,
    %broadcast_in_dim3A_23 = arith.constant 1.000000e+00 : f32
    %broadcast_in_dim3A_24 = vector.broadcast %broadcast_in_dim3A_23 : f32 to vector<16xf32>
    %swap3A_25 = arith.constant 64 : index
    %swap3A_26 = tpu.vector_load %arg26[%swap3A_25] {strides = array<i32>} : memref<80xf32, #tpu.memory_space<vmem>>, vector<16xf32>,
    %swap3A_27 = vector.shape_cast %swap3A_26 : vector<16xf32> to vector<16xf32>
    %swap3A_28 = vector.shape_cast %broadcast_in_dim3A_24 : vector<16xf32> to vector<16xf32>
    tpu.vector_store %arg26[%swap3A_25], %swap3A_28 {strides = array<i32>} : memref<80xf32, #tpu.memory_space<vmem>>, vector<16xf32>,
    %barrier3A = arith.constant 0 : index
    tpu.barrier barrier_id(%barrier3A)
    %mul3A_29 = arith.constant 16 : i32
    %mul3A_30 = arith.muli %arg0, %mul3A_29 : i32
    %add3A = arith.addi %mul3A_30, %arg1 : i32
    %mul3A_31 = arith.constant 10000 : i32
    %mul3A_32 = arith.muli %add3A, %mul3A_31 : i32
    %add3A_33 = arith.constant 0 : i32
    %add3A_34 = arith.addi %mul3A_32, %add3A_33 : i32
    %dma_start3A = tpu.memref_slice %arg3[%add3A_34] : memref<640000xi32, #tpu.memory_space<hbm>> -> memref<80xi32, #tpu.memory_space<hbm>>
    %dma_start3A_35 = tpu.memref_slice %arg3[%add3A_34] : memref<640000xi32, #tpu.memory_space<hbm>> -> memref<80xi32, #tpu.memory_space<hbm>>
    tpu.enqueue_dma source(%dma_start3A_35 : memref<80xi32, #tpu.memory_space<hbm>>) target(%arg10 : memref<80xi32, #tpu.memory_space<vmem>>) target_semaphore(%arg39 : memref<!tpu.dma_semaphore, #tpu.memory_space<semaphore_mem>>)
    %add3A_36 = arith.constant 320000 : i32
    %add3A_37 = arith.addi %add3A_36, %add3A_34 : i32
    %dma_start3A_38 = tpu.memref_slice %arg3[%add3A_37] : memref<640000xi32, #tpu.memory_space<hbm>> -> memref<80xi32, #tpu.memory_space<hbm>>
    %dma_start3A_39 = tpu.memref_slice %arg3[%add3A_37] : memref<640000xi32, #tpu.memory_space<hbm>> -> memref<80xi32, #tpu.memory_space<hbm>>
    tpu.enqueue_dma source(%dma_start3A_39 : memref<80xi32, #tpu.memory_space<hbm>>) target(%arg12 : memref<80xi32, #tpu.memory_space<vmem>>) target_semaphore(%arg39 : memref<!tpu.dma_semaphore, #tpu.memory_space<semaphore_mem>>)
    %add3A_40 = arith.constant 80 : i32
    %add3A_41 = arith.addi %mul3A_32, %add3A_40 : i32
    %dma_start3A_42 = tpu.memref_slice %arg3[%add3A_41] : memref<640000xi32, #tpu.memory_space<hbm>> -> memref<80xi32, #tpu.memory_space<hbm>>
    %dma_start3A_43 = tpu.memref_slice %arg3[%add3A_41] : memref<640000xi32, #tpu.memory_space<hbm>> -> memref<80xi32, #tpu.memory_space<hbm>>
    tpu.enqueue_dma source(%dma_start3A_43 : memref<80xi32, #tpu.memory_space<hbm>>) target(%arg11 : memref<80xi32, #tpu.memory_space<vmem>>) target_semaphore(%arg40 : memref<!tpu.dma_semaphore, #tpu.memory_space<semaphore_mem>>)
    %add3A_44 = arith.constant 320000 : i32
    %add3A_45 = arith.addi %add3A_44, %add3A_41 : i32
    %dma_start3A_46 = tpu.memref_slice %arg3[%add3A_45] : memref<640000xi32, #tpu.memory_space<hbm>> -> memref<80xi32, #tpu.memory_space<hbm>>
    %dma_start3A_47 = tpu.memref_slice %arg3[%add3A_45] : memref<640000xi32, #tpu.memory_space<hbm>> -> memref<80xi32, #tpu.memory_space<hbm>>
    tpu.enqueue_dma source(%dma_start3A_47 : memref<80xi32, #tpu.memory_space<hbm>>) target(%arg13 : memref<80xi32, #tpu.memory_space<vmem>>) target_semaphore(%arg40 : memref<!tpu.dma_semaphore, #tpu.memory_space<semaphore_mem>>)
    %add3A_48 = arith.constant 0 : i32
    %add3A_49 = arith.addi %mul3A_32, %add3A_48 : i32
    %dma_wait3A = tpu.memref_slice %arg3[%add3A_49] : memref<640000xi32, #tpu.memory_space<hbm>> -> memref<80xi32, #tpu.memory_space<hbm>>
    %dma_wait3A_50 = tpu.memref_slice %arg3[%add3A_49] : memref<640000xi32, #tpu.memory_space<hbm>> -> memref<80xi32, #tpu.memory_space<hbm>>
    tpu.wait_dma2 semaphore(%arg39 : memref<!tpu.dma_semaphore, #tpu.memory_space<semaphore_mem>>) src(%dma_wait3A_50 : memref<80xi32, #tpu.memory_space<hbm>>) dst(%arg10 : memref<80xi32, #tpu.memory_space<vmem>>)
    %add3A_51 = arith.constant 320000 : i32
    %add3A_52 = arith.addi %add3A_51, %add3A_49 : i32
    %dma_wait3A_53 = tpu.memref_slice %arg3[%add3A_52] : memref<640000xi32, #tpu.memory_space<hbm>> -> memref<80xi32, #tpu.memory_space<hbm>>
    %dma_wait3A_54 = tpu.memref_slice %arg3[%add3A_52] : memref<640000xi32, #tpu.memory_space<hbm>> -> memref<80xi32, #tpu.memory_space<hbm>>
    tpu.wait_dma2 semaphore(%arg39 : memref<!tpu.dma_semaphore, #tpu.memory_space<semaphore_mem>>) src(%dma_wait3A_54 : memref<80xi32, #tpu.memory_space<hbm>>) dst(%arg12 : memref<80xi32, #tpu.memory_space<vmem>>)
    %get3A = arith.constant 0 : index
    %get3A_55 = tpu.vector_load %arg10[%get3A] {strides = array<i32>} : memref<80xi32, #tpu.memory_space<vmem>>, vector<16xi32>,
    %get3A_56 = vector.shape_cast %get3A_55 : vector<16xi32> to vector<16xi32>
    %swap3A_57 = arith.constant 0 : index
    %swap3A_58 = tpu.vector_load %arg14[%swap3A_57] {strides = array<i32>} : memref<80xi32, #tpu.memory_space<vmem>>, vector<16xi32>,
    %swap3A_59 = vector.shape_cast %swap3A_58 : vector<16xi32> to vector<16xi32>
    %swap3A_60 = vector.shape_cast %get3A_56 : vector<16xi32> to vector<16xi32>
    tpu.vector_store %arg14[%swap3A_57], %swap3A_60 {strides = array<i32>} : memref<80xi32, #tpu.memory_space<vmem>>, vector<16xi32>,
    %get3A_61 = arith.constant 0 : index
    %get3A_62 = tpu.vector_load %arg12[%get3A_61] {strides = array<i32>} : memref<80xi32, #tpu.memory_space<vmem>>, vector<16xi32>,
    %get3A_63 = vector.shape_cast %get3A_62 : vector<16xi32> to vector<16xi32>
    %swap3A_64 = arith.constant 0 : index
    %swap3A_65 = tpu.vector_load %arg18[%swap3A_64] {strides = array<i32>} : memref<80xi32, #tpu.memory_space<vmem>>, vector<16xi32>,
    %swap3A_66 = vector.shape_cast %swap3A_65 : vector<16xi32> to vector<16xi32>
    %swap3A_67 = vector.shape_cast %get3A_63 : vector<16xi32> to vector<16xi32>
    tpu.vector_store %arg18[%swap3A_64], %swap3A_67 {strides = array<i32>} : memref<80xi32, #tpu.memory_space<vmem>>, vector<16xi32>,
    %get3A_68 = arith.constant 16 : index
    %get3A_69 = tpu.vector_load %arg10[%get3A_68] {strides = array<i32>} : memref<80xi32, #tpu.memory_space<vmem>>, vector<16xi32>,
    %get3A_70 = vector.shape_cast %get3A_69 : vector<16xi32> to vector<16xi32>
    %swap3A_71 = arith.constant 16 : index
    %swap3A_72 = tpu.vector_load %arg14[%swap3A_71] {strides = array<i32>} : memref<80xi32, #tpu.memory_space<vmem>>, vector<16xi32>,
    %swap3A_73 = vector.shape_cast %swap3A_72 : vector<16xi32> to vector<16xi32>
    %swap3A_74 = vector.shape_cast %get3A_70 : vector<16xi32> to vector<16xi32>
    tpu.vector_store %arg14[%swap3A_71], %swap3A_74 {strides = array<i32>} : memref<80xi32, #tpu.memory_space<vmem>>, vector<16xi32>,
    %get3A_75 = arith.constant 16 : index
    %get3A_76 = tpu.vector_load %arg12[%get3A_75] {strides = array<i32>} : memref<80xi32, #tpu.memory_space<vmem>>, vector<16xi32>,
    %get3A_77 = vector.shape_cast %get3A_76 : vector<16xi32> to vector<16xi32>
    %swap3A_78 = arith.constant 16 : index
    %swap3A_79 = tpu.vector_load %arg18[%swap3A_78] {strides = array<i32>} : memref<80xi32, #tpu.memory_space<vmem>>, vector<16xi32>,
    %swap3A_80 = vector.shape_cast %swap3A_79 : vector<16xi32> to vector<16xi32>
    %swap3A_81 = vector.shape_cast %get3A_77 : vector<16xi32> to vector<16xi32>
    tpu.vector_store %arg18[%swap3A_78], %swap3A_81 {strides = array<i32>} : memref<80xi32, #tpu.memory_space<vmem>>, vector<16xi32>,
    %get3A_82 = arith.constant 32 : index
    %get3A_83 = tpu.vector_load %arg10[%get3A_82] {strides = array<i32>} : memref<80xi32, #tpu.memory_space<vmem>>, vector<16xi32>,
    %get3A_84 = vector.shape_cast %get3A_83 : vector<16xi32> to vector<16xi32>
    %swap3A_85 = arith.constant 32 : index
    %swap3A_86 = tpu.vector_load %arg14[%swap3A_85] {strides = array<i32>} : memref<80xi32, #tpu.memory_space<vmem>>, vector<16xi32>,
    %swap3A_87 = vector.shape_cast %swap3A_86 : vector<16xi32> to vector<16xi32>
    %swap3A_88 = vector.shape_cast %get3A_84 : vector<16xi32> to vector<16xi32>
    tpu.vector_store %arg14[%swap3A_85], %swap3A_88 {strides = array<i32>} : memref<80xi32, #tpu.memory_space<vmem>>, vector<16xi32>,
    %get3A_89 = arith.constant 32 : index
    %get3A_90 = tpu.vector_load %arg12[%get3A_89] {strides = array<i32>} : memref<80xi32, #tpu.memory_space<vmem>>, vector<16xi32>,
    %get3A_91 = vector.shape_cast %get3A_90 : vector<16xi32> to vector<16xi32>
    %swap3A_92 = arith.constant 32 : index
    %swap3A_93 = tpu.vector_load %arg18[%swap3A_92] {strides = array<i32>} : memref<80xi32, #tpu.memory_space<vmem>>, vector<16xi32>,
    %swap3A_94 = vector.shape_cast %swap3A_93 : vector<16xi32> to vector<16xi32>
    %swap3A_95 = vector.shape_cast %get3A_91 : vector<16xi32> to vector<16xi32>
    tpu.vector_store %arg18[%swap3A_92], %swap3A_95 {strides = array<i32>} : memref<80xi32, #tpu.memory_space<vmem>>, vector<16xi32>,
    %get3A_96 = arith.constant 48 : index
    %get3A_97 = tpu.vector_load %arg10[%get3A_96] {strides = array<i32>} : memref<80xi32, #tpu.memory_space<vmem>>, vector<16xi32>,
    %get3A_98 = vector.shape_cast %get3A_97 : vector<16xi32> to vector<16xi32>
    %swap3A_99 = arith.constant 48 : index
    %swap3A_100 = tpu.vector_load %arg14[%swap3A_99] {strides = array<i32>} : memref<80xi32, #tpu.memory_space<vmem>>, vector<16xi32>,
    %swap3A_101 = vector.shape_cast %swap3A_100 : vector<16xi32> to vector<16xi32>
    %swap3A_102 = vector.shape_cast %get3A_98 : vector<16xi32> to vector<16xi32>
    tpu.vector_store %arg14[%swap3A_99], %swap3A_102 {strides = array<i32>} : memref<80xi32, #tpu.memory_space<vmem>>, vector<16xi32>,
    %get3A_103 = arith.constant 48 : index
    %get3A_104 = tpu.vector_load %arg12[%get3A_103] {strides = array<i32>} : memref<80xi32, #tpu.memory_space<vmem>>, vector<16xi32>,
    %get3A_105 = vector.shape_cast %get3A_104 : vector<16xi32> to vector<16xi32>
    %swap3A_106 = arith.constant 48 : index
    %swap3A_107 = tpu.vector_load %arg18[%swap3A_106] {strides = array<i32>} : memref<80xi32, #tpu.memory_space<vmem>>, vector<16xi32>,
    %swap3A_108 = vector.shape_cast %swap3A_107 : vector<16xi32> to vector<16xi32>
    %swap3A_109 = vector.shape_cast %get3A_105 : vector<16xi32> to vector<16xi32>
    tpu.vector_store %arg18[%swap3A_106], %swap3A_109 {strides = array<i32>} : memref<80xi32, #tpu.memory_space<vmem>>, vector<16xi32>,
    %get3A_110 = arith.constant 64 : index
    %get3A_111 = tpu.vector_load %arg10[%get3A_110] {strides = array<i32>} : memref<80xi32, #tpu.memory_space<vmem>>, vector<16xi32>,
    %get3A_112 = vector.shape_cast %get3A_111 : vector<16xi32> to vector<16xi32>
    %swap3A_113 = arith.constant 64 : index
    %swap3A_114 = tpu.vector_load %arg14[%swap3A_113] {strides = array<i32>} : memref<80xi32, #tpu.memory_space<vmem>>, vector<16xi32>,
    %swap3A_115 = vector.shape_cast %swap3A_114 : vector<16xi32> to vector<16xi32>
    %swap3A_116 = vector.shape_cast %get3A_112 : vector<16xi32> to vector<16xi32>
    tpu.vector_store %arg14[%swap3A_113], %swap3A_116 {strides = array<i32>} : memref<80xi32, #tpu.memory_space<vmem>>, vector<16xi32>,
    %get3A_117 = arith.constant 64 : index
    %get3A_118 = tpu.vector_load %arg12[%get3A_117] {strides = array<i32>} : memref<80xi32, #tpu.memory_space<vmem>>, vector<16xi32>,
    %get3A_119 = vector.shape_cast %get3A_118 : vector<16xi32> to vector<16xi32>
    %swap3A_120 = arith.constant 64 : index
    %swap3A_121 = tpu.vector_load %arg18[%swap3A_120] {strides = array<i32>} : memref<80xi32, #tpu.memory_space<vmem>>, vector<16xi32>,
    %swap3A_122 = vector.shape_cast %swap3A_121 : vector<16xi32> to vector<16xi32>
    %swap3A_123 = vector.shape_cast %get3A_119 : vector<16xi32> to vector<16xi32>
    tpu.vector_store %arg18[%swap3A_120], %swap3A_123 {strides = array<i32>} : memref<80xi32, #tpu.memory_space<vmem>>, vector<16xi32>,
    %dma_start3A_124 = arith.constant 0 : i32
    %dma_start3A_125 = arith.constant 0 : i32
    %dma_start3A_126 = tpu.memref_slice %arg2[%dma_start3A_124, %dma_start3A_125] : memref<10000x128xf32, #tpu.memory_space<hbm>> -> memref<10000x128xf32, #tpu.memory_space<hbm>>
    tpu.enqueue_indirect_dma source(%dma_start3A_126 : memref<10000x128xf32, #tpu.memory_space<hbm>>) target(%arg22 : memref<80x128xf32, #tpu.memory_space<vmem>>) offsets(%arg14 : memref<80xi32, #tpu.memory_space<vmem>>) semaphore(%arg31 : memref<!tpu.dma_semaphore, #tpu.memory_space<semaphore_mem>>)
    %add3A_127 = arith.constant 160 : i32
    %add3A_128 = arith.addi %mul3A_32, %add3A_127 : i32
    %dma_start3A_129 = tpu.memref_slice %arg3[%add3A_128] : memref<640000xi32, #tpu.memory_space<hbm>> -> memref<80xi32, #tpu.memory_space<hbm>>
    %dma_start3A_130 = tpu.memref_slice %arg3[%add3A_128] : memref<640000xi32, #tpu.memory_space<hbm>> -> memref<80xi32, #tpu.memory_space<hbm>>
    tpu.enqueue_dma source(%dma_start3A_130 : memref<80xi32, #tpu.memory_space<hbm>>) target(%arg10 : memref<80xi32, #tpu.memory_space<vmem>>) target_semaphore(%arg39 : memref<!tpu.dma_semaphore, #tpu.memory_space<semaphore_mem>>)
    %add3A_131 = arith.constant 320000 : i32
    %add3A_132 = arith.addi %add3A_131, %add3A_128 : i32
    %dma_start3A_133 = tpu.memref_slice %arg3[%add3A_132] : memref<640000xi32, #tpu.memory_space<hbm>> -> memref<80xi32, #tpu.memory_space<hbm>>
    %dma_start3A_134 = tpu.memref_slice %arg3[%add3A_132] : memref<640000xi32, #tpu.memory_space<hbm>> -> memref<80xi32, #tpu.memory_space<hbm>>
    tpu.enqueue_dma source(%dma_start3A_134 : memref<80xi32, #tpu.memory_space<hbm>>) target(%arg12 : memref<80xi32, #tpu.memory_space<vmem>>) target_semaphore(%arg39 : memref<!tpu.dma_semaphore, #tpu.memory_space<semaphore_mem>>)
    %add3A_135 = arith.constant 80 : i32
    %add3A_136 = arith.addi %mul3A_32, %add3A_135 : i32
    %dma_wait3A_137 = tpu.memref_slice %arg3[%add3A_136] : memref<640000xi32, #tpu.memory_space<hbm>> -> memref<80xi32, #tpu.memory_space<hbm>>
    %dma_wait3A_138 = tpu.memref_slice %arg3[%add3A_136] : memref<640000xi32, #tpu.memory_space<hbm>> -> memref<80xi32, #tpu.memory_space<hbm>>
    tpu.wait_dma2 semaphore(%arg40 : memref<!tpu.dma_semaphore, #tpu.memory_space<semaphore_mem>>) src(%dma_wait3A_138 : memref<80xi32, #tpu.memory_space<hbm>>) dst(%arg11 : memref<80xi32, #tpu.memory_space<vmem>>)
    %add3A_139 = arith.constant 320000 : i32
    %add3A_140 = arith.addi %add3A_139, %add3A_136 : i32
    %dma_wait3A_141 = tpu.memref_slice %arg3[%add3A_140] : memref<640000xi32, #tpu.memory_space<hbm>> -> memref<80xi32, #tpu.memory_space<hbm>>
    %dma_wait3A_142 = tpu.memref_slice %arg3[%add3A_140] : memref<640000xi32, #tpu.memory_space<hbm>> -> memref<80xi32, #tpu.memory_space<hbm>>
    tpu.wait_dma2 semaphore(%arg40 : memref<!tpu.dma_semaphore, #tpu.memory_space<semaphore_mem>>) src(%dma_wait3A_142 : memref<80xi32, #tpu.memory_space<hbm>>) dst(%arg13 : memref<80xi32, #tpu.memory_space<vmem>>)
    %get3A_143 = arith.constant 0 : index
    %get3A_144 = tpu.vector_load %arg11[%get3A_143] {strides = array<i32>} : memref<80xi32, #tpu.memory_space<vmem>>, vector<16xi32>,
    %get3A_145 = vector.shape_cast %get3A_144 : vector<16xi32> to vector<16xi32>
    %swap3A_146 = arith.constant 0 : index
    %swap3A_147 = tpu.vector_load %arg15[%swap3A_146] {strides = array<i32>} : memref<80xi32, #tpu.memory_space<vmem>>, vector<16xi32>,
    %swap3A_148 = vector.shape_cast %swap3A_147 : vector<16xi32> to vector<16xi32>
    %swap3A_149 = vector.shape_cast %get3A_145 : vector<16xi32> to vector<16xi32>
    tpu.vector_store %arg15[%swap3A_146], %swap3A_149 {strides = array<i32>} : memref<80xi32, #tpu.memory_space<vmem>>, vector<16xi32>,
    %get3A_150 = arith.constant 0 : index
    %get3A_151 = tpu.vector_load %arg13[%get3A_150] {strides = array<i32>} : memref<80xi32, #tpu.memory_space<vmem>>, vector<16xi32>,
    %get3A_152 = vector.shape_cast %get3A_151 : vector<16xi32> to vector<16xi32>
    %swap3A_153 = arith.constant 0 : index
    %swap3A_154 = tpu.vector_load %arg19[%swap3A_153] {strides = array<i32>} : memref<80xi32, #tpu.memory_space<vmem>>, vector<16xi32>,
    %swap3A_155 = vector.shape_cast %swap3A_154 : vector<16xi32> to vector<16xi32>
    %swap3A_156 = vector.shape_cast %get3A_152 : vector<16xi32> to vector<16xi32>
    tpu.vector_store %arg19[%swap3A_153], %swap3A_156 {strides = array<i32>} : memref<80xi32, #tpu.memory_space<vmem>>, vector<16xi32>,
    %get3A_157 = arith.constant 16 : index
    %get3A_158 = tpu.vector_load %arg11[%get3A_157] {strides = array<i32>} : memref<80xi32, #tpu.memory_space<vmem>>, vector<16xi32>,
    %get3A_159 = vector.shape_cast %get3A_158 : vector<16xi32> to vector<16xi32>
    %swap3A_160 = arith.constant 16 : index
    %swap3A_161 = tpu.vector_load %arg15[%swap3A_160] {strides = array<i32>} : memref<80xi32, #tpu.memory_space<vmem>>, vector<16xi32>,
    %swap3A_162 = vector.shape_cast %swap3A_161 : vector<16xi32> to vector<16xi32>
    %swap3A_163 = vector.shape_cast %get3A_159 : vector<16xi32> to vector<16xi32>
    tpu.vector_store %arg15[%swap3A_160], %swap3A_163 {strides = array<i32>} : memref<80xi32, #tpu.memory_space<vmem>>, vector<16xi32>,
    %get3A_164 = arith.constant 16 : index
    %get3A_165 = tpu.vector_load %arg13[%get3A_164] {strides = array<i32>} : memref<80xi32, #tpu.memory_space<vmem>>, vector<16xi32>,
    %get3A_166 = vector.shape_cast %get3A_165 : vector<16xi32> to vector<16xi32>
    %swap3A_167 = arith.constant 16 : index
    %swap3A_168 = tpu.vector_load %arg19[%swap3A_167] {strides = array<i32>} : memref<80xi32, #tpu.memory_space<vmem>>, vector<16xi32>,
    %swap3A_169 = vector.shape_cast %swap3A_168 : vector<16xi32> to vector<16xi32>
    %swap3A_170 = vector.shape_cast %get3A_166 : vector<16xi32> to vector<16xi32>
    tpu.vector_store %arg19[%swap3A_167], %swap3A_170 {strides = array<i32>} : memref<80xi32, #tpu.memory_space<vmem>>, vector<16xi32>,
    %get3A_171 = arith.constant 32 : index
    %get3A_172 = tpu.vector_load %arg11[%get3A_171] {strides = array<i32>} : memref<80xi32, #tpu.memory_space<vmem>>, vector<16xi32>,
    %get3A_173 = vector.shape_cast %get3A_172 : vector<16xi32> to vector<16xi32>
    %swap3A_174 = arith.constant 32 : index
    %swap3A_175 = tpu.vector_load %arg15[%swap3A_174] {strides = array<i32>} : memref<80xi32, #tpu.memory_space<vmem>>, vector<16xi32>,
    %swap3A_176 = vector.shape_cast %swap3A_175 : vector<16xi32> to vector<16xi32>
    %swap3A_177 = vector.shape_cast %get3A_173 : vector<16xi32> to vector<16xi32>
    tpu.vector_store %arg15[%swap3A_174], %swap3A_177 {strides = array<i32>} : memref<80xi32, #tpu.memory_space<vmem>>, vector<16xi32>,
    %get3A_178 = arith.constant 32 : index
    %get3A_179 = tpu.vector_load %arg13[%get3A_178] {strides = array<i32>} : memref<80xi32, #tpu.memory_space<vmem>>, vector<16xi32>,
    %get3A_180 = vector.shape_cast %get3A_179 : vector<16xi32> to vector<16xi32>
    %swap3A_181 = arith.constant 32 : index
    %swap3A_182 = tpu.vector_load %arg19[%swap3A_181] {strides = array<i32>} : memref<80xi32, #tpu.memory_space<vmem>>, vector<16xi32>,
    %swap3A_183 = vector.shape_cast %swap3A_182 : vector<16xi32> to vector<16xi32>
    %swap3A_184 = vector.shape_cast %get3A_180 : vector<16xi32> to vector<16xi32>
    tpu.vector_store %arg19[%swap3A_181], %swap3A_184 {strides = array<i32>} : memref<80xi32, #tpu.memory_space<vmem>>, vector<16xi32>,
    %get3A_185 = arith.constant 48 : index
    %get3A_186 = tpu.vector_load %arg11[%get3A_185] {strides = array<i32>} : memref<80xi32, #tpu.memory_space<vmem>>, vector<16xi32>,
    %get3A_187 = vector.shape_cast %get3A_186 : vector<16xi32> to vector<16xi32>
    %swap3A_188 = arith.constant 48 : index
    %swap3A_189 = tpu.vector_load %arg15[%swap3A_188] {strides = array<i32>} : memref<80xi32, #tpu.memory_space<vmem>>, vector<16xi32>,
    %swap3A_190 = vector.shape_cast %swap3A_189 : vector<16xi32> to vector<16xi32>
    %swap3A_191 = vector.shape_cast %get3A_187 : vector<16xi32> to vector<16xi32>
    tpu.vector_store %arg15[%swap3A_188], %swap3A_191 {strides = array<i32>} : memref<80xi32, #tpu.memory_space<vmem>>, vector<16xi32>,
    %get3A_192 = arith.constant 48 : index
    %get3A_193 = tpu.vector_load %arg13[%get3A_192] {strides = array<i32>} : memref<80xi32, #tpu.memory_space<vmem>>, vector<16xi32>,
    %get3A_194 = vector.shape_cast %get3A_193 : vector<16xi32> to vector<16xi32>
    %swap3A_195 = arith.constant 48 : index
    %swap3A_196 = tpu.vector_load %arg19[%swap3A_195] {strides = array<i32>} : memref<80xi32, #tpu.memory_space<vmem>>, vector<16xi32>,
    %swap3A_197 = vector.shape_cast %swap3A_196 : vector<16xi32> to vector<16xi32>
    %swap3A_198 = vector.shape_cast %get3A_194 : vector<16xi32> to vector<16xi32>
    tpu.vector_store %arg19[%swap3A_195], %swap3A_198 {strides = array<i32>} : memref<80xi32, #tpu.memory_space<vmem>>, vector<16xi32>,
    %get3A_199 = arith.constant 64 : index
    %get3A_200 = tpu.vector_load %arg11[%get3A_199] {strides = array<i32>} : memref<80xi32, #tpu.memory_space<vmem>>, vector<16xi32>,
    %get3A_201 = vector.shape_cast %get3A_200 : vector<16xi32> to vector<16xi32>
    %swap3A_202 = arith.constant 64 : index
    %swap3A_203 = tpu.vector_load %arg15[%swap3A_202] {strides = array<i32>} : memref<80xi32, #tpu.memory_space<vmem>>, vector<16xi32>,
    %swap3A_204 = vector.shape_cast %swap3A_203 : vector<16xi32> to vector<16xi32>
    %swap3A_205 = vector.shape_cast %get3A_201 : vector<16xi32> to vector<16xi32>
    tpu.vector_store %arg15[%swap3A_202], %swap3A_205 {strides = array<i32>} : memref<80xi32, #tpu.memory_space<vmem>>, vector<16xi32>,
    %get3A_206 = arith.constant 64 : index
    %get3A_207 = tpu.vector_load %arg13[%get3A_206] {strides = array<i32>} : memref<80xi32, #tpu.memory_space<vmem>>, vector<16xi32>,
    %get3A_208 = vector.shape_cast %get3A_207 : vector<16xi32> to vector<16xi32>
    %swap3A_209 = arith.constant 64 : index
    %swap3A_210 = tpu.vector_load %arg19[%swap3A_209] {strides = array<i32>} : memref<80xi32, #tpu.memory_space<vmem>>, vector<16xi32>,
    %swap3A_211 = vector.shape_cast %swap3A_210 : vector<16xi32> to vector<16xi32>
    %swap3A_212 = vector.shape_cast %get3A_208 : vector<16xi32> to vector<16xi32>
    tpu.vector_store %arg19[%swap3A_209], %swap3A_212 {strides = array<i32>} : memref<80xi32, #tpu.memory_space<vmem>>, vector<16xi32>,
    %dma_start3A_213 = arith.constant 0 : i32
    %dma_start3A_214 = arith.constant 0 : i32
    %dma_start3A_215 = tpu.memref_slice %arg2[%dma_start3A_213, %dma_start3A_214] : memref<10000x128xf32, #tpu.memory_space<hbm>> -> memref<10000x128xf32, #tpu.memory_space<hbm>>
    tpu.enqueue_indirect_dma source(%dma_start3A_215 : memref<10000x128xf32, #tpu.memory_space<hbm>>) target(%arg23 : memref<80x128xf32, #tpu.memory_space<vmem>>) offsets(%arg15 : memref<80xi32, #tpu.memory_space<vmem>>) semaphore(%arg32 : memref<!tpu.dma_semaphore, #tpu.memory_space<semaphore_mem>>)
    %add3A_216 = arith.constant 240 : i32
    %add3A_217 = arith.addi %mul3A_32, %add3A_216 : i32
    %dma_start3A_218 = tpu.memref_slice %arg3[%add3A_217] : memref<640000xi32, #tpu.memory_space<hbm>> -> memref<80xi32, #tpu.memory_space<hbm>>
    %dma_start3A_219 = tpu.memref_slice %arg3[%add3A_217] : memref<640000xi32, #tpu.memory_space<hbm>> -> memref<80xi32, #tpu.memory_space<hbm>>
    tpu.enqueue_dma source(%dma_start3A_219 : memref<80xi32, #tpu.memory_space<hbm>>) target(%arg11 : memref<80xi32, #tpu.memory_space<vmem>>) target_semaphore(%arg40 : memref<!tpu.dma_semaphore, #tpu.memory_space<semaphore_mem>>)
    %add3A_220 = arith.constant 320000 : i32
    %add3A_221 = arith.addi %add3A_220, %add3A_217 : i32
    %dma_start3A_222 = tpu.memref_slice %arg3[%add3A_221] : memref<640000xi32, #tpu.memory_space<hbm>> -> memref<80xi32, #tpu.memory_space<hbm>>
    %dma_start3A_223 = tpu.memref_slice %arg3[%add3A_221] : memref<640000xi32, #tpu.memory_space<hbm>> -> memref<80xi32, #tpu.memory_space<hbm>>
    tpu.enqueue_dma source(%dma_start3A_223 : memref<80xi32, #tpu.memory_space<hbm>>) target(%arg13 : memref<80xi32, #tpu.memory_space<vmem>>) target_semaphore(%arg40 : memref<!tpu.dma_semaphore, #tpu.memory_space<semaphore_mem>>)
    %add3A_224 = arith.constant 160 : i32
    %add3A_225 = arith.addi %mul3A_32, %add3A_224 : i32
    %dma_wait3A_226 = tpu.memref_slice %arg3[%add3A_225] : memref<640000xi32, #tpu.memory_space<hbm>> -> memref<80xi32, #tpu.memory_space<hbm>>
    %dma_wait3A_227 = tpu.memref_slice %arg3[%add3A_225] : memref<640000xi32, #tpu.memory_space<hbm>> -> memref<80xi32, #tpu.memory_space<hbm>>
    tpu.wait_dma2 semaphore(%arg39 : memref<!tpu.dma_semaphore, #tpu.memory_space<semaphore_mem>>) src(%dma_wait3A_227 : memref<80xi32, #tpu.memory_space<hbm>>) dst(%arg10 : memref<80xi32, #tpu.memory_space<vmem>>)
    %add3A_228 = arith.constant 320000 : i32
    %add3A_229 = arith.addi %add3A_228, %add3A_225 : i32
    %dma_wait3A_230 = tpu.memref_slice %arg3[%add3A_229] : memref<640000xi32, #tpu.memory_space<hbm>> -> memref<80xi32, #tpu.memory_space<hbm>>
    %dma_wait3A_231 = tpu.memref_slice %arg3[%add3A_229] : memref<640000xi32, #tpu.memory_space<hbm>> -> memref<80xi32, #tpu.memory_space<hbm>>
    tpu.wait_dma2 semaphore(%arg39 : memref<!tpu.dma_semaphore, #tpu.memory_space<semaphore_mem>>) src(%dma_wait3A_231 : memref<80xi32, #tpu.memory_space<hbm>>) dst(%arg12 : memref<80xi32, #tpu.memory_space<vmem>>)
    %get3A_232 = arith.constant 0 : index
    %get3A_233 = tpu.vector_load %arg10[%get3A_232] {strides = array<i32>} : memref<80xi32, #tpu.memory_space<vmem>>, vector<16xi32>,
    %get3A_234 = vector.shape_cast %get3A_233 : vector<16xi32> to vector<16xi32>
    %swap3A_235 = arith.constant 0 : index
    %swap3A_236 = tpu.vector_load %arg16[%swap3A_235] {strides = array<i32>} : memref<80xi32, #tpu.memory_space<vmem>>, vector<16xi32>,
    %swap3A_237 = vector.shape_cast %swap3A_236 : vector<16xi32> to vector<16xi32>
    %swap3A_238 = vector.shape_cast %get3A_234 : vector<16xi32> to vector<16xi32>
    tpu.vector_store %arg16[%swap3A_235], %swap3A_238 {strides = array<i32>} : memref<80xi32, #tpu.memory_space<vmem>>, vector<16xi32>,
    %get3A_239 = arith.constant 0 : index
    %get3A_240 = tpu.vector_load %arg12[%get3A_239] {strides = array<i32>} : memref<80xi32, #tpu.memory_space<vmem>>, vector<16xi32>,
    %get3A_241 = vector.shape_cast %get3A_240 : vector<16xi32> to vector<16xi32>
    %swap3A_242 = arith.constant 0 : index
    %swap3A_243 = tpu.vector_load %arg20[%swap3A_242] {strides = array<i32>} : memref<80xi32, #tpu.memory_space<vmem>>, vector<16xi32>,
    %swap3A_244 = vector.shape_cast %swap3A_243 : vector<16xi32> to vector<16xi32>
    %swap3A_245 = vector.shape_cast %get3A_241 : vector<16xi32> to vector<16xi32>
    tpu.vector_store %arg20[%swap3A_242], %swap3A_245 {strides = array<i32>} : memref<80xi32, #tpu.memory_space<vmem>>, vector<16xi32>,
    %get3A_246 = arith.constant 16 : index
    %get3A_247 = tpu.vector_load %arg10[%get3A_246] {strides = array<i32>} : memref<80xi32, #tpu.memory_space<vmem>>, vector<16xi32>,
    %get3A_248 = vector.shape_cast %get3A_247 : vector<16xi32> to vector<16xi32>
    %swap3A_249 = arith.constant 16 : index
    %swap3A_250 = tpu.vector_load %arg16[%swap3A_249] {strides = array<i32>} : memref<80xi32, #tpu.memory_space<vmem>>, vector<16xi32>,
    %swap3A_251 = vector.shape_cast %swap3A_250 : vector<16xi32> to vector<16xi32>
    %swap3A_252 = vector.shape_cast %get3A_248 : vector<16xi32> to vector<16xi32>
    tpu.vector_store %arg16[%swap3A_249], %swap3A_252 {strides = array<i32>} : memref<80xi32, #tpu.memory_space<vmem>>, vector<16xi32>,
    %get3A_253 = arith.constant 16 : index
    %get3A_254 = tpu.vector_load %arg12[%get3A_253] {strides = array<i32>} : memref<80xi32, #tpu.memory_space<vmem>>, vector<16xi32>,
    %get3A_255 = vector.shape_cast %get3A_254 : vector<16xi32> to vector<16xi32>
    %swap3A_256 = arith.constant 16 : index
    %swap3A_257 = tpu.vector_load %arg20[%swap3A_256] {strides = array<i32>} : memref<80xi32, #tpu.memory_space<vmem>>, vector<16xi32>,
    %swap3A_258 = vector.shape_cast %swap3A_257 : vector<16xi32> to vector<16xi32>
    %swap3A_259 = vector.shape_cast %get3A_255 : vector<16xi32> to vector<16xi32>
    tpu.vector_store %arg20[%swap3A_256], %swap3A_259 {strides = array<i32>} : memref<80xi32, #tpu.memory_space<vmem>>, vector<16xi32>,
    %get3A_260 = arith.constant 32 : index
    %get3A_261 = tpu.vector_load %arg10[%get3A_260] {strides = array<i32>} : memref<80xi32, #tpu.memory_space<vmem>>, vector<16xi32>,
    %get3A_262 = vector.shape_cast %get3A_261 : vector<16xi32> to vector<16xi32>
    %swap3A_263 = arith.constant 32 : index
    %swap3A_264 = tpu.vector_load %arg16[%swap3A_263] {strides = array<i32>} : memref<80xi32, #tpu.memory_space<vmem>>, vector<16xi32>,
    %swap3A_265 = vector.shape_cast %swap3A_264 : vector<16xi32> to vector<16xi32>
    %swap3A_266 = vector.shape_cast %get3A_262 : vector<16xi32> to vector<16xi32>
    tpu.vector_store %arg16[%swap3A_263], %swap3A_266 {strides = array<i32>} : memref<80xi32, #tpu.memory_space<vmem>>, vector<16xi32>,
    %get3A_267 = arith.constant 32 : index
    %get3A_268 = tpu.vector_load %arg12[%get3A_267] {strides = array<i32>} : memref<80xi32, #tpu.memory_space<vmem>>, vector<16xi32>,
    %get3A_269 = vector.shape_cast %get3A_268 : vector<16xi32> to vector<16xi32>
    %swap3A_270 = arith.constant 32 : index
    %swap3A_271 = tpu.vector_load %arg20[%swap3A_270] {strides = array<i32>} : memref<80xi32, #tpu.memory_space<vmem>>, vector<16xi32>,
    %swap3A_272 = vector.shape_cast %swap3A_271 : vector<16xi32> to vector<16xi32>
    %swap3A_273 = vector.shape_cast %get3A_269 : vector<16xi32> to vector<16xi32>
    tpu.vector_store %arg20[%swap3A_270], %swap3A_273 {strides = array<i32>} : memref<80xi32, #tpu.memory_space<vmem>>, vector<16xi32>,
    %get3A_274 = arith.constant 48 : index
    %get3A_275 = tpu.vector_load %arg10[%get3A_274] {strides = array<i32>} : memref<80xi32, #tpu.memory_space<vmem>>, vector<16xi32>,
    %get3A_276 = vector.shape_cast %get3A_275 : vector<16xi32> to vector<16xi32>
    %swap3A_277 = arith.constant 48 : index
    %swap3A_278 = tpu.vector_load %arg16[%swap3A_277] {strides = array<i32>} : memref<80xi32, #tpu.memory_space<vmem>>, vector<16xi32>,
    %swap3A_279 = vector.shape_cast %swap3A_278 : vector<16xi32> to vector<16xi32>
    %swap3A_280 = vector.shape_cast %get3A_276 : vector<16xi32> to vector<16xi32>
    tpu.vector_store %arg16[%swap3A_277], %swap3A_280 {strides = array<i32>} : memref<80xi32, #tpu.memory_space<vmem>>, vector<16xi32>,
    %get3A_281 = arith.constant 48 : index
    %get3A_282 = tpu.vector_load %arg12[%get3A_281] {strides = array<i32>} : memref<80xi32, #tpu.memory_space<vmem>>, vector<16xi32>,
    %get3A_283 = vector.shape_cast %get3A_282 : vector<16xi32> to vector<16xi32>
    %swap3A_284 = arith.constant 48 : index
    %swap3A_285 = tpu.vector_load %arg20[%swap3A_284] {strides = array<i32>} : memref<80xi32, #tpu.memory_space<vmem>>, vector<16xi32>,
    %swap3A_286 = vector.shape_cast %swap3A_285 : vector<16xi32> to vector<16xi32>
    %swap3A_287 = vector.shape_cast %get3A_283 : vector<16xi32> to vector<16xi32>
    tpu.vector_store %arg20[%swap3A_284], %swap3A_287 {strides = array<i32>} : memref<80xi32, #tpu.memory_space<vmem>>, vector<16xi32>,
    %get3A_288 = arith.constant 64 : index
    %get3A_289 = tpu.vector_load %arg10[%get3A_288] {strides = array<i32>} : memref<80xi32, #tpu.memory_space<vmem>>, vector<16xi32>,
    %get3A_290 = vector.shape_cast %get3A_289 : vector<16xi32> to vector<16xi32>
    %swap3A_291 = arith.constant 64 : index
    %swap3A_292 = tpu.vector_load %arg16[%swap3A_291] {strides = array<i32>} : memref<80xi32, #tpu.memory_space<vmem>>, vector<16xi32>,
    %swap3A_293 = vector.shape_cast %swap3A_292 : vector<16xi32> to vector<16xi32>
    %swap3A_294 = vector.shape_cast %get3A_290 : vector<16xi32> to vector<16xi32>
    tpu.vector_store %arg16[%swap3A_291], %swap3A_294 {strides = array<i32>} : memref<80xi32, #tpu.memory_space<vmem>>, vector<16xi32>,
    %get3A_295 = arith.constant 64 : index
    %get3A_296 = tpu.vector_load %arg12[%get3A_295] {strides = array<i32>} : memref<80xi32, #tpu.memory_space<vmem>>, vector<16xi32>,
    %get3A_297 = vector.shape_cast %get3A_296 : vector<16xi32> to vector<16xi32>
    %swap3A_298 = arith.constant 64 : index
    %swap3A_299 = tpu.vector_load %arg20[%swap3A_298] {strides = array<i32>} : memref<80xi32, #tpu.memory_space<vmem>>, vector<16xi32>,
    %swap3A_300 = vector.shape_cast %swap3A_299 : vector<16xi32> to vector<16xi32>
    %swap3A_301 = vector.shape_cast %get3A_297 : vector<16xi32> to vector<16xi32>
    tpu.vector_store %arg20[%swap3A_298], %swap3A_301 {strides = array<i32>} : memref<80xi32, #tpu.memory_space<vmem>>, vector<16xi32>,
    %dma_start3A_302 = arith.constant 0 : i32
    %dma_start3A_303 = arith.constant 0 : i32
    %dma_start3A_304 = tpu.memref_slice %arg2[%dma_start3A_302, %dma_start3A_303] : memref<10000x128xf32, #tpu.memory_space<hbm>> -> memref<10000x128xf32, #tpu.memory_space<hbm>>
    tpu.enqueue_indirect_dma source(%dma_start3A_304 : memref<10000x128xf32, #tpu.memory_space<hbm>>) target(%arg24 : memref<80x128xf32, #tpu.memory_space<vmem>>) offsets(%arg16 : memref<80xi32, #tpu.memory_space<vmem>>) semaphore(%arg33 : memref<!tpu.dma_semaphore, #tpu.memory_space<semaphore_mem>>)
    %dma_wait3A_305 = arith.constant 0 : i32
    %dma_wait3A_306 = arith.constant 0 : i32
    %dma_wait3A_307 = tpu.memref_slice %arg2[%dma_wait3A_305, %dma_wait3A_306] : memref<10000x128xf32, #tpu.memory_space<hbm>> -> memref<10000x128xf32, #tpu.memory_space<hbm>>
    tpu.wait_indirect_dma semaphore(%arg31 : memref<!tpu.dma_semaphore, #tpu.memory_space<semaphore_mem>>) src(%dma_wait3A_307 : memref<10000x128xf32, #tpu.memory_space<hbm>>) dst(%arg22 : memref<80x128xf32, #tpu.memory_space<vmem>>)
    %dma_start3A_308 = arith.constant 0 : i32
    %dma_start3A_309 = arith.constant 0 : i32
    %dma_start3A_310 = tpu.memref_slice %arg8[%dma_start3A_308, %dma_start3A_309] : memref<10240x128xf32, #tpu.memory_space<vmem_shared>> -> memref<10240x128xf32, #tpu.memory_space<vmem_shared>>
    tpu.enqueue_indirect_dma source(%arg22 : memref<80x128xf32, #tpu.memory_space<vmem>>) target(%dma_start3A_310 : memref<10240x128xf32, #tpu.memory_space<vmem_shared>>) offsets(%arg18 : memref<80xi32, #tpu.memory_space<vmem>>) semaphore(%arg35 : memref<!tpu.dma_semaphore, #tpu.memory_space<semaphore_mem>>) {add = true}
    %dma_start3A_311 = arith.constant 0 : i32
    %dma_start3A_312 = tpu.memref_slice %arg9[%dma_start3A_311] : memref<10240xf32, #tpu.memory_space<vmem_shared>> -> memref<10240xf32, #tpu.memory_space<vmem_shared>>
    tpu.enqueue_indirect_dma source(%arg26 : memref<80xf32, #tpu.memory_space<vmem>>) target(%dma_start3A_312 : memref<10240xf32, #tpu.memory_space<vmem_shared>>) offsets(%arg18 : memref<80xi32, #tpu.memory_space<vmem>>) semaphore(%arg35 : memref<!tpu.dma_semaphore, #tpu.memory_space<semaphore_mem>>) {add = true}
    %add3A_313 = arith.constant 240 : i32
    %add3A_314 = arith.addi %mul3A_32, %add3A_313 : i32
    %dma_wait3A_315 = tpu.memref_slice %arg3[%add3A_314] : memref<640000xi32, #tpu.memory_space<hbm>> -> memref<80xi32, #tpu.memory_space<hbm>>
    %dma_wait3A_316 = tpu.memref_slice %arg3[%add3A_314] : memref<640000xi32, #tpu.memory_space<hbm>> -> memref<80xi32, #tpu.memory_space<hbm>>
    tpu.wait_dma2 semaphore(%arg40 : memref<!tpu.dma_semaphore, #tpu.memory_space<semaphore_mem>>) src(%dma_wait3A_316 : memref<80xi32, #tpu.memory_space<hbm>>) dst(%arg11 : memref<80xi32, #tpu.memory_space<vmem>>)
    %add3A_317 = arith.constant 320000 : i32
    %add3A_318 = arith.addi %add3A_317, %add3A_314 : i32
    %dma_wait3A_319 = tpu.memref_slice %arg3[%add3A_318] : memref<640000xi32, #tpu.memory_space<hbm>> -> memref<80xi32, #tpu.memory_space<hbm>>
    %dma_wait3A_320 = tpu.memref_slice %arg3[%add3A_318] : memref<640000xi32, #tpu.memory_space<hbm>> -> memref<80xi32, #tpu.memory_space<hbm>>
    tpu.wait_dma2 semaphore(%arg40 : memref<!tpu.dma_semaphore, #tpu.memory_space<semaphore_mem>>) src(%dma_wait3A_320 : memref<80xi32, #tpu.memory_space<hbm>>) dst(%arg13 : memref<80xi32, #tpu.memory_space<vmem>>)
    %get3A_321 = arith.constant 0 : index
    %get3A_322 = tpu.vector_load %arg11[%get3A_321] {strides = array<i32>} : memref<80xi32, #tpu.memory_space<vmem>>, vector<16xi32>,
    %get3A_323 = vector.shape_cast %get3A_322 : vector<16xi32> to vector<16xi32>
    %swap3A_324 = arith.constant 0 : index
    %swap3A_325 = tpu.vector_load %arg17[%swap3A_324] {strides = array<i32>} : memref<80xi32, #tpu.memory_space<vmem>>, vector<16xi32>,
    %swap3A_326 = vector.shape_cast %swap3A_325 : vector<16xi32> to vector<16xi32>
    %swap3A_327 = vector.shape_cast %get3A_323 : vector<16xi32> to vector<16xi32>
    tpu.vector_store %arg17[%swap3A_324], %swap3A_327 {strides = array<i32>} : memref<80xi32, #tpu.memory_space<vmem>>, vector<16xi32>,
    %get3A_328 = arith.constant 0 : index
    %get3A_329 = tpu.vector_load %arg13[%get3A_328] {strides = array<i32>} : memref<80xi32, #tpu.memory_space<vmem>>, vector<16xi32>,
    %get3A_330 = vector.shape_cast %get3A_329 : vector<16xi32> to vector<16xi32>
    %swap3A_331 = arith.constant 0 : index
    %swap3A_332 = tpu.vector_load %arg21[%swap3A_331] {strides = array<i32>} : memref<80xi32, #tpu.memory_space<vmem>>, vector<16xi32>,
    %swap3A_333 = vector.shape_cast %swap3A_332 : vector<16xi32> to vector<16xi32>
    %swap3A_334 = vector.shape_cast %get3A_330 : vector<16xi32> to vector<16xi32>
    tpu.vector_store %arg21[%swap3A_331], %swap3A_334 {strides = array<i32>} : memref<80xi32, #tpu.memory_space<vmem>>, vector<16xi32>,
    %get3A_335 = arith.constant 16 : index
    %get3A_336 = tpu.vector_load %arg11[%get3A_335] {strides = array<i32>} : memref<80xi32, #tpu.memory_space<vmem>>, vector<16xi32>,
    %get3A_337 = vector.shape_cast %get3A_336 : vector<16xi32> to vector<16xi32>
    %swap3A_338 = arith.constant 16 : index
    %swap3A_339 = tpu.vector_load %arg17[%swap3A_338] {strides = array<i32>} : memref<80xi32, #tpu.memory_space<vmem>>, vector<16xi32>,
    %swap3A_340 = vector.shape_cast %swap3A_339 : vector<16xi32> to vector<16xi32>
    %swap3A_341 = vector.shape_cast %get3A_337 : vector<16xi32> to vector<16xi32>
    tpu.vector_store %arg17[%swap3A_338], %swap3A_341 {strides = array<i32>} : memref<80xi32, #tpu.memory_space<vmem>>, vector<16xi32>,
    %get3A_342 = arith.constant 16 : index
    %get3A_343 = tpu.vector_load %arg13[%get3A_342] {strides = array<i32>} : memref<80xi32, #tpu.memory_space<vmem>>, vector<16xi32>,
    %get3A_344 = vector.shape_cast %get3A_343 : vector<16xi32> to vector<16xi32>
    %swap3A_345 = arith.constant 16 : index
    %swap3A_346 = tpu.vector_load %arg21[%swap3A_345] {strides = array<i32>} : memref<80xi32, #tpu.memory_space<vmem>>, vector<16xi32>,
    %swap3A_347 = vector.shape_cast %swap3A_346 : vector<16xi32> to vector<16xi32>
    %swap3A_348 = vector.shape_cast %get3A_344 : vector<16xi32> to vector<16xi32>
    tpu.vector_store %arg21[%swap3A_345], %swap3A_348 {strides = array<i32>} : memref<80xi32, #tpu.memory_space<vmem>>, vector<16xi32>,
    %get3A_349 = arith.constant 32 : index
    %get3A_350 = tpu.vector_load %arg11[%get3A_349] {strides = array<i32>} : memref<80xi32, #tpu.memory_space<vmem>>, vector<16xi32>,
    %get3A_351 = vector.shape_cast %get3A_350 : vector<16xi32> to vector<16xi32>
    %swap3A_352 = arith.constant 32 : index
    %swap3A_353 = tpu.vector_load %arg17[%swap3A_352] {strides = array<i32>} : memref<80xi32, #tpu.memory_space<vmem>>, vector<16xi32>,
    %swap3A_354 = vector.shape_cast %swap3A_353 : vector<16xi32> to vector<16xi32>
    %swap3A_355 = vector.shape_cast %get3A_351 : vector<16xi32> to vector<16xi32>
    tpu.vector_store %arg17[%swap3A_352], %swap3A_355 {strides = array<i32>} : memref<80xi32, #tpu.memory_space<vmem>>, vector<16xi32>,
    %get3A_356 = arith.constant 32 : index
    %get3A_357 = tpu.vector_load %arg13[%get3A_356] {strides = array<i32>} : memref<80xi32, #tpu.memory_space<vmem>>, vector<16xi32>,
    %get3A_358 = vector.shape_cast %get3A_357 : vector<16xi32> to vector<16xi32>
    %swap3A_359 = arith.constant 32 : index
    %swap3A_360 = tpu.vector_load %arg21[%swap3A_359] {strides = array<i32>} : memref<80xi32, #tpu.memory_space<vmem>>, vector<16xi32>,
    %swap3A_361 = vector.shape_cast %swap3A_360 : vector<16xi32> to vector<16xi32>
    %swap3A_362 = vector.shape_cast %get3A_358 : vector<16xi32> to vector<16xi32>
    tpu.vector_store %arg21[%swap3A_359], %swap3A_362 {strides = array<i32>} : memref<80xi32, #tpu.memory_space<vmem>>, vector<16xi32>,
    %get3A_363 = arith.constant 48 : index
    %get3A_364 = tpu.vector_load %arg11[%get3A_363] {strides = array<i32>} : memref<80xi32, #tpu.memory_space<vmem>>, vector<16xi32>,
    %get3A_365 = vector.shape_cast %get3A_364 : vector<16xi32> to vector<16xi32>
    %swap3A_366 = arith.constant 48 : index
    %swap3A_367 = tpu.vector_load %arg17[%swap3A_366] {strides = array<i32>} : memref<80xi32, #tpu.memory_space<vmem>>, vector<16xi32>,
    %swap3A_368 = vector.shape_cast %swap3A_367 : vector<16xi32> to vector<16xi32>
    %swap3A_369 = vector.shape_cast %get3A_365 : vector<16xi32> to vector<16xi32>
    tpu.vector_store %arg17[%swap3A_366], %swap3A_369 {strides = array<i32>} : memref<80xi32, #tpu.memory_space<vmem>>, vector<16xi32>,
    %get3A_370 = arith.constant 48 : index
    %get3A_371 = tpu.vector_load %arg13[%get3A_370] {strides = array<i32>} : memref<80xi32, #tpu.memory_space<vmem>>, vector<16xi32>,
    %get3A_372 = vector.shape_cast %get3A_371 : vector<16xi32> to vector<16xi32>
    %swap3A_373 = arith.constant 48 : index
    %swap3A_374 = tpu.vector_load %arg21[%swap3A_373] {strides = array<i32>} : memref<80xi32, #tpu.memory_space<vmem>>, vector<16xi32>,
    %swap3A_375 = vector.shape_cast %swap3A_374 : vector<16xi32> to vector<16xi32>
    %swap3A_376 = vector.shape_cast %get3A_372 : vector<16xi32> to vector<16xi32>
    tpu.vector_store %arg21[%swap3A_373], %swap3A_376 {strides = array<i32>} : memref<80xi32, #tpu.memory_space<vmem>>, vector<16xi32>,
    %get3A_377 = arith.constant 64 : index
    %get3A_378 = tpu.vector_load %arg11[%get3A_377] {strides = array<i32>} : memref<80xi32, #tpu.memory_space<vmem>>, vector<16xi32>,
    %get3A_379 = vector.shape_cast %get3A_378 : vector<16xi32> to vector<16xi32>
    %swap3A_380 = arith.constant 64 : index
    %swap3A_381 = tpu.vector_load %arg17[%swap3A_380] {strides = array<i32>} : memref<80xi32, #tpu.memory_space<vmem>>, vector<16xi32>,
    %swap3A_382 = vector.shape_cast %swap3A_381 : vector<16xi32> to vector<16xi32>
    %swap3A_383 = vector.shape_cast %get3A_379 : vector<16xi32> to vector<16xi32>
    tpu.vector_store %arg17[%swap3A_380], %swap3A_383 {strides = array<i32>} : memref<80xi32, #tpu.memory_space<vmem>>, vector<16xi32>,
    %get3A_384 = arith.constant 64 : index
    %get3A_385 = tpu.vector_load %arg13[%get3A_384] {strides = array<i32>} : memref<80xi32, #tpu.memory_space<vmem>>, vector<16xi32>,
    %get3A_386 = vector.shape_cast %get3A_385 : vector<16xi32> to vector<16xi32>
    %swap3A_387 = arith.constant 64 : index
    %swap3A_388 = tpu.vector_load %arg21[%swap3A_387] {strides = array<i32>} : memref<80xi32, #tpu.memory_space<vmem>>, vector<16xi32>,
    %swap3A_389 = vector.shape_cast %swap3A_388 : vector<16xi32> to vector<16xi32>
    %swap3A_390 = vector.shape_cast %get3A_386 : vector<16xi32> to vector<16xi32>
    tpu.vector_store %arg21[%swap3A_387], %swap3A_390 {strides = array<i32>} : memref<80xi32, #tpu.memory_space<vmem>>, vector<16xi32>,
    %dma_start3A_391 = arith.constant 0 : i32
    %dma_start3A_392 = arith.constant 0 : i32
    %dma_start3A_393 = tpu.memref_slice %arg2[%dma_start3A_391, %dma_start3A_392] : memref<10000x128xf32, #tpu.memory_space<hbm>> -> memref<10000x128xf32, #tpu.memory_space<hbm>>
    tpu.enqueue_indirect_dma source(%dma_start3A_393 : memref<10000x128xf32, #tpu.memory_space<hbm>>) target(%arg25 : memref<80x128xf32, #tpu.memory_space<vmem>>) offsets(%arg17 : memref<80xi32, #tpu.memory_space<vmem>>) semaphore(%arg34 : memref<!tpu.dma_semaphore, #tpu.memory_space<semaphore_mem>>)
    %add3A_394 = arith.constant 320 : i32
    %add3A_395 = arith.addi %mul3A_32, %add3A_394 : i32
    %dma_start3A_396 = tpu.memref_slice %arg3[%add3A_395] : memref<640000xi32, #tpu.memory_space<hbm>> -> memref<80xi32, #tpu.memory_space<hbm>>
    %dma_start3A_397 = tpu.memref_slice %arg3[%add3A_395] : memref<640000xi32, #tpu.memory_space<hbm>> -> memref<80xi32, #tpu.memory_space<hbm>>
    tpu.enqueue_dma source(%dma_start3A_397 : memref<80xi32, #tpu.memory_space<hbm>>) target(%arg10 : memref<80xi32, #tpu.memory_space<vmem>>) target_semaphore(%arg39 : memref<!tpu.dma_semaphore, #tpu.memory_space<semaphore_mem>>)
    %add3A_398 = arith.constant 320000 : i32
    %add3A_399 = arith.addi %add3A_398, %add3A_395 : i32
    %dma_start3A_400 = tpu.memref_slice %arg3[%add3A_399] : memref<640000xi32, #tpu.memory_space<hbm>> -> memref<80xi32, #tpu.memory_space<hbm>>
    %dma_start3A_401 = tpu.memref_slice %arg3[%add3A_399] : memref<640000xi32, #tpu.memory_space<hbm>> -> memref<80xi32, #tpu.memory_space<hbm>>
    tpu.enqueue_dma source(%dma_start3A_401 : memref<80xi32, #tpu.memory_space<hbm>>) target(%arg12 : memref<80xi32, #tpu.memory_space<vmem>>) target_semaphore(%arg39 : memref<!tpu.dma_semaphore, #tpu.memory_space<semaphore_mem>>)
    %dma_wait3A_402 = arith.constant 0 : i32
    %dma_wait3A_403 = arith.constant 0 : i32
    %dma_wait3A_404 = tpu.memref_slice %arg2[%dma_wait3A_402, %dma_wait3A_403] : memref<10000x128xf32, #tpu.memory_space<hbm>> -> memref<10000x128xf32, #tpu.memory_space<hbm>>
    tpu.wait_indirect_dma semaphore(%arg32 : memref<!tpu.dma_semaphore, #tpu.memory_space<semaphore_mem>>) src(%dma_wait3A_404 : memref<10000x128xf32, #tpu.memory_space<hbm>>) dst(%arg23 : memref<80x128xf32, #tpu.memory_space<vmem>>)
    %dma_start3A_405 = arith.constant 0 : i32
    %dma_start3A_406 = arith.constant 0 : i32
    %dma_start3A_407 = tpu.memref_slice %arg8[%dma_start3A_405, %dma_start3A_406] : memref<10240x128xf32, #tpu.memory_space<vmem_shared>> -> memref<10240x128xf32, #tpu.memory_space<vmem_shared>>
    tpu.enqueue_indirect_dma source(%arg23 : memref<80x128xf32, #tpu.memory_space<vmem>>) target(%dma_start3A_407 : memref<10240x128xf32, #tpu.memory_space<vmem_shared>>) offsets(%arg19 : memref<80xi32, #tpu.memory_space<vmem>>) semaphore(%arg36 : memref<!tpu.dma_semaphore, #tpu.memory_space<semaphore_mem>>) {add = true}
    %dma_start3A_408 = arith.constant 0 : i32
    %dma_start3A_409 = tpu.memref_slice %arg9[%dma_start3A_408] : memref<10240xf32, #tpu.memory_space<vmem_shared>> -> memref<10240xf32, #tpu.memory_space<vmem_shared>>
    tpu.enqueue_indirect_dma source(%arg26 : memref<80xf32, #tpu.memory_space<vmem>>) target(%dma_start3A_409 : memref<10240xf32, #tpu.memory_space<vmem_shared>>) offsets(%arg19 : memref<80xi32, #tpu.memory_space<vmem>>) semaphore(%arg36 : memref<!tpu.dma_semaphore, #tpu.memory_space<semaphore_mem>>) {add = true}
    %dma_wait3A_410 = arith.constant 0 : i32
    %dma_wait3A_411 = arith.constant 0 : i32
    %dma_wait3A_412 = tpu.memref_slice %arg8[%dma_wait3A_410, %dma_wait3A_411] : memref<10240x128xf32, #tpu.memory_space<vmem_shared>> -> memref<10240x128xf32, #tpu.memory_space<vmem_shared>>
    tpu.wait_indirect_dma semaphore(%arg35 : memref<!tpu.dma_semaphore, #tpu.memory_space<semaphore_mem>>) src(%arg22 : memref<80x128xf32, #tpu.memory_space<vmem>>) dst(%dma_wait3A_412 : memref<10240x128xf32, #tpu.memory_space<vmem_shared>>)
    %dma_wait3A_413 = arith.constant 0 : i32
    %dma_wait3A_414 = tpu.memref_slice %arg9[%dma_wait3A_413] : memref<10240xf32, #tpu.memory_space<vmem_shared>> -> memref<10240xf32, #tpu.memory_space<vmem_shared>>
    tpu.wait_indirect_dma semaphore(%arg35 : memref<!tpu.dma_semaphore, #tpu.memory_space<semaphore_mem>>) src(%arg26 : memref<80xf32, #tpu.memory_space<vmem>>) dst(%dma_wait3A_414 : memref<10240xf32, #tpu.memory_space<vmem_shared>>)
    %add3A_415 = arith.constant 320 : i32
    %add3A_416 = arith.addi %mul3A_32, %add3A_415 : i32
    %dma_wait3A_417 = tpu.memref_slice %arg3[%add3A_416] : memref<640000xi32, #tpu.memory_space<hbm>> -> memref<80xi32, #tpu.memory_space<hbm>>
    %dma_wait3A_418 = tpu.memref_slice %arg3[%add3A_416] : memref<640000xi32, #tpu.memory_space<hbm>> -> memref<80xi32, #tpu.memory_space<hbm>>
    tpu.wait_dma2 semaphore(%arg39 : memref<!tpu.dma_semaphore, #tpu.memory_space<semaphore_mem>>) src(%dma_wait3A_418 : memref<80xi32, #tpu.memory_space<hbm>>) dst(%arg10 : memref<80xi32, #tpu.memory_space<vmem>>)
    %add3A_419 = arith.constant 320000 : i32
    %add3A_420 = arith.addi %add3A_419, %add3A_416 : i32
    %dma_wait3A_421 = tpu.memref_slice %arg3[%add3A_420] : memref<640000xi32, #tpu.memory_space<hbm>> -> memref<80xi32, #tpu.memory_space<hbm>>
    %dma_wait3A_422 = tpu.memref_slice %arg3[%add3A_420] : memref<640000xi32, #tpu.memory_space<hbm>> -> memref<80xi32, #tpu.memory_space<hbm>>
    tpu.wait_dma2 semaphore(%arg39 : memref<!tpu.dma_semaphore, #tpu.memory_space<semaphore_mem>>) src(%dma_wait3A_422 : memref<80xi32, #tpu.memory_space<hbm>>) dst(%arg12 : memref<80xi32, #tpu.memory_space<vmem>>)
    %get3A_423 = arith.constant 0 : index
    %get3A_424 = tpu.vector_load %arg10[%get3A_423] {strides = array<i32>} : memref<80xi32, #tpu.memory_space<vmem>>, vector<16xi32>,
    %get3A_425 = vector.shape_cast %get3A_424 : vector<16xi32> to vector<16xi32>
    %swap3A_426 = arith.constant 0 : index
    %swap3A_427 = tpu.vector_load %arg14[%swap3A_426] {strides = array<i32>} : memref<80xi32, #tpu.memory_space<vmem>>, vector<16xi32>,
    %swap3A_428 = vector.shape_cast %swap3A_427 : vector<16xi32> to vector<16xi32>
    %swap3A_429 = vector.shape_cast %get3A_425 : vector<16xi32> to vector<16xi32>
    tpu.vector_store %arg14[%swap3A_426], %swap3A_429 {strides = array<i32>} : memref<80xi32, #tpu.memory_space<vmem>>, vector<16xi32>,
    %get3A_430 = arith.constant 0 : index
    %get3A_431 = tpu.vector_load %arg12[%get3A_430] {strides = array<i32>} : memref<80xi32, #tpu.memory_space<vmem>>, vector<16xi32>,
    %get3A_432 = vector.shape_cast %get3A_431 : vector<16xi32> to vector<16xi32>
    %swap3A_433 = arith.constant 0 : index
    %swap3A_434 = tpu.vector_load %arg18[%swap3A_433] {strides = array<i32>} : memref<80xi32, #tpu.memory_space<vmem>>, vector<16xi32>,
    %swap3A_435 = vector.shape_cast %swap3A_434 : vector<16xi32> to vector<16xi32>
    %swap3A_436 = vector.shape_cast %get3A_432 : vector<16xi32> to vector<16xi32>
    tpu.vector_store %arg18[%swap3A_433], %swap3A_436 {strides = array<i32>} : memref<80xi32, #tpu.memory_space<vmem>>, vector<16xi32>,
    %get3A_437 = arith.constant 16 : index
    %get3A_438 = tpu.vector_load %arg10[%get3A_437] {strides = array<i32>} : memref<80xi32, #tpu.memory_space<vmem>>, vector<16xi32>,
    %get3A_439 = vector.shape_cast %get3A_438 : vector<16xi32> to vector<16xi32>
    %swap3A_440 = arith.constant 16 : index
    %swap3A_441 = tpu.vector_load %arg14[%swap3A_440] {strides = array<i32>} : memref<80xi32, #tpu.memory_space<vmem>>, vector<16xi32>,
    %swap3A_442 = vector.shape_cast %swap3A_441 : vector<16xi32> to vector<16xi32>
    %swap3A_443 = vector.shape_cast %get3A_439 : vector<16xi32> to vector<16xi32>
    tpu.vector_store %arg14[%swap3A_440], %swap3A_443 {strides = array<i32>} : memref<80xi32, #tpu.memory_space<vmem>>, vector<16xi32>,
    %get3A_444 = arith.constant 16 : index
    %get3A_445 = tpu.vector_load %arg12[%get3A_444] {strides = array<i32>} : memref<80xi32, #tpu.memory_space<vmem>>, vector<16xi32>,
    %get3A_446 = vector.shape_cast %get3A_445 : vector<16xi32> to vector<16xi32>
    %swap3A_447 = arith.constant 16 : index
    %swap3A_448 = tpu.vector_load %arg18[%swap3A_447] {strides = array<i32>} : memref<80xi32, #tpu.memory_space<vmem>>, vector<16xi32>,
    %swap3A_449 = vector.shape_cast %swap3A_448 : vector<16xi32> to vector<16xi32>
    %swap3A_450 = vector.shape_cast %get3A_446 : vector<16xi32> to vector<16xi32>
    tpu.vector_store %arg18[%swap3A_447], %swap3A_450 {strides = array<i32>} : memref<80xi32, #tpu.memory_space<vmem>>, vector<16xi32>,
    %get3A_451 = arith.constant 32 : index
    %get3A_452 = tpu.vector_load %arg10[%get3A_451] {strides = array<i32>} : memref<80xi32, #tpu.memory_space<vmem>>, vector<16xi32>,
    %get3A_453 = vector.shape_cast %get3A_452 : vector<16xi32> to vector<16xi32>
    %swap3A_454 = arith.constant 32 : index
    %swap3A_455 = tpu.vector_load %arg14[%swap3A_454] {strides = array<i32>} : memref<80xi32, #tpu.memory_space<vmem>>, vector<16xi32>,
    %swap3A_456 = vector.shape_cast %swap3A_455 : vector<16xi32> to vector<16xi32>
    %swap3A_457 = vector.shape_cast %get3A_453 : vector<16xi32> to vector<16xi32>
    tpu.vector_store %arg14[%swap3A_454], %swap3A_457 {strides = array<i32>} : memref<80xi32, #tpu.memory_space<vmem>>, vector<16xi32>,
    %get3A_458 = arith.constant 32 : index
    %get3A_459 = tpu.vector_load %arg12[%get3A_458] {strides = array<i32>} : memref<80xi32, #tpu.memory_space<vmem>>, vector<16xi32>,
    %get3A_460 = vector.shape_cast %get3A_459 : vector<16xi32> to vector<16xi32>
    %swap3A_461 = arith.constant 32 : index
    %swap3A_462 = tpu.vector_load %arg18[%swap3A_461] {strides = array<i32>} : memref<80xi32, #tpu.memory_space<vmem>>, vector<16xi32>,
    %swap3A_463 = vector.shape_cast %swap3A_462 : vector<16xi32> to vector<16xi32>
    %swap3A_464 = vector.shape_cast %get3A_460 : vector<16xi32> to vector<16xi32>
    tpu.vector_store %arg18[%swap3A_461], %swap3A_464 {strides = array<i32>} : memref<80xi32, #tpu.memory_space<vmem>>, vector<16xi32>,
    %get3A_465 = arith.constant 48 : index
    %get3A_466 = tpu.vector_load %arg10[%get3A_465] {strides = array<i32>} : memref<80xi32, #tpu.memory_space<vmem>>, vector<16xi32>,
    %get3A_467 = vector.shape_cast %get3A_466 : vector<16xi32> to vector<16xi32>
    %swap3A_468 = arith.constant 48 : index
    %swap3A_469 = tpu.vector_load %arg14[%swap3A_468] {strides = array<i32>} : memref<80xi32, #tpu.memory_space<vmem>>, vector<16xi32>,
    %swap3A_470 = vector.shape_cast %swap3A_469 : vector<16xi32> to vector<16xi32>
    %swap3A_471 = vector.shape_cast %get3A_467 : vector<16xi32> to vector<16xi32>
    tpu.vector_store %arg14[%swap3A_468], %swap3A_471 {strides = array<i32>} : memref<80xi32, #tpu.memory_space<vmem>>, vector<16xi32>,
    %get3A_472 = arith.constant 48 : index
    %get3A_473 = tpu.vector_load %arg12[%get3A_472] {strides = array<i32>} : memref<80xi32, #tpu.memory_space<vmem>>, vector<16xi32>,
    %get3A_474 = vector.shape_cast %get3A_473 : vector<16xi32> to vector<16xi32>
    %swap3A_475 = arith.constant 48 : index
    %swap3A_476 = tpu.vector_load %arg18[%swap3A_475] {strides = array<i32>} : memref<80xi32, #tpu.memory_space<vmem>>, vector<16xi32>,
    %swap3A_477 = vector.shape_cast %swap3A_476 : vector<16xi32> to vector<16xi32>
    %swap3A_478 = vector.shape_cast %get3A_474 : vector<16xi32> to vector<16xi32>
    tpu.vector_store %arg18[%swap3A_475], %swap3A_478 {strides = array<i32>} : memref<80xi32, #tpu.memory_space<vmem>>, vector<16xi32>,
    %get3A_479 = arith.constant 64 : index
    %get3A_480 = tpu.vector_load %arg10[%get3A_479] {strides = array<i32>} : memref<80xi32, #tpu.memory_space<vmem>>, vector<16xi32>,
    %get3A_481 = vector.shape_cast %get3A_480 : vector<16xi32> to vector<16xi32>
    %swap3A_482 = arith.constant 64 : index
    %swap3A_483 = tpu.vector_load %arg14[%swap3A_482] {strides = array<i32>} : memref<80xi32, #tpu.memory_space<vmem>>, vector<16xi32>,
    %swap3A_484 = vector.shape_cast %swap3A_483 : vector<16xi32> to vector<16xi32>
    %swap3A_485 = vector.shape_cast %get3A_481 : vector<16xi32> to vector<16xi32>
    tpu.vector_store %arg14[%swap3A_482], %swap3A_485 {strides = array<i32>} : memref<80xi32, #tpu.memory_space<vmem>>, vector<16xi32>,
    %get3A_486 = arith.constant 64 : index
    %get3A_487 = tpu.vector_load %arg12[%get3A_486] {strides = array<i32>} : memref<80xi32, #tpu.memory_space<vmem>>, vector<16xi32>,
    %get3A_488 = vector.shape_cast %get3A_487 : vector<16xi32> to vector<16xi32>
    %swap3A_489 = arith.constant 64 : index
    %swap3A_490 = tpu.vector_load %arg18[%swap3A_489] {strides = array<i32>} : memref<80xi32, #tpu.memory_space<vmem>>, vector<16xi32>,
    %swap3A_491 = vector.shape_cast %swap3A_490 : vector<16xi32> to vector<16xi32>
    %swap3A_492 = vector.shape_cast %get3A_488 : vector<16xi32> to vector<16xi32>
    tpu.vector_store %arg18[%swap3A_489], %swap3A_492 {strides = array<i32>} : memref<80xi32, #tpu.memory_space<vmem>>, vector<16xi32>,
    %dma_start3A_493 = arith.constant 0 : i32
    %dma_start3A_494 = arith.constant 0 : i32
    %dma_start3A_495 = tpu.memref_slice %arg2[%dma_start3A_493, %dma_start3A_494] : memref<10000x128xf32, #tpu.memory_space<hbm>> -> memref<10000x128xf32, #tpu.memory_space<hbm>>
    tpu.enqueue_indirect_dma source(%dma_start3A_495 : memref<10000x128xf32, #tpu.memory_space<hbm>>) target(%arg22 : memref<80x128xf32, #tpu.memory_space<vmem>>) offsets(%arg14 : memref<80xi32, #tpu.memory_space<vmem>>) semaphore(%arg31 : memref<!tpu.dma_semaphore, #tpu.memory_space<semaphore_mem>>)
    %add3A_496 = arith.constant 400 : i32
    %add3A_497 = arith.addi %mul3A_32, %add3A_496 : i32
    %dma_start3A_498 = tpu.memref_slice %arg3[%add3A_497] : memref<640000xi32, #tpu.memory_space<hbm>> -> memref<80xi32, #tpu.memory_space<hbm>>
    %dma_start3A_499 = tpu.memref_slice %arg3[%add3A_497] : memref<640000xi32, #tpu.memory_space<hbm>> -> memref<80xi32, #tpu.memory_space<hbm>>
    tpu.enqueue_dma source(%dma_start3A_499 : memref<80xi32, #tpu.memory_space<hbm>>) target(%arg11 : memref<80xi32, #tpu.memory_space<vmem>>) target_semaphore(%arg40 : memref<!tpu.dma_semaphore, #tpu.memory_space<semaphore_mem>>)
    %add3A_500 = arith.constant 320000 : i32
    %add3A_501 = arith.addi %add3A_500, %add3A_497 : i32
    %dma_start3A_502 = tpu.memref_slice %arg3[%add3A_501] : memref<640000xi32, #tpu.memory_space<hbm>> -> memref<80xi32, #tpu.memory_space<hbm>>
    %dma_start3A_503 = tpu.memref_slice %arg3[%add3A_501] : memref<640000xi32, #tpu.memory_space<hbm>> -> memref<80xi32, #tpu.memory_space<hbm>>
    tpu.enqueue_dma source(%dma_start3A_503 : memref<80xi32, #tpu.memory_space<hbm>>) target(%arg13 : memref<80xi32, #tpu.memory_space<vmem>>) target_semaphore(%arg40 : memref<!tpu.dma_semaphore, #tpu.memory_space<semaphore_mem>>)
    %dma_wait3A_504 = arith.constant 0 : i32
    %dma_wait3A_505 = arith.constant 0 : i32
    %dma_wait3A_506 = tpu.memref_slice %arg2[%dma_wait3A_504, %dma_wait3A_505] : memref<10000x128xf32, #tpu.memory_space<hbm>> -> memref<10000x128xf32, #tpu.memory_space<hbm>>
    tpu.wait_indirect_dma semaphore(%arg33 : memref<!tpu.dma_semaphore, #tpu.memory_space<semaphore_mem>>) src(%dma_wait3A_506 : memref<10000x128xf32, #tpu.memory_space<hbm>>) dst(%arg24 : memref<80x128xf32, #tpu.memory_space<vmem>>)
    %dma_start3A_507 = arith.constant 0 : i32
    %dma_start3A_508 = arith.constant 0 : i32
    %dma_start3A_509 = tpu.memref_slice %arg8[%dma_start3A_507, %dma_start3A_508] : memref<10240x128xf32, #tpu.memory_space<vmem_shared>> -> memref<10240x128xf32, #tpu.memory_space<vmem_shared>>
    tpu.enqueue_indirect_dma source(%arg24 : memref<80x128xf32, #tpu.memory_space<vmem>>) target(%dma_start3A_509 : memref<10240x128xf32, #tpu.memory_space<vmem_shared>>) offsets(%arg20 : memref<80xi32, #tpu.memory_space<vmem>>) semaphore(%arg37 : memref<!tpu.dma_semaphore, #tpu.memory_space<semaphore_mem>>) {add = true}
    %dma_start3A_510 = arith.constant 0 : i32
    %dma_start3A_511 = tpu.memref_slice %arg9[%dma_start3A_510] : memref<10240xf32, #tpu.memory_space<vmem_shared>> -> memref<10240xf32, #tpu.memory_space<vmem_shared>>
    tpu.enqueue_indirect_dma source(%arg26 : memref<80xf32, #tpu.memory_space<vmem>>) target(%dma_start3A_511 : memref<10240xf32, #tpu.memory_space<vmem_shared>>) offsets(%arg20 : memref<80xi32, #tpu.memory_space<vmem>>) semaphore(%arg37 : memref<!tpu.dma_semaphore, #tpu.memory_space<semaphore_mem>>) {add = true}
    %dma_wait3A_512 = arith.constant 0 : i32
    %dma_wait3A_513 = arith.constant 0 : i32
    %dma_wait3A_514 = tpu.memref_slice %arg8[%dma_wait3A_512, %dma_wait3A_513] : memref<10240x128xf32, #tpu.memory_space<vmem_shared>> -> memref<10240x128xf32, #tpu.memory_space<vmem_shared>>
    tpu.wait_indirect_dma semaphore(%arg36 : memref<!tpu.dma_semaphore, #tpu.memory_space<semaphore_mem>>) src(%arg23 : memref<80x128xf32, #tpu.memory_space<vmem>>) dst(%dma_wait3A_514 : memref<10240x128xf32, #tpu.memory_space<vmem_shared>>)
    %dma_wait3A_515 = arith.constant 0 : i32
    %dma_wait3A_516 = tpu.memref_slice %arg9[%dma_wait3A_515] : memref<10240xf32, #tpu.memory_space<vmem_shared>> -> memref<10240xf32, #tpu.memory_space<vmem_shared>>
    tpu.wait_indirect_dma semaphore(%arg36 : memref<!tpu.dma_semaphore, #tpu.memory_space<semaphore_mem>>) src(%arg26 : memref<80xf32, #tpu.memory_space<vmem>>) dst(%dma_wait3A_516 : memref<10240xf32, #tpu.memory_space<vmem_shared>>)
    %add3A_517 = arith.constant 400 : i32
    %add3A_518 = arith.addi %mul3A_32, %add3A_517 : i32
    %dma_wait3A_519 = tpu.memref_slice %arg3[%add3A_518] : memref<640000xi32, #tpu.memory_space<hbm>> -> memref<80xi32, #tpu.memory_space<hbm>>
    %dma_wait3A_520 = tpu.memref_slice %arg3[%add3A_518] : memref<640000xi32, #tpu.memory_space<hbm>> -> memref<80xi32, #tpu.memory_space<hbm>>
    tpu.wait_dma2 semaphore(%arg40 : memref<!tpu.dma_semaphore, #tpu.memory_space<semaphore_mem>>) src(%dma_wait3A_520 : memref<80xi32, #tpu.memory_space<hbm>>) dst(%arg11 : memref<80xi32, #tpu.memory_space<vmem>>)
    %add3A_521 = arith.constant 320000 : i32
    %add3A_522 = arith.addi %add3A_521, %add3A_518 : i32
    %dma_wait3A_523 = tpu.memref_slice %arg3[%add3A_522] : memref<640000xi32, #tpu.memory_space<hbm>> -> memref<80xi32, #tpu.memory_space<hbm>>
    %dma_wait3A_524 = tpu.memref_slice %arg3[%add3A_522] : memref<640000xi32, #tpu.memory_space<hbm>> -> memref<80xi32, #tpu.memory_space<hbm>>
    tpu.wait_dma2 semaphore(%arg40 : memref<!tpu.dma_semaphore, #tpu.memory_space<semaphore_mem>>) src(%dma_wait3A_524 : memref<80xi32, #tpu.memory_space<hbm>>) dst(%arg13 : memref<80xi32, #tpu.memory_space<vmem>>)
    %get3A_525 = arith.constant 0 : index
    %get3A_526 = tpu.vector_load %arg11[%get3A_525] {strides = array<i32>} : memref<80xi32, #tpu.memory_space<vmem>>, vector<16xi32>,
    %get3A_527 = vector.shape_cast %get3A_526 : vector<16xi32> to vector<16xi32>
    %swap3A_528 = arith.constant 0 : index
    %swap3A_529 = tpu.vector_load %arg15[%swap3A_528] {strides = array<i32>} : memref<80xi32, #tpu.memory_space<vmem>>, vector<16xi32>,
    %swap3A_530 = vector.shape_cast %swap3A_529 : vector<16xi32> to vector<16xi32>
    %swap3A_531 = vector.shape_cast %get3A_527 : vector<16xi32> to vector<16xi32>
    tpu.vector_store %arg15[%swap3A_528], %swap3A_531 {strides = array<i32>} : memref<80xi32, #tpu.memory_space<vmem>>, vector<16xi32>,
    %get3A_532 = arith.constant 0 : index
    %get3A_533 = tpu.vector_load %arg13[%get3A_532] {strides = array<i32>} : memref<80xi32, #tpu.memory_space<vmem>>, vector<16xi32>,
    %get3A_534 = vector.shape_cast %get3A_533 : vector<16xi32> to vector<16xi32>
    %swap3A_535 = arith.constant 0 : index
    %swap3A_536 = tpu.vector_load %arg19[%swap3A_535] {strides = array<i32>} : memref<80xi32, #tpu.memory_space<vmem>>, vector<16xi32>,
    %swap3A_537 = vector.shape_cast %swap3A_536 : vector<16xi32> to vector<16xi32>
    %swap3A_538 = vector.shape_cast %get3A_534 : vector<16xi32> to vector<16xi32>
    tpu.vector_store %arg19[%swap3A_535], %swap3A_538 {strides = array<i32>} : memref<80xi32, #tpu.memory_space<vmem>>, vector<16xi32>,
    %get3A_539 = arith.constant 16 : index
    %get3A_540 = tpu.vector_load %arg11[%get3A_539] {strides = array<i32>} : memref<80xi32, #tpu.memory_space<vmem>>, vector<16xi32>,
    %get3A_541 = vector.shape_cast %get3A_540 : vector<16xi32> to vector<16xi32>
    %swap3A_542 = arith.constant 16 : index
    %swap3A_543 = tpu.vector_load %arg15[%swap3A_542] {strides = array<i32>} : memref<80xi32, #tpu.memory_space<vmem>>, vector<16xi32>,
    %swap3A_544 = vector.shape_cast %swap3A_543 : vector<16xi32> to vector<16xi32>
    %swap3A_545 = vector.shape_cast %get3A_541 : vector<16xi32> to vector<16xi32>
    tpu.vector_store %arg15[%swap3A_542], %swap3A_545 {strides = array<i32>} : memref<80xi32, #tpu.memory_space<vmem>>, vector<16xi32>,
    %get3A_546 = arith.constant 16 : index
    %get3A_547 = tpu.vector_load %arg13[%get3A_546] {strides = array<i32>} : memref<80xi32, #tpu.memory_space<vmem>>, vector<16xi32>,
    %get3A_548 = vector.shape_cast %get3A_547 : vector<16xi32> to vector<16xi32>
    %swap3A_549 = arith.constant 16 : index
    %swap3A_550 = tpu.vector_load %arg19[%swap3A_549] {strides = array<i32>} : memref<80xi32, #tpu.memory_space<vmem>>, vector<16xi32>,
    %swap3A_551 = vector.shape_cast %swap3A_550 : vector<16xi32> to vector<16xi32>
    %swap3A_552 = vector.shape_cast %get3A_548 : vector<16xi32> to vector<16xi32>
    tpu.vector_store %arg19[%swap3A_549], %swap3A_552 {strides = array<i32>} : memref<80xi32, #tpu.memory_space<vmem>>, vector<16xi32>,
    %get3A_553 = arith.constant 32 : index
    %get3A_554 = tpu.vector_load %arg11[%get3A_553] {strides = array<i32>} : memref<80xi32, #tpu.memory_space<vmem>>, vector<16xi32>,
    %get3A_555 = vector.shape_cast %get3A_554 : vector<16xi32> to vector<16xi32>
    %swap3A_556 = arith.constant 32 : index
    %swap3A_557 = tpu.vector_load %arg15[%swap3A_556] {strides = array<i32>} : memref<80xi32, #tpu.memory_space<vmem>>, vector<16xi32>,
    %swap3A_558 = vector.shape_cast %swap3A_557 : vector<16xi32> to vector<16xi32>
    %swap3A_559 = vector.shape_cast %get3A_555 : vector<16xi32> to vector<16xi32>
    tpu.vector_store %arg15[%swap3A_556], %swap3A_559 {strides = array<i32>} : memref<80xi32, #tpu.memory_space<vmem>>, vector<16xi32>,
    %get3A_560 = arith.constant 32 : index
    %get3A_561 = tpu.vector_load %arg13[%get3A_560] {strides = array<i32>} : memref<80xi32, #tpu.memory_space<vmem>>, vector<16xi32>,
    %get3A_562 = vector.shape_cast %get3A_561 : vector<16xi32> to vector<16xi32>
    %swap3A_563 = arith.constant 32 : index
    %swap3A_564 = tpu.vector_load %arg19[%swap3A_563] {strides = array<i32>} : memref<80xi32, #tpu.memory_space<vmem>>, vector<16xi32>,
    %swap3A_565 = vector.shape_cast %swap3A_564 : vector<16xi32> to vector<16xi32>
    %swap3A_566 = vector.shape_cast %get3A_562 : vector<16xi32> to vector<16xi32>
    tpu.vector_store %arg19[%swap3A_563], %swap3A_566 {strides = array<i32>} : memref<80xi32, #tpu.memory_space<vmem>>, vector<16xi32>,
    %get3A_567 = arith.constant 48 : index
    %get3A_568 = tpu.vector_load %arg11[%get3A_567] {strides = array<i32>} : memref<80xi32, #tpu.memory_space<vmem>>, vector<16xi32>,
    %get3A_569 = vector.shape_cast %get3A_568 : vector<16xi32> to vector<16xi32>
    %swap3A_570 = arith.constant 48 : index
    %swap3A_571 = tpu.vector_load %arg15[%swap3A_570] {strides = array<i32>} : memref<80xi32, #tpu.memory_space<vmem>>, vector<16xi32>,
    %swap3A_572 = vector.shape_cast %swap3A_571 : vector<16xi32> to vector<16xi32>
    %swap3A_573 = vector.shape_cast %get3A_569 : vector<16xi32> to vector<16xi32>
    tpu.vector_store %arg15[%swap3A_570], %swap3A_573 {strides = array<i32>} : memref<80xi32, #tpu.memory_space<vmem>>, vector<16xi32>,
    %get3A_574 = arith.constant 48 : index
    %get3A_575 = tpu.vector_load %arg13[%get3A_574] {strides = array<i32>} : memref<80xi32, #tpu.memory_space<vmem>>, vector<16xi32>,
    %get3A_576 = vector.shape_cast %get3A_575 : vector<16xi32> to vector<16xi32>
    %swap3A_577 = arith.constant 48 : index
    %swap3A_578 = tpu.vector_load %arg19[%swap3A_577] {strides = array<i32>} : memref<80xi32, #tpu.memory_space<vmem>>, vector<16xi32>,
    %swap3A_579 = vector.shape_cast %swap3A_578 : vector<16xi32> to vector<16xi32>
    %swap3A_580 = vector.shape_cast %get3A_576 : vector<16xi32> to vector<16xi32>
    tpu.vector_store %arg19[%swap3A_577], %swap3A_580 {strides = array<i32>} : memref<80xi32, #tpu.memory_space<vmem>>, vector<16xi32>,
    %get3A_581 = arith.constant 64 : index
    %get3A_582 = tpu.vector_load %arg11[%get3A_581] {strides = array<i32>} : memref<80xi32, #tpu.memory_space<vmem>>, vector<16xi32>,
    %get3A_583 = vector.shape_cast %get3A_582 : vector<16xi32> to vector<16xi32>
    %swap3A_584 = arith.constant 64 : index
    %swap3A_585 = tpu.vector_load %arg15[%swap3A_584] {strides = array<i32>} : memref<80xi32, #tpu.memory_space<vmem>>, vector<16xi32>,
    %swap3A_586 = vector.shape_cast %swap3A_585 : vector<16xi32> to vector<16xi32>
    %swap3A_587 = vector.shape_cast %get3A_583 : vector<16xi32> to vector<16xi32>
    tpu.vector_store %arg15[%swap3A_584], %swap3A_587 {strides = array<i32>} : memref<80xi32, #tpu.memory_space<vmem>>, vector<16xi32>,
    %get3A_588 = arith.constant 64 : index
    %get3A_589 = tpu.vector_load %arg13[%get3A_588] {strides = array<i32>} : memref<80xi32, #tpu.memory_space<vmem>>, vector<16xi32>,
    %get3A_590 = vector.shape_cast %get3A_589 : vector<16xi32> to vector<16xi32>
    %swap3A_591 = arith.constant 64 : index
    %swap3A_592 = tpu.vector_load %arg19[%swap3A_591] {strides = array<i32>} : memref<80xi32, #tpu.memory_space<vmem>>, vector<16xi32>,
    %swap3A_593 = vector.shape_cast %swap3A_592 : vector<16xi32> to vector<16xi32>
    %swap3A_594 = vector.shape_cast %get3A_590 : vector<16xi32> to vector<16xi32>
    tpu.vector_store %arg19[%swap3A_591], %swap3A_594 {strides = array<i32>} : memref<80xi32, #tpu.memory_space<vmem>>, vector<16xi32>,
    %dma_start3A_595 = arith.constant 0 : i32
    %dma_start3A_596 = arith.constant 0 : i32
    %dma_start3A_597 = tpu.memref_slice %arg2[%dma_start3A_595, %dma_start3A_596] : memref<10000x128xf32, #tpu.memory_space<hbm>> -> memref<10000x128xf32, #tpu.memory_space<hbm>>
    tpu.enqueue_indirect_dma source(%dma_start3A_597 : memref<10000x128xf32, #tpu.memory_space<hbm>>) target(%arg23 : memref<80x128xf32, #tpu.memory_space<vmem>>) offsets(%arg15 : memref<80xi32, #tpu.memory_space<vmem>>) semaphore(%arg32 : memref<!tpu.dma_semaphore, #tpu.memory_space<semaphore_mem>>)
    %add3A_598 = arith.constant 480 : i32
    %add3A_599 = arith.addi %mul3A_32, %add3A_598 : i32
    %dma_start3A_600 = tpu.memref_slice %arg3[%add3A_599] : memref<640000xi32, #tpu.memory_space<hbm>> -> memref<80xi32, #tpu.memory_space<hbm>>
    %dma_start3A_601 = tpu.memref_slice %arg3[%add3A_599] : memref<640000xi32, #tpu.memory_space<hbm>> -> memref<80xi32, #tpu.memory_space<hbm>>
    tpu.enqueue_dma source(%dma_start3A_601 : memref<80xi32, #tpu.memory_space<hbm>>) target(%arg10 : memref<80xi32, #tpu.memory_space<vmem>>) target_semaphore(%arg39 : memref<!tpu.dma_semaphore, #tpu.memory_space<semaphore_mem>>)
    %add3A_602 = arith.constant 320000 : i32
    %add3A_603 = arith.addi %add3A_602, %add3A_599 : i32
    %dma_start3A_604 = tpu.memref_slice %arg3[%add3A_603] : memref<640000xi32, #tpu.memory_space<hbm>> -> memref<80xi32, #tpu.memory_space<hbm>>
    %dma_start3A_605 = tpu.memref_slice %arg3[%add3A_603] : memref<640000xi32, #tpu.memory_space<hbm>> -> memref<80xi32, #tpu.memory_space<hbm>>
    tpu.enqueue_dma source(%dma_start3A_605 : memref<80xi32, #tpu.memory_space<hbm>>) target(%arg12 : memref<80xi32, #tpu.memory_space<vmem>>) target_semaphore(%arg39 : memref<!tpu.dma_semaphore, #tpu.memory_space<semaphore_mem>>)
    %dma_wait3A_606 = arith.constant 0 : i32
    %dma_wait3A_607 = arith.constant 0 : i32
    %dma_wait3A_608 = tpu.memref_slice %arg2[%dma_wait3A_606, %dma_wait3A_607] : memref<10000x128xf32, #tpu.memory_space<hbm>> -> memref<10000x128xf32, #tpu.memory_space<hbm>>
    tpu.wait_indirect_dma semaphore(%arg34 : memref<!tpu.dma_semaphore, #tpu.memory_space<semaphore_mem>>) src(%dma_wait3A_608 : memref<10000x128xf32, #tpu.memory_space<hbm>>) dst(%arg25 : memref<80x128xf32, #tpu.memory_space<vmem>>)
    %dma_start3A_609 = arith.constant 0 : i32
    %dma_start3A_610 = arith.constant 0 : i32
    %dma_start3A_611 = tpu.memref_slice %arg8[%dma_start3A_609, %dma_start3A_610] : memref<10240x128xf32, #tpu.memory_space<vmem_shared>> -> memref<10240x128xf32, #tpu.memory_space<vmem_shared>>
    tpu.enqueue_indirect_dma source(%arg25 : memref<80x128xf32, #tpu.memory_space<vmem>>) target(%dma_start3A_611 : memref<10240x128xf32, #tpu.memory_space<vmem_shared>>) offsets(%arg21 : memref<80xi32, #tpu.memory_space<vmem>>) semaphore(%arg38 : memref<!tpu.dma_semaphore, #tpu.memory_space<semaphore_mem>>) {add = true}
    %dma_start3A_612 = arith.constant 0 : i32
    %dma_start3A_613 = tpu.memref_slice %arg9[%dma_start3A_612] : memref<10240xf32, #tpu.memory_space<vmem_shared>> -> memref<10240xf32, #tpu.memory_space<vmem_shared>>
    tpu.enqueue_indirect_dma source(%arg26 : memref<80xf32, #tpu.memory_space<vmem>>) target(%dma_start3A_613 : memref<10240xf32, #tpu.memory_space<vmem_shared>>) offsets(%arg21 : memref<80xi32, #tpu.memory_space<vmem>>) semaphore(%arg38 : memref<!tpu.dma_semaphore, #tpu.memory_space<semaphore_mem>>) {add = true}
    %dma_wait3A_614 = arith.constant 0 : i32
    %dma_wait3A_615 = arith.constant 0 : i32
    %dma_wait3A_616 = tpu.memref_slice %arg8[%dma_wait3A_614, %dma_wait3A_615] : memref<10240x128xf32, #tpu.memory_space<vmem_shared>> -> memref<10240x128xf32, #tpu.memory_space<vmem_shared>>
    tpu.wait_indirect_dma semaphore(%arg37 : memref<!tpu.dma_semaphore, #tpu.memory_space<semaphore_mem>>) src(%arg24 : memref<80x128xf32, #tpu.memory_space<vmem>>) dst(%dma_wait3A_616 : memref<10240x128xf32, #tpu.memory_space<vmem_shared>>)
    %dma_wait3A_617 = arith.constant 0 : i32
    %dma_wait3A_618 = tpu.memref_slice %arg9[%dma_wait3A_617] : memref<10240xf32, #tpu.memory_space<vmem_shared>> -> memref<10240xf32, #tpu.memory_space<vmem_shared>>
    tpu.wait_indirect_dma semaphore(%arg37 : memref<!tpu.dma_semaphore, #tpu.memory_space<semaphore_mem>>) src(%arg26 : memref<80xf32, #tpu.memory_space<vmem>>) dst(%dma_wait3A_618 : memref<10240xf32, #tpu.memory_space<vmem_shared>>)
    %add3A_619 = arith.constant 480 : i32
    %add3A_620 = arith.addi %mul3A_32, %add3A_619 : i32
    %dma_wait3A_621 = tpu.memref_slice %arg3[%add3A_620] : memref<640000xi32, #tpu.memory_space<hbm>> -> memref<80xi32, #tpu.memory_space<hbm>>
    %dma_wait3A_622 = tpu.memref_slice %arg3[%add3A_620] : memref<640000xi32, #tpu.memory_space<hbm>> -> memref<80xi32, #tpu.memory_space<hbm>>
    tpu.wait_dma2 semaphore(%arg39 : memref<!tpu.dma_semaphore, #tpu.memory_space<semaphore_mem>>) src(%dma_wait3A_622 : memref<80xi32, #tpu.memory_space<hbm>>) dst(%arg10 : memref<80xi32, #tpu.memory_space<vmem>>)
    %add3A_623 = arith.constant 320000 : i32
    %add3A_624 = arith.addi %add3A_623, %add3A_620 : i32
    %dma_wait3A_625 = tpu.memref_slice %arg3[%add3A_624] : memref<640000xi32, #tpu.memory_space<hbm>> -> memref<80xi32, #tpu.memory_space<hbm>>
    %dma_wait3A_626 = tpu.memref_slice %arg3[%add3A_624] : memref<640000xi32, #tpu.memory_space<hbm>> -> memref<80xi32, #tpu.memory_space<hbm>>
    tpu.wait_dma2 semaphore(%arg39 : memref<!tpu.dma_semaphore, #tpu.memory_space<semaphore_mem>>) src(%dma_wait3A_626 : memref<80xi32, #tpu.memory_space<hbm>>) dst(%arg12 : memref<80xi32, #tpu.memory_space<vmem>>)
    %get3A_627 = arith.constant 0 : index
    %get3A_628 = tpu.vector_load %arg10[%get3A_627] {strides = array<i32>} : memref<80xi32, #tpu.memory_space<vmem>>, vector<16xi32>,
    %get3A_629 = vector.shape_cast %get3A_628 : vector<16xi32> to vector<16xi32>
    %swap3A_630 = arith.constant 0 : index
    %swap3A_631 = tpu.vector_load %arg16[%swap3A_630] {strides = array<i32>} : memref<80xi32, #tpu.memory_space<vmem>>, vector<16xi32>,
    %swap3A_632 = vector.shape_cast %swap3A_631 : vector<16xi32> to vector<16xi32>
    %swap3A_633 = vector.shape_cast %get3A_629 : vector<16xi32> to vector<16xi32>
    tpu.vector_store %arg16[%swap3A_630], %swap3A_633 {strides = array<i32>} : memref<80xi32, #tpu.memory_space<vmem>>, vector<16xi32>,
    %get3A_634 = arith.constant 0 : index
    %get3A_635 = tpu.vector_load %arg12[%get3A_634] {strides = array<i32>} : memref<80xi32, #tpu.memory_space<vmem>>, vector<16xi32>,
    %get3A_636 = vector.shape_cast %get3A_635 : vector<16xi32> to vector<16xi32>
    %swap3A_637 = arith.constant 0 : index
    %swap3A_638 = tpu.vector_load %arg20[%swap3A_637] {strides = array<i32>} : memref<80xi32, #tpu.memory_space<vmem>>, vector<16xi32>,
    %swap3A_639 = vector.shape_cast %swap3A_638 : vector<16xi32> to vector<16xi32>
    %swap3A_640 = vector.shape_cast %get3A_636 : vector<16xi32> to vector<16xi32>
    tpu.vector_store %arg20[%swap3A_637], %swap3A_640 {strides = array<i32>} : memref<80xi32, #tpu.memory_space<vmem>>, vector<16xi32>,
    %get3A_641 = arith.constant 16 : index
    %get3A_642 = tpu.vector_load %arg10[%get3A_641] {strides = array<i32>} : memref<80xi32, #tpu.memory_space<vmem>>, vector<16xi32>,
    %get3A_643 = vector.shape_cast %get3A_642 : vector<16xi32> to vector<16xi32>
    %swap3A_644 = arith.constant 16 : index
    %swap3A_645 = tpu.vector_load %arg16[%swap3A_644] {strides = array<i32>} : memref<80xi32, #tpu.memory_space<vmem>>, vector<16xi32>,
    %swap3A_646 = vector.shape_cast %swap3A_645 : vector<16xi32> to vector<16xi32>
    %swap3A_647 = vector.shape_cast %get3A_643 : vector<16xi32> to vector<16xi32>
    tpu.vector_store %arg16[%swap3A_644], %swap3A_647 {strides = array<i32>} : memref<80xi32, #tpu.memory_space<vmem>>, vector<16xi32>,
    %get3A_648 = arith.constant 16 : index
    %get3A_649 = tpu.vector_load %arg12[%get3A_648] {strides = array<i32>} : memref<80xi32, #tpu.memory_space<vmem>>, vector<16xi32>,
    %get3A_650 = vector.shape_cast %get3A_649 : vector<16xi32> to vector<16xi32>
    %swap3A_651 = arith.constant 16 : index
    %swap3A_652 = tpu.vector_load %arg20[%swap3A_651] {strides = array<i32>} : memref<80xi32, #tpu.memory_space<vmem>>, vector<16xi32>,
    %swap3A_653 = vector.shape_cast %swap3A_652 : vector<16xi32> to vector<16xi32>
    %swap3A_654 = vector.shape_cast %get3A_650 : vector<16xi32> to vector<16xi32>
    tpu.vector_store %arg20[%swap3A_651], %swap3A_654 {strides = array<i32>} : memref<80xi32, #tpu.memory_space<vmem>>, vector<16xi32>,
    %get3A_655 = arith.constant 32 : index
    %get3A_656 = tpu.vector_load %arg10[%get3A_655] {strides = array<i32>} : memref<80xi32, #tpu.memory_space<vmem>>, vector<16xi32>,
    %get3A_657 = vector.shape_cast %get3A_656 : vector<16xi32> to vector<16xi32>
    %swap3A_658 = arith.constant 32 : index
    %swap3A_659 = tpu.vector_load %arg16[%swap3A_658] {strides = array<i32>} : memref<80xi32, #tpu.memory_space<vmem>>, vector<16xi32>,
    %swap3A_660 = vector.shape_cast %swap3A_659 : vector<16xi32> to vector<16xi32>
    %swap3A_661 = vector.shape_cast %get3A_657 : vector<16xi32> to vector<16xi32>
    tpu.vector_store %arg16[%swap3A_658], %swap3A_661 {strides = array<i32>} : memref<80xi32, #tpu.memory_space<vmem>>, vector<16xi32>,
    %get3A_662 = arith.constant 32 : index
    %get3A_663 = tpu.vector_load %arg12[%get3A_662] {strides = array<i32>} : memref<80xi32, #tpu.memory_space<vmem>>, vector<16xi32>,
    %get3A_664 = vector.shape_cast %get3A_663 : vector<16xi32> to vector<16xi32>
    %swap3A_665 = arith.constant 32 : index
    %swap3A_666 = tpu.vector_load %arg20[%swap3A_665] {strides = array<i32>} : memref<80xi32, #tpu.memory_space<vmem>>, vector<16xi32>,
    %swap3A_667 = vector.shape_cast %swap3A_666 : vector<16xi32> to vector<16xi32>
    %swap3A_668 = vector.shape_cast %get3A_664 : vector<16xi32> to vector<16xi32>
    tpu.vector_store %arg20[%swap3A_665], %swap3A_668 {strides = array<i32>} : memref<80xi32, #tpu.memory_space<vmem>>, vector<16xi32>,
    %get3A_669 = arith.constant 48 : index
    %get3A_670 = tpu.vector_load %arg10[%get3A_669] {strides = array<i32>} : memref<80xi32, #tpu.memory_space<vmem>>, vector<16xi32>,
    %get3A_671 = vector.shape_cast %get3A_670 : vector<16xi32> to vector<16xi32>
    %swap3A_672 = arith.constant 48 : index
    %swap3A_673 = tpu.vector_load %arg16[%swap3A_672] {strides = array<i32>} : memref<80xi32, #tpu.memory_space<vmem>>, vector<16xi32>,
    %swap3A_674 = vector.shape_cast %swap3A_673 : vector<16xi32> to vector<16xi32>
    %swap3A_675 = vector.shape_cast %get3A_671 : vector<16xi32> to vector<16xi32>
    tpu.vector_store %arg16[%swap3A_672], %swap3A_675 {strides = array<i32>} : memref<80xi32, #tpu.memory_space<vmem>>, vector<16xi32>,
    %get3A_676 = arith.constant 48 : index
    %get3A_677 = tpu.vector_load %arg12[%get3A_676] {strides = array<i32>} : memref<80xi32, #tpu.memory_space<vmem>>, vector<16xi32>,
    %get3A_678 = vector.shape_cast %get3A_677 : vector<16xi32> to vector<16xi32>
    %swap3A_679 = arith.constant 48 : index
    %swap3A_680 = tpu.vector_load %arg20[%swap3A_679] {strides = array<i32>} : memref<80xi32, #tpu.memory_space<vmem>>, vector<16xi32>,
    %swap3A_681 = vector.shape_cast %swap3A_680 : vector<16xi32> to vector<16xi32>
    %swap3A_682 = vector.shape_cast %get3A_678 : vector<16xi32> to vector<16xi32>
    tpu.vector_store %arg20[%swap3A_679], %swap3A_682 {strides = array<i32>} : memref<80xi32, #tpu.memory_space<vmem>>, vector<16xi32>,
    %get3A_683 = arith.constant 64 : index
    %get3A_684 = tpu.vector_load %arg10[%get3A_683] {strides = array<i32>} : memref<80xi32, #tpu.memory_space<vmem>>, vector<16xi32>,
    %get3A_685 = vector.shape_cast %get3A_684 : vector<16xi32> to vector<16xi32>
    %swap3A_686 = arith.constant 64 : index
    %swap3A_687 = tpu.vector_load %arg16[%swap3A_686] {strides = array<i32>} : memref<80xi32, #tpu.memory_space<vmem>>, vector<16xi32>,
    %swap3A_688 = vector.shape_cast %swap3A_687 : vector<16xi32> to vector<16xi32>
    %swap3A_689 = vector.shape_cast %get3A_685 : vector<16xi32> to vector<16xi32>
    tpu.vector_store %arg16[%swap3A_686], %swap3A_689 {strides = array<i32>} : memref<80xi32, #tpu.memory_space<vmem>>, vector<16xi32>,
    %get3A_690 = arith.constant 64 : index
    %get3A_691 = tpu.vector_load %arg12[%get3A_690] {strides = array<i32>} : memref<80xi32, #tpu.memory_space<vmem>>, vector<16xi32>,
    %get3A_692 = vector.shape_cast %get3A_691 : vector<16xi32> to vector<16xi32>
    %swap3A_693 = arith.constant 64 : index
    %swap3A_694 = tpu.vector_load %arg20[%swap3A_693] {strides = array<i32>} : memref<80xi32, #tpu.memory_space<vmem>>, vector<16xi32>,
    %swap3A_695 = vector.shape_cast %swap3A_694 : vector<16xi32> to vector<16xi32>
    %swap3A_696 = vector.shape_cast %get3A_692 : vector<16xi32> to vector<16xi32>
    tpu.vector_store %arg20[%swap3A_693], %swap3A_696 {strides = array<i32>} : memref<80xi32, #tpu.memory_space<vmem>>, vector<16xi32>,
    %dma_start3A_697 = arith.constant 0 : i32
    %dma_start3A_698 = arith.constant 0 : i32
    %dma_start3A_699 = tpu.memref_slice %arg2[%dma_start3A_697, %dma_start3A_698] : memref<10000x128xf32, #tpu.memory_space<hbm>> -> memref<10000x128xf32, #tpu.memory_space<hbm>>
    tpu.enqueue_indirect_dma source(%dma_start3A_699 : memref<10000x128xf32, #tpu.memory_space<hbm>>) target(%arg24 : memref<80x128xf32, #tpu.memory_space<vmem>>) offsets(%arg16 : memref<80xi32, #tpu.memory_space<vmem>>) semaphore(%arg33 : memref<!tpu.dma_semaphore, #tpu.memory_space<semaphore_mem>>)
    %add3A_700 = arith.constant 560 : i32
    %add3A_701 = arith.addi %mul3A_32, %add3A_700 : i32
    %dma_start3A_702 = tpu.memref_slice %arg3[%add3A_701] : memref<640000xi32, #tpu.memory_space<hbm>> -> memref<80xi32, #tpu.memory_space<hbm>>
    %dma_start3A_703 = tpu.memref_slice %arg3[%add3A_701] : memref<640000xi32, #tpu.memory_space<hbm>> -> memref<80xi32, #tpu.memory_space<hbm>>
    tpu.enqueue_dma source(%dma_start3A_703 : memref<80xi32, #tpu.memory_space<hbm>>) target(%arg11 : memref<80xi32, #tpu.memory_space<vmem>>) target_semaphore(%arg40 : memref<!tpu.dma_semaphore, #tpu.memory_space<semaphore_mem>>)
    %add3A_704 = arith.constant 320000 : i32
    %add3A_705 = arith.addi %add3A_704, %add3A_701 : i32
    %dma_start3A_706 = tpu.memref_slice %arg3[%add3A_705] : memref<640000xi32, #tpu.memory_space<hbm>> -> memref<80xi32, #tpu.memory_space<hbm>>
    %dma_start3A_707 = tpu.memref_slice %arg3[%add3A_705] : memref<640000xi32, #tpu.memory_space<hbm>> -> memref<80xi32, #tpu.memory_space<hbm>>
    tpu.enqueue_dma source(%dma_start3A_707 : memref<80xi32, #tpu.memory_space<hbm>>) target(%arg13 : memref<80xi32, #tpu.memory_space<vmem>>) target_semaphore(%arg40 : memref<!tpu.dma_semaphore, #tpu.memory_space<semaphore_mem>>)
    %scan3A = arith.constant 0 : i32
    %scan3A_708 = arith.constant 30 : i32
    %scan3A_709 = arith.addi %scan3A, %scan3A_708 : i32
    %scan3A_710 = arith.constant 1 : i32
    scf.for %scan3A_731 = %scan3A to %scan3A_709 step %scan3A_710  : i32 {
      %mul3A_732 = arith.constant 1 : i32
      %mul3A_733 = arith.muli %scan3A_731, %mul3A_732 : i32
      %add3A_734 = arith.constant 1 : i32
      %add3A_735 = arith.addi %add3A_734, %mul3A_733 : i32
      %mul3A_736 = arith.constant 4 : i32
      %mul3A_737 = arith.muli %mul3A_736, %add3A_735 : i32
      %dma_wait3A_738 = arith.constant 0 : i32
      %dma_wait3A_739 = arith.constant 0 : i32
      %dma_wait3A_740 = tpu.memref_slice %arg2[%dma_wait3A_738, %dma_wait3A_739] : memref<10000x128xf32, #tpu.memory_space<hbm>> -> memref<10000x128xf32, #tpu.memory_space<hbm>>
      tpu.wait_indirect_dma semaphore(%arg31 : memref<!tpu.dma_semaphore, #tpu.memory_space<semaphore_mem>>) src(%dma_wait3A_740 : memref<10000x128xf32, #tpu.memory_space<hbm>>) dst(%arg22 : memref<80x128xf32, #tpu.memory_space<vmem>>)
      %dma_start3A_741 = arith.constant 0 : i32
      %dma_start3A_742 = arith.constant 0 : i32
      %dma_start3A_743 = tpu.memref_slice %arg8[%dma_start3A_741, %dma_start3A_742] : memref<10240x128xf32, #tpu.memory_space<vmem_shared>> -> memref<10240x128xf32, #tpu.memory_space<vmem_shared>>
      tpu.enqueue_indirect_dma source(%arg22 : memref<80x128xf32, #tpu.memory_space<vmem>>) target(%dma_start3A_743 : memref<10240x128xf32, #tpu.memory_space<vmem_shared>>) offsets(%arg18 : memref<80xi32, #tpu.memory_space<vmem>>) semaphore(%arg35 : memref<!tpu.dma_semaphore, #tpu.memory_space<semaphore_mem>>) {add = true}
      %dma_start3A_744 = arith.constant 0 : i32
      %dma_start3A_745 = tpu.memref_slice %arg9[%dma_start3A_744] : memref<10240xf32, #tpu.memory_space<vmem_shared>> -> memref<10240xf32, #tpu.memory_space<vmem_shared>>
      tpu.enqueue_indirect_dma source(%arg26 : memref<80xf32, #tpu.memory_space<vmem>>) target(%dma_start3A_745 : memref<10240xf32, #tpu.memory_space<vmem_shared>>) offsets(%arg18 : memref<80xi32, #tpu.memory_space<vmem>>) semaphore(%arg35 : memref<!tpu.dma_semaphore, #tpu.memory_space<semaphore_mem>>) {add = true}
      %sub3A = arith.constant 1 : i32
      %sub3A_746 = arith.subi %mul3A_737, %sub3A : i32
      %dma_wait3A_747 = arith.constant 0 : i32
      %dma_wait3A_748 = arith.constant 0 : i32
      %dma_wait3A_749 = tpu.memref_slice %arg8[%dma_wait3A_747, %dma_wait3A_748] : memref<10240x128xf32, #tpu.memory_space<vmem_shared>> -> memref<10240x128xf32, #tpu.memory_space<vmem_shared>>
      tpu.wait_indirect_dma semaphore(%arg38 : memref<!tpu.dma_semaphore, #tpu.memory_space<semaphore_mem>>) src(%arg25 : memref<80x128xf32, #tpu.memory_space<vmem>>) dst(%dma_wait3A_749 : memref<10240x128xf32, #tpu.memory_space<vmem_shared>>)
      %dma_wait3A_750 = arith.constant 0 : i32
      %dma_wait3A_751 = tpu.memref_slice %arg9[%dma_wait3A_750] : memref<10240xf32, #tpu.memory_space<vmem_shared>> -> memref<10240xf32, #tpu.memory_space<vmem_shared>>
      tpu.wait_indirect_dma semaphore(%arg38 : memref<!tpu.dma_semaphore, #tpu.memory_space<semaphore_mem>>) src(%arg26 : memref<80xf32, #tpu.memory_space<vmem>>) dst(%dma_wait3A_751 : memref<10240xf32, #tpu.memory_space<vmem_shared>>)
      %add3A_752 = arith.constant 3 : i32
      %add3A_753 = arith.addi %mul3A_737, %add3A_752 : i32
      %lt3A = arith.constant 125 : i32
      %lt3A_754 = arith.cmpi slt, %add3A_753, %lt3A : i32
      %convert_element_type3A = arith.extui %lt3A_754 : i1 to i32
      %cond3A = arith.constant 0 : i32
      %cond3A_755 = arith.cmpi ne, %convert_element_type3A, %cond3A : i32
      scf.if %cond3A_755 {
        %add3A_862 = arith.constant 3 : i32
        %add3A_863 = arith.addi %mul3A_737, %add3A_862 : i32
        %mul3A_864 = arith.constant 80 : i32
        %mul3A_865 = arith.muli %add3A_863, %mul3A_864 : i32
        %add3A_866 = arith.addi %mul3A_32, %mul3A_865 : i32
        %dma_wait3A_867 = tpu.memref_slice %arg3[%add3A_866] : memref<640000xi32, #tpu.memory_space<hbm>> -> memref<80xi32, #tpu.memory_space<hbm>>
        %dma_wait3A_868 = tpu.memref_slice %arg3[%add3A_866] : memref<640000xi32, #tpu.memory_space<hbm>> -> memref<80xi32, #tpu.memory_space<hbm>>
        tpu.wait_dma2 semaphore(%arg40 : memref<!tpu.dma_semaphore, #tpu.memory_space<semaphore_mem>>) src(%dma_wait3A_868 : memref<80xi32, #tpu.memory_space<hbm>>) dst(%arg11 : memref<80xi32, #tpu.memory_space<vmem>>)
        %add3A_869 = arith.constant 320000 : i32
        %add3A_870 = arith.addi %add3A_869, %add3A_866 : i32
        %dma_wait3A_871 = tpu.memref_slice %arg3[%add3A_870] : memref<640000xi32, #tpu.memory_space<hbm>> -> memref<80xi32, #tpu.memory_space<hbm>>
        %dma_wait3A_872 = tpu.memref_slice %arg3[%add3A_870] : memref<640000xi32, #tpu.memory_space<hbm>> -> memref<80xi32, #tpu.memory_space<hbm>>
        tpu.wait_dma2 semaphore(%arg40 : memref<!tpu.dma_semaphore, #tpu.memory_space<semaphore_mem>>) src(%dma_wait3A_872 : memref<80xi32, #tpu.memory_space<hbm>>) dst(%arg13 : memref<80xi32, #tpu.memory_space<vmem>>)
        %get3A_873 = arith.constant 0 : index
        %get3A_874 = tpu.vector_load %arg11[%get3A_873] {strides = array<i32>} : memref<80xi32, #tpu.memory_space<vmem>>, vector<16xi32>,
        %get3A_875 = vector.shape_cast %get3A_874 : vector<16xi32> to vector<16xi32>
        %swap3A_876 = arith.constant 0 : index
        %swap3A_877 = tpu.vector_load %arg17[%swap3A_876] {strides = array<i32>} : memref<80xi32, #tpu.memory_space<vmem>>, vector<16xi32>,
        %swap3A_878 = vector.shape_cast %swap3A_877 : vector<16xi32> to vector<16xi32>
        %swap3A_879 = vector.shape_cast %get3A_875 : vector<16xi32> to vector<16xi32>
        tpu.vector_store %arg17[%swap3A_876], %swap3A_879 {strides = array<i32>} : memref<80xi32, #tpu.memory_space<vmem>>, vector<16xi32>,
        %get3A_880 = arith.constant 0 : index
        %get3A_881 = tpu.vector_load %arg13[%get3A_880] {strides = array<i32>} : memref<80xi32, #tpu.memory_space<vmem>>, vector<16xi32>,
        %get3A_882 = vector.shape_cast %get3A_881 : vector<16xi32> to vector<16xi32>
        %swap3A_883 = arith.constant 0 : index
        %swap3A_884 = tpu.vector_load %arg21[%swap3A_883] {strides = array<i32>} : memref<80xi32, #tpu.memory_space<vmem>>, vector<16xi32>,
        %swap3A_885 = vector.shape_cast %swap3A_884 : vector<16xi32> to vector<16xi32>
        %swap3A_886 = vector.shape_cast %get3A_882 : vector<16xi32> to vector<16xi32>
        tpu.vector_store %arg21[%swap3A_883], %swap3A_886 {strides = array<i32>} : memref<80xi32, #tpu.memory_space<vmem>>, vector<16xi32>,
        %get3A_887 = arith.constant 16 : index
        %get3A_888 = tpu.vector_load %arg11[%get3A_887] {strides = array<i32>} : memref<80xi32, #tpu.memory_space<vmem>>, vector<16xi32>,
        %get3A_889 = vector.shape_cast %get3A_888 : vector<16xi32> to vector<16xi32>
        %swap3A_890 = arith.constant 16 : index
        %swap3A_891 = tpu.vector_load %arg17[%swap3A_890] {strides = array<i32>} : memref<80xi32, #tpu.memory_space<vmem>>, vector<16xi32>,
        %swap3A_892 = vector.shape_cast %swap3A_891 : vector<16xi32> to vector<16xi32>
        %swap3A_893 = vector.shape_cast %get3A_889 : vector<16xi32> to vector<16xi32>
        tpu.vector_store %arg17[%swap3A_890], %swap3A_893 {strides = array<i32>} : memref<80xi32, #tpu.memory_space<vmem>>, vector<16xi32>,
        %get3A_894 = arith.constant 16 : index
        %get3A_895 = tpu.vector_load %arg13[%get3A_894] {strides = array<i32>} : memref<80xi32, #tpu.memory_space<vmem>>, vector<16xi32>,
        %get3A_896 = vector.shape_cast %get3A_895 : vector<16xi32> to vector<16xi32>
        %swap3A_897 = arith.constant 16 : index
        %swap3A_898 = tpu.vector_load %arg21[%swap3A_897] {strides = array<i32>} : memref<80xi32, #tpu.memory_space<vmem>>, vector<16xi32>,
        %swap3A_899 = vector.shape_cast %swap3A_898 : vector<16xi32> to vector<16xi32>
        %swap3A_900 = vector.shape_cast %get3A_896 : vector<16xi32> to vector<16xi32>
        tpu.vector_store %arg21[%swap3A_897], %swap3A_900 {strides = array<i32>} : memref<80xi32, #tpu.memory_space<vmem>>, vector<16xi32>,
        %get3A_901 = arith.constant 32 : index
        %get3A_902 = tpu.vector_load %arg11[%get3A_901] {strides = array<i32>} : memref<80xi32, #tpu.memory_space<vmem>>, vector<16xi32>,
        %get3A_903 = vector.shape_cast %get3A_902 : vector<16xi32> to vector<16xi32>
        %swap3A_904 = arith.constant 32 : index
        %swap3A_905 = tpu.vector_load %arg17[%swap3A_904] {strides = array<i32>} : memref<80xi32, #tpu.memory_space<vmem>>, vector<16xi32>,
        %swap3A_906 = vector.shape_cast %swap3A_905 : vector<16xi32> to vector<16xi32>
        %swap3A_907 = vector.shape_cast %get3A_903 : vector<16xi32> to vector<16xi32>
        tpu.vector_store %arg17[%swap3A_904], %swap3A_907 {strides = array<i32>} : memref<80xi32, #tpu.memory_space<vmem>>, vector<16xi32>,
        %get3A_908 = arith.constant 32 : index
        %get3A_909 = tpu.vector_load %arg13[%get3A_908] {strides = array<i32>} : memref<80xi32, #tpu.memory_space<vmem>>, vector<16xi32>,
        %get3A_910 = vector.shape_cast %get3A_909 : vector<16xi32> to vector<16xi32>
        %swap3A_911 = arith.constant 32 : index
        %swap3A_912 = tpu.vector_load %arg21[%swap3A_911] {strides = array<i32>} : memref<80xi32, #tpu.memory_space<vmem>>, vector<16xi32>,
        %swap3A_913 = vector.shape_cast %swap3A_912 : vector<16xi32> to vector<16xi32>
        %swap3A_914 = vector.shape_cast %get3A_910 : vector<16xi32> to vector<16xi32>
        tpu.vector_store %arg21[%swap3A_911], %swap3A_914 {strides = array<i32>} : memref<80xi32, #tpu.memory_space<vmem>>, vector<16xi32>,
        %get3A_915 = arith.constant 48 : index
        %get3A_916 = tpu.vector_load %arg11[%get3A_915] {strides = array<i32>} : memref<80xi32, #tpu.memory_space<vmem>>, vector<16xi32>,
        %get3A_917 = vector.shape_cast %get3A_916 : vector<16xi32> to vector<16xi32>
        %swap3A_918 = arith.constant 48 : index
        %swap3A_919 = tpu.vector_load %arg17[%swap3A_918] {strides = array<i32>} : memref<80xi32, #tpu.memory_space<vmem>>, vector<16xi32>,
        %swap3A_920 = vector.shape_cast %swap3A_919 : vector<16xi32> to vector<16xi32>
        %swap3A_921 = vector.shape_cast %get3A_917 : vector<16xi32> to vector<16xi32>
        tpu.vector_store %arg17[%swap3A_918], %swap3A_921 {strides = array<i32>} : memref<80xi32, #tpu.memory_space<vmem>>, vector<16xi32>,
        %get3A_922 = arith.constant 48 : index
        %get3A_923 = tpu.vector_load %arg13[%get3A_922] {strides = array<i32>} : memref<80xi32, #tpu.memory_space<vmem>>, vector<16xi32>,
        %get3A_924 = vector.shape_cast %get3A_923 : vector<16xi32> to vector<16xi32>
        %swap3A_925 = arith.constant 48 : index
        %swap3A_926 = tpu.vector_load %arg21[%swap3A_925] {strides = array<i32>} : memref<80xi32, #tpu.memory_space<vmem>>, vector<16xi32>,
        %swap3A_927 = vector.shape_cast %swap3A_926 : vector<16xi32> to vector<16xi32>
        %swap3A_928 = vector.shape_cast %get3A_924 : vector<16xi32> to vector<16xi32>
        tpu.vector_store %arg21[%swap3A_925], %swap3A_928 {strides = array<i32>} : memref<80xi32, #tpu.memory_space<vmem>>, vector<16xi32>,
        %get3A_929 = arith.constant 64 : index
        %get3A_930 = tpu.vector_load %arg11[%get3A_929] {strides = array<i32>} : memref<80xi32, #tpu.memory_space<vmem>>, vector<16xi32>,
        %get3A_931 = vector.shape_cast %get3A_930 : vector<16xi32> to vector<16xi32>
        %swap3A_932 = arith.constant 64 : index
        %swap3A_933 = tpu.vector_load %arg17[%swap3A_932] {strides = array<i32>} : memref<80xi32, #tpu.memory_space<vmem>>, vector<16xi32>,
        %swap3A_934 = vector.shape_cast %swap3A_933 : vector<16xi32> to vector<16xi32>
        %swap3A_935 = vector.shape_cast %get3A_931 : vector<16xi32> to vector<16xi32>
        tpu.vector_store %arg17[%swap3A_932], %swap3A_935 {strides = array<i32>} : memref<80xi32, #tpu.memory_space<vmem>>, vector<16xi32>,
        %get3A_936 = arith.constant 64 : index
        %get3A_937 = tpu.vector_load %arg13[%get3A_936] {strides = array<i32>} : memref<80xi32, #tpu.memory_space<vmem>>, vector<16xi32>,
        %get3A_938 = vector.shape_cast %get3A_937 : vector<16xi32> to vector<16xi32>
        %swap3A_939 = arith.constant 64 : index
        %swap3A_940 = tpu.vector_load %arg21[%swap3A_939] {strides = array<i32>} : memref<80xi32, #tpu.memory_space<vmem>>, vector<16xi32>,
        %swap3A_941 = vector.shape_cast %swap3A_940 : vector<16xi32> to vector<16xi32>
        %swap3A_942 = vector.shape_cast %get3A_938 : vector<16xi32> to vector<16xi32>
        tpu.vector_store %arg21[%swap3A_939], %swap3A_942 {strides = array<i32>} : memref<80xi32, #tpu.memory_space<vmem>>, vector<16xi32>,
        %add3A_943 = arith.constant 3 : i32
        %add3A_944 = arith.addi %mul3A_737, %add3A_943 : i32
        %dma_start3A_945 = arith.constant 0 : i32
        %dma_start3A_946 = arith.constant 0 : i32
        %dma_start3A_947 = tpu.memref_slice %arg2[%dma_start3A_945, %dma_start3A_946] : memref<10000x128xf32, #tpu.memory_space<hbm>> -> memref<10000x128xf32, #tpu.memory_space<hbm>>
        tpu.enqueue_indirect_dma source(%dma_start3A_947 : memref<10000x128xf32, #tpu.memory_space<hbm>>) target(%arg25 : memref<80x128xf32, #tpu.memory_space<vmem>>) offsets(%arg17 : memref<80xi32, #tpu.memory_space<vmem>>) semaphore(%arg34 : memref<!tpu.dma_semaphore, #tpu.memory_space<semaphore_mem>>)
      } else {
      }
      %add3A_756 = arith.constant 4 : i32
      %add3A_757 = arith.addi %mul3A_737, %add3A_756 : i32
      %lt3A_758 = arith.constant 125 : i32
      %lt3A_759 = arith.cmpi slt, %add3A_757, %lt3A_758 : i32
      %convert_element_type3A_760 = arith.extui %lt3A_759 : i1 to i32
      %cond3A_761 = arith.constant 0 : i32
      %cond3A_762 = arith.cmpi ne, %convert_element_type3A_760, %cond3A_761 : i32
      scf.if %cond3A_762 {
        %add3A_862 = arith.constant 4 : i32
        %add3A_863 = arith.addi %mul3A_737, %add3A_862 : i32
        %mul3A_864 = arith.constant 80 : i32
        %mul3A_865 = arith.muli %add3A_863, %mul3A_864 : i32
        %add3A_866 = arith.addi %mul3A_32, %mul3A_865 : i32
        %dma_start3A_867 = tpu.memref_slice %arg3[%add3A_866] : memref<640000xi32, #tpu.memory_space<hbm>> -> memref<80xi32, #tpu.memory_space<hbm>>
        %dma_start3A_868 = tpu.memref_slice %arg3[%add3A_866] : memref<640000xi32, #tpu.memory_space<hbm>> -> memref<80xi32, #tpu.memory_space<hbm>>
        tpu.enqueue_dma source(%dma_start3A_868 : memref<80xi32, #tpu.memory_space<hbm>>) target(%arg10 : memref<80xi32, #tpu.memory_space<vmem>>) target_semaphore(%arg39 : memref<!tpu.dma_semaphore, #tpu.memory_space<semaphore_mem>>)
        %add3A_869 = arith.constant 320000 : i32
        %add3A_870 = arith.addi %add3A_869, %add3A_866 : i32
        %dma_start3A_871 = tpu.memref_slice %arg3[%add3A_870] : memref<640000xi32, #tpu.memory_space<hbm>> -> memref<80xi32, #tpu.memory_space<hbm>>
        %dma_start3A_872 = tpu.memref_slice %arg3[%add3A_870] : memref<640000xi32, #tpu.memory_space<hbm>> -> memref<80xi32, #tpu.memory_space<hbm>>
        tpu.enqueue_dma source(%dma_start3A_872 : memref<80xi32, #tpu.memory_space<hbm>>) target(%arg12 : memref<80xi32, #tpu.memory_space<vmem>>) target_semaphore(%arg39 : memref<!tpu.dma_semaphore, #tpu.memory_space<semaphore_mem>>)
      } else {
      }
      %mul3A_763 = arith.constant 4 : i32
      %mul3A_764 = arith.muli %mul3A_763, %add3A_735 : i32
      %add3A_765 = arith.constant 1 : i32
      %add3A_766 = arith.addi %mul3A_764, %add3A_765 : i32
      %dma_wait3A_767 = arith.constant 0 : i32
      %dma_wait3A_768 = arith.constant 0 : i32
      %dma_wait3A_769 = tpu.memref_slice %arg2[%dma_wait3A_767, %dma_wait3A_768] : memref<10000x128xf32, #tpu.memory_space<hbm>> -> memref<10000x128xf32, #tpu.memory_space<hbm>>
      tpu.wait_indirect_dma semaphore(%arg32 : memref<!tpu.dma_semaphore, #tpu.memory_space<semaphore_mem>>) src(%dma_wait3A_769 : memref<10000x128xf32, #tpu.memory_space<hbm>>) dst(%arg23 : memref<80x128xf32, #tpu.memory_space<vmem>>)
      %dma_start3A_770 = arith.constant 0 : i32
      %dma_start3A_771 = arith.constant 0 : i32
      %dma_start3A_772 = tpu.memref_slice %arg8[%dma_start3A_770, %dma_start3A_771] : memref<10240x128xf32, #tpu.memory_space<vmem_shared>> -> memref<10240x128xf32, #tpu.memory_space<vmem_shared>>
      tpu.enqueue_indirect_dma source(%arg23 : memref<80x128xf32, #tpu.memory_space<vmem>>) target(%dma_start3A_772 : memref<10240x128xf32, #tpu.memory_space<vmem_shared>>) offsets(%arg19 : memref<80xi32, #tpu.memory_space<vmem>>) semaphore(%arg36 : memref<!tpu.dma_semaphore, #tpu.memory_space<semaphore_mem>>) {add = true}
      %dma_start3A_773 = arith.constant 0 : i32
      %dma_start3A_774 = tpu.memref_slice %arg9[%dma_start3A_773] : memref<10240xf32, #tpu.memory_space<vmem_shared>> -> memref<10240xf32, #tpu.memory_space<vmem_shared>>
      tpu.enqueue_indirect_dma source(%arg26 : memref<80xf32, #tpu.memory_space<vmem>>) target(%dma_start3A_774 : memref<10240xf32, #tpu.memory_space<vmem_shared>>) offsets(%arg19 : memref<80xi32, #tpu.memory_space<vmem>>) semaphore(%arg36 : memref<!tpu.dma_semaphore, #tpu.memory_space<semaphore_mem>>) {add = true}
      %sub3A_775 = arith.constant 1 : i32
      %sub3A_776 = arith.subi %add3A_766, %sub3A_775 : i32
      %dma_wait3A_777 = arith.constant 0 : i32
      %dma_wait3A_778 = arith.constant 0 : i32
      %dma_wait3A_779 = tpu.memref_slice %arg8[%dma_wait3A_777, %dma_wait3A_778] : memref<10240x128xf32, #tpu.memory_space<vmem_shared>> -> memref<10240x128xf32, #tpu.memory_space<vmem_shared>>
      tpu.wait_indirect_dma semaphore(%arg35 : memref<!tpu.dma_semaphore, #tpu.memory_space<semaphore_mem>>) src(%arg22 : memref<80x128xf32, #tpu.memory_space<vmem>>) dst(%dma_wait3A_779 : memref<10240x128xf32, #tpu.memory_space<vmem_shared>>)
      %dma_wait3A_780 = arith.constant 0 : i32
      %dma_wait3A_781 = tpu.memref_slice %arg9[%dma_wait3A_780] : memref<10240xf32, #tpu.memory_space<vmem_shared>> -> memref<10240xf32, #tpu.memory_space<vmem_shared>>
      tpu.wait_indirect_dma semaphore(%arg35 : memref<!tpu.dma_semaphore, #tpu.memory_space<semaphore_mem>>) src(%arg26 : memref<80xf32, #tpu.memory_space<vmem>>) dst(%dma_wait3A_781 : memref<10240xf32, #tpu.memory_space<vmem_shared>>)
      %add3A_782 = arith.constant 3 : i32
      %add3A_783 = arith.addi %add3A_766, %add3A_782 : i32
      %lt3A_784 = arith.constant 125 : i32
      %lt3A_785 = arith.cmpi slt, %add3A_783, %lt3A_784 : i32
      %convert_element_type3A_786 = arith.extui %lt3A_785 : i1 to i32
      %cond3A_787 = arith.constant 0 : i32
      %cond3A_788 = arith.cmpi ne, %convert_element_type3A_786, %cond3A_787 : i32
      scf.if %cond3A_788 {
        %add3A_862 = arith.constant 3 : i32
        %add3A_863 = arith.addi %add3A_766, %add3A_862 : i32
        %mul3A_864 = arith.constant 80 : i32
        %mul3A_865 = arith.muli %add3A_863, %mul3A_864 : i32
        %add3A_866 = arith.addi %mul3A_32, %mul3A_865 : i32
        %dma_wait3A_867 = tpu.memref_slice %arg3[%add3A_866] : memref<640000xi32, #tpu.memory_space<hbm>> -> memref<80xi32, #tpu.memory_space<hbm>>
        %dma_wait3A_868 = tpu.memref_slice %arg3[%add3A_866] : memref<640000xi32, #tpu.memory_space<hbm>> -> memref<80xi32, #tpu.memory_space<hbm>>
        tpu.wait_dma2 semaphore(%arg39 : memref<!tpu.dma_semaphore, #tpu.memory_space<semaphore_mem>>) src(%dma_wait3A_868 : memref<80xi32, #tpu.memory_space<hbm>>) dst(%arg10 : memref<80xi32, #tpu.memory_space<vmem>>)
        %add3A_869 = arith.constant 320000 : i32
        %add3A_870 = arith.addi %add3A_869, %add3A_866 : i32
        %dma_wait3A_871 = tpu.memref_slice %arg3[%add3A_870] : memref<640000xi32, #tpu.memory_space<hbm>> -> memref<80xi32, #tpu.memory_space<hbm>>
        %dma_wait3A_872 = tpu.memref_slice %arg3[%add3A_870] : memref<640000xi32, #tpu.memory_space<hbm>> -> memref<80xi32, #tpu.memory_space<hbm>>
        tpu.wait_dma2 semaphore(%arg39 : memref<!tpu.dma_semaphore, #tpu.memory_space<semaphore_mem>>) src(%dma_wait3A_872 : memref<80xi32, #tpu.memory_space<hbm>>) dst(%arg12 : memref<80xi32, #tpu.memory_space<vmem>>)
        %get3A_873 = arith.constant 0 : index
        %get3A_874 = tpu.vector_load %arg10[%get3A_873] {strides = array<i32>} : memref<80xi32, #tpu.memory_space<vmem>>, vector<16xi32>,
        %get3A_875 = vector.shape_cast %get3A_874 : vector<16xi32> to vector<16xi32>
        %swap3A_876 = arith.constant 0 : index
        %swap3A_877 = tpu.vector_load %arg14[%swap3A_876] {strides = array<i32>} : memref<80xi32, #tpu.memory_space<vmem>>, vector<16xi32>,
        %swap3A_878 = vector.shape_cast %swap3A_877 : vector<16xi32> to vector<16xi32>
        %swap3A_879 = vector.shape_cast %get3A_875 : vector<16xi32> to vector<16xi32>
        tpu.vector_store %arg14[%swap3A_876], %swap3A_879 {strides = array<i32>} : memref<80xi32, #tpu.memory_space<vmem>>, vector<16xi32>,
        %get3A_880 = arith.constant 0 : index
        %get3A_881 = tpu.vector_load %arg12[%get3A_880] {strides = array<i32>} : memref<80xi32, #tpu.memory_space<vmem>>, vector<16xi32>,
        %get3A_882 = vector.shape_cast %get3A_881 : vector<16xi32> to vector<16xi32>
        %swap3A_883 = arith.constant 0 : index
        %swap3A_884 = tpu.vector_load %arg18[%swap3A_883] {strides = array<i32>} : memref<80xi32, #tpu.memory_space<vmem>>, vector<16xi32>,
        %swap3A_885 = vector.shape_cast %swap3A_884 : vector<16xi32> to vector<16xi32>
        %swap3A_886 = vector.shape_cast %get3A_882 : vector<16xi32> to vector<16xi32>
        tpu.vector_store %arg18[%swap3A_883], %swap3A_886 {strides = array<i32>} : memref<80xi32, #tpu.memory_space<vmem>>, vector<16xi32>,
        %get3A_887 = arith.constant 16 : index
        %get3A_888 = tpu.vector_load %arg10[%get3A_887] {strides = array<i32>} : memref<80xi32, #tpu.memory_space<vmem>>, vector<16xi32>,
        %get3A_889 = vector.shape_cast %get3A_888 : vector<16xi32> to vector<16xi32>
        %swap3A_890 = arith.constant 16 : index
        %swap3A_891 = tpu.vector_load %arg14[%swap3A_890] {strides = array<i32>} : memref<80xi32, #tpu.memory_space<vmem>>, vector<16xi32>,
        %swap3A_892 = vector.shape_cast %swap3A_891 : vector<16xi32> to vector<16xi32>
        %swap3A_893 = vector.shape_cast %get3A_889 : vector<16xi32> to vector<16xi32>
        tpu.vector_store %arg14[%swap3A_890], %swap3A_893 {strides = array<i32>} : memref<80xi32, #tpu.memory_space<vmem>>, vector<16xi32>,
        %get3A_894 = arith.constant 16 : index
        %get3A_895 = tpu.vector_load %arg12[%get3A_894] {strides = array<i32>} : memref<80xi32, #tpu.memory_space<vmem>>, vector<16xi32>,
        %get3A_896 = vector.shape_cast %get3A_895 : vector<16xi32> to vector<16xi32>
        %swap3A_897 = arith.constant 16 : index
        %swap3A_898 = tpu.vector_load %arg18[%swap3A_897] {strides = array<i32>} : memref<80xi32, #tpu.memory_space<vmem>>, vector<16xi32>,
        %swap3A_899 = vector.shape_cast %swap3A_898 : vector<16xi32> to vector<16xi32>
        %swap3A_900 = vector.shape_cast %get3A_896 : vector<16xi32> to vector<16xi32>
        tpu.vector_store %arg18[%swap3A_897], %swap3A_900 {strides = array<i32>} : memref<80xi32, #tpu.memory_space<vmem>>, vector<16xi32>,
        %get3A_901 = arith.constant 32 : index
        %get3A_902 = tpu.vector_load %arg10[%get3A_901] {strides = array<i32>} : memref<80xi32, #tpu.memory_space<vmem>>, vector<16xi32>,
        %get3A_903 = vector.shape_cast %get3A_902 : vector<16xi32> to vector<16xi32>
        %swap3A_904 = arith.constant 32 : index
        %swap3A_905 = tpu.vector_load %arg14[%swap3A_904] {strides = array<i32>} : memref<80xi32, #tpu.memory_space<vmem>>, vector<16xi32>,
        %swap3A_906 = vector.shape_cast %swap3A_905 : vector<16xi32> to vector<16xi32>
        %swap3A_907 = vector.shape_cast %get3A_903 : vector<16xi32> to vector<16xi32>
        tpu.vector_store %arg14[%swap3A_904], %swap3A_907 {strides = array<i32>} : memref<80xi32, #tpu.memory_space<vmem>>, vector<16xi32>,
        %get3A_908 = arith.constant 32 : index
        %get3A_909 = tpu.vector_load %arg12[%get3A_908] {strides = array<i32>} : memref<80xi32, #tpu.memory_space<vmem>>, vector<16xi32>,
        %get3A_910 = vector.shape_cast %get3A_909 : vector<16xi32> to vector<16xi32>
        %swap3A_911 = arith.constant 32 : index
        %swap3A_912 = tpu.vector_load %arg18[%swap3A_911] {strides = array<i32>} : memref<80xi32, #tpu.memory_space<vmem>>, vector<16xi32>,
        %swap3A_913 = vector.shape_cast %swap3A_912 : vector<16xi32> to vector<16xi32>
        %swap3A_914 = vector.shape_cast %get3A_910 : vector<16xi32> to vector<16xi32>
        tpu.vector_store %arg18[%swap3A_911], %swap3A_914 {strides = array<i32>} : memref<80xi32, #tpu.memory_space<vmem>>, vector<16xi32>,
        %get3A_915 = arith.constant 48 : index
        %get3A_916 = tpu.vector_load %arg10[%get3A_915] {strides = array<i32>} : memref<80xi32, #tpu.memory_space<vmem>>, vector<16xi32>,
        %get3A_917 = vector.shape_cast %get3A_916 : vector<16xi32> to vector<16xi32>
        %swap3A_918 = arith.constant 48 : index
        %swap3A_919 = tpu.vector_load %arg14[%swap3A_918] {strides = array<i32>} : memref<80xi32, #tpu.memory_space<vmem>>, vector<16xi32>,
        %swap3A_920 = vector.shape_cast %swap3A_919 : vector<16xi32> to vector<16xi32>
        %swap3A_921 = vector.shape_cast %get3A_917 : vector<16xi32> to vector<16xi32>
        tpu.vector_store %arg14[%swap3A_918], %swap3A_921 {strides = array<i32>} : memref<80xi32, #tpu.memory_space<vmem>>, vector<16xi32>,
        %get3A_922 = arith.constant 48 : index
        %get3A_923 = tpu.vector_load %arg12[%get3A_922] {strides = array<i32>} : memref<80xi32, #tpu.memory_space<vmem>>, vector<16xi32>,
        %get3A_924 = vector.shape_cast %get3A_923 : vector<16xi32> to vector<16xi32>
        %swap3A_925 = arith.constant 48 : index
        %swap3A_926 = tpu.vector_load %arg18[%swap3A_925] {strides = array<i32>} : memref<80xi32, #tpu.memory_space<vmem>>, vector<16xi32>,
        %swap3A_927 = vector.shape_cast %swap3A_926 : vector<16xi32> to vector<16xi32>
        %swap3A_928 = vector.shape_cast %get3A_924 : vector<16xi32> to vector<16xi32>
        tpu.vector_store %arg18[%swap3A_925], %swap3A_928 {strides = array<i32>} : memref<80xi32, #tpu.memory_space<vmem>>, vector<16xi32>,
        %get3A_929 = arith.constant 64 : index
        %get3A_930 = tpu.vector_load %arg10[%get3A_929] {strides = array<i32>} : memref<80xi32, #tpu.memory_space<vmem>>, vector<16xi32>,
        %get3A_931 = vector.shape_cast %get3A_930 : vector<16xi32> to vector<16xi32>
        %swap3A_932 = arith.constant 64 : index
        %swap3A_933 = tpu.vector_load %arg14[%swap3A_932] {strides = array<i32>} : memref<80xi32, #tpu.memory_space<vmem>>, vector<16xi32>,
        %swap3A_934 = vector.shape_cast %swap3A_933 : vector<16xi32> to vector<16xi32>
        %swap3A_935 = vector.shape_cast %get3A_931 : vector<16xi32> to vector<16xi32>
        tpu.vector_store %arg14[%swap3A_932], %swap3A_935 {strides = array<i32>} : memref<80xi32, #tpu.memory_space<vmem>>, vector<16xi32>,
        %get3A_936 = arith.constant 64 : index
        %get3A_937 = tpu.vector_load %arg12[%get3A_936] {strides = array<i32>} : memref<80xi32, #tpu.memory_space<vmem>>, vector<16xi32>,
        %get3A_938 = vector.shape_cast %get3A_937 : vector<16xi32> to vector<16xi32>
        %swap3A_939 = arith.constant 64 : index
        %swap3A_940 = tpu.vector_load %arg18[%swap3A_939] {strides = array<i32>} : memref<80xi32, #tpu.memory_space<vmem>>, vector<16xi32>,
        %swap3A_941 = vector.shape_cast %swap3A_940 : vector<16xi32> to vector<16xi32>
        %swap3A_942 = vector.shape_cast %get3A_938 : vector<16xi32> to vector<16xi32>
        tpu.vector_store %arg18[%swap3A_939], %swap3A_942 {strides = array<i32>} : memref<80xi32, #tpu.memory_space<vmem>>, vector<16xi32>,
        %add3A_943 = arith.constant 3 : i32
        %add3A_944 = arith.addi %add3A_766, %add3A_943 : i32
        %dma_start3A_945 = arith.constant 0 : i32
        %dma_start3A_946 = arith.constant 0 : i32
        %dma_start3A_947 = tpu.memref_slice %arg2[%dma_start3A_945, %dma_start3A_946] : memref<10000x128xf32, #tpu.memory_space<hbm>> -> memref<10000x128xf32, #tpu.memory_space<hbm>>
        tpu.enqueue_indirect_dma source(%dma_start3A_947 : memref<10000x128xf32, #tpu.memory_space<hbm>>) target(%arg22 : memref<80x128xf32, #tpu.memory_space<vmem>>) offsets(%arg14 : memref<80xi32, #tpu.memory_space<vmem>>) semaphore(%arg31 : memref<!tpu.dma_semaphore, #tpu.memory_space<semaphore_mem>>)
      } else {
      }
      %add3A_789 = arith.constant 4 : i32
      %add3A_790 = arith.addi %add3A_766, %add3A_789 : i32
      %lt3A_791 = arith.constant 125 : i32
      %lt3A_792 = arith.cmpi slt, %add3A_790, %lt3A_791 : i32
      %convert_element_type3A_793 = arith.extui %lt3A_792 : i1 to i32
      %cond3A_794 = arith.constant 0 : i32
      %cond3A_795 = arith.cmpi ne, %convert_element_type3A_793, %cond3A_794 : i32
      scf.if %cond3A_795 {
        %add3A_862 = arith.constant 4 : i32
        %add3A_863 = arith.addi %add3A_766, %add3A_862 : i32
        %mul3A_864 = arith.constant 80 : i32
        %mul3A_865 = arith.muli %add3A_863, %mul3A_864 : i32
        %add3A_866 = arith.addi %mul3A_32, %mul3A_865 : i32
        %dma_start3A_867 = tpu.memref_slice %arg3[%add3A_866] : memref<640000xi32, #tpu.memory_space<hbm>> -> memref<80xi32, #tpu.memory_space<hbm>>
        %dma_start3A_868 = tpu.memref_slice %arg3[%add3A_866] : memref<640000xi32, #tpu.memory_space<hbm>> -> memref<80xi32, #tpu.memory_space<hbm>>
        tpu.enqueue_dma source(%dma_start3A_868 : memref<80xi32, #tpu.memory_space<hbm>>) target(%arg11 : memref<80xi32, #tpu.memory_space<vmem>>) target_semaphore(%arg40 : memref<!tpu.dma_semaphore, #tpu.memory_space<semaphore_mem>>)
        %add3A_869 = arith.constant 320000 : i32
        %add3A_870 = arith.addi %add3A_869, %add3A_866 : i32
        %dma_start3A_871 = tpu.memref_slice %arg3[%add3A_870] : memref<640000xi32, #tpu.memory_space<hbm>> -> memref<80xi32, #tpu.memory_space<hbm>>
        %dma_start3A_872 = tpu.memref_slice %arg3[%add3A_870] : memref<640000xi32, #tpu.memory_space<hbm>> -> memref<80xi32, #tpu.memory_space<hbm>>
        tpu.enqueue_dma source(%dma_start3A_872 : memref<80xi32, #tpu.memory_space<hbm>>) target(%arg13 : memref<80xi32, #tpu.memory_space<vmem>>) target_semaphore(%arg40 : memref<!tpu.dma_semaphore, #tpu.memory_space<semaphore_mem>>)
      } else {
      }
      %mul3A_796 = arith.constant 4 : i32
      %mul3A_797 = arith.muli %mul3A_796, %add3A_735 : i32
      %add3A_798 = arith.constant 2 : i32
      %add3A_799 = arith.addi %mul3A_797, %add3A_798 : i32
      %dma_wait3A_800 = arith.constant 0 : i32
      %dma_wait3A_801 = arith.constant 0 : i32
      %dma_wait3A_802 = tpu.memref_slice %arg2[%dma_wait3A_800, %dma_wait3A_801] : memref<10000x128xf32, #tpu.memory_space<hbm>> -> memref<10000x128xf32, #tpu.memory_space<hbm>>
      tpu.wait_indirect_dma semaphore(%arg33 : memref<!tpu.dma_semaphore, #tpu.memory_space<semaphore_mem>>) src(%dma_wait3A_802 : memref<10000x128xf32, #tpu.memory_space<hbm>>) dst(%arg24 : memref<80x128xf32, #tpu.memory_space<vmem>>)
      %dma_start3A_803 = arith.constant 0 : i32
      %dma_start3A_804 = arith.constant 0 : i32
      %dma_start3A_805 = tpu.memref_slice %arg8[%dma_start3A_803, %dma_start3A_804] : memref<10240x128xf32, #tpu.memory_space<vmem_shared>> -> memref<10240x128xf32, #tpu.memory_space<vmem_shared>>
      tpu.enqueue_indirect_dma source(%arg24 : memref<80x128xf32, #tpu.memory_space<vmem>>) target(%dma_start3A_805 : memref<10240x128xf32, #tpu.memory_space<vmem_shared>>) offsets(%arg20 : memref<80xi32, #tpu.memory_space<vmem>>) semaphore(%arg37 : memref<!tpu.dma_semaphore, #tpu.memory_space<semaphore_mem>>) {add = true}
      %dma_start3A_806 = arith.constant 0 : i32
      %dma_start3A_807 = tpu.memref_slice %arg9[%dma_start3A_806] : memref<10240xf32, #tpu.memory_space<vmem_shared>> -> memref<10240xf32, #tpu.memory_space<vmem_shared>>
      tpu.enqueue_indirect_dma source(%arg26 : memref<80xf32, #tpu.memory_space<vmem>>) target(%dma_start3A_807 : memref<10240xf32, #tpu.memory_space<vmem_shared>>) offsets(%arg20 : memref<80xi32, #tpu.memory_space<vmem>>) semaphore(%arg37 : memref<!tpu.dma_semaphore, #tpu.memory_space<semaphore_mem>>) {add = true}
      %sub3A_808 = arith.constant 1 : i32
      %sub3A_809 = arith.subi %add3A_799, %sub3A_808 : i32
      %dma_wait3A_810 = arith.constant 0 : i32
      %dma_wait3A_811 = arith.constant 0 : i32
      %dma_wait3A_812 = tpu.memref_slice %arg8[%dma_wait3A_810, %dma_wait3A_811] : memref<10240x128xf32, #tpu.memory_space<vmem_shared>> -> memref<10240x128xf32, #tpu.memory_space<vmem_shared>>
      tpu.wait_indirect_dma semaphore(%arg36 : memref<!tpu.dma_semaphore, #tpu.memory_space<semaphore_mem>>) src(%arg23 : memref<80x128xf32, #tpu.memory_space<vmem>>) dst(%dma_wait3A_812 : memref<10240x128xf32, #tpu.memory_space<vmem_shared>>)
      %dma_wait3A_813 = arith.constant 0 : i32
      %dma_wait3A_814 = tpu.memref_slice %arg9[%dma_wait3A_813] : memref<10240xf32, #tpu.memory_space<vmem_shared>> -> memref<10240xf32, #tpu.memory_space<vmem_shared>>
      tpu.wait_indirect_dma semaphore(%arg36 : memref<!tpu.dma_semaphore, #tpu.memory_space<semaphore_mem>>) src(%arg26 : memref<80xf32, #tpu.memory_space<vmem>>) dst(%dma_wait3A_814 : memref<10240xf32, #tpu.memory_space<vmem_shared>>)
      %add3A_815 = arith.constant 3 : i32
      %add3A_816 = arith.addi %add3A_799, %add3A_815 : i32
      %lt3A_817 = arith.constant 125 : i32
      %lt3A_818 = arith.cmpi slt, %add3A_816, %lt3A_817 : i32
      %convert_element_type3A_819 = arith.extui %lt3A_818 : i1 to i32
      %cond3A_820 = arith.constant 0 : i32
      %cond3A_821 = arith.cmpi ne, %convert_element_type3A_819, %cond3A_820 : i32
      scf.if %cond3A_821 {
        %add3A_862 = arith.constant 3 : i32
        %add3A_863 = arith.addi %add3A_799, %add3A_862 : i32
        %mul3A_864 = arith.constant 80 : i32
        %mul3A_865 = arith.muli %add3A_863, %mul3A_864 : i32
        %add3A_866 = arith.addi %mul3A_32, %mul3A_865 : i32
        %dma_wait3A_867 = tpu.memref_slice %arg3[%add3A_866] : memref<640000xi32, #tpu.memory_space<hbm>> -> memref<80xi32, #tpu.memory_space<hbm>>
        %dma_wait3A_868 = tpu.memref_slice %arg3[%add3A_866] : memref<640000xi32, #tpu.memory_space<hbm>> -> memref<80xi32, #tpu.memory_space<hbm>>
        tpu.wait_dma2 semaphore(%arg40 : memref<!tpu.dma_semaphore, #tpu.memory_space<semaphore_mem>>) src(%dma_wait3A_868 : memref<80xi32, #tpu.memory_space<hbm>>) dst(%arg11 : memref<80xi32, #tpu.memory_space<vmem>>)
        %add3A_869 = arith.constant 320000 : i32
        %add3A_870 = arith.addi %add3A_869, %add3A_866 : i32
        %dma_wait3A_871 = tpu.memref_slice %arg3[%add3A_870] : memref<640000xi32, #tpu.memory_space<hbm>> -> memref<80xi32, #tpu.memory_space<hbm>>
        %dma_wait3A_872 = tpu.memref_slice %arg3[%add3A_870] : memref<640000xi32, #tpu.memory_space<hbm>> -> memref<80xi32, #tpu.memory_space<hbm>>
        tpu.wait_dma2 semaphore(%arg40 : memref<!tpu.dma_semaphore, #tpu.memory_space<semaphore_mem>>) src(%dma_wait3A_872 : memref<80xi32, #tpu.memory_space<hbm>>) dst(%arg13 : memref<80xi32, #tpu.memory_space<vmem>>)
        %get3A_873 = arith.constant 0 : index
        %get3A_874 = tpu.vector_load %arg11[%get3A_873] {strides = array<i32>} : memref<80xi32, #tpu.memory_space<vmem>>, vector<16xi32>,
        %get3A_875 = vector.shape_cast %get3A_874 : vector<16xi32> to vector<16xi32>
        %swap3A_876 = arith.constant 0 : index
        %swap3A_877 = tpu.vector_load %arg15[%swap3A_876] {strides = array<i32>} : memref<80xi32, #tpu.memory_space<vmem>>, vector<16xi32>,
        %swap3A_878 = vector.shape_cast %swap3A_877 : vector<16xi32> to vector<16xi32>
        %swap3A_879 = vector.shape_cast %get3A_875 : vector<16xi32> to vector<16xi32>
        tpu.vector_store %arg15[%swap3A_876], %swap3A_879 {strides = array<i32>} : memref<80xi32, #tpu.memory_space<vmem>>, vector<16xi32>,
        %get3A_880 = arith.constant 0 : index
        %get3A_881 = tpu.vector_load %arg13[%get3A_880] {strides = array<i32>} : memref<80xi32, #tpu.memory_space<vmem>>, vector<16xi32>,
        %get3A_882 = vector.shape_cast %get3A_881 : vector<16xi32> to vector<16xi32>
        %swap3A_883 = arith.constant 0 : index
        %swap3A_884 = tpu.vector_load %arg19[%swap3A_883] {strides = array<i32>} : memref<80xi32, #tpu.memory_space<vmem>>, vector<16xi32>,
        %swap3A_885 = vector.shape_cast %swap3A_884 : vector<16xi32> to vector<16xi32>
        %swap3A_886 = vector.shape_cast %get3A_882 : vector<16xi32> to vector<16xi32>
        tpu.vector_store %arg19[%swap3A_883], %swap3A_886 {strides = array<i32>} : memref<80xi32, #tpu.memory_space<vmem>>, vector<16xi32>,
        %get3A_887 = arith.constant 16 : index
        %get3A_888 = tpu.vector_load %arg11[%get3A_887] {strides = array<i32>} : memref<80xi32, #tpu.memory_space<vmem>>, vector<16xi32>,
        %get3A_889 = vector.shape_cast %get3A_888 : vector<16xi32> to vector<16xi32>
        %swap3A_890 = arith.constant 16 : index
        %swap3A_891 = tpu.vector_load %arg15[%swap3A_890] {strides = array<i32>} : memref<80xi32, #tpu.memory_space<vmem>>, vector<16xi32>,
        %swap3A_892 = vector.shape_cast %swap3A_891 : vector<16xi32> to vector<16xi32>
        %swap3A_893 = vector.shape_cast %get3A_889 : vector<16xi32> to vector<16xi32>
        tpu.vector_store %arg15[%swap3A_890], %swap3A_893 {strides = array<i32>} : memref<80xi32, #tpu.memory_space<vmem>>, vector<16xi32>,
        %get3A_894 = arith.constant 16 : index
        %get3A_895 = tpu.vector_load %arg13[%get3A_894] {strides = array<i32>} : memref<80xi32, #tpu.memory_space<vmem>>, vector<16xi32>,
        %get3A_896 = vector.shape_cast %get3A_895 : vector<16xi32> to vector<16xi32>
        %swap3A_897 = arith.constant 16 : index
        %swap3A_898 = tpu.vector_load %arg19[%swap3A_897] {strides = array<i32>} : memref<80xi32, #tpu.memory_space<vmem>>, vector<16xi32>,
        %swap3A_899 = vector.shape_cast %swap3A_898 : vector<16xi32> to vector<16xi32>
        %swap3A_900 = vector.shape_cast %get3A_896 : vector<16xi32> to vector<16xi32>
        tpu.vector_store %arg19[%swap3A_897], %swap3A_900 {strides = array<i32>} : memref<80xi32, #tpu.memory_space<vmem>>, vector<16xi32>,
        %get3A_901 = arith.constant 32 : index
        %get3A_902 = tpu.vector_load %arg11[%get3A_901] {strides = array<i32>} : memref<80xi32, #tpu.memory_space<vmem>>, vector<16xi32>,
        %get3A_903 = vector.shape_cast %get3A_902 : vector<16xi32> to vector<16xi32>
        %swap3A_904 = arith.constant 32 : index
        %swap3A_905 = tpu.vector_load %arg15[%swap3A_904] {strides = array<i32>} : memref<80xi32, #tpu.memory_space<vmem>>, vector<16xi32>,
        %swap3A_906 = vector.shape_cast %swap3A_905 : vector<16xi32> to vector<16xi32>
        %swap3A_907 = vector.shape_cast %get3A_903 : vector<16xi32> to vector<16xi32>
        tpu.vector_store %arg15[%swap3A_904], %swap3A_907 {strides = array<i32>} : memref<80xi32, #tpu.memory_space<vmem>>, vector<16xi32>,
        %get3A_908 = arith.constant 32 : index
        %get3A_909 = tpu.vector_load %arg13[%get3A_908] {strides = array<i32>} : memref<80xi32, #tpu.memory_space<vmem>>, vector<16xi32>,
        %get3A_910 = vector.shape_cast %get3A_909 : vector<16xi32> to vector<16xi32>
        %swap3A_911 = arith.constant 32 : index
        %swap3A_912 = tpu.vector_load %arg19[%swap3A_911] {strides = array<i32>} : memref<80xi32, #tpu.memory_space<vmem>>, vector<16xi32>,
        %swap3A_913 = vector.shape_cast %swap3A_912 : vector<16xi32> to vector<16xi32>
        %swap3A_914 = vector.shape_cast %get3A_910 : vector<16xi32> to vector<16xi32>
        tpu.vector_store %arg19[%swap3A_911], %swap3A_914 {strides = array<i32>} : memref<80xi32, #tpu.memory_space<vmem>>, vector<16xi32>,
        %get3A_915 = arith.constant 48 : index
        %get3A_916 = tpu.vector_load %arg11[%get3A_915] {strides = array<i32>} : memref<80xi32, #tpu.memory_space<vmem>>, vector<16xi32>,
        %get3A_917 = vector.shape_cast %get3A_916 : vector<16xi32> to vector<16xi32>
        %swap3A_918 = arith.constant 48 : index
        %swap3A_919 = tpu.vector_load %arg15[%swap3A_918] {strides = array<i32>} : memref<80xi32, #tpu.memory_space<vmem>>, vector<16xi32>,
        %swap3A_920 = vector.shape_cast %swap3A_919 : vector<16xi32> to vector<16xi32>
        %swap3A_921 = vector.shape_cast %get3A_917 : vector<16xi32> to vector<16xi32>
        tpu.vector_store %arg15[%swap3A_918], %swap3A_921 {strides = array<i32>} : memref<80xi32, #tpu.memory_space<vmem>>, vector<16xi32>,
        %get3A_922 = arith.constant 48 : index
        %get3A_923 = tpu.vector_load %arg13[%get3A_922] {strides = array<i32>} : memref<80xi32, #tpu.memory_space<vmem>>, vector<16xi32>,
        %get3A_924 = vector.shape_cast %get3A_923 : vector<16xi32> to vector<16xi32>
        %swap3A_925 = arith.constant 48 : index
        %swap3A_926 = tpu.vector_load %arg19[%swap3A_925] {strides = array<i32>} : memref<80xi32, #tpu.memory_space<vmem>>, vector<16xi32>,
        %swap3A_927 = vector.shape_cast %swap3A_926 : vector<16xi32> to vector<16xi32>
        %swap3A_928 = vector.shape_cast %get3A_924 : vector<16xi32> to vector<16xi32>
        tpu.vector_store %arg19[%swap3A_925], %swap3A_928 {strides = array<i32>} : memref<80xi32, #tpu.memory_space<vmem>>, vector<16xi32>,
        %get3A_929 = arith.constant 64 : index
        %get3A_930 = tpu.vector_load %arg11[%get3A_929] {strides = array<i32>} : memref<80xi32, #tpu.memory_space<vmem>>, vector<16xi32>,
        %get3A_931 = vector.shape_cast %get3A_930 : vector<16xi32> to vector<16xi32>
        %swap3A_932 = arith.constant 64 : index
        %swap3A_933 = tpu.vector_load %arg15[%swap3A_932] {strides = array<i32>} : memref<80xi32, #tpu.memory_space<vmem>>, vector<16xi32>,
        %swap3A_934 = vector.shape_cast %swap3A_933 : vector<16xi32> to vector<16xi32>
        %swap3A_935 = vector.shape_cast %get3A_931 : vector<16xi32> to vector<16xi32>
        tpu.vector_store %arg15[%swap3A_932], %swap3A_935 {strides = array<i32>} : memref<80xi32, #tpu.memory_space<vmem>>, vector<16xi32>,
        %get3A_936 = arith.constant 64 : index
        %get3A_937 = tpu.vector_load %arg13[%get3A_936] {strides = array<i32>} : memref<80xi32, #tpu.memory_space<vmem>>, vector<16xi32>,
        %get3A_938 = vector.shape_cast %get3A_937 : vector<16xi32> to vector<16xi32>
        %swap3A_939 = arith.constant 64 : index
        %swap3A_940 = tpu.vector_load %arg19[%swap3A_939] {strides = array<i32>} : memref<80xi32, #tpu.memory_space<vmem>>, vector<16xi32>,
        %swap3A_941 = vector.shape_cast %swap3A_940 : vector<16xi32> to vector<16xi32>
        %swap3A_942 = vector.shape_cast %get3A_938 : vector<16xi32> to vector<16xi32>
        tpu.vector_store %arg19[%swap3A_939], %swap3A_942 {strides = array<i32>} : memref<80xi32, #tpu.memory_space<vmem>>, vector<16xi32>,
        %add3A_943 = arith.constant 3 : i32
        %add3A_944 = arith.addi %add3A_799, %add3A_943 : i32
        %dma_start3A_945 = arith.constant 0 : i32
        %dma_start3A_946 = arith.constant 0 : i32
        %dma_start3A_947 = tpu.memref_slice %arg2[%dma_start3A_945, %dma_start3A_946] : memref<10000x128xf32, #tpu.memory_space<hbm>> -> memref<10000x128xf32, #tpu.memory_space<hbm>>
        tpu.enqueue_indirect_dma source(%dma_start3A_947 : memref<10000x128xf32, #tpu.memory_space<hbm>>) target(%arg23 : memref<80x128xf32, #tpu.memory_space<vmem>>) offsets(%arg15 : memref<80xi32, #tpu.memory_space<vmem>>) semaphore(%arg32 : memref<!tpu.dma_semaphore, #tpu.memory_space<semaphore_mem>>)
      } else {
      }
      %add3A_822 = arith.constant 4 : i32
      %add3A_823 = arith.addi %add3A_799, %add3A_822 : i32
      %lt3A_824 = arith.constant 125 : i32
      %lt3A_825 = arith.cmpi slt, %add3A_823, %lt3A_824 : i32
      %convert_element_type3A_826 = arith.extui %lt3A_825 : i1 to i32
      %cond3A_827 = arith.constant 0 : i32
      %cond3A_828 = arith.cmpi ne, %convert_element_type3A_826, %cond3A_827 : i32
      scf.if %cond3A_828 {
        %add3A_862 = arith.constant 4 : i32
        %add3A_863 = arith.addi %add3A_799, %add3A_862 : i32
        %mul3A_864 = arith.constant 80 : i32
        %mul3A_865 = arith.muli %add3A_863, %mul3A_864 : i32
        %add3A_866 = arith.addi %mul3A_32, %mul3A_865 : i32
        %dma_start3A_867 = tpu.memref_slice %arg3[%add3A_866] : memref<640000xi32, #tpu.memory_space<hbm>> -> memref<80xi32, #tpu.memory_space<hbm>>
        %dma_start3A_868 = tpu.memref_slice %arg3[%add3A_866] : memref<640000xi32, #tpu.memory_space<hbm>> -> memref<80xi32, #tpu.memory_space<hbm>>
        tpu.enqueue_dma source(%dma_start3A_868 : memref<80xi32, #tpu.memory_space<hbm>>) target(%arg10 : memref<80xi32, #tpu.memory_space<vmem>>) target_semaphore(%arg39 : memref<!tpu.dma_semaphore, #tpu.memory_space<semaphore_mem>>)
        %add3A_869 = arith.constant 320000 : i32
        %add3A_870 = arith.addi %add3A_869, %add3A_866 : i32
        %dma_start3A_871 = tpu.memref_slice %arg3[%add3A_870] : memref<640000xi32, #tpu.memory_space<hbm>> -> memref<80xi32, #tpu.memory_space<hbm>>
        %dma_start3A_872 = tpu.memref_slice %arg3[%add3A_870] : memref<640000xi32, #tpu.memory_space<hbm>> -> memref<80xi32, #tpu.memory_space<hbm>>
        tpu.enqueue_dma source(%dma_start3A_872 : memref<80xi32, #tpu.memory_space<hbm>>) target(%arg12 : memref<80xi32, #tpu.memory_space<vmem>>) target_semaphore(%arg39 : memref<!tpu.dma_semaphore, #tpu.memory_space<semaphore_mem>>)
      } else {
      }
      %mul3A_829 = arith.constant 4 : i32
      %mul3A_830 = arith.muli %mul3A_829, %add3A_735 : i32
      %add3A_831 = arith.constant 3 : i32
      %add3A_832 = arith.addi %mul3A_830, %add3A_831 : i32
      %dma_wait3A_833 = arith.constant 0 : i32
      %dma_wait3A_834 = arith.constant 0 : i32
      %dma_wait3A_835 = tpu.memref_slice %arg2[%dma_wait3A_833, %dma_wait3A_834] : memref<10000x128xf32, #tpu.memory_space<hbm>> -> memref<10000x128xf32, #tpu.memory_space<hbm>>
      tpu.wait_indirect_dma semaphore(%arg34 : memref<!tpu.dma_semaphore, #tpu.memory_space<semaphore_mem>>) src(%dma_wait3A_835 : memref<10000x128xf32, #tpu.memory_space<hbm>>) dst(%arg25 : memref<80x128xf32, #tpu.memory_space<vmem>>)
      %dma_start3A_836 = arith.constant 0 : i32
      %dma_start3A_837 = arith.constant 0 : i32
      %dma_start3A_838 = tpu.memref_slice %arg8[%dma_start3A_836, %dma_start3A_837] : memref<10240x128xf32, #tpu.memory_space<vmem_shared>> -> memref<10240x128xf32, #tpu.memory_space<vmem_shared>>
      tpu.enqueue_indirect_dma source(%arg25 : memref<80x128xf32, #tpu.memory_space<vmem>>) target(%dma_start3A_838 : memref<10240x128xf32, #tpu.memory_space<vmem_shared>>) offsets(%arg21 : memref<80xi32, #tpu.memory_space<vmem>>) semaphore(%arg38 : memref<!tpu.dma_semaphore, #tpu.memory_space<semaphore_mem>>) {add = true}
      %dma_start3A_839 = arith.constant 0 : i32
      %dma_start3A_840 = tpu.memref_slice %arg9[%dma_start3A_839] : memref<10240xf32, #tpu.memory_space<vmem_shared>> -> memref<10240xf32, #tpu.memory_space<vmem_shared>>
      tpu.enqueue_indirect_dma source(%arg26 : memref<80xf32, #tpu.memory_space<vmem>>) target(%dma_start3A_840 : memref<10240xf32, #tpu.memory_space<vmem_shared>>) offsets(%arg21 : memref<80xi32, #tpu.memory_space<vmem>>) semaphore(%arg38 : memref<!tpu.dma_semaphore, #tpu.memory_space<semaphore_mem>>) {add = true}
      %sub3A_841 = arith.constant 1 : i32
      %sub3A_842 = arith.subi %add3A_832, %sub3A_841 : i32
      %dma_wait3A_843 = arith.constant 0 : i32
      %dma_wait3A_844 = arith.constant 0 : i32
      %dma_wait3A_845 = tpu.memref_slice %arg8[%dma_wait3A_843, %dma_wait3A_844] : memref<10240x128xf32, #tpu.memory_space<vmem_shared>> -> memref<10240x128xf32, #tpu.memory_space<vmem_shared>>
      tpu.wait_indirect_dma semaphore(%arg37 : memref<!tpu.dma_semaphore, #tpu.memory_space<semaphore_mem>>) src(%arg24 : memref<80x128xf32, #tpu.memory_space<vmem>>) dst(%dma_wait3A_845 : memref<10240x128xf32, #tpu.memory_space<vmem_shared>>)
      %dma_wait3A_846 = arith.constant 0 : i32
      %dma_wait3A_847 = tpu.memref_slice %arg9[%dma_wait3A_846] : memref<10240xf32, #tpu.memory_space<vmem_shared>> -> memref<10240xf32, #tpu.memory_space<vmem_shared>>
      tpu.wait_indirect_dma semaphore(%arg37 : memref<!tpu.dma_semaphore, #tpu.memory_space<semaphore_mem>>) src(%arg26 : memref<80xf32, #tpu.memory_space<vmem>>) dst(%dma_wait3A_847 : memref<10240xf32, #tpu.memory_space<vmem_shared>>)
      %add3A_848 = arith.constant 3 : i32
      %add3A_849 = arith.addi %add3A_832, %add3A_848 : i32
      %lt3A_850 = arith.constant 125 : i32
      %lt3A_851 = arith.cmpi slt, %add3A_849, %lt3A_850 : i32
      %convert_element_type3A_852 = arith.extui %lt3A_851 : i1 to i32
      %cond3A_853 = arith.constant 0 : i32
      %cond3A_854 = arith.cmpi ne, %convert_element_type3A_852, %cond3A_853 : i32
      scf.if %cond3A_854 {
        %add3A_862 = arith.constant 3 : i32
        %add3A_863 = arith.addi %add3A_832, %add3A_862 : i32
        %mul3A_864 = arith.constant 80 : i32
        %mul3A_865 = arith.muli %add3A_863, %mul3A_864 : i32
        %add3A_866 = arith.addi %mul3A_32, %mul3A_865 : i32
        %dma_wait3A_867 = tpu.memref_slice %arg3[%add3A_866] : memref<640000xi32, #tpu.memory_space<hbm>> -> memref<80xi32, #tpu.memory_space<hbm>>
        %dma_wait3A_868 = tpu.memref_slice %arg3[%add3A_866] : memref<640000xi32, #tpu.memory_space<hbm>> -> memref<80xi32, #tpu.memory_space<hbm>>
        tpu.wait_dma2 semaphore(%arg39 : memref<!tpu.dma_semaphore, #tpu.memory_space<semaphore_mem>>) src(%dma_wait3A_868 : memref<80xi32, #tpu.memory_space<hbm>>) dst(%arg10 : memref<80xi32, #tpu.memory_space<vmem>>)
        %add3A_869 = arith.constant 320000 : i32
        %add3A_870 = arith.addi %add3A_869, %add3A_866 : i32
        %dma_wait3A_871 = tpu.memref_slice %arg3[%add3A_870] : memref<640000xi32, #tpu.memory_space<hbm>> -> memref<80xi32, #tpu.memory_space<hbm>>
        %dma_wait3A_872 = tpu.memref_slice %arg3[%add3A_870] : memref<640000xi32, #tpu.memory_space<hbm>> -> memref<80xi32, #tpu.memory_space<hbm>>
        tpu.wait_dma2 semaphore(%arg39 : memref<!tpu.dma_semaphore, #tpu.memory_space<semaphore_mem>>) src(%dma_wait3A_872 : memref<80xi32, #tpu.memory_space<hbm>>) dst(%arg12 : memref<80xi32, #tpu.memory_space<vmem>>)
        %get3A_873 = arith.constant 0 : index
        %get3A_874 = tpu.vector_load %arg10[%get3A_873] {strides = array<i32>} : memref<80xi32, #tpu.memory_space<vmem>>, vector<16xi32>,
        %get3A_875 = vector.shape_cast %get3A_874 : vector<16xi32> to vector<16xi32>
        %swap3A_876 = arith.constant 0 : index
        %swap3A_877 = tpu.vector_load %arg16[%swap3A_876] {strides = array<i32>} : memref<80xi32, #tpu.memory_space<vmem>>, vector<16xi32>,
        %swap3A_878 = vector.shape_cast %swap3A_877 : vector<16xi32> to vector<16xi32>
        %swap3A_879 = vector.shape_cast %get3A_875 : vector<16xi32> to vector<16xi32>
        tpu.vector_store %arg16[%swap3A_876], %swap3A_879 {strides = array<i32>} : memref<80xi32, #tpu.memory_space<vmem>>, vector<16xi32>,
        %get3A_880 = arith.constant 0 : index
        %get3A_881 = tpu.vector_load %arg12[%get3A_880] {strides = array<i32>} : memref<80xi32, #tpu.memory_space<vmem>>, vector<16xi32>,
        %get3A_882 = vector.shape_cast %get3A_881 : vector<16xi32> to vector<16xi32>
        %swap3A_883 = arith.constant 0 : index
        %swap3A_884 = tpu.vector_load %arg20[%swap3A_883] {strides = array<i32>} : memref<80xi32, #tpu.memory_space<vmem>>, vector<16xi32>,
        %swap3A_885 = vector.shape_cast %swap3A_884 : vector<16xi32> to vector<16xi32>
        %swap3A_886 = vector.shape_cast %get3A_882 : vector<16xi32> to vector<16xi32>
        tpu.vector_store %arg20[%swap3A_883], %swap3A_886 {strides = array<i32>} : memref<80xi32, #tpu.memory_space<vmem>>, vector<16xi32>,
        %get3A_887 = arith.constant 16 : index
        %get3A_888 = tpu.vector_load %arg10[%get3A_887] {strides = array<i32>} : memref<80xi32, #tpu.memory_space<vmem>>, vector<16xi32>,
        %get3A_889 = vector.shape_cast %get3A_888 : vector<16xi32> to vector<16xi32>
        %swap3A_890 = arith.constant 16 : index
        %swap3A_891 = tpu.vector_load %arg16[%swap3A_890] {strides = array<i32>} : memref<80xi32, #tpu.memory_space<vmem>>, vector<16xi32>,
        %swap3A_892 = vector.shape_cast %swap3A_891 : vector<16xi32> to vector<16xi32>
        %swap3A_893 = vector.shape_cast %get3A_889 : vector<16xi32> to vector<16xi32>
        tpu.vector_store %arg16[%swap3A_890], %swap3A_893 {strides = array<i32>} : memref<80xi32, #tpu.memory_space<vmem>>, vector<16xi32>,
        %get3A_894 = arith.constant 16 : index
        %get3A_895 = tpu.vector_load %arg12[%get3A_894] {strides = array<i32>} : memref<80xi32, #tpu.memory_space<vmem>>, vector<16xi32>,
        %get3A_896 = vector.shape_cast %get3A_895 : vector<16xi32> to vector<16xi32>
        %swap3A_897 = arith.constant 16 : index
        %swap3A_898 = tpu.vector_load %arg20[%swap3A_897] {strides = array<i32>} : memref<80xi32, #tpu.memory_space<vmem>>, vector<16xi32>,
        %swap3A_899 = vector.shape_cast %swap3A_898 : vector<16xi32> to vector<16xi32>
        %swap3A_900 = vector.shape_cast %get3A_896 : vector<16xi32> to vector<16xi32>
        tpu.vector_store %arg20[%swap3A_897], %swap3A_900 {strides = array<i32>} : memref<80xi32, #tpu.memory_space<vmem>>, vector<16xi32>,
        %get3A_901 = arith.constant 32 : index
        %get3A_902 = tpu.vector_load %arg10[%get3A_901] {strides = array<i32>} : memref<80xi32, #tpu.memory_space<vmem>>, vector<16xi32>,
        %get3A_903 = vector.shape_cast %get3A_902 : vector<16xi32> to vector<16xi32>
        %swap3A_904 = arith.constant 32 : index
        %swap3A_905 = tpu.vector_load %arg16[%swap3A_904] {strides = array<i32>} : memref<80xi32, #tpu.memory_space<vmem>>, vector<16xi32>,
        %swap3A_906 = vector.shape_cast %swap3A_905 : vector<16xi32> to vector<16xi32>
        %swap3A_907 = vector.shape_cast %get3A_903 : vector<16xi32> to vector<16xi32>
        tpu.vector_store %arg16[%swap3A_904], %swap3A_907 {strides = array<i32>} : memref<80xi32, #tpu.memory_space<vmem>>, vector<16xi32>,
        %get3A_908 = arith.constant 32 : index
        %get3A_909 = tpu.vector_load %arg12[%get3A_908] {strides = array<i32>} : memref<80xi32, #tpu.memory_space<vmem>>, vector<16xi32>,
        %get3A_910 = vector.shape_cast %get3A_909 : vector<16xi32> to vector<16xi32>
        %swap3A_911 = arith.constant 32 : index
        %swap3A_912 = tpu.vector_load %arg20[%swap3A_911] {strides = array<i32>} : memref<80xi32, #tpu.memory_space<vmem>>, vector<16xi32>,
        %swap3A_913 = vector.shape_cast %swap3A_912 : vector<16xi32> to vector<16xi32>
        %swap3A_914 = vector.shape_cast %get3A_910 : vector<16xi32> to vector<16xi32>
        tpu.vector_store %arg20[%swap3A_911], %swap3A_914 {strides = array<i32>} : memref<80xi32, #tpu.memory_space<vmem>>, vector<16xi32>,
        %get3A_915 = arith.constant 48 : index
        %get3A_916 = tpu.vector_load %arg10[%get3A_915] {strides = array<i32>} : memref<80xi32, #tpu.memory_space<vmem>>, vector<16xi32>,
        %get3A_917 = vector.shape_cast %get3A_916 : vector<16xi32> to vector<16xi32>
        %swap3A_918 = arith.constant 48 : index
        %swap3A_919 = tpu.vector_load %arg16[%swap3A_918] {strides = array<i32>} : memref<80xi32, #tpu.memory_space<vmem>>, vector<16xi32>,
        %swap3A_920 = vector.shape_cast %swap3A_919 : vector<16xi32> to vector<16xi32>
        %swap3A_921 = vector.shape_cast %get3A_917 : vector<16xi32> to vector<16xi32>
        tpu.vector_store %arg16[%swap3A_918], %swap3A_921 {strides = array<i32>} : memref<80xi32, #tpu.memory_space<vmem>>, vector<16xi32>,
        %get3A_922 = arith.constant 48 : index
        %get3A_923 = tpu.vector_load %arg12[%get3A_922] {strides = array<i32>} : memref<80xi32, #tpu.memory_space<vmem>>, vector<16xi32>,
        %get3A_924 = vector.shape_cast %get3A_923 : vector<16xi32> to vector<16xi32>
        %swap3A_925 = arith.constant 48 : index
        %swap3A_926 = tpu.vector_load %arg20[%swap3A_925] {strides = array<i32>} : memref<80xi32, #tpu.memory_space<vmem>>, vector<16xi32>,
        %swap3A_927 = vector.shape_cast %swap3A_926 : vector<16xi32> to vector<16xi32>
        %swap3A_928 = vector.shape_cast %get3A_924 : vector<16xi32> to vector<16xi32>
        tpu.vector_store %arg20[%swap3A_925], %swap3A_928 {strides = array<i32>} : memref<80xi32, #tpu.memory_space<vmem>>, vector<16xi32>,
        %get3A_929 = arith.constant 64 : index
        %get3A_930 = tpu.vector_load %arg10[%get3A_929] {strides = array<i32>} : memref<80xi32, #tpu.memory_space<vmem>>, vector<16xi32>,
        %get3A_931 = vector.shape_cast %get3A_930 : vector<16xi32> to vector<16xi32>
        %swap3A_932 = arith.constant 64 : index
        %swap3A_933 = tpu.vector_load %arg16[%swap3A_932] {strides = array<i32>} : memref<80xi32, #tpu.memory_space<vmem>>, vector<16xi32>,
        %swap3A_934 = vector.shape_cast %swap3A_933 : vector<16xi32> to vector<16xi32>
        %swap3A_935 = vector.shape_cast %get3A_931 : vector<16xi32> to vector<16xi32>
        tpu.vector_store %arg16[%swap3A_932], %swap3A_935 {strides = array<i32>} : memref<80xi32, #tpu.memory_space<vmem>>, vector<16xi32>,
        %get3A_936 = arith.constant 64 : index
        %get3A_937 = tpu.vector_load %arg12[%get3A_936] {strides = array<i32>} : memref<80xi32, #tpu.memory_space<vmem>>, vector<16xi32>,
        %get3A_938 = vector.shape_cast %get3A_937 : vector<16xi32> to vector<16xi32>
        %swap3A_939 = arith.constant 64 : index
        %swap3A_940 = tpu.vector_load %arg20[%swap3A_939] {strides = array<i32>} : memref<80xi32, #tpu.memory_space<vmem>>, vector<16xi32>,
        %swap3A_941 = vector.shape_cast %swap3A_940 : vector<16xi32> to vector<16xi32>
        %swap3A_942 = vector.shape_cast %get3A_938 : vector<16xi32> to vector<16xi32>
        tpu.vector_store %arg20[%swap3A_939], %swap3A_942 {strides = array<i32>} : memref<80xi32, #tpu.memory_space<vmem>>, vector<16xi32>,
        %add3A_943 = arith.constant 3 : i32
        %add3A_944 = arith.addi %add3A_832, %add3A_943 : i32
        %dma_start3A_945 = arith.constant 0 : i32
        %dma_start3A_946 = arith.constant 0 : i32
        %dma_start3A_947 = tpu.memref_slice %arg2[%dma_start3A_945, %dma_start3A_946] : memref<10000x128xf32, #tpu.memory_space<hbm>> -> memref<10000x128xf32, #tpu.memory_space<hbm>>
        tpu.enqueue_indirect_dma source(%dma_start3A_947 : memref<10000x128xf32, #tpu.memory_space<hbm>>) target(%arg24 : memref<80x128xf32, #tpu.memory_space<vmem>>) offsets(%arg16 : memref<80xi32, #tpu.memory_space<vmem>>) semaphore(%arg33 : memref<!tpu.dma_semaphore, #tpu.memory_space<semaphore_mem>>)
      } else {
      }
      %add3A_855 = arith.constant 4 : i32
      %add3A_856 = arith.addi %add3A_832, %add3A_855 : i32
      %lt3A_857 = arith.constant 125 : i32
      %lt3A_858 = arith.cmpi slt, %add3A_856, %lt3A_857 : i32
      %convert_element_type3A_859 = arith.extui %lt3A_858 : i1 to i32
      %cond3A_860 = arith.constant 0 : i32
      %cond3A_861 = arith.cmpi ne, %convert_element_type3A_859, %cond3A_860 : i32
      scf.if %cond3A_861 {
        %add3A_862 = arith.constant 4 : i32
        %add3A_863 = arith.addi %add3A_832, %add3A_862 : i32
        %mul3A_864 = arith.constant 80 : i32
        %mul3A_865 = arith.muli %add3A_863, %mul3A_864 : i32
        %add3A_866 = arith.addi %mul3A_32, %mul3A_865 : i32
        %dma_start3A_867 = tpu.memref_slice %arg3[%add3A_866] : memref<640000xi32, #tpu.memory_space<hbm>> -> memref<80xi32, #tpu.memory_space<hbm>>
        %dma_start3A_868 = tpu.memref_slice %arg3[%add3A_866] : memref<640000xi32, #tpu.memory_space<hbm>> -> memref<80xi32, #tpu.memory_space<hbm>>
        tpu.enqueue_dma source(%dma_start3A_868 : memref<80xi32, #tpu.memory_space<hbm>>) target(%arg11 : memref<80xi32, #tpu.memory_space<vmem>>) target_semaphore(%arg40 : memref<!tpu.dma_semaphore, #tpu.memory_space<semaphore_mem>>)
        %add3A_869 = arith.constant 320000 : i32
        %add3A_870 = arith.addi %add3A_869, %add3A_866 : i32
        %dma_start3A_871 = tpu.memref_slice %arg3[%add3A_870] : memref<640000xi32, #tpu.memory_space<hbm>> -> memref<80xi32, #tpu.memory_space<hbm>>
        %dma_start3A_872 = tpu.memref_slice %arg3[%add3A_870] : memref<640000xi32, #tpu.memory_space<hbm>> -> memref<80xi32, #tpu.memory_space<hbm>>
        tpu.enqueue_dma source(%dma_start3A_872 : memref<80xi32, #tpu.memory_space<hbm>>) target(%arg13 : memref<80xi32, #tpu.memory_space<vmem>>) target_semaphore(%arg40 : memref<!tpu.dma_semaphore, #tpu.memory_space<semaphore_mem>>)
      } else {
      }
    }
    %scan3A_711 = arith.constant 30 : i32
    %dma_wait3A_712 = arith.constant 0 : i32
    %dma_wait3A_713 = arith.constant 0 : i32
    %dma_wait3A_714 = tpu.memref_slice %arg2[%dma_wait3A_712, %dma_wait3A_713] : memref<10000x128xf32, #tpu.memory_space<hbm>> -> memref<10000x128xf32, #tpu.memory_space<hbm>>
    tpu.wait_indirect_dma semaphore(%arg31 : memref<!tpu.dma_semaphore, #tpu.memory_space<semaphore_mem>>) src(%dma_wait3A_714 : memref<10000x128xf32, #tpu.memory_space<hbm>>) dst(%arg22 : memref<80x128xf32, #tpu.memory_space<vmem>>)
    %dma_start3A_715 = arith.constant 0 : i32
    %dma_start3A_716 = arith.constant 0 : i32
    %dma_start3A_717 = tpu.memref_slice %arg8[%dma_start3A_715, %dma_start3A_716] : memref<10240x128xf32, #tpu.memory_space<vmem_shared>> -> memref<10240x128xf32, #tpu.memory_space<vmem_shared>>
    tpu.enqueue_indirect_dma source(%arg22 : memref<80x128xf32, #tpu.memory_space<vmem>>) target(%dma_start3A_717 : memref<10240x128xf32, #tpu.memory_space<vmem_shared>>) offsets(%arg18 : memref<80xi32, #tpu.memory_space<vmem>>) semaphore(%arg35 : memref<!tpu.dma_semaphore, #tpu.memory_space<semaphore_mem>>) {add = true}
    %dma_start3A_718 = arith.constant 0 : i32
    %dma_start3A_719 = tpu.memref_slice %arg9[%dma_start3A_718] : memref<10240xf32, #tpu.memory_space<vmem_shared>> -> memref<10240xf32, #tpu.memory_space<vmem_shared>>
    tpu.enqueue_indirect_dma source(%arg26 : memref<80xf32, #tpu.memory_space<vmem>>) target(%dma_start3A_719 : memref<10240xf32, #tpu.memory_space<vmem_shared>>) offsets(%arg18 : memref<80xi32, #tpu.memory_space<vmem>>) semaphore(%arg35 : memref<!tpu.dma_semaphore, #tpu.memory_space<semaphore_mem>>) {add = true}
    %dma_wait3A_720 = arith.constant 0 : i32
    %dma_wait3A_721 = arith.constant 0 : i32
    %dma_wait3A_722 = tpu.memref_slice %arg8[%dma_wait3A_720, %dma_wait3A_721] : memref<10240x128xf32, #tpu.memory_space<vmem_shared>> -> memref<10240x128xf32, #tpu.memory_space<vmem_shared>>
    tpu.wait_indirect_dma semaphore(%arg38 : memref<!tpu.dma_semaphore, #tpu.memory_space<semaphore_mem>>) src(%arg25 : memref<80x128xf32, #tpu.memory_space<vmem>>) dst(%dma_wait3A_722 : memref<10240x128xf32, #tpu.memory_space<vmem_shared>>)
    %dma_wait3A_723 = arith.constant 0 : i32
    %dma_wait3A_724 = tpu.memref_slice %arg9[%dma_wait3A_723] : memref<10240xf32, #tpu.memory_space<vmem_shared>> -> memref<10240xf32, #tpu.memory_space<vmem_shared>>
    tpu.wait_indirect_dma semaphore(%arg38 : memref<!tpu.dma_semaphore, #tpu.memory_space<semaphore_mem>>) src(%arg26 : memref<80xf32, #tpu.memory_space<vmem>>) dst(%dma_wait3A_724 : memref<10240xf32, #tpu.memory_space<vmem_shared>>)
    %dma_wait3A_725 = arith.constant 0 : i32
    %dma_wait3A_726 = arith.constant 0 : i32
    %dma_wait3A_727 = tpu.memref_slice %arg8[%dma_wait3A_725, %dma_wait3A_726] : memref<10240x128xf32, #tpu.memory_space<vmem_shared>> -> memref<10240x128xf32, #tpu.memory_space<vmem_shared>>
    tpu.wait_indirect_dma semaphore(%arg35 : memref<!tpu.dma_semaphore, #tpu.memory_space<semaphore_mem>>) src(%arg22 : memref<80x128xf32, #tpu.memory_space<vmem>>) dst(%dma_wait3A_727 : memref<10240x128xf32, #tpu.memory_space<vmem_shared>>)
    %dma_wait3A_728 = arith.constant 0 : i32
    %dma_wait3A_729 = tpu.memref_slice %arg9[%dma_wait3A_728] : memref<10240xf32, #tpu.memory_space<vmem_shared>> -> memref<10240xf32, #tpu.memory_space<vmem_shared>>
    tpu.wait_indirect_dma semaphore(%arg35 : memref<!tpu.dma_semaphore, #tpu.memory_space<semaphore_mem>>) src(%arg26 : memref<80xf32, #tpu.memory_space<vmem>>) dst(%dma_wait3A_729 : memref<10240xf32, #tpu.memory_space<vmem_shared>>)
    %barrier3A_730 = arith.constant 0 : index
    tpu.barrier barrier_id(%barrier3A_730)
    "tpu.region"() ({
      %run_scoped3A = tpu.sem_alloc : memref<!tpu.dma_semaphore, #tpu.memory_space<semaphore_mem>>
      %dma_start3A_731 = arith.constant 0 : i32
      %dma_start3A_732 = tpu.memref_slice %arg6[%arg0, %mul3A_0, %dma_start3A_731] : memref<2x10240x128xf32, #tpu.memory_space<hbm>> -> memref<1x640x128xf32, #tpu.memory_space<hbm>>
      %dma_start3A_733 = tpu.memref_squeeze %dma_start3A_732 : memref<1x640x128xf32, #tpu.memory_space<hbm>> -> memref<640x128xf32, #tpu.memory_space<hbm>>
      %dma_start3A_734 = arith.constant 0 : i32
      %dma_start3A_735 = tpu.memref_slice %arg8[%mul3A_0, %dma_start3A_734] : memref<10240x128xf32, #tpu.memory_space<vmem_shared>> -> memref<640x128xf32, #tpu.memory_space<vmem_shared>>
      tpu.enqueue_dma source(%dma_start3A_735 : memref<640x128xf32, #tpu.memory_space<vmem_shared>>) target(%dma_start3A_733 : memref<640x128xf32, #tpu.memory_space<hbm>>) target_semaphore(%run_scoped3A : memref<!tpu.dma_semaphore, #tpu.memory_space<semaphore_mem>>)
      %dma_wait3A_736 = arith.constant 0 : i32
      %dma_wait3A_737 = tpu.memref_slice %arg6[%arg0, %mul3A_0, %dma_wait3A_736] : memref<2x10240x128xf32, #tpu.memory_space<hbm>> -> memref<1x640x128xf32, #tpu.memory_space<hbm>>
      %dma_wait3A_738 = tpu.memref_squeeze %dma_wait3A_737 : memref<1x640x128xf32, #tpu.memory_space<hbm>> -> memref<640x128xf32, #tpu.memory_space<hbm>>
      %dma_wait3A_739 = arith.constant 0 : i32
      %dma_wait3A_740 = tpu.memref_slice %arg8[%mul3A_0, %dma_wait3A_739] : memref<10240x128xf32, #tpu.memory_space<vmem_shared>> -> memref<640x128xf32, #tpu.memory_space<vmem_shared>>
      tpu.wait_dma2 semaphore(%run_scoped3A : memref<!tpu.dma_semaphore, #tpu.memory_space<semaphore_mem>>) src(%dma_wait3A_740 : memref<640x128xf32, #tpu.memory_space<vmem_shared>>) dst(%dma_wait3A_738 : memref<640x128xf32, #tpu.memory_space<hbm>>)
      tpu.yield
    }) : () -> ()
    "tpu.region"() ({
      %run_scoped3A = tpu.sem_alloc : memref<!tpu.dma_semaphore, #tpu.memory_space<semaphore_mem>>
      %dma_start3A_731 = tpu.memref_slice %arg7[%arg0, %mul3A_0] : memref<2x10240xf32, #tpu.memory_space<hbm>> -> memref<1x640xf32, #tpu.memory_space<hbm>>
      %dma_start3A_732 = tpu.memref_squeeze %dma_start3A_731 : memref<1x640xf32, #tpu.memory_space<hbm>> -> memref<640xf32, #tpu.memory_space<hbm>>
      %dma_start3A_733 = tpu.memref_slice %arg9[%mul3A_0] : memref<10240xf32, #tpu.memory_space<vmem_shared>> -> memref<640xf32, #tpu.memory_space<vmem_shared>>
      tpu.enqueue_dma source(%dma_start3A_733 : memref<640xf32, #tpu.memory_space<vmem_shared>>) target(%dma_start3A_732 : memref<640xf32, #tpu.memory_space<hbm>>) target_semaphore(%run_scoped3A : memref<!tpu.dma_semaphore, #tpu.memory_space<semaphore_mem>>)
      %dma_wait3A_734 = tpu.memref_slice %arg7[%arg0, %mul3A_0] : memref<2x10240xf32, #tpu.memory_space<hbm>> -> memref<1x640xf32, #tpu.memory_space<hbm>>
      %dma_wait3A_735 = tpu.memref_squeeze %dma_wait3A_734 : memref<1x640xf32, #tpu.memory_space<hbm>> -> memref<640xf32, #tpu.memory_space<hbm>>
      %dma_wait3A_736 = tpu.memref_slice %arg9[%mul3A_0] : memref<10240xf32, #tpu.memory_space<vmem_shared>> -> memref<640xf32, #tpu.memory_space<vmem_shared>>
      tpu.wait_dma2 semaphore(%run_scoped3A : memref<!tpu.dma_semaphore, #tpu.memory_space<semaphore_mem>>) src(%dma_wait3A_736 : memref<640xf32, #tpu.memory_space<vmem_shared>>) dst(%dma_wait3A_735 : memref<640xf32, #tpu.memory_space<hbm>>)
      tpu.yield
    }) : () -> ()
    return
  }
}

module attributes {stable_mosaic.version = 14 : i64} {
  func.func @body(%arg0: i32, %arg1: memref<2x2048x128xf32, #tpu.memory_space<vmem>>, %arg2: memref<2x2048xf32, #tpu.memory_space<vmem>>, %arg3: memref<2048x128xf32, #tpu.memory_space<vmem>>, %arg4: memref<128x256xf32, #tpu.memory_space<vmem>>, %arg5: memref<128x256xf32, #tpu.memory_space<vmem>>, %arg6: memref<1x256xf32, #tpu.memory_space<vmem>>, %arg7: memref<1x256xf32, #tpu.memory_space<vmem>>, %arg8: memref<2x2048x128xf32, #tpu.memory_space<vmem>>) attributes {dimension_semantics = [#tpu.dimension_semantics<arbitrary>], iteration_bounds = array<i64: 5>, scalar_prefetch = 0 : i64, scratch_operands = 0 : i64, tpu.core_type = #tpu.core_type<tc>, window_params = [{transform_indices = @transform_0, window_bounds = array<i64: 2, 2048, 128>}, {transform_indices = @transform_1, window_bounds = array<i64: 2, 2048>}, {transform_indices = @transform_2, window_bounds = array<i64: 2048, 128>}, {pipeline_mode = #tpu.pipeline_mode<synchronous>, transform_indices = @transform_3, window_bounds = array<i64: 128, 256>}, {pipeline_mode = #tpu.pipeline_mode<synchronous>, transform_indices = @transform_4, window_bounds = array<i64: 128, 256>}, {pipeline_mode = #tpu.pipeline_mode<synchronous>, transform_indices = @transform_5, window_bounds = array<i64: 1, 256>}, {pipeline_mode = #tpu.pipeline_mode<synchronous>, transform_indices = @transform_6, window_bounds = array<i64: 1, 256>}, {transform_indices = @transform_7, window_bounds = array<i64: 2, 2048, 128>}]} {
    %get3A = arith.constant 0 : index
    %get3A_0 = arith.constant 0 : index
    %get3A_1 = arith.constant 0 : index
    %get3A_2 = vector.load %arg1[%get3A, %get3A_0, %get3A_1] : memref<2x2048x128xf32, #tpu.memory_space<vmem>>, vector<1x2048x128xf32>
    %get3A_3 = vector.shape_cast %get3A_2 : vector<1x2048x128xf32> to vector<2048x128xf32>
    %get3A_4 = arith.constant 1 : index
    %get3A_5 = arith.constant 0 : index
    %get3A_6 = arith.constant 0 : index
    %get3A_7 = vector.load %arg1[%get3A_4, %get3A_5, %get3A_6] : memref<2x2048x128xf32, #tpu.memory_space<vmem>>, vector<1x2048x128xf32>
    %get3A_8 = vector.shape_cast %get3A_7 : vector<1x2048x128xf32> to vector<2048x128xf32>
    %add3A = arith.addf %get3A_3, %get3A_8 : vector<2048x128xf32>
    %get3A_9 = arith.constant 0 : index
    %get3A_10 = arith.constant 0 : index
    %get3A_11 = vector.load %arg2[%get3A_9, %get3A_10] : memref<2x2048xf32, #tpu.memory_space<vmem>>, vector<1x2048xf32>
    %get3A_12 = vector.shape_cast %get3A_11 : vector<1x2048xf32> to vector<2048xf32>
    %get3A_13 = arith.constant 1 : index
    %get3A_14 = arith.constant 0 : index
    %get3A_15 = vector.load %arg2[%get3A_13, %get3A_14] : memref<2x2048xf32, #tpu.memory_space<vmem>>, vector<1x2048xf32>
    %get3A_16 = vector.shape_cast %get3A_15 : vector<1x2048xf32> to vector<2048xf32>
    %add3A_17 = arith.addf %get3A_12, %get3A_16 : vector<2048xf32>
    %max3A = arith.constant 1.000000e+00 : f32
    %max3A_18 = vector.broadcast %max3A : f32 to vector<2048xf32>
    %max3A_19 = arith.maximumf %add3A_17, %max3A_18 : vector<2048xf32>
    %div3A = arith.constant 1.000000e+00 : f32
    %div3A_20 = vector.broadcast %div3A : f32 to vector<2048xf32>
    %div3A_21 = arith.divf %div3A_20, %max3A_19 : vector<2048xf32>
    %gt3A = arith.constant 0.000000e+00 : f32
    %gt3A_22 = vector.broadcast %gt3A : f32 to vector<2048xf32>
    %gt3A_23 = arith.cmpf ogt, %add3A_17, %gt3A_22 : vector<2048xf32>
    %jit3A = arith.constant 1.000000e+00 : f32
    %jit3A_24 = arith.constant 0.000000e+00 : f32
    %broadcast_in_dim3A = vector.broadcast %jit3A : f32 to vector<2048xf32>
    %broadcast_in_dim3A_25 = vector.broadcast %jit3A_24 : f32 to vector<2048xf32>
    %select_n3A = arith.select %gt3A_23, %broadcast_in_dim3A, %broadcast_in_dim3A_25 : vector<2048xi1>, vector<2048xf32>
    %get3A_26 = arith.constant 0 : index
    %get3A_27 = arith.constant 0 : index
    %get3A_28 = vector.load %arg4[%get3A_26, %get3A_27] : memref<128x256xf32, #tpu.memory_space<vmem>>, vector<128x256xf32>
    %dot_general3A = arith.constant dense<0.000000e+00> : vector<2048x256xf32>
    %dot_general3A_29 = tpu.matmul %add3A, %get3A_28, %dot_general3A {dimension_numbers = #tpu.dot_dimension_numbers<[1], [0], [0], [1], [0, 0, 1, 1], [], []>, transpose_lhs_hint = false} : vector<2048x128xf32>, vector<128x256xf32>, vector<2048x256xf32> -> vector<2048x256xf32>
    %broadcast_in_dim3A_30 = vector.shape_cast %div3A_21 : vector<2048xf32> to vector<2048x1xf32>
    %mul3A = vector.broadcast %broadcast_in_dim3A_30 : vector<2048x1xf32> to vector<2048x256xf32>
    %mul3A_31 = arith.mulf %dot_general3A_29, %mul3A : vector<2048x256xf32>
    %broadcast_in_dim3A_32 = vector.shape_cast %select_n3A : vector<2048xf32> to vector<2048x1xf32>
    %get3A_33 = arith.constant 0 : index
    %get3A_34 = arith.constant 0 : index
    %get3A_35 = vector.load %arg7[%get3A_33, %get3A_34] : memref<1x256xf32, #tpu.memory_space<vmem>>, vector<1x256xf32>
    %get3A_36 = vector.shape_cast %get3A_35 : vector<1x256xf32> to vector<256xf32>
    %broadcast_in_dim3A_37 = vector.shape_cast %get3A_36 : vector<256xf32> to vector<1x256xf32>
    %mul3A_38 = vector.broadcast %broadcast_in_dim3A_32 : vector<2048x1xf32> to vector<2048x256xf32>
    %mul3A_39 = vector.broadcast %broadcast_in_dim3A_37 : vector<1x256xf32> to vector<2048x256xf32>
    %mul3A_40 = arith.mulf %mul3A_38, %mul3A_39 : vector<2048x256xf32>
    %add3A_41 = arith.addf %mul3A_31, %mul3A_40 : vector<2048x256xf32>
    %get3A_42 = arith.constant 0 : index
    %get3A_43 = arith.constant 0 : index
    %get3A_44 = vector.load %arg3[%get3A_42, %get3A_43] : memref<2048x128xf32, #tpu.memory_space<vmem>>, vector<2048x128xf32>
    %get3A_45 = arith.constant 0 : index
    %get3A_46 = arith.constant 0 : index
    %get3A_47 = vector.load %arg5[%get3A_45, %get3A_46] : memref<128x256xf32, #tpu.memory_space<vmem>>, vector<128x256xf32>
    %dot_general3A_48 = arith.constant dense<0.000000e+00> : vector<2048x256xf32>
    %dot_general3A_49 = tpu.matmul %get3A_44, %get3A_47, %dot_general3A_48 {dimension_numbers = #tpu.dot_dimension_numbers<[1], [0], [0], [1], [0, 0, 1, 1], [], []>, transpose_lhs_hint = false} : vector<2048x128xf32>, vector<128x256xf32>, vector<2048x256xf32> -> vector<2048x256xf32>
    %add3A_50 = arith.addf %add3A_41, %dot_general3A_49 : vector<2048x256xf32>
    %get3A_51 = arith.constant 0 : index
    %get3A_52 = arith.constant 0 : index
    %get3A_53 = vector.load %arg6[%get3A_51, %get3A_52] : memref<1x256xf32, #tpu.memory_space<vmem>>, vector<1x256xf32>
    %get3A_54 = vector.shape_cast %get3A_53 : vector<1x256xf32> to vector<256xf32>
    %broadcast_in_dim3A_55 = vector.shape_cast %get3A_54 : vector<256xf32> to vector<1x256xf32>
    %add3A_56 = vector.broadcast %broadcast_in_dim3A_55 : vector<1x256xf32> to vector<2048x256xf32>
    %add3A_57 = arith.addf %add3A_50, %add3A_56 : vector<2048x256xf32>
    %max3A_58 = arith.constant 0.000000e+00 : f32
    %max3A_59 = vector.broadcast %max3A_58 : f32 to vector<2048x256xf32>
    %max3A_60 = arith.maximumf %add3A_57, %max3A_59 : vector<2048x256xf32>
    %slice3A = vector.extract_strided_slice %max3A_60 {offsets = [0, 0], sizes = [2048, 128], strides = [1, 1]} : vector<2048x256xf32> to vector<2048x128xf32>
    %swap3A = arith.constant 0 : index
    %swap3A_61 = arith.constant 0 : index
    %swap3A_62 = arith.constant 0 : index
    %swap3A_63 = vector.load %arg8[%swap3A, %swap3A_61, %swap3A_62] : memref<2x2048x128xf32, #tpu.memory_space<vmem>>, vector<1x2048x128xf32>
    %swap3A_64 = vector.shape_cast %swap3A_63 : vector<1x2048x128xf32> to vector<2048x128xf32>
    %swap3A_65 = vector.shape_cast %slice3A : vector<2048x128xf32> to vector<1x2048x128xf32>
    tpu.vector_store %arg8[%swap3A, %swap3A_61, %swap3A_62], %swap3A_65 {strides = array<i32>} : memref<2x2048x128xf32, #tpu.memory_space<vmem>>, vector<1x2048x128xf32>,
    %slice3A_66 = vector.extract_strided_slice %max3A_60 {offsets = [0, 128], sizes = [2048, 128], strides = [1, 1]} : vector<2048x256xf32> to vector<2048x128xf32>
    %swap3A_67 = arith.constant 1 : index
    %swap3A_68 = arith.constant 0 : index
    %swap3A_69 = arith.constant 0 : index
    %swap3A_70 = vector.load %arg8[%swap3A_67, %swap3A_68, %swap3A_69] : memref<2x2048x128xf32, #tpu.memory_space<vmem>>, vector<1x2048x128xf32>
    %swap3A_71 = vector.shape_cast %swap3A_70 : vector<1x2048x128xf32> to vector<2048x128xf32>
    %swap3A_72 = vector.shape_cast %slice3A_66 : vector<2048x128xf32> to vector<1x2048x128xf32>
    tpu.vector_store %arg8[%swap3A_67, %swap3A_68, %swap3A_69], %swap3A_72 {strides = array<i32>} : memref<2x2048x128xf32, #tpu.memory_space<vmem>>, vector<1x2048x128xf32>,
    return
  }
  func.func @transform_0(%arg0: i32) -> (i32, i32, i32) {
    %c0_i32 = arith.constant 0 : i32
    %c0_i32_0 = arith.constant 0 : i32
    %c0_i32_1 = arith.constant 0 : i32
    return %c0_i32, %arg0, %c0_i32_0 : i32, i32, i32
  }
  func.func @transform_1(%arg0: i32) -> (i32, i32) {
    %c0_i32 = arith.constant 0 : i32
    %c0_i32_0 = arith.constant 0 : i32
    return %c0_i32, %arg0 : i32, i32
  }
  func.func @transform_2(%arg0: i32) -> (i32, i32) {
    %c0_i32 = arith.constant 0 : i32
    %c0_i32_0 = arith.constant 0 : i32
    return %arg0, %c0_i32 : i32, i32
  }
  func.func @transform_3(%arg0: i32) -> (i32, i32) {
    %c0_i32 = arith.constant 0 : i32
    %c0_i32_0 = arith.constant 0 : i32
    %c0_i32_1 = arith.constant 0 : i32
    return %c0_i32, %c0_i32_0 : i32, i32
  }
  func.func @transform_4(%arg0: i32) -> (i32, i32) {
    %c0_i32 = arith.constant 0 : i32
    %c0_i32_0 = arith.constant 0 : i32
    %c0_i32_1 = arith.constant 0 : i32
    return %c0_i32, %c0_i32_0 : i32, i32
  }
  func.func @transform_5(%arg0: i32) -> (i32, i32) {
    %c0_i32 = arith.constant 0 : i32
    %c0_i32_0 = arith.constant 0 : i32
    %c0_i32_1 = arith.constant 0 : i32
    return %c0_i32, %c0_i32_0 : i32, i32
  }
  func.func @transform_6(%arg0: i32) -> (i32, i32) {
    %c0_i32 = arith.constant 0 : i32
    %c0_i32_0 = arith.constant 0 : i32
    %c0_i32_1 = arith.constant 0 : i32
    return %c0_i32, %c0_i32_0 : i32, i32
  }
  func.func @transform_7(%arg0: i32) -> (i32, i32, i32) {
    %c0_i32 = arith.constant 0 : i32
    %c0_i32_0 = arith.constant 0 : i32
    %c0_i32_1 = arith.constant 0 : i32
    return %c0_i32, %arg0, %c0_i32_0 : i32, i32, i32
  }
}

module attributes {stable_mosaic.version = 14 : i64} {
  func.func @body(%arg0: i32, %arg1: memref<1xf32, #tpu.memory_space<smem>>, %arg2: memref<2x2048x128xf32, #tpu.memory_space<vmem>>, %arg3: memref<2048xf32, #tpu.memory_space<vmem>>, %arg4: memref<2048x128xf32, #tpu.memory_space<vmem>>, %arg5: memref<128x128xf32, #tpu.memory_space<vmem>>, %arg6: memref<128x128xf32, #tpu.memory_space<vmem>>, %arg7: memref<1x128xf32, #tpu.memory_space<vmem>>, %arg8: memref<128x128xf32, #tpu.memory_space<vmem>>, %arg9: memref<128x128xf32, #tpu.memory_space<vmem>>, %arg10: memref<1x128xf32, #tpu.memory_space<vmem>>, %arg11: memref<1x128xf32, #tpu.memory_space<vmem>>, %arg12: memref<1x128xf32, #tpu.memory_space<vmem>>, %arg13: memref<1x1x2048xf32, #tpu.memory_space<vmem>>) attributes {dimension_semantics = [#tpu.dimension_semantics<arbitrary>], iteration_bounds = array<i64: 5>, scalar_prefetch = 0 : i64, scratch_operands = 0 : i64, tpu.core_type = #tpu.core_type<tc>, window_params = [{transform_indices = @transform_0, window_bounds = array<i64: 1>}, {transform_indices = @transform_1, window_bounds = array<i64: 2, 2048, 128>}, {transform_indices = @transform_2, window_bounds = array<i64: 2048>}, {transform_indices = @transform_3, window_bounds = array<i64: 2048, 128>}, {pipeline_mode = #tpu.pipeline_mode<synchronous>, transform_indices = @transform_4, window_bounds = array<i64: 128, 128>}, {pipeline_mode = #tpu.pipeline_mode<synchronous>, transform_indices = @transform_5, window_bounds = array<i64: 128, 128>}, {pipeline_mode = #tpu.pipeline_mode<synchronous>, transform_indices = @transform_6, window_bounds = array<i64: 1, 128>}, {pipeline_mode = #tpu.pipeline_mode<synchronous>, transform_indices = @transform_7, window_bounds = array<i64: 128, 128>}, {pipeline_mode = #tpu.pipeline_mode<synchronous>, transform_indices = @transform_8, window_bounds = array<i64: 128, 128>}, {pipeline_mode = #tpu.pipeline_mode<synchronous>, transform_indices = @transform_9, window_bounds = array<i64: 1, 128>}, {pipeline_mode = #tpu.pipeline_mode<synchronous>, transform_indices = @transform_10, window_bounds = array<i64: 1, 128>}, {pipeline_mode = #tpu.pipeline_mode<synchronous>, transform_indices = @transform_11, window_bounds = array<i64: 1, 128>}, {transform_indices = @transform_12, window_bounds = array<i64: 1, 1, 2048>}]} {
    %get3A = arith.constant 0 : index
    %get3A_0 = vector.load %arg3[%get3A] : memref<2048xf32, #tpu.memory_space<vmem>>, vector<2048xf32>
    %max3A = arith.constant 1.000000e+00 : f32
    %max3A_1 = vector.broadcast %max3A : f32 to vector<2048xf32>
    %max3A_2 = arith.maximumf %get3A_0, %max3A_1 : vector<2048xf32>
    %div3A = arith.constant 1.000000e+00 : f32
    %div3A_3 = vector.broadcast %div3A : f32 to vector<2048xf32>
    %div3A_4 = arith.divf %div3A_3, %max3A_2 : vector<2048xf32>
    %get3A_5 = arith.constant 0 : index
    %get3A_6 = arith.constant 0 : index
    %get3A_7 = vector.load %arg4[%get3A_5, %get3A_6] : memref<2048x128xf32, #tpu.memory_space<vmem>>, vector<2048x128xf32>
    %get3A_8 = arith.constant 0 : index
    %get3A_9 = arith.constant 0 : index
    %get3A_10 = arith.constant 0 : index
    %get3A_11 = vector.load %arg2[%get3A_8, %get3A_9, %get3A_10] : memref<2x2048x128xf32, #tpu.memory_space<vmem>>, vector<1x2048x128xf32>
    %get3A_12 = vector.shape_cast %get3A_11 : vector<1x2048x128xf32> to vector<2048x128xf32>
    %get3A_13 = arith.constant 0 : index
    %get3A_14 = arith.constant 0 : index
    %get3A_15 = vector.load %arg5[%get3A_13, %get3A_14] : memref<128x128xf32, #tpu.memory_space<vmem>>, vector<128x128xf32>
    %dot_general3A = arith.constant dense<0.000000e+00> : vector<2048x128xf32>
    %dot_general3A_16 = tpu.matmul %get3A_12, %get3A_15, %dot_general3A {dimension_numbers = #tpu.dot_dimension_numbers<[1], [0], [0], [1], [0, 0, 1, 1], [], []>, transpose_lhs_hint = false} : vector<2048x128xf32>, vector<128x128xf32>, vector<2048x128xf32> -> vector<2048x128xf32>
    %broadcast_in_dim3A = vector.shape_cast %div3A_4 : vector<2048xf32> to vector<2048x1xf32>
    %mul3A = vector.broadcast %broadcast_in_dim3A : vector<2048x1xf32> to vector<2048x128xf32>
    %mul3A_17 = arith.mulf %dot_general3A_16, %mul3A : vector<2048x128xf32>
    %get3A_18 = arith.constant 0 : index
    %get3A_19 = arith.constant 0 : index
    %get3A_20 = vector.load %arg6[%get3A_18, %get3A_19] : memref<128x128xf32, #tpu.memory_space<vmem>>, vector<128x128xf32>
    %dot_general3A_21 = arith.constant dense<0.000000e+00> : vector<2048x128xf32>
    %dot_general3A_22 = tpu.matmul %get3A_7, %get3A_20, %dot_general3A_21 {dimension_numbers = #tpu.dot_dimension_numbers<[1], [0], [0], [1], [0, 0, 1, 1], [], []>, transpose_lhs_hint = false} : vector<2048x128xf32>, vector<128x128xf32>, vector<2048x128xf32> -> vector<2048x128xf32>
    %add3A = arith.addf %mul3A_17, %dot_general3A_22 : vector<2048x128xf32>
    %get3A_23 = arith.constant 0 : index
    %get3A_24 = arith.constant 0 : index
    %get3A_25 = vector.load %arg7[%get3A_23, %get3A_24] : memref<1x128xf32, #tpu.memory_space<vmem>>, vector<1x128xf32>
    %get3A_26 = vector.shape_cast %get3A_25 : vector<1x128xf32> to vector<128xf32>
    %broadcast_in_dim3A_27 = vector.shape_cast %get3A_26 : vector<128xf32> to vector<1x128xf32>
    %add3A_28 = vector.broadcast %broadcast_in_dim3A_27 : vector<1x128xf32> to vector<2048x128xf32>
    %add3A_29 = arith.addf %add3A, %add3A_28 : vector<2048x128xf32>
    %get3A_30 = arith.constant 1 : index
    %get3A_31 = arith.constant 0 : index
    %get3A_32 = arith.constant 0 : index
    %get3A_33 = vector.load %arg2[%get3A_30, %get3A_31, %get3A_32] : memref<2x2048x128xf32, #tpu.memory_space<vmem>>, vector<1x2048x128xf32>
    %get3A_34 = vector.shape_cast %get3A_33 : vector<1x2048x128xf32> to vector<2048x128xf32>
    %get3A_35 = arith.constant 0 : index
    %get3A_36 = arith.constant 0 : index
    %get3A_37 = vector.load %arg8[%get3A_35, %get3A_36] : memref<128x128xf32, #tpu.memory_space<vmem>>, vector<128x128xf32>
    %dot_general3A_38 = arith.constant dense<0.000000e+00> : vector<2048x128xf32>
    %dot_general3A_39 = tpu.matmul %get3A_34, %get3A_37, %dot_general3A_38 {dimension_numbers = #tpu.dot_dimension_numbers<[1], [0], [0], [1], [0, 0, 1, 1], [], []>, transpose_lhs_hint = false} : vector<2048x128xf32>, vector<128x128xf32>, vector<2048x128xf32> -> vector<2048x128xf32>
    %broadcast_in_dim3A_40 = vector.shape_cast %div3A_4 : vector<2048xf32> to vector<2048x1xf32>
    %mul3A_41 = vector.broadcast %broadcast_in_dim3A_40 : vector<2048x1xf32> to vector<2048x128xf32>
    %mul3A_42 = arith.mulf %dot_general3A_39, %mul3A_41 : vector<2048x128xf32>
    %get3A_43 = arith.constant 0 : index
    %get3A_44 = arith.constant 0 : index
    %get3A_45 = vector.load %arg9[%get3A_43, %get3A_44] : memref<128x128xf32, #tpu.memory_space<vmem>>, vector<128x128xf32>
    %dot_general3A_46 = arith.constant dense<0.000000e+00> : vector<2048x128xf32>
    %dot_general3A_47 = tpu.matmul %get3A_7, %get3A_45, %dot_general3A_46 {dimension_numbers = #tpu.dot_dimension_numbers<[1], [0], [0], [1], [0, 0, 1, 1], [], []>, transpose_lhs_hint = false} : vector<2048x128xf32>, vector<128x128xf32>, vector<2048x128xf32> -> vector<2048x128xf32>
    %add3A_48 = arith.addf %mul3A_42, %dot_general3A_47 : vector<2048x128xf32>
    %get3A_49 = arith.constant 0 : index
    %get3A_50 = arith.constant 0 : index
    %get3A_51 = vector.load %arg10[%get3A_49, %get3A_50] : memref<1x128xf32, #tpu.memory_space<vmem>>, vector<1x128xf32>
    %get3A_52 = vector.shape_cast %get3A_51 : vector<1x128xf32> to vector<128xf32>
    %broadcast_in_dim3A_53 = vector.shape_cast %get3A_52 : vector<128xf32> to vector<1x128xf32>
    %add3A_54 = vector.broadcast %broadcast_in_dim3A_53 : vector<1x128xf32> to vector<2048x128xf32>
    %add3A_55 = arith.addf %add3A_48, %add3A_54 : vector<2048x128xf32>
    %max3A_56 = arith.constant 0.000000e+00 : f32
    %max3A_57 = vector.broadcast %max3A_56 : f32 to vector<2048x128xf32>
    %max3A_58 = arith.maximumf %add3A_29, %max3A_57 : vector<2048x128xf32>
    %max3A_59 = arith.constant 0.000000e+00 : f32
    %max3A_60 = vector.broadcast %max3A_59 : f32 to vector<2048x128xf32>
    %max3A_61 = arith.maximumf %add3A_55, %max3A_60 : vector<2048x128xf32>
    %get3A_62 = arith.constant 0 : index
    %get3A_63 = arith.constant 0 : index
    %get3A_64 = vector.load %arg11[%get3A_62, %get3A_63] : memref<1x128xf32, #tpu.memory_space<vmem>>, vector<1x128xf32>
    %get3A_65 = vector.shape_cast %get3A_64 : vector<1x128xf32> to vector<128xf32>
    %broadcast_in_dim3A_66 = vector.shape_cast %get3A_65 : vector<128xf32> to vector<1x128xf32>
    %mul3A_67 = vector.broadcast %broadcast_in_dim3A_66 : vector<1x128xf32> to vector<2048x128xf32>
    %mul3A_68 = arith.mulf %max3A_58, %mul3A_67 : vector<2048x128xf32>
    %reduce_sum3A = arith.constant dense<0.000000e+00> : vector<2048xf32>
    %reduce_sum3A_69 = vector.multi_reduction <add>, %mul3A_68, %reduce_sum3A [1] : vector<2048x128xf32> to vector<2048xf32>
    %get3A_70 = arith.constant 0 : index
    %get3A_71 = arith.constant 0 : index
    %get3A_72 = vector.load %arg12[%get3A_70, %get3A_71] : memref<1x128xf32, #tpu.memory_space<vmem>>, vector<1x128xf32>
    %get3A_73 = vector.shape_cast %get3A_72 : vector<1x128xf32> to vector<128xf32>
    %broadcast_in_dim3A_74 = vector.shape_cast %get3A_73 : vector<128xf32> to vector<1x128xf32>
    %mul3A_75 = vector.broadcast %broadcast_in_dim3A_74 : vector<1x128xf32> to vector<2048x128xf32>
    %mul3A_76 = arith.mulf %max3A_61, %mul3A_75 : vector<2048x128xf32>
    %reduce_sum3A_77 = arith.constant dense<0.000000e+00> : vector<2048xf32>
    %reduce_sum3A_78 = vector.multi_reduction <add>, %mul3A_76, %reduce_sum3A_77 [1] : vector<2048x128xf32> to vector<2048xf32>
    %add3A_79 = arith.addf %reduce_sum3A_69, %reduce_sum3A_78 : vector<2048xf32>
    %get3A_80 = arith.constant 0 : index
    %get3A_81 = memref.load %arg1[%get3A_80] : memref<1xf32, #tpu.memory_space<smem>>
    %add3A_82 = vector.broadcast %get3A_81 : f32 to vector<2048xf32>
    %add3A_83 = arith.addf %add3A_79, %add3A_82 : vector<2048xf32>
    %swap3A = arith.constant 0 : index
    %swap3A_84 = arith.constant 0 : index
    %swap3A_85 = arith.constant 0 : index
    %swap3A_86 = vector.load %arg13[%swap3A, %swap3A_84, %swap3A_85] : memref<1x1x2048xf32, #tpu.memory_space<vmem>>, vector<1x1x2048xf32>
    %swap3A_87 = vector.shape_cast %swap3A_86 : vector<1x1x2048xf32> to vector<2048xf32>
    %swap3A_88 = vector.shape_cast %add3A_83 : vector<2048xf32> to vector<1x1x2048xf32>
    tpu.vector_store %arg13[%swap3A, %swap3A_84, %swap3A_85], %swap3A_88 {strides = array<i32>} : memref<1x1x2048xf32, #tpu.memory_space<vmem>>, vector<1x1x2048xf32>,
    return
  }
  func.func @transform_0(%arg0: i32) -> i32 {
    %c0_i32 = arith.constant 0 : i32
    %c0_i32_0 = arith.constant 0 : i32
    return %c0_i32 : i32
  }
  func.func @transform_1(%arg0: i32) -> (i32, i32, i32) {
    %c0_i32 = arith.constant 0 : i32
    %c0_i32_0 = arith.constant 0 : i32
    %c0_i32_1 = arith.constant 0 : i32
    return %c0_i32, %arg0, %c0_i32_0 : i32, i32, i32
  }
  func.func @transform_2(%arg0: i32) -> i32 {
    %c0_i32 = arith.constant 0 : i32
    return %arg0 : i32
  }
  func.func @transform_3(%arg0: i32) -> (i32, i32) {
    %c0_i32 = arith.constant 0 : i32
    %c0_i32_0 = arith.constant 0 : i32
    return %arg0, %c0_i32 : i32, i32
  }
  func.func @transform_4(%arg0: i32) -> (i32, i32) {
    %c0_i32 = arith.constant 0 : i32
    %c0_i32_0 = arith.constant 0 : i32
    %c0_i32_1 = arith.constant 0 : i32
    return %c0_i32, %c0_i32_0 : i32, i32
  }
  func.func @transform_5(%arg0: i32) -> (i32, i32) {
    %c0_i32 = arith.constant 0 : i32
    %c0_i32_0 = arith.constant 0 : i32
    %c0_i32_1 = arith.constant 0 : i32
    return %c0_i32, %c0_i32_0 : i32, i32
  }
  func.func @transform_6(%arg0: i32) -> (i32, i32) {
    %c0_i32 = arith.constant 0 : i32
    %c0_i32_0 = arith.constant 0 : i32
    %c0_i32_1 = arith.constant 0 : i32
    return %c0_i32, %c0_i32_0 : i32, i32
  }
  func.func @transform_7(%arg0: i32) -> (i32, i32) {
    %c0_i32 = arith.constant 0 : i32
    %c0_i32_0 = arith.constant 0 : i32
    %c0_i32_1 = arith.constant 0 : i32
    return %c0_i32, %c0_i32_0 : i32, i32
  }
  func.func @transform_8(%arg0: i32) -> (i32, i32) {
    %c0_i32 = arith.constant 0 : i32
    %c0_i32_0 = arith.constant 0 : i32
    %c0_i32_1 = arith.constant 0 : i32
    return %c0_i32, %c0_i32_0 : i32, i32
  }
  func.func @transform_9(%arg0: i32) -> (i32, i32) {
    %c0_i32 = arith.constant 0 : i32
    %c0_i32_0 = arith.constant 0 : i32
    %c0_i32_1 = arith.constant 0 : i32
    return %c0_i32, %c0_i32_0 : i32, i32
  }
  func.func @transform_10(%arg0: i32) -> (i32, i32) {
    %c0_i32 = arith.constant 0 : i32
    %c0_i32_0 = arith.constant 0 : i32
    %c0_i32_1 = arith.constant 0 : i32
    return %c0_i32, %c0_i32_0 : i32, i32
  }
  func.func @transform_11(%arg0: i32) -> (i32, i32) {
    %c0_i32 = arith.constant 0 : i32
    %c0_i32_0 = arith.constant 0 : i32
    %c0_i32_1 = arith.constant 0 : i32
    return %c0_i32, %c0_i32_0 : i32, i32
  }
  func.func @transform_12(%arg0: i32) -> (i32, i32, i32) {
    %c0_i32 = arith.constant 0 : i32
    %c0_i32_0 = arith.constant 0 : i32
    %c0_i32_1 = arith.constant 0 : i32
    return %arg0, %c0_i32, %c0_i32_0 : i32, i32, i32
  }
}

</mosaic_0001>

<sc_bundles>
// kernel: kernel.6.cloned.1.call-start
scs
__scs_entry_jumppad:
0x0: {  	(pc) =	sbr.rel $0x88, $3  }
0x1: {  	(tag) =	ssettag $0x0;
	lr =	simm.s32 $0x1  }
0x2: {  	[smem:$0x3F87] =	sst lr;
	_ =	strace $0xD0000000  }
0x3: {  	_ = 	snop  }
0x4: {  	_ = 	snop  }
0x5: {  	_ = 	snop  }
0x6: {  	_ = 	snop  }
0x7: {  	_ = 	snop  }
__scs_overlays_trampoline_lowered:
0x8: {  	[smem:$0x3F96] =	sst s0  }
0x9: {  	[smem:$0x3F97] =	sst s1  }
0xa: {  	[smem:$0x3F98] =	sst s2  }
0xb: {  	[smem:$0x3F99] =	sst s3  }
0xc: {  	[smem:$0x3F9A] =	sst s4  }
0xd: {  	[smem:$0x3F9B] =	sst s5  }
0xe: {  	[smem:$0x3F9C] =	sst s6  }
0xf: {  	[smem:$0x3F9D] =	sst s7  }
0x10: {  	[smem:$0x3F9E] =	sst s8  }
0x11: {  	[smem:$0x3F9F] =	sst s9;
	s0 =	simm.s32 @!p0 $0x0  }
0x12: {  	s1 =	sld [smem:$0x3F85];
	s0 =	simm.s32 @p0 $0x1  }
0x13: {  	[smem:$0x3FA0] =	sst s0;
	s0 =	simm.s32 @!p1 $0x0  }
0x14: {  	s2 =	sld [smem:$0x3F84];
	s0 =	simm.s32 @p1 $0x1  }
0x15: {  	[smem:$0x3FA1] =	sst s0;
	s0 =	simm.s32 @!p2 $0x0  }
0x16: {  	s3 =	sld [smem:$0x3FDB];
	s0 =	simm.s32 @p2 $0x1  }
0x17: {  	s4 =	simm.s32 $0x1BF5;
	[smem:$0x3FA3] =	sst s0  }
0x18: {  	s0 =	sld [smem:$0x3F86];
	_ =	swait.ge [sflag:s4], $0x0  }
0x19: {  	s7 =	sld [smem:$0x3F87]  }
0x1a: {  	s8 =	sadd.s32 $0xFFFFE003, lr  }
0x1b: {  	s9 =	sadd.s32 $0xFFFFFEF7, lr;
	s5 =	simm.s32 $0xFFFFFFFF;
	p2 =	slt.u32 s8, $0xFFFFF086  }
0x1c: {  	p1 =	slt.u32 s9, $0xF7A;
	s5 =	simm.s32 @!p2 $0x0  }
0x1d: {  	s5 =	simm.s32 @p1 $0x1;
	p0 =	seq.s32 s7, s2  }
0x1e: {  	s7 =	smul.u32 @!p0 $0xF7A, s2;
	p2 =	seq.s32 @!p0 s5, $0x0  }
0x1f: {  	s9 =	smul.u32 $0xF7A, s1;
	s8 =	simm.s32 @!p0 $0x1BF5;
	p2 =	por !p2, p0  }
0x20: {  	[sflag:s8] =	ssyncset.s32 @!p0 $0xFFFFF086;
	s6 =	sadd.s32 @!p0 s3, s7;
	s7 =	simm.s32 @!p0 $0x108  }
0x21: {  	s3 =	sadd.s32 s3, s9;
	s6 =	sadd.s32 @!p0 $0x88, s6;
	s7 =	simm.s32 @p2 $0x1082  }
0x22: {  	[simem:s7], [sflag:s8] =	dma.local @!p0 [hbm:s6], $0xF7A  }
0x23: {  	s9 =	sor.u32 $0xD0000000, s2;
	s6 =	simm.s32 $0x108;
	_ =	swait.ge @!p0 [sflag:s8], $0x0  }
0x24: {  	s3 =	sadd.s32 $0x88, s3;
	s6 =	simm.s32 @!p1 $0x1082;
	[sflag:s4] =	ssyncset.s32 $0xFFFFF086  }
0x25: {  	[simem:s6], [sflag:s4] =	dma.local [hbm:s3], $0xF7A  }
0x26: {  	[smem:$0x3F87] =	sst s1;
	(tag) =	ssettag s2;
	_ =	strace s9  }
0x27: {  	s1 =	sld [smem:$0x3F97]  }
0x28: {  	s2 =	sld [smem:$0x3F98]  }
0x29: {  	s4 =	sld [smem:$0x3F9A]  }
0x2a: {  	p0 =	seq.s32 s5, $0x0;
	s5 =	sld [smem:$0x3F9B]  }
0x2b: {  	s6 =	sld [smem:$0x3F9C]  }
0x2c: {  	s7 =	sld [smem:$0x3F9D]  }
0x2d: {  	s3 =	simm.s32 $0x108;
	s8 =	sld [smem:$0x3F9E]  }
0x2e: {  	s3 =	simm.s32 @!p0 $0x1082;
	s9 =	sld [smem:$0x3F9F]  }
0x2f: {  	lr =	sadd.s32 s0, s3;
	s0 =	sld [smem:$0x3F96]  }
0x30: {  	s3 =	sld [smem:$0x3F99]  }
0x31: {  	[smem:$0x3FA2] =	sst s10  }
0x32: {  	s10 =	sld [smem:$0x3FA0];
	_ =	sdelay $0x3  }
0x33: {  	p0 =	seq.s32 s10, $0x1;
	s10 =	sld [smem:$0x3FA2];
	_ =	sdelay $0x3  }
0x34: {  	[smem:$0x3FA2] =	sst s10  }
0x35: {  	s10 =	sld [smem:$0x3FA1];
	_ =	sdelay $0x3  }
0x36: {  	p1 =	seq.s32 s10, $0x1;
	s10 =	sld [smem:$0x3FA2];
	_ =	sdelay $0x3  }
0x37: {  	[smem:$0x3FA2] =	sst s10  }
0x38: {  	s10 =	sld [smem:$0x3FA3]  }
0x39: {  	_ = 	snop;
	(pc) =	sbr.ind lr, $3  }
0x3a: {  	_ = 	snop  }
0x3b: {  	_ = 	snop  }
0x3c: {  	p2 =	seq.s32 s10, $0x1;
	s10 =	sld [smem:$0x3FA2]  }
0x3d: {  	_ =	shalt  }
0x3e: {  	_ =	shalt  }
0x3f: {  	_ =	shalt  }
0x40: {  	_ =	shalt  }
0x41: {  	_ =	shalt  }
0x42: {  	_ =	shalt  }
0x43: {  	_ =	shalt  }
0x44: {  	_ =	shalt  }
0x45: {  	_ =	shalt  }
0x46: {  	_ =	shalt  }
0x47: {  	_ =	shalt  }
0x48: {  	_ =	shalt  }
0x49: {  	_ =	shalt  }
0x4a: {  	_ =	shalt  }
0x4b: {  	_ =	shalt  }
0x4c: {  	_ =	shalt  }
0x4d: {  	_ =	shalt  }
0x4e: {  	_ =	shalt  }
0x4f: {  	_ =	shalt  }
0x50: {  	_ =	shalt  }
0x51: {  	_ =	shalt  }
0x52: {  	_ =	shalt  }
0x53: {  	_ =	shalt  }
0x54: {  	_ =	shalt  }
0x55: {  	_ =	shalt  }
0x56: {  	_ =	shalt  }
0x57: {  	_ =	shalt  }
0x58: {  	_ =	shalt  }
0x59: {  	_ =	shalt  }
0x5a: {  	_ =	shalt  }
0x5b: {  	_ =	shalt  }
0x5c: {  	_ =	shalt  }
0x5d: {  	_ =	shalt  }
0x5e: {  	_ =	shalt  }
0x5f: {  	_ =	shalt  }
0x60: {  	_ =	shalt  }
0x61: {  	_ =	shalt  }
0x62: {  	_ =	shalt  }
0x63: {  	_ =	shalt  }
0x64: {  	_ =	shalt  }
0x65: {  	_ =	shalt  }
0x66: {  	_ =	shalt  }
0x67: {  	_ =	shalt  }
0x68: {  	_ =	shalt  }
0x69: {  	_ =	shalt  }
0x6a: {  	_ =	shalt  }
0x6b: {  	_ =	shalt  }
0x6c: {  	_ =	shalt  }
0x6d: {  	_ =	shalt  }
0x6e: {  	_ =	shalt  }
0x6f: {  	_ =	shalt  }
0x70: {  	_ =	shalt  }
0x71: {  	_ =	shalt  }
0x72: {  	_ =	shalt  }
0x73: {  	_ =	shalt  }
0x74: {  	_ =	shalt  }
0x75: {  	_ =	shalt  }
0x76: {  	_ =	shalt  }
0x77: {  	_ =	shalt  }
0x78: {  	_ =	shalt  }
0x79: {  	_ =	shalt  }
0x7a: {  	_ =	shalt  }
0x7b: {  	_ =	shalt  }
0x7c: {  	_ =	shalt  }
0x7d: {  	_ =	shalt  }
0x7e: {  	_ =	shalt  }
0x7f: {  	_ =	shalt  }
0x80: {  	_ =	shalt  }
0x81: {  	_ =	shalt  }
0x82: {  	_ =	shalt  }
0x83: {  	_ =	shalt  }
0x84: {  	_ =	shalt  }
0x85: {  	_ =	shalt  }
0x86: {  	_ =	shalt  }
0x87: {  	_ =	shalt  }
.Lfunc_end0:
.L_simem_size_0:
called_computation_lowered:
.L_overlay_start_0:
0x88: {  	s2 =	sld [smem:$0x3FD9]  }
0x89: {  	s3 =	sld [smem:$0x3FFE];
	_ =	sdelay $0x1  }
0x8a: {  	s1 =	srdreg.scid  }
0x8b: {  	s0 =	sand.u32 $0x1, s1  }
0x8c: {  	s17 =	sshll.u32 s0, $0xA;
	s2 =	sadd.s32 s3, s2  }
0x8d: {  	s2 =	sadd.s32 s2, s17  }
0x8e: {  	[smem:$0x3FAE] =	sst s2  }
0x8f: {  	_ = 	snop  }
0x90: {  	s2 =	sld [smem:$0x3FC9]  }
0x91: {  	s18 =	sld [smem:$0x3FD0];
	(tm) =	ssettm $0x1  }
0x92: {  	s4 =	sld [smem:$0x3FFB];
	_ =	sdelay $0x3  }
0x93: {  	_ =	strace s4  }
0x94: {  	s4 =	sld [smem:$0x3FFC];
	_ =	sdelay $0x3  }
0x95: {  	_ =	strace s4  }
0x96: {  	s4 =	sld [smem:$0x3FFD];
	_ =	sdelay $0x3  }
0x97: {  	_ =	strace s4  }
0x98: {  	_ =	strace $0x8FFFFFFF  }
0x99: {  	s19 =	sld [smem:$0x3FDB];
	_ =	sdelay $0x1  }
0x9a: {  	s5 =	simm.s32 $_scs_section_size  }
0x9b: {  	s6 =	simm.s32 $_size__tile_overlayer_lowered;
	s7 =	simm.s32 $_tile_overlayer_lowered  }
0x9c: {  	s22 =	simm.s32 $0x1BFF;
	s21 =	sshll.u32 s7, $0x1;
	s4 =	sadd.s32 s5, s19  }
0x9d: {  	s8 =	simm.s32 $0x0;
	s20 =	sshll.u32 s6, $0x1;
	s6 =	sadd.s32 s21, s4  }
0x9e: {  	[timem:s8], [sflag:s22] =	dma.local [hbm:s6], s20  }
0x9f: {  	_ =	swait.ge [sflag:s22], s20  }
0xa0: {  	s5 =	ssub.s32 $0x0, s20;
	[sflag:s22] =	ssyncset.done $0x0  }
0xa1: {  	[sflag:s22] =	ssyncadd.s32 s5;
	_ =	sdelay $0x1  }
0xa2: {  	s23 =	simm.s32 $0x1B8B  }
0xa3: {  	_ =	swait.ge [sflag:s23], $0x1  }
0xa4: {  	[sflag:s23] =	ssyncset.done $0x0  }
0xa5: {  	s25 =	simm.s32 $0x1B8E;
	s24 =	sld [smem:$0x3FFE];
	[sflag:s23] =	ssyncadd.s32 $0xFFFFFFFF  }
0xa6: {  	s26 =	simm.s32 $execute0_lowered;
	[smem:$0x3FD2] =	sst s25  }
0xa7: {  	s6 =	sshll.u32 s26, $0x1;
	_ =	strace $0x80000046;
	[dreg:$0x1] =	wrdreg $0xFFFFFFFF  }
0xa8: {  	s28 =	simm.s32 $_size_execute0_lowered;
	s4 =	sadd.s32 s4, s6;
	[dreg:$0x0] =	wrdreg $0x0  }
0xa9: {  	s6 =	sshll.u32 s28, $0x1;
	[dreg:$0x2] =	wrdreg s4  }
0xaa: {  	[dreg:$0x3] =	wrdreg s6  }
0xab: {  	[dreg:$0x4] =	wrdreg $0xC0  }
0xac: {  	_ =	task [dreg:s8], $0x5FFFF  }
0xad: {  	[dreg:$0x1] =	wrdreg $0xFFFFFFFF  }
0xae: {  	[dreg:$0x0] =	wrdreg $0x60  }
0xaf: {  	[dreg:$0x2] =	wrdreg s2  }
0xb0: {  	[dreg:$0x3] =	wrdreg s24  }
0xb1: {  	[dreg:$0x4] =	wrdreg s18  }
0xb2: {  	[dreg:$0x5] =	wrdreg $0x0  }
0xb3: {  	[dreg:$0x6] =	wrdreg $0x140000  }
0xb4: {  	[dreg:$0x7] =	wrdreg $0x9  }
0xb5: {  	_ =	task.clear_ibuf [dreg:s8], $0x8FFFF;
	_ =	strace $0x90000046  }
0xb6: {  	s29 =	simm.s32 $0x9;
	_ =	strace $0x80000048  }
0xb7: {  	_ =	swait.ge [sflag:s29], $0x1  }
0xb8: {  	[sflag:s29] =	ssyncadd.s32 $0xFFFFFFFF  }
0xb9: {  	_ =	strace $0x90000048  }
0xba: {  	_ =	sfence  }
0xbb: {  	s30 =	sld [smem:$0x0];
	_ =	sdelay $0x2  }
0xbc: {  	s31 =	sshll.u32 s1, $0xD;
	s1 =	sshrl.u32 s1, $0x2  }
0xbd: {  	s3 =	sand.u32 $0x4000, s31;
	s1 =	sadd.s32 s1, s30  }
0xbe: {  	s0 =	sor.u32 s3, s0;
	s1 =	sshll.u32 s1, $0x11  }
0xbf: {  	s0 =	sor.u32 s1, s0  }
0xc0: {  	s0 =	sadd.s32 $0x8F2B, s0  }
0xc1: {  	[sflag:s0] =	ssyncadd.remote.s32 $0x1  }
0xc2: {  	_ =	sfence.sel $0xFFFF  }
0xc3: {  	[dreg:$0x0] =	wrdreg $0xFFFFFFFF;
	(pc) =	sbr.abs _section_cstart, $3  }
0xc4: {  	[dreg:$0x1] =	wrdreg $0xFFFFFFFF  }
0xc5: {  	_ =	task.clear_ibuf [dreg:s8], $0x2FFFF;
	_ =	strace $0x9FFFFFFF  }
0xc6: {  	(tm) =	ssettm $0x7FFFFFFF  }
0xc7: {  	_ =	shalt  }
tec
execute0_lowered:
.L_overlay_start_1:
0x0: {  	(tag) =	ssettag $0x1  }
0x1: {  	s29 =	rddreg [dreg:$0x0]  }
0x2: {  	s0 =	rddreg [dreg:$0x1]  }
0x3: {  	s2 =	rddreg [dreg:$0x2]  }
0x4: {  	s3 =	rddreg [dreg:$0x3];
	s15 =	stileid.u32  }
0x5: {  	s1 =	rddreg [dreg:$0x4];
	s7 =	smul.u32 $0x14000, s15  }
0x6: {  	s6 =	srdreg.scid;
	s5 =	simm.s32 $0x0;
	s9 =	smul.u32 $0x500, s15  }
0x7: {  	s30 =	simm.s32 $0x14380;
	s28 =	simm.s32 $0x50;
	s25 =	smul.u32 $0x50000, s15  }
0x8: {  	s31 =	simm.s32 $0xA;
	s6 =	sand.u32 $0x1, s6;
	s13 =	smul.u32 $0x280, s15  }
0x9: {  	[smem:$0x7FF] =	sst s5;
	s10 =	sadd.s32 $0x4C00, s0;
	s4 =	smul.u32 $0x2710, s15  }
0xa: {  	s8 =	smul.u32 $0x140000, s6;
	_ =	strace $0x80000047;
	s11 =	sshll.u32 s6, $0x7  }
0xb: {  	s26 =	sshll.u32 s6, $0x4;
	s12 =	ssub.s32 $0x2, s6;
	s6 =	smul.u32 $0x27100, s6  }
0xc: {  	s9 =	sor.u32 s11, s9;
	s11 =	sor.u32 s15, s26;
	s14 =	sshrl.u32 s12, $0x1  }
0xd: {  	s16 =	sshrl.u32 s13, $0x3;
	s8 =	sadd.s32 s7, s8;
	s7 =	sshrl.u32 s7, $0x3  }
0xe: {  	s9 =	sshrl.u32 s9, $0x3;
	s11 =	smul.u32 $0x2710, s11;
	s12 =	ssub.s32 s12, s14  }
0xf: {  	s14 =	sadd.s32 s13, s1;
	s2 =	sadd.s32 s2, s16;
	s6 =	sadd.s32 s4, s6  }
0x10: {  	s8 =	sshrl.u32 s8, $0x3;
	s7 =	sadd.s32 s7, s0;
	[dreg:$0x9] =	wrdreg s14  }
0x11: {  	[dreg:$0xa] =	wrdreg s2;
	s18 =	sadd.s32 $0x370, s6;
	s19 =	sadd.s32 $0x4E570, s6  }
0x12: {  	s22 =	sadd.s32 $0x320, s6;
	s23 =	sadd.s32 $0x4E520, s6;
	s24 =	sadd.s32 $0x2D0, s6  }
0x13: {  	s26 =	sadd.s32 $0x4E4D0, s6;
	s1 =	sadd.s32 $0x280, s6;
	s6 =	sadd.s32 $0x4E480, s6  }
0x14: {  	s8 =	sadd.s32 s8, s0;
	s0 =	sadd.s32 s9, s0;
	s9 =	sshrl.u32 s25, $0x2  }
0x15: {  	s7 =	sadd.s32 $0x18600, s7;
	s17 =	sshrl.u32 s11, $0x3;
	s2 =	sshrl.u32 s18, $0x3  }
0x16: {  	s6 =	sshrl.u32 s6, $0x3;
	s9 =	sadd.s32 s9, s3;
	[dreg:$0x7] =	wrdreg s7  }
0x17: {  	s3 =	sshll.u32 s15, $0x6;
	s4 =	sadd.s32 $0x41000, s8;
	[dreg:$0x6] =	wrdreg s9  }
0x18: {  	s11 =	sadd.s32 s10, s17;
	s0 =	sadd.s32 $0x40600, s0;
	[dreg:$0x11] =	wrdreg s4  }
0x19: {  	s7 =	sshrl.u32 s19, $0x3;
	s18 =	sadd.s32 s2, s10;
	[dreg:$0x12] =	wrdreg s0  }
0x1a: {  	s2 =	sshrl.u32 s22, $0x3;
	s20 =	sadd.s32 $0x9C40, s11;
	[dreg:$0xb] =	wrdreg s11  }
0x1b: {  	s15 =	sor.u32 $0x1C0B, s3;
	s21 =	sadd.s32 $0xA, s11;
	[dreg:$0xc] =	wrdreg s20  }
0x1c: {  	s17 =	sadd.s32 s7, s10;
	s2 =	sadd.s32 s2, s10;
	[dreg:$0xd] =	wrdreg s21  }
0x1d: {  	s7 =	sshrl.u32 s23, $0x3;
	s3 =	sadd.s32 $0x9C4A, s11;
	[dreg:$0xe] =	wrdreg s2  }
0x1e: {  	s9 =	sshrl.u32 s24, $0x3;
	s8 =	sadd.s32 $0x14, s11;
	[dreg:$0x10] =	wrdreg s3  }
0x1f: {  	s14 =	sadd.s32 $0x28, s11;
	s22 =	sadd.s32 $0x9C72, s11;
	[dreg:$0x14] =	wrdreg s8  }
0x20: {  	s23 =	sadd.s32 $0x3C, s11;
	s24 =	sadd.s32 $0x9C7C, s11;
	[dreg:$0x18] =	wrdreg s14  }
0x21: {  	s0 =	simm.s32 $0x6;
	s25 =	sadd.s32 s7, s10;
	[dreg:$0x1b] =	wrdreg s22  }
0x22: {  	s16 =	sadd.s32 s9, s10;
	s2 =	sshrl.u32 s26, $0x3;
	[dreg:$0x1c] =	wrdreg s23  }
0x23: {  	s7 =	sshrl.u32 s1, $0x3;
	s9 =	sadd.s32 $0x9C54, s11;
	[dreg:$0x1d] =	wrdreg s24  }
0x24: {  	s20 =	sadd.s32 $0x9C68, s11;
	s21 =	sadd.s32 $0x32, s11;
	[dreg:$0x8] =	wrdreg s15  }
0x25: {  	s26 =	sadd.s32 $0x9C86, s11;
	s23 =	simm.s32 $0x14480;
	[dreg:$0xf] =	wrdreg s25  }
0x26: {  	s24 =	simm.s32 $0x17080;
	s22 =	simm.s32 $0x8;
	[dreg:$0x15] =	wrdreg s9  }
0x27: {  	s1 =	simm.s32 $0x0;
	s19 =	sadd.s32 s2, s10;
	[dreg:$0x19] =	wrdreg s20  }
0x28: {  	s13 =	sadd.s32 s7, s10;
	s2 =	sadd.s32 s6, s10;
	[dreg:$0x1a] =	wrdreg s21  }
0x29: {  	s7 =	smax.u32 s12, $0x1;
	s10 =	sadd.s32 $0x1E, s11;
	[dreg:$0x1f] =	wrdreg s26  }
0x2a: {  	s12 =	sadd.s32 $0x9C5E, s11;
	s25 =	sadd.s32 $0x46, s11;
	[dreg:$0x13] =	wrdreg s7  }
0x2b: {  	s20 =	simm.s32 $0xB;
	s21 =	simm.s32 $0x14280;
	[dreg:$0x16] =	wrdreg s10  }
0x2c: {  	s26 =	simm.s32 $0x9;
	s9 =	simm.s32 $0x3;
	[dreg:$0x17] =	wrdreg s12  }
0x2d: {  	v0 =	vimm.f32 $1.000000000e+00;
	[dreg:$0x1e] =	wrdreg s25;
	s25 =	simm.s32 $0x5;
	s7 =	simm.s32 $0x7  }
.LBB2_1:
0x2e: {  	[smem:$0x7FB] =	sst s1  }
0x2f: {  	s14 =	rddreg [dreg:$0x6]  }
0x30: {  	s3 =	rddreg [dreg:$0x7];
	s14 =	sshrl.u32 s14, $0x3  }
0x31: {  	[smem:$0x7FC] =	sst s14  }
0x32: {  	[spmem:s14], [sflag:s15] =	dma.local [hbm:s3], $0x2800  }
0x33: {  	_ =	swait.ge [sflag:s20], $0x2800  }
0x34: {  	s4 =	rddreg [dreg:$0x9]  }
0x35: {  	[sflag:s20] =	ssyncset.done $0x0;
	s8 =	rddreg [dreg:$0xa];
	s6 =	sshrl.u32 s4, $0x3  }
0x36: {  	[sflag:s20] =	ssyncadd.s32 $0xFFFFD800;
	[smem:$0x7FD] =	sst s6  }
0x37: {  	[spmem:s6], [sflag:s15] =	dma.local [hbm:s8], $0x50  }
0x38: {  	_ =	swait.ge [sflag:s20], $0x50  }
0x39: {  	[sflag:s20] =	ssyncset.done $0x0  }
0x3a: {  	[sflag:s20] =	ssyncadd.s32 $0xFFFFFFB0  }
0x3b: {  	[tilespmem:$0x1E880] =	vst v0  }
0x3c: {  	[tilespmem:$0x1E890] =	vst v0  }
0x3d: {  	[tilespmem:$0x1E8A0] =	vst v0  }
0x3e: {  	[tilespmem:$0x1E8B0] =	vst v0  }
0x3f: {  	[tilespmem:$0x1E8C0] =	vst v0  }
0x40: {  	[bflag:$0x0] =	sbarrier.arrive $0xFFFF  }
0x41: {  	s10 =	rddreg [dreg:$0xb]  }
0x42: {  	[tilespmem:s21], [sflag:$0x9] =	stream.linear.gather [hbm4b:s10+s5], $0x50, $0x38;
	[tilespmem:$0x1E900] =	vst v63  }
0x43: {  	s11 =	rddreg [dreg:$0xc]  }
0x44: {  	[tilespmem:s30], [sflag:$0x9] =	stream.linear.gather [hbm4b:s11+s5], $0x50, $0x38;
	[tilespmem:$0x1E900] =	vst v63  }
0x45: {  	s15 =	simm.s32 $0x14300;
	s12 =	rddreg [dreg:$0xd]  }
0x46: {  	[tilespmem:s15], [sflag:$0xA] =	stream.linear.gather [hbm4b:s12+s5], $0x50, $0x38;
	[tilespmem:$0x1E900] =	vst v63  }
0x47: {  	s14 =	simm.s32 $0x14400;
	s6 =	rddreg [dreg:$0x10]  }
0x48: {  	[tilespmem:s14], [sflag:$0xA] =	stream.linear.gather [hbm4b:s6+s5], $0x50, $0x38;
	[tilespmem:$0x1E900] =	vst v63  }
0x49: {  	_ =	swait.ge [sflag:s26], $0x50  }
0x4a: {  	[sflag:s26] =	ssyncset.done $0x0  }
0x4b: {  	[sflag:s26] =	ssyncadd.s32 $0xFFFFFFB0  }
0x4c: {  	_ =	swait.ge [sflag:s26], $0x50  }
0x4d: {  	[sflag:s26] =	ssyncset.done $0x0  }
0x4e: {  	[sflag:s26] =	ssyncadd.s32 $0xFFFFFFB0  }
0x4f: {  	v1 =	vld [tilespmem:$0x14280]  }
0x50: {  	v2 =	vld [tilespmem:$0x14380]  }
0x51: {  	v3 =	vld [tilespmem:$0x14290]  }
0x52: {  	v4 =	vld [tilespmem:$0x14390]  }
0x53: {  	v5 =	vld [tilespmem:$0x142A0]  }
0x54: {  	v38 =	vld [tilespmem:$0x142C0];
	[tilespmem:$0x14480] =	vst v1  }
0x55: {  	v39 =	vld [tilespmem:$0x143C0];
	[tilespmem:$0x14680] =	vst v2  }
0x56: {  	v1 =	vld [tilespmem:$0x143A0];
	[tilespmem:$0x14490] =	vst v3  }
0x57: {  	v2 =	vld [tilespmem:$0x142B0];
	[tilespmem:$0x14690] =	vst v4  }
0x58: {  	v3 =	vld [tilespmem:$0x143B0];
	[tilespmem:$0x144A0] =	vst v5  }
0x59: {  	[tilespmem:$0x144C0] =	vst v38  }
0x5a: {  	[tilespmem:$0x146C0] =	vst v39  }
0x5b: {  	[tilespmem:$0x146A0] =	vst v1  }
0x5c: {  	[tilespmem:$0x144B0] =	vst v2  }
0x5d: {  	s10 =	simm.s32 $0x14880;
	[tilespmem:$0x146B0] =	vst v3  }
0x5e: {  	[tilespmem:s10], [sflag:$0x1] =	stream.indirect.gather [hbm4b:s29+s28], $0x80, s23, s28, $0xb8;
	[tilespmem:$0x1E900] =	vst v63  }
0x5f: {  	s20 =	rddreg [dreg:$0x14]  }
0x60: {  	[tilespmem:s21], [sflag:$0x9] =	stream.linear.gather [hbm4b:s20+s5], $0x50, $0x38;
	[tilespmem:$0x1E900] =	vst v63  }
0x61: {  	s1 =	rddreg [dreg:$0x15]  }
0x62: {  	[tilespmem:s30], [sflag:$0x9] =	stream.linear.gather [hbm4b:s1+s5], $0x50, $0x38;
	[tilespmem:$0x1E900] =	vst v63  }
0x63: {  	_ =	swait.ge [sflag:s31], $0x50  }
0x64: {  	[sflag:s31] =	ssyncset.done $0x0  }
0x65: {  	[sflag:s31] =	ssyncadd.s32 $0xFFFFFFB0  }
0x66: {  	_ =	swait.ge [sflag:s31], $0x50  }
0x67: {  	[sflag:s31] =	ssyncset.done $0x0  }
0x68: {  	[sflag:s31] =	ssyncadd.s32 $0xFFFFFFB0  }
0x69: {  	v1 =	vld [tilespmem:$0x14300]  }
0x6a: {  	v2 =	vld [tilespmem:$0x14400]  }
0x6b: {  	v3 =	vld [tilespmem:$0x14310]  }
0x6c: {  	v40 =	vld [tilespmem:$0x14410]  }
0x6d: {  	v41 =	vld [tilespmem:$0x14320]  }
0x6e: {  	v42 =	vld [tilespmem:$0x14340];
	[tilespmem:$0x14500] =	vst v1  }
0x6f: {  	v43 =	vld [tilespmem:$0x14440];
	[tilespmem:$0x14700] =	vst v2  }
0x70: {  	v1 =	vld [tilespmem:$0x14420];
	[tilespmem:$0x14510] =	vst v3  }
0x71: {  	v2 =	vld [tilespmem:$0x14330];
	[tilespmem:$0x14710] =	vst v40  }
0x72: {  	v3 =	vld [tilespmem:$0x14430];
	[tilespmem:$0x14520] =	vst v41  }
0x73: {  	[tilespmem:$0x14540] =	vst v42  }
0x74: {  	[tilespmem:$0x14740] =	vst v43  }
0x75: {  	[tilespmem:$0x14720] =	vst v1  }
0x76: {  	[tilespmem:$0x14530] =	vst v2  }
0x77: {  	s11 =	simm.s32 $0x14500;
	[tilespmem:$0x14730] =	vst v3  }
0x78: {  	[tilespmem:s24], [sflag:$0x2] =	stream.indirect.gather [hbm4b:s29+s28], $0x80, s11, s28, $0xb8;
	[tilespmem:$0x1E900] =	vst v63  }
0x79: {  	s3 =	rddreg [dreg:$0x16]  }
0x7a: {  	[tilespmem:s15], [sflag:$0xA] =	stream.linear.gather [hbm4b:s3+s5], $0x50, $0x38;
	[tilespmem:$0x1E900] =	vst v63  }
0x7b: {  	s4 =	rddreg [dreg:$0x17]  }
0x7c: {  	[tilespmem:s14], [sflag:$0xA] =	stream.linear.gather [hbm4b:s4+s5], $0x50, $0x38;
	[tilespmem:$0x1E900] =	vst v63  }
0x7d: {  	_ =	swait.ge [sflag:s26], $0x50  }
0x7e: {  	[sflag:s26] =	ssyncset.done $0x0  }
0x7f: {  	[sflag:s26] =	ssyncadd.s32 $0xFFFFFFB0  }
0x80: {  	_ =	swait.ge [sflag:s26], $0x50  }
0x81: {  	[sflag:s26] =	ssyncset.done $0x0  }
0x82: {  	[sflag:s26] =	ssyncadd.s32 $0xFFFFFFB0  }
0x83: {  	v1 =	vld [tilespmem:$0x14280]  }
0x84: {  	v2 =	vld [tilespmem:$0x14380]  }
0x85: {  	v3 =	vld [tilespmem:$0x14290]  }
0x86: {  	v44 =	vld [tilespmem:$0x14390]  }
0x87: {  	v45 =	vld [tilespmem:$0x142A0]  }
0x88: {  	v46 =	vld [tilespmem:$0x142C0];
	[tilespmem:$0x14580] =	vst v1  }
0x89: {  	v47 =	vld [tilespmem:$0x143C0];
	[tilespmem:$0x14780] =	vst v2  }
0x8a: {  	v1 =	vld [tilespmem:$0x143A0];
	[tilespmem:$0x14590] =	vst v3  }
0x8b: {  	v2 =	vld [tilespmem:$0x142B0];
	[tilespmem:$0x14790] =	vst v44  }
0x8c: {  	v3 =	vld [tilespmem:$0x143B0];
	[tilespmem:$0x145A0] =	vst v45  }
0x8d: {  	[tilespmem:$0x145C0] =	vst v46  }
0x8e: {  	[tilespmem:$0x147C0] =	vst v47  }
0x8f: {  	[tilespmem:$0x147A0] =	vst v1  }
0x90: {  	[tilespmem:$0x145B0] =	vst v2  }
0x91: {  	s8 =	simm.s32 $0x1;
	s6 =	simm.s32 $0x14580;
	s20 =	simm.s32 $0x19880;
	[tilespmem:$0x147B0] =	vst v3  }
0x92: {  	[tilespmem:s20], [sflag:$0x3] =	stream.indirect.gather [hbm4b:s29+s28], $0x80, s6, s28, $0xb8;
	[tilespmem:$0x1E900] =	vst v63  }
0x93: {  	_ =	swait.ge [sflag:s8], $0x2800  }
0x94: {  	[sflag:s8] =	ssyncset.done $0x0  }
0x95: {  	[sflag:s8] =	ssyncadd.s32 $0xFFFFD800  }
0x96: {  	s12 =	simm.s32 $0x14680;
	s4 =	rddreg [dreg:$0x3]  }
0x97: {  	[spmem:s4] =	stream.indirect.scatter.add.f32 [tilespmem:s10], [sflag:$0x5], $0x80, s12, s28, $0xb8;
	[tilespmem:$0x1E900] =	vst v63  }
0x98: {  	s3 =	simm.s32 $0x1E880;
	s1 =	rddreg [dreg:$0x4]  }
0x99: {  	[spmem:s1] =	stream.indirect.scatter.add.f32 [tilespmem:s3], [sflag:$0x5], $0x1, s12, s28, $0xb8;
	[tilespmem:$0x1E900] =	vst v63  }
0x9a: {  	_ =	swait.ge [sflag:s31], $0x50  }
0x9b: {  	[sflag:s31] =	ssyncset.done $0x0  }
0x9c: {  	[sflag:s31] =	ssyncadd.s32 $0xFFFFFFB0  }
0x9d: {  	_ =	swait.ge [sflag:s31], $0x50  }
0x9e: {  	[sflag:s31] =	ssyncset.done $0x0  }
0x9f: {  	[sflag:s31] =	ssyncadd.s32 $0xFFFFFFB0  }
0xa0: {  	v1 =	vld [tilespmem:$0x14300]  }
0xa1: {  	v2 =	vld [tilespmem:$0x14400]  }
0xa2: {  	v3 =	vld [tilespmem:$0x14310]  }
0xa3: {  	v48 =	vld [tilespmem:$0x14410]  }
0xa4: {  	v49 =	vld [tilespmem:$0x14320]  }
0xa5: {  	v50 =	vld [tilespmem:$0x14340];
	[tilespmem:$0x14600] =	vst v1  }
0xa6: {  	v51 =	vld [tilespmem:$0x14440];
	[tilespmem:$0x14800] =	vst v2  }
0xa7: {  	v1 =	vld [tilespmem:$0x14420];
	[tilespmem:$0x14610] =	vst v3  }
0xa8: {  	v2 =	vld [tilespmem:$0x14330];
	[tilespmem:$0x14810] =	vst v48  }
0xa9: {  	v3 =	vld [tilespmem:$0x14430];
	[tilespmem:$0x14620] =	vst v49  }
0xaa: {  	[tilespmem:$0x14640] =	vst v50  }
0xab: {  	[tilespmem:$0x14840] =	vst v51  }
0xac: {  	[tilespmem:$0x14820] =	vst v1  }
0xad: {  	[tilespmem:$0x14630] =	vst v2  }
0xae: {  	s8 =	simm.s32 $0x14600;
	s12 =	simm.s32 $0x1C080;
	[tilespmem:$0x14830] =	vst v3  }
0xaf: {  	[tilespmem:s12], [sflag:$0x4] =	stream.indirect.gather [hbm4b:s29+s28], $0x80, s8, s28, $0xb8;
	[tilespmem:$0x1E900] =	vst v63  }
0xb0: {  	s8 =	rddreg [dreg:$0x18]  }
0xb1: {  	[tilespmem:s21], [sflag:$0x9] =	stream.linear.gather [hbm4b:s8+s5], $0x50, $0x38;
	[tilespmem:$0x1E900] =	vst v63  }
0xb2: {  	s8 =	rddreg [dreg:$0x19]  }
0xb3: {  	[tilespmem:s30], [sflag:$0x9] =	stream.linear.gather [hbm4b:s8+s5], $0x50, $0x38;
	[tilespmem:$0x1E900] =	vst v63  }
0xb4: {  	s8 =	simm.s32 $0x2  }
0xb5: {  	_ =	swait.ge [sflag:s8], $0x2800  }
0xb6: {  	[sflag:s8] =	ssyncset.done $0x0  }
0xb7: {  	s6 =	simm.s32 $0x14700;
	[sflag:s8] =	ssyncadd.s32 $0xFFFFD800  }
0xb8: {  	[spmem:s4] =	stream.indirect.scatter.add.f32 [tilespmem:s24], [sflag:$0x6], $0x80, s6, s28, $0xb8;
	[tilespmem:$0x1E900] =	vst v63  }
0xb9: {  	_ = 	snop  }
0xba: {  	[spmem:s1] =	stream.indirect.scatter.add.f32 [tilespmem:s3], [sflag:$0x6], $0x1, s6, s28, $0xb8;
	[tilespmem:$0x1E900] =	vst v63  }
0xbb: {  	_ =	swait.ge [sflag:s25], $0x2800  }
0xbc: {  	[sflag:s25] =	ssyncset.done $0x0  }
0xbd: {  	[sflag:s25] =	ssyncadd.s32 $0xFFFFD800  }
0xbe: {  	_ =	swait.ge [sflag:s25], $0x50  }
0xbf: {  	[sflag:s25] =	ssyncset.done $0x0  }
0xc0: {  	[sflag:s25] =	ssyncadd.s32 $0xFFFFFFB0  }
0xc1: {  	_ =	swait.ge [sflag:s26], $0x50  }
0xc2: {  	[sflag:s26] =	ssyncset.done $0x0  }
0xc3: {  	[sflag:s26] =	ssyncadd.s32 $0xFFFFFFB0  }
0xc4: {  	_ =	swait.ge [sflag:s26], $0x50  }
0xc5: {  	[sflag:s26] =	ssyncset.done $0x0  }
0xc6: {  	[sflag:s26] =	ssyncadd.s32 $0xFFFFFFB0  }
0xc7: {  	v1 =	vld [tilespmem:$0x14280]  }
0xc8: {  	v2 =	vld [tilespmem:$0x14380]  }
0xc9: {  	v3 =	vld [tilespmem:$0x14290]  }
0xca: {  	v52 =	vld [tilespmem:$0x14390]  }
0xcb: {  	v53 =	vld [tilespmem:$0x142A0]  }
0xcc: {  	v54 =	vld [tilespmem:$0x142C0];
	[tilespmem:$0x14480] =	vst v1  }
0xcd: {  	v55 =	vld [tilespmem:$0x143C0];
	[tilespmem:$0x14680] =	vst v2  }
0xce: {  	v1 =	vld [tilespmem:$0x143A0];
	[tilespmem:$0x14490] =	vst v3  }
0xcf: {  	v2 =	vld [tilespmem:$0x142B0];
	[tilespmem:$0x14690] =	vst v52  }
0xd0: {  	v3 =	vld [tilespmem:$0x143B0];
	[tilespmem:$0x144A0] =	vst v53  }
0xd1: {  	[tilespmem:$0x144C0] =	vst v54  }
0xd2: {  	[tilespmem:$0x146C0] =	vst v55  }
0xd3: {  	[tilespmem:$0x146A0] =	vst v1  }
0xd4: {  	[tilespmem:$0x144B0] =	vst v2  }
0xd5: {  	[tilespmem:$0x146B0] =	vst v3  }
0xd6: {  	[tilespmem:s10], [sflag:$0x1] =	stream.indirect.gather [hbm4b:s29+s28], $0x80, s23, s28, $0xb8;
	[tilespmem:$0x1E900] =	vst v63  }
0xd7: {  	s10 =	rddreg [dreg:$0x1a]  }
0xd8: {  	[tilespmem:s15], [sflag:$0xA] =	stream.linear.gather [hbm4b:s10+s5], $0x50, $0x38;
	[tilespmem:$0x1E900] =	vst v63  }
0xd9: {  	s23 =	rddreg [dreg:$0x1b]  }
0xda: {  	[tilespmem:s14], [sflag:$0xA] =	stream.linear.gather [hbm4b:s23+s5], $0x50, $0x38;
	[tilespmem:$0x1E900] =	vst v63  }
0xdb: {  	_ =	swait.ge [sflag:s9], $0x2800  }
0xdc: {  	[sflag:s9] =	ssyncset.done $0x0  }
0xdd: {  	s10 =	simm.s32 $0x14780;
	[sflag:s9] =	ssyncadd.s32 $0xFFFFD800  }
0xde: {  	[spmem:s4] =	stream.indirect.scatter.add.f32 [tilespmem:s20], [sflag:$0x7], $0x80, s10, s28, $0xb8;
	[tilespmem:$0x1E900] =	vst v63  }
0xdf: {  	_ = 	snop  }
0xe0: {  	[spmem:s1] =	stream.indirect.scatter.add.f32 [tilespmem:s3], [sflag:$0x7], $0x1, s10, s28, $0xb8;
	[tilespmem:$0x1E900] =	vst v63  }
0xe1: {  	_ =	swait.ge [sflag:s0], $0x2800  }
0xe2: {  	[sflag:s0] =	ssyncset.done $0x0  }
0xe3: {  	[sflag:s0] =	ssyncadd.s32 $0xFFFFD800  }
0xe4: {  	_ =	swait.ge [sflag:s0], $0x50  }
0xe5: {  	[sflag:s0] =	ssyncset.done $0x0  }
0xe6: {  	[sflag:s0] =	ssyncadd.s32 $0xFFFFFFB0  }
0xe7: {  	_ =	swait.ge [sflag:s31], $0x50  }
0xe8: {  	[sflag:s31] =	ssyncset.done $0x0  }
0xe9: {  	[sflag:s31] =	ssyncadd.s32 $0xFFFFFFB0  }
0xea: {  	_ =	swait.ge [sflag:s31], $0x50  }
0xeb: {  	[sflag:s31] =	ssyncset.done $0x0  }
0xec: {  	[sflag:s31] =	ssyncadd.s32 $0xFFFFFFB0  }
0xed: {  	v1 =	vld [tilespmem:$0x14300]  }
0xee: {  	v2 =	vld [tilespmem:$0x14400]  }
0xef: {  	v3 =	vld [tilespmem:$0x14310]  }
0xf0: {  	v56 =	vld [tilespmem:$0x14410]  }
0xf1: {  	v57 =	vld [tilespmem:$0x14320]  }
0xf2: {  	v58 =	vld [tilespmem:$0x14340];
	[tilespmem:$0x14500] =	vst v1  }
0xf3: {  	v59 =	vld [tilespmem:$0x14440];
	[tilespmem:$0x14700] =	vst v2  }
0xf4: {  	v1 =	vld [tilespmem:$0x14420];
	[tilespmem:$0x14510] =	vst v3  }
0xf5: {  	v2 =	vld [tilespmem:$0x14330];
	[tilespmem:$0x14710] =	vst v56  }
0xf6: {  	v3 =	vld [tilespmem:$0x14430];
	[tilespmem:$0x14520] =	vst v57  }
0xf7: {  	[tilespmem:$0x14540] =	vst v58  }
0xf8: {  	[tilespmem:$0x14740] =	vst v59  }
0xf9: {  	[tilespmem:$0x14720] =	vst v1  }
0xfa: {  	[tilespmem:$0x14530] =	vst v2  }
0xfb: {  	[tilespmem:$0x14730] =	vst v3  }
0xfc: {  	[tilespmem:s24], [sflag:$0x2] =	stream.indirect.gather [hbm4b:s29+s28], $0x80, s11, s28, $0xb8;
	[tilespmem:$0x1E900] =	vst v63  }
0xfd: {  	s23 =	rddreg [dreg:$0x1c]  }
0xfe: {  	[tilespmem:s21], [sflag:$0x9] =	stream.linear.gather [hbm4b:s23+s5], $0x50, $0x38;
	[tilespmem:$0x1E900] =	vst v63  }
0xff: {  	s24 =	rddreg [dreg:$0x1d];
	s11 =	simm.s32 $0x4  }
0x100: {  	[tilespmem:s30], [sflag:$0x9] =	stream.linear.gather [hbm4b:s24+s5], $0x50, $0x38;
	[tilespmem:$0x1E900] =	vst v63  }
0x101: {  	_ =	swait.ge [sflag:s11], $0x2800  }
0x102: {  	[sflag:s11] =	ssyncset.done $0x0  }
0x103: {  	s10 =	simm.s32 $0x14800;
	[sflag:s11] =	ssyncadd.s32 $0xFFFFD800  }
0x104: {  	[spmem:s4] =	stream.indirect.scatter.add.f32 [tilespmem:s12], [sflag:$0x8], $0x80, s10, s28, $0xb8;
	[tilespmem:$0x1E900] =	vst v63  }
0x105: {  	_ = 	snop  }
0x106: {  	[spmem:s1] =	stream.indirect.scatter.add.f32 [tilespmem:s3], [sflag:$0x8], $0x1, s10, s28, $0xb8;
	[tilespmem:$0x1E900] =	vst v63  }
0x107: {  	_ =	swait.ge [sflag:s7], $0x2800  }
0x108: {  	[sflag:s7] =	ssyncset.done $0x0  }
0x109: {  	[sflag:s7] =	ssyncadd.s32 $0xFFFFD800  }
0x10a: {  	_ =	swait.ge [sflag:s7], $0x50  }
0x10b: {  	[sflag:s7] =	ssyncset.done $0x0  }
0x10c: {  	[sflag:s7] =	ssyncadd.s32 $0xFFFFFFB0  }
0x10d: {  	_ =	swait.ge [sflag:s26], $0x50  }
0x10e: {  	[sflag:s26] =	ssyncset.done $0x0  }
0x10f: {  	[sflag:s26] =	ssyncadd.s32 $0xFFFFFFB0  }
0x110: {  	_ =	swait.ge [sflag:s26], $0x50  }
0x111: {  	[sflag:s26] =	ssyncset.done $0x0  }
0x112: {  	[sflag:s26] =	ssyncadd.s32 $0xFFFFFFB0  }
0x113: {  	v1 =	vld [tilespmem:$0x14280]  }
0x114: {  	v2 =	vld [tilespmem:$0x14380]  }
0x115: {  	v3 =	vld [tilespmem:$0x14290]  }
0x116: {  	v60 =	vld [tilespmem:$0x14390]  }
0x117: {  	v61 =	vld [tilespmem:$0x142A0]  }
0x118: {  	v62 =	vld [tilespmem:$0x142C0];
	[tilespmem:$0x14580] =	vst v1  }
0x119: {  	v63 =	vld [tilespmem:$0x143C0];
	[tilespmem:$0x14780] =	vst v2  }
0x11a: {  	v1 =	vld [tilespmem:$0x143A0];
	[tilespmem:$0x14590] =	vst v3  }
0x11b: {  	v2 =	vld [tilespmem:$0x142B0];
	[tilespmem:$0x14790] =	vst v60  }
0x11c: {  	v3 =	vld [tilespmem:$0x143B0];
	[tilespmem:$0x145A0] =	vst v61  }
0x11d: {  	[tilespmem:$0x145C0] =	vst v62  }
0x11e: {  	[tilespmem:$0x147C0] =	vst v63  }
0x11f: {  	[tilespmem:$0x147A0] =	vst v1  }
0x120: {  	[tilespmem:$0x145B0] =	vst v2  }
0x121: {  	s12 =	simm.s32 $0x14580;
	s23 =	rddreg [dreg:$0x1e];
	[tilespmem:$0x147B0] =	vst v3  }
0x122: {  	[tilespmem:s20], [sflag:$0x3] =	stream.indirect.gather [hbm4b:s29+s28], $0x80, s12, s28, $0xb8;
	[tilespmem:$0x1E900] =	vst v63  }
0x123: {  	s24 =	rddreg [dreg:$0x1f]  }
0x124: {  	[tilespmem:s15], [sflag:$0xA] =	stream.linear.gather [hbm4b:s23+s5], $0x50, $0x38;
	[tilespmem:$0x1E900] =	vst v63  }
0x125: {  	s6 =	rddreg [dreg:$0xe]  }
0x126: {  	[tilespmem:s14], [sflag:$0xA] =	stream.linear.gather [hbm4b:s24+s5], $0x50, $0x38;
	[tilespmem:$0x1E900] =	vst v63  }
0x127: {  	s23 =	simm.s32 $0x0;
	s24 =	rddreg [dreg:$0xf]  }
.LBB2_2:
0x128: {  	s10 =	simm.s32 $0x1  }
0x129: {  	_ =	swait.ge [sflag:s10], $0x2800  }
0x12a: {  	[sflag:s10] =	ssyncset.done $0x0  }
0x12b: {  	[sflag:s10] =	ssyncadd.s32 $0xFFFFD800  }
0x12c: {  	s15 =	simm.s32 $0x14880;
	s14 =	simm.s32 $0x14680;
	s4 =	rddreg [dreg:$0x3]  }
0x12d: {  	[spmem:s4] =	stream.indirect.scatter.add.f32 [tilespmem:s15], [sflag:$0x5], $0x80, s14, s28, $0xb8;
	[tilespmem:$0x1E900] =	vst v63  }
0x12e: {  	s3 =	simm.s32 $0x1E880;
	s1 =	rddreg [dreg:$0x4]  }
0x12f: {  	[spmem:s1] =	stream.indirect.scatter.add.f32 [tilespmem:s3], [sflag:$0x5], $0x1, s14, s28, $0xb8;
	[tilespmem:$0x1E900] =	vst v63  }
0x130: {  	_ =	swait.ge [sflag:s22], $0x2800  }
0x131: {  	[sflag:s22] =	ssyncset.done $0x0  }
0x132: {  	[sflag:s22] =	ssyncadd.s32 $0xFFFFD800  }
0x133: {  	_ =	swait.ge [sflag:s22], $0x50  }
0x134: {  	[sflag:s22] =	ssyncset.done $0x0  }
0x135: {  	[sflag:s22] =	ssyncadd.s32 $0xFFFFFFB0  }
0x136: {  	_ =	swait.ge [sflag:s31], $0x50  }
0x137: {  	[sflag:s31] =	ssyncset.done $0x0  }
0x138: {  	[sflag:s31] =	ssyncadd.s32 $0xFFFFFFB0  }
0x139: {  	_ =	swait.ge [sflag:s31], $0x50  }
0x13a: {  	[sflag:s31] =	ssyncset.done $0x0  }
0x13b: {  	[sflag:s31] =	ssyncadd.s32 $0xFFFFFFB0  }
0x13c: {  	v1 =	vld [tilespmem:$0x14300]  }
0x13d: {  	v2 =	vld [tilespmem:$0x14400]  }
0x13e: {  	v3 =	vld [tilespmem:$0x14310]  }
0x13f: {  	v4 =	vld [tilespmem:$0x14410]  }
0x140: {  	v5 =	vld [tilespmem:$0x14320]  }
0x141: {  	v58 =	vld [tilespmem:$0x14340];
	[tilespmem:$0x14600] =	vst v1  }
0x142: {  	v59 =	vld [tilespmem:$0x14440];
	[tilespmem:$0x14800] =	vst v2  }
0x143: {  	v1 =	vld [tilespmem:$0x14420];
	[tilespmem:$0x14610] =	vst v3  }
0x144: {  	v2 =	vld [tilespmem:$0x14330];
	[tilespmem:$0x14810] =	vst v4  }
0x145: {  	v3 =	vld [tilespmem:$0x14430];
	[tilespmem:$0x14620] =	vst v5  }
0x146: {  	[tilespmem:$0x14640] =	vst v58  }
0x147: {  	[tilespmem:$0x14840] =	vst v59  }
0x148: {  	[tilespmem:$0x14820] =	vst v1  }
0x149: {  	[tilespmem:$0x14630] =	vst v2  }
0x14a: {  	s20 =	simm.s32 $0x14600;
	s12 =	simm.s32 $0x1C080;
	[tilespmem:$0x14830] =	vst v3  }
0x14b: {  	[tilespmem:s12], [sflag:$0x4] =	stream.indirect.gather [hbm4b:s29+s28], $0x80, s20, s28, $0xb8;
	[tilespmem:$0x1E900] =	vst v63  }
0x14c: {  	s14 =	sadd.s32 s23, s13  }
0x14d: {  	[tilespmem:s21], [sflag:$0x9] =	stream.linear.gather [hbm4b:s14+s5], $0x50, $0x38;
	[tilespmem:$0x1E900] =	vst v63  }
0x14e: {  	s10 =	sadd.s32 s23, s2  }
0x14f: {  	[tilespmem:s30], [sflag:$0x9] =	stream.linear.gather [hbm4b:s10+s5], $0x50, $0x38;
	[tilespmem:$0x1E900] =	vst v63  }
0x150: {  	_ =	swait.ge [sflag:s8], $0x2800  }
0x151: {  	[sflag:s8] =	ssyncset.done $0x0  }
0x152: {  	s20 =	simm.s32 $0x14700;
	s21 =	simm.s32 $0x17080;
	[sflag:s8] =	ssyncadd.s32 $0xFFFFD800  }
0x153: {  	[spmem:s4] =	stream.indirect.scatter.add.f32 [tilespmem:s21], [sflag:$0x6], $0x80, s20, s28, $0xb8;
	[tilespmem:$0x1E900] =	vst v63  }
0x154: {  	_ = 	snop  }
0x155: {  	[spmem:s1] =	stream.indirect.scatter.add.f32 [tilespmem:s3], [sflag:$0x6], $0x1, s20, s28, $0xb8;
	[tilespmem:$0x1E900] =	vst v63  }
0x156: {  	_ =	swait.ge [sflag:s25], $0x2800  }
0x157: {  	[sflag:s25] =	ssyncset.done $0x0  }
0x158: {  	[sflag:s25] =	ssyncadd.s32 $0xFFFFD800  }
0x159: {  	_ =	swait.ge [sflag:s25], $0x50  }
0x15a: {  	[sflag:s25] =	ssyncset.done $0x0  }
0x15b: {  	[sflag:s25] =	ssyncadd.s32 $0xFFFFFFB0  }
0x15c: {  	_ =	swait.ge [sflag:s26], $0x50  }
0x15d: {  	[sflag:s26] =	ssyncset.done $0x0  }
0x15e: {  	[sflag:s26] =	ssyncadd.s32 $0xFFFFFFB0  }
0x15f: {  	_ =	swait.ge [sflag:s26], $0x50  }
0x160: {  	[sflag:s26] =	ssyncset.done $0x0  }
0x161: {  	[sflag:s26] =	ssyncadd.s32 $0xFFFFFFB0  }
0x162: {  	v1 =	vld [tilespmem:$0x14280]  }
0x163: {  	v2 =	vld [tilespmem:$0x14380]  }
0x164: {  	v3 =	vld [tilespmem:$0x14290]  }
0x165: {  	v60 =	vld [tilespmem:$0x14390]  }
0x166: {  	v61 =	vld [tilespmem:$0x142A0]  }
0x167: {  	v62 =	vld [tilespmem:$0x142C0];
	[tilespmem:$0x14480] =	vst v1  }
0x168: {  	v63 =	vld [tilespmem:$0x143C0];
	[tilespmem:$0x14680] =	vst v2  }
0x169: {  	v1 =	vld [tilespmem:$0x143A0];
	[tilespmem:$0x14490] =	vst v3  }
0x16a: {  	v2 =	vld [tilespmem:$0x142B0];
	[tilespmem:$0x14690] =	vst v60  }
0x16b: {  	v3 =	vld [tilespmem:$0x143B0];
	[tilespmem:$0x144A0] =	vst v61  }
0x16c: {  	[tilespmem:$0x144C0] =	vst v62  }
0x16d: {  	[tilespmem:$0x146C0] =	vst v63  }
0x16e: {  	[tilespmem:$0x146A0] =	vst v1  }
0x16f: {  	p0 =	seq.s32 s23, $0x488;
	s14 =	simm.s32 $0x14480;
	[tilespmem:$0x144B0] =	vst v2  }
0x170: {  	s5 =	smov.u32 s2;
	s2 =	smov.u32 s13;
	s13 =	smov.u32 s16;
	[tilespmem:$0x146B0] =	vst v3  }
0x171: {  	[tilespmem:s15], [sflag:$0x1] =	stream.indirect.gather [hbm4b:s29+s28], $0x80, s14, s28, $0xb8;
	[tilespmem:$0x1E900] =	vst v63  }
0x172: {  	s16 =	sadd.s32 @!p0 s23, s16;
	s14 =	simm.s32 @!p0 $0x0;
	s15 =	simm.s32 @!p0 $0x14300  }
0x173: {  	[tilespmem:s15], [sflag:$0xA] =	stream.linear.gather @!p0 [hbm4b:s16+s14], $0x50, $0x38;
	[tilespmem:$0x1E900] =	vst v63  }
0x174: {  	s21 =	smov.u32 s17;
	s17 =	sadd.s32 @!p0 s23, s19;
	s16 =	simm.s32 @!p0 $0x14400  }
0x175: {  	[tilespmem:s16], [sflag:$0xA] =	stream.linear.gather @!p0 [hbm4b:s17+s14], $0x50, $0x38;
	[tilespmem:$0x1E900] =	vst v63  }
0x176: {  	_ =	swait.ge [sflag:s9], $0x2800  }
0x177: {  	[sflag:s9] =	ssyncset.done $0x0  }
0x178: {  	s20 =	simm.s32 $0x14780;
	s17 =	simm.s32 $0x19880;
	[sflag:s9] =	ssyncadd.s32 $0xFFFFD800  }
0x179: {  	[spmem:s4] =	stream.indirect.scatter.add.f32 [tilespmem:s17], [sflag:$0x7], $0x80, s20, s28, $0xb8;
	[tilespmem:$0x1E900] =	vst v63  }
0x17a: {  	_ = 	snop  }
0x17b: {  	[spmem:s1] =	stream.indirect.scatter.add.f32 [tilespmem:s3], [sflag:$0x7], $0x1, s20, s28, $0xb8;
	[tilespmem:$0x1E900] =	vst v63  }
0x17c: {  	_ =	swait.ge [sflag:s0], $0x2800  }
0x17d: {  	[sflag:s0] =	ssyncset.done $0x0  }
0x17e: {  	[sflag:s0] =	ssyncadd.s32 $0xFFFFD800  }
0x17f: {  	_ =	swait.ge [sflag:s0], $0x50  }
0x180: {  	[sflag:s0] =	ssyncset.done $0x0  }
0x181: {  	s17 =	simm.s32 @!p0 $0xA;
	[sflag:s0] =	ssyncadd.s32 $0xFFFFFFB0  }
0x182: {  	_ =	swait.ge @!p0 [sflag:s17], $0x50  }
0x183: {  	[sflag:s17] =	ssyncset.done @!p0 $0x0  }
0x184: {  	[sflag:s17] =	ssyncadd.s32 @!p0 $0xFFFFFFB0  }
0x185: {  	_ =	swait.ge @!p0 [sflag:s17], $0x50  }
0x186: {  	[sflag:s17] =	ssyncset.done @!p0 $0x0  }
0x187: {  	[sflag:s17] =	ssyncadd.s32 @!p0 $0xFFFFFFB0  }
0x188: {  	v1 =	vld @!p0 [tilespmem:$0x14300]  }
0x189: {  	v2 =	vld @!p0 [tilespmem:$0x14400]  }
0x18a: {  	v3 =	vld @!p0 [tilespmem:$0x14310]  }
0x18b: {  	v4 =	vld @!p0 [tilespmem:$0x14410]  }
0x18c: {  	v5 =	vld @!p0 [tilespmem:$0x14320]  }
0x18d: {  	[tilespmem:$0x14500] =	vst @!p0 v1;
	v1 =	vld @!p0 [tilespmem:$0x14420]  }
0x18e: {  	[tilespmem:$0x14700] =	vst @!p0 v2;
	v2 =	vld @!p0 [tilespmem:$0x14330]  }
0x18f: {  	[tilespmem:$0x14510] =	vst @!p0 v3;
	v3 =	vld @!p0 [tilespmem:$0x14430]  }
0x190: {  	[tilespmem:$0x14710] =	vst @!p0 v4;
	v4 =	vld @!p0 [tilespmem:$0x14340]  }
0x191: {  	[tilespmem:$0x14520] =	vst @!p0 v5;
	v5 =	vld @!p0 [tilespmem:$0x14440]  }
0x192: {  	[tilespmem:$0x14720] =	vst @!p0 v1  }
0x193: {  	[tilespmem:$0x14530] =	vst @!p0 v2  }
0x194: {  	[tilespmem:$0x14730] =	vst @!p0 v3  }
0x195: {  	s30 =	smov.u32 s19;
	s19 =	simm.s32 @!p0 $0x17080;
	[tilespmem:$0x14540] =	vst @!p0 v4  }
0x196: {  	s20 =	smov.u32 s18;
	s18 =	simm.s32 @!p0 $0x14500;
	s17 =	simm.s32 @!p0 $0x50;
	[tilespmem:$0x14740] =	vst @!p0 v5  }
0x197: {  	[tilespmem:s19], [sflag:$0x2] =	stream.indirect.gather @!p0 [hbm4b:s29+s17], $0x80, s18, s17, $0xb8;
	[tilespmem:$0x1E900] =	vst v63  }
0x198: {  	s18 =	sadd.s32 @!p0 s23, s6;
	s19 =	simm.s32 @!p0 $0x14280  }
0x199: {  	[tilespmem:s19], [sflag:$0x9] =	stream.linear.gather @!p0 [hbm4b:s18+s14], $0x50, $0x38;
	[tilespmem:$0x1E900] =	vst v63  }
0x19a: {  	s18 =	sadd.s32 @!p0 s23, s24;
	s19 =	simm.s32 @!p0 $0x14380  }
0x19b: {  	[tilespmem:s19], [sflag:$0x9] =	stream.linear.gather @!p0 [hbm4b:s18+s14], $0x50, $0x38;
	[tilespmem:$0x1E900] =	vst v63  }
0x19c: {  	_ =	swait.ge [sflag:s11], $0x2800  }
0x19d: {  	[sflag:s11] =	ssyncset.done $0x0  }
0x19e: {  	s19 =	simm.s32 $0x14800;
	[sflag:s11] =	ssyncadd.s32 $0xFFFFD800  }
0x19f: {  	[spmem:s4] =	stream.indirect.scatter.add.f32 [tilespmem:s12], [sflag:$0x8], $0x80, s19, s28, $0xb8;
	[tilespmem:$0x1E900] =	vst v63  }
0x1a0: {  	_ = 	snop  }
0x1a1: {  	[spmem:s1] =	stream.indirect.scatter.add.f32 [tilespmem:s3], [sflag:$0x8], $0x1, s19, s28, $0xb8;
	[tilespmem:$0x1E900] =	vst v63  }
0x1a2: {  	_ =	swait.ge [sflag:s7], $0x2800  }
0x1a3: {  	[sflag:s7] =	ssyncset.done $0x0  }
0x1a4: {  	[sflag:s7] =	ssyncadd.s32 $0xFFFFD800  }
0x1a5: {  	_ =	swait.ge [sflag:s7], $0x50  }
0x1a6: {  	[sflag:s7] =	ssyncset.done $0x0  }
0x1a7: {  	s18 =	simm.s32 @!p0 $0x9;
	[sflag:s7] =	ssyncadd.s32 $0xFFFFFFB0  }
0x1a8: {  	_ =	swait.ge @!p0 [sflag:s18], $0x50  }
0x1a9: {  	[sflag:s18] =	ssyncset.done @!p0 $0x0  }
0x1aa: {  	[sflag:s18] =	ssyncadd.s32 @!p0 $0xFFFFFFB0  }
0x1ab: {  	_ =	swait.ge @!p0 [sflag:s18], $0x50  }
0x1ac: {  	[sflag:s18] =	ssyncset.done @!p0 $0x0  }
0x1ad: {  	[sflag:s18] =	ssyncadd.s32 @!p0 $0xFFFFFFB0  }
0x1ae: {  	v1 =	vld @!p0 [tilespmem:$0x14280]  }
0x1af: {  	v2 =	vld @!p0 [tilespmem:$0x14380]  }
0x1b0: {  	v3 =	vld @!p0 [tilespmem:$0x14290]  }
0x1b1: {  	v4 =	vld @!p0 [tilespmem:$0x14390]  }
0x1b2: {  	v5 =	vld @!p0 [tilespmem:$0x142A0]  }
0x1b3: {  	[tilespmem:$0x14580] =	vst @!p0 v1;
	v1 =	vld @!p0 [tilespmem:$0x143A0]  }
0x1b4: {  	[tilespmem:$0x14780] =	vst @!p0 v2;
	v2 =	vld @!p0 [tilespmem:$0x142B0]  }
0x1b5: {  	[tilespmem:$0x14590] =	vst @!p0 v3;
	v3 =	vld @!p0 [tilespmem:$0x143B0]  }
0x1b6: {  	[tilespmem:$0x14790] =	vst @!p0 v4;
	v4 =	vld @!p0 [tilespmem:$0x142C0]  }
0x1b7: {  	[tilespmem:$0x145A0] =	vst @!p0 v5;
	v5 =	vld @!p0 [tilespmem:$0x143C0]  }
0x1b8: {  	[tilespmem:$0x147A0] =	vst @!p0 v1  }
0x1b9: {  	[tilespmem:$0x145B0] =	vst @!p0 v2  }
0x1ba: {  	[tilespmem:$0x147B0] =	vst @!p0 v3  }
0x1bb: {  	[tilespmem:$0x145C0] =	vst @!p0 v4  }
0x1bc: {  	s19 =	simm.s32 @!p0 $0x19880;
	s18 =	simm.s32 @!p0 $0x14580;
	[tilespmem:$0x147C0] =	vst @!p0 v5  }
0x1bd: {  	[tilespmem:s19], [sflag:$0x3] =	stream.indirect.gather @!p0 [hbm4b:s29+s17], $0x80, s18, s17, $0xb8;
	[tilespmem:$0x1E900] =	vst v63  }
0x1be: {  	s17 =	sadd.s32 @!p0 s23, s20  }
0x1bf: {  	[tilespmem:s15], [sflag:$0xA] =	stream.linear.gather @!p0 [hbm4b:s17+s14], $0x50, $0x38;
	[tilespmem:$0x1E900] =	vst v63  }
0x1c0: {  	s17 =	smov.u32 s21  }
0x1c1: {  	s15 =	sadd.s32 @!p0 s23, s17;
	s23 =	sadd.s32 @!p0 $0x28, s23  }
0x1c2: {  	[tilespmem:s16], [sflag:$0xA] =	stream.linear.gather @!p0 [hbm4b:s15+s14], $0x50, $0x38;
	[tilespmem:$0x1E900] =	vst v63  }
0x1c3: {  	p1 =	sne.s32 @!p0 s23, $0x4B0  }
0x1c4: {  	p0 =	por p0, !p1  }
.Ltmp0:
0x1c5: {  	_ = 	snop;
	(pc) =	sbr.rel @!p0 .LBB2_2-.Ltmp0, $4  }
0x1c6: {  	s10 =	simm.s32 $0x14880  }
0x1c7: {  	s4 =	simm.s32 $0x1E880;
	s19 =	smov.u32 s30;
	s30 =	simm.s32 $0x14380  }
0x1c8: {  	s18 =	smov.u32 s20;
	s21 =	simm.s32 $0x14280;
	s16 =	smov.u32 s13  }
0x1c9: {  	s13 =	smov.u32 s2;
	s2 =	smov.u32 s5;
	s5 =	simm.s32 $0x0  }
0x1ca: {  	s8 =	simm.s32 $0x1  }
0x1cb: {  	_ =	swait.ge [sflag:s8], $0x2800  }
0x1cc: {  	[sflag:s8] =	ssyncset.done $0x0  }
0x1cd: {  	[sflag:s8] =	ssyncadd.s32 $0xFFFFD800  }
0x1ce: {  	s6 =	simm.s32 $0x14680;
	s3 =	rddreg [dreg:$0x3]  }
0x1cf: {  	[spmem:s3] =	stream.indirect.scatter.add.f32 [tilespmem:s10], [sflag:$0x5], $0x80, s6, s28, $0xb8;
	[tilespmem:$0x1E900] =	vst v63  }
0x1d0: {  	s1 =	rddreg [dreg:$0x4]  }
0x1d1: {  	[spmem:s1] =	stream.indirect.scatter.add.f32 [tilespmem:s4], [sflag:$0x5], $0x1, s6, s28, $0xb8;
	[tilespmem:$0x1E900] =	vst v63  }
0x1d2: {  	_ =	swait.ge [sflag:s22], $0x2800  }
0x1d3: {  	[sflag:s22] =	ssyncset.done $0x0  }
0x1d4: {  	[sflag:s22] =	ssyncadd.s32 $0xFFFFD800  }
0x1d5: {  	_ =	swait.ge [sflag:s22], $0x50  }
0x1d6: {  	[sflag:s22] =	ssyncset.done $0x0  }
0x1d7: {  	[sflag:s22] =	ssyncadd.s32 $0xFFFFFFB0  }
0x1d8: {  	_ =	swait.ge [sflag:s25], $0x2800  }
0x1d9: {  	[sflag:s25] =	ssyncset.done $0x0  }
0x1da: {  	[sflag:s25] =	ssyncadd.s32 $0xFFFFD800  }
0x1db: {  	_ =	swait.ge [sflag:s25], $0x50  }
0x1dc: {  	[sflag:s25] =	ssyncset.done $0x0  }
0x1dd: {  	[sflag:s25] =	ssyncadd.s32 $0xFFFFFFB0  }
0x1de: {  	[bflag:$0x0] =	sbarrier.arrive $0xFFFF  }
0x1df: {  	s4 =	sld [smem:$0x7FC]  }
0x1e0: {  	s15 =	rddreg [dreg:$0x8]  }
0x1e1: {  	s20 =	simm.s32 $0xB;
	s3 =	rddreg [dreg:$0x11]  }
0x1e2: {  	[hbm:s3], [sflag:s15] =	dma.local [spmem:s4], $0x2800  }
0x1e3: {  	_ =	swait.ge [sflag:s20], $0x2800  }
0x1e4: {  	s14 =	sld [smem:$0x7FD]  }
0x1e5: {  	s11 =	simm.s32 $0x20;
	[sflag:s20] =	ssyncset.done $0x0  }
0x1e6: {  	s12 =	simm.s32 $0x10;
	s10 =	rddreg [dreg:$0x12];
	[sflag:s20] =	ssyncadd.s32 $0xFFFFD800  }
0x1e7: {  	[hbm:s10@s11], [sflag:s15] =	dma.strided [spmem:s14@s12], $0x50, s8, $0x10   }
0x1e8: {  	_ =	swait.ge [sflag:s20], $0x50  }
0x1e9: {  	s23 =	sld [smem:$0x7FB];
	_ =	sdelay $0x2  }
0x1ea: {  	s24 =	rddreg [dreg:$0x13];
	s1 =	sadd.s32 $0x1, s23  }
0x1eb: {  	p0 =	sne.s32 s1, s24  }
.Ltmp1:
0x1ec: {  	_ = 	snop;
	(pc) =	sbr.rel @p0 .LBB2_1-.Ltmp1, $3  }
0x1ed: {  	_ =	sdelay $0x1  }
0x1ee: {  	[sflag:s20] =	ssyncset.done $0x0  }
0x1ef: {  	[sflag:s20] =	ssyncadd.s32 $0xFFFFFFB0;
	s23 =	simm.s32 $0x14480;
	s24 =	simm.s32 $0x17080  }
0x1f0: {  	_ =	sfence.sel $0x180000  }
0x1f1: {  	[bflag:$0x0] =	sbarrier.arrive $0xFFFF  }
0x1f2: {  	_ =	strace $0x90000047  }
0x1f3: {  	s0 =	stileid.u32;
	[bflag:$0x2] =	sbarrier.arrive $0xFFFF  }
0x1f4: {  	p0 =	sne.s32 s0, $0x0;
	s0 =	rddreg [dreg:$0x5]  }
0x1f5: {  	s0 =	sadd.s32 @!p0 $0x100000, s0  }
0x1f6: {  	[sflag:s0] =	ssyncadd.tile.s32 @!p0 $0x1;
	_ =	shalt  }
.Lfunc_end2:
_tile_overlayer_lowered:
.L_overlay_start_2:
0x1f7: {  	(tag) =	ssettag $0x2  }
0x1f8: {  	s0 =	rddreg [dreg:$0x0];
	s2 =	stileid.u32  }
0x1f9: {  	s1 =	rddreg [dreg:$0x1];
	p0 =	sne.s32 s2, $0x0  }
0x1fa: {  	s3 =	rddreg [dreg:$0x2];
	[bflag:$0x3] =	sbarrier.arrive $0xFFFF;
	s2 =	simm.s32 @!p0 $0x1C0B  }
0x1fb: {  	[timem:s3], [sflag:s2] =	dma.local @!p0 [hbm:s0], s1  }
0x1fc: {  	s0 =	simm.s32 @!p0 $0xB  }
0x1fd: {  	_ =	swait.ge @!p0 [sflag:s0], s1  }
0x1fe: {  	s1 =	ssub.s32 @!p0 $0x0, s1;
	[sflag:s0] =	ssyncset.done @!p0 $0x0  }
0x1ff: {  	[sflag:s0] =	ssyncadd.s32 @!p0 s1  }
0x200: {  	[bflag:$0x3] =	sbarrier.arrive $0xFFFF  }
0x201: {  	_ =	shalt  }

// kernel: kernel.9.cloned.1.call-start
scs
__scs_entry_jumppad:
0x0: {  	(pc) =	sbr.rel $0x88, $3  }
0x1: {  	(tag) =	ssettag $0x0;
	lr =	simm.s32 $0x1  }
0x2: {  	[smem:$0x3F87] =	sst lr;
	_ =	strace $0xD0000000  }
0x3: {  	_ = 	snop  }
0x4: {  	_ = 	snop  }
0x5: {  	_ = 	snop  }
0x6: {  	_ = 	snop  }
0x7: {  	_ = 	snop  }
__scs_overlays_trampoline_lowered:
0x8: {  	[smem:$0x3F96] =	sst s0  }
0x9: {  	[smem:$0x3F97] =	sst s1  }
0xa: {  	[smem:$0x3F98] =	sst s2  }
0xb: {  	[smem:$0x3F99] =	sst s3  }
0xc: {  	[smem:$0x3F9A] =	sst s4  }
0xd: {  	[smem:$0x3F9B] =	sst s5  }
0xe: {  	[smem:$0x3F9C] =	sst s6  }
0xf: {  	[smem:$0x3F9D] =	sst s7  }
0x10: {  	[smem:$0x3F9E] =	sst s8  }
0x11: {  	[smem:$0x3F9F] =	sst s9;
	s0 =	simm.s32 @!p0 $0x0  }
0x12: {  	s1 =	sld [smem:$0x3F85];
	s0 =	simm.s32 @p0 $0x1  }
0x13: {  	[smem:$0x3FA0] =	sst s0;
	s0 =	simm.s32 @!p1 $0x0  }
0x14: {  	s2 =	sld [smem:$0x3F84];
	s0 =	simm.s32 @p1 $0x1  }
0x15: {  	[smem:$0x3FA1] =	sst s0;
	s0 =	simm.s32 @!p2 $0x0  }
0x16: {  	s3 =	sld [smem:$0x3FDB];
	s0 =	simm.s32 @p2 $0x1  }
0x17: {  	s4 =	simm.s32 $0x1BF5;
	[smem:$0x3FA3] =	sst s0  }
0x18: {  	s0 =	sld [smem:$0x3F86];
	_ =	swait.ge [sflag:s4], $0x0  }
0x19: {  	s7 =	sld [smem:$0x3F87]  }
0x1a: {  	s8 =	sadd.s32 $0xFFFFE003, lr  }
0x1b: {  	s9 =	sadd.s32 $0xFFFFFEF7, lr;
	s5 =	simm.s32 $0xFFFFFFFF;
	p2 =	slt.u32 s8, $0xFFFFF086  }
0x1c: {  	p1 =	slt.u32 s9, $0xF7A;
	s5 =	simm.s32 @!p2 $0x0  }
0x1d: {  	s5 =	simm.s32 @p1 $0x1;
	p0 =	seq.s32 s7, s2  }
0x1e: {  	s7 =	smul.u32 @!p0 $0xF7A, s2;
	p2 =	seq.s32 @!p0 s5, $0x0  }
0x1f: {  	s9 =	smul.u32 $0xF7A, s1;
	s8 =	simm.s32 @!p0 $0x1BF5;
	p2 =	por !p2, p0  }
0x20: {  	[sflag:s8] =	ssyncset.s32 @!p0 $0xFFFFF086;
	s6 =	sadd.s32 @!p0 s3, s7;
	s7 =	simm.s32 @!p0 $0x108  }
0x21: {  	s3 =	sadd.s32 s3, s9;
	s6 =	sadd.s32 @!p0 $0x88, s6;
	s7 =	simm.s32 @p2 $0x1082  }
0x22: {  	[simem:s7], [sflag:s8] =	dma.local @!p0 [hbm:s6], $0xF7A  }
0x23: {  	s9 =	sor.u32 $0xD0000000, s2;
	s6 =	simm.s32 $0x108;
	_ =	swait.ge @!p0 [sflag:s8], $0x0  }
0x24: {  	s3 =	sadd.s32 $0x88, s3;
	s6 =	simm.s32 @!p1 $0x1082;
	[sflag:s4] =	ssyncset.s32 $0xFFFFF086  }
0x25: {  	[simem:s6], [sflag:s4] =	dma.local [hbm:s3], $0xF7A  }
0x26: {  	[smem:$0x3F87] =	sst s1;
	(tag) =	ssettag s2;
	_ =	strace s9  }
0x27: {  	s1 =	sld [smem:$0x3F97]  }
0x28: {  	s2 =	sld [smem:$0x3F98]  }
0x29: {  	s4 =	sld [smem:$0x3F9A]  }
0x2a: {  	p0 =	seq.s32 s5, $0x0;
	s5 =	sld [smem:$0x3F9B]  }
0x2b: {  	s6 =	sld [smem:$0x3F9C]  }
0x2c: {  	s7 =	sld [smem:$0x3F9D]  }
0x2d: {  	s3 =	simm.s32 $0x108;
	s8 =	sld [smem:$0x3F9E]  }
0x2e: {  	s3 =	simm.s32 @!p0 $0x1082;
	s9 =	sld [smem:$0x3F9F]  }
0x2f: {  	lr =	sadd.s32 s0, s3;
	s0 =	sld [smem:$0x3F96]  }
0x30: {  	s3 =	sld [smem:$0x3F99]  }
0x31: {  	[smem:$0x3FA2] =	sst s10  }
0x32: {  	s10 =	sld [smem:$0x3FA0];
	_ =	sdelay $0x3  }
0x33: {  	p0 =	seq.s32 s10, $0x1;
	s10 =	sld [smem:$0x3FA2];
	_ =	sdelay $0x3  }
0x34: {  	[smem:$0x3FA2] =	sst s10  }
0x35: {  	s10 =	sld [smem:$0x3FA1];
	_ =	sdelay $0x3  }
0x36: {  	p1 =	seq.s32 s10, $0x1;
	s10 =	sld [smem:$0x3FA2];
	_ =	sdelay $0x3  }
0x37: {  	[smem:$0x3FA2] =	sst s10  }
0x38: {  	s10 =	sld [smem:$0x3FA3]  }
0x39: {  	_ = 	snop;
	(pc) =	sbr.ind lr, $3  }
0x3a: {  	_ = 	snop  }
0x3b: {  	_ = 	snop  }
0x3c: {  	p2 =	seq.s32 s10, $0x1;
	s10 =	sld [smem:$0x3FA2]  }
0x3d: {  	_ =	shalt  }
0x3e: {  	_ =	shalt  }
0x3f: {  	_ =	shalt  }
0x40: {  	_ =	shalt  }
0x41: {  	_ =	shalt  }
0x42: {  	_ =	shalt  }
0x43: {  	_ =	shalt  }
0x44: {  	_ =	shalt  }
0x45: {  	_ =	shalt  }
0x46: {  	_ =	shalt  }
0x47: {  	_ =	shalt  }
0x48: {  	_ =	shalt  }
0x49: {  	_ =	shalt  }
0x4a: {  	_ =	shalt  }
0x4b: {  	_ =	shalt  }
0x4c: {  	_ =	shalt  }
0x4d: {  	_ =	shalt  }
0x4e: {  	_ =	shalt  }
0x4f: {  	_ =	shalt  }
0x50: {  	_ =	shalt  }
0x51: {  	_ =	shalt  }
0x52: {  	_ =	shalt  }
0x53: {  	_ =	shalt  }
0x54: {  	_ =	shalt  }
0x55: {  	_ =	shalt  }
0x56: {  	_ =	shalt  }
0x57: {  	_ =	shalt  }
0x58: {  	_ =	shalt  }
0x59: {  	_ =	shalt  }
0x5a: {  	_ =	shalt  }
0x5b: {  	_ =	shalt  }
0x5c: {  	_ =	shalt  }
0x5d: {  	_ =	shalt  }
0x5e: {  	_ =	shalt  }
0x5f: {  	_ =	shalt  }
0x60: {  	_ =	shalt  }
0x61: {  	_ =	shalt  }
0x62: {  	_ =	shalt  }
0x63: {  	_ =	shalt  }
0x64: {  	_ =	shalt  }
0x65: {  	_ =	shalt  }
0x66: {  	_ =	shalt  }
0x67: {  	_ =	shalt  }
0x68: {  	_ =	shalt  }
0x69: {  	_ =	shalt  }
0x6a: {  	_ =	shalt  }
0x6b: {  	_ =	shalt  }
0x6c: {  	_ =	shalt  }
0x6d: {  	_ =	shalt  }
0x6e: {  	_ =	shalt  }
0x6f: {  	_ =	shalt  }
0x70: {  	_ =	shalt  }
0x71: {  	_ =	shalt  }
0x72: {  	_ =	shalt  }
0x73: {  	_ =	shalt  }
0x74: {  	_ =	shalt  }
0x75: {  	_ =	shalt  }
0x76: {  	_ =	shalt  }
0x77: {  	_ =	shalt  }
0x78: {  	_ =	shalt  }
0x79: {  	_ =	shalt  }
0x7a: {  	_ =	shalt  }
0x7b: {  	_ =	shalt  }
0x7c: {  	_ =	shalt  }
0x7d: {  	_ =	shalt  }
0x7e: {  	_ =	shalt  }
0x7f: {  	_ =	shalt  }
0x80: {  	_ =	shalt  }
0x81: {  	_ =	shalt  }
0x82: {  	_ =	shalt  }
0x83: {  	_ =	shalt  }
0x84: {  	_ =	shalt  }
0x85: {  	_ =	shalt  }
0x86: {  	_ =	shalt  }
0x87: {  	_ =	shalt  }
.Lfunc_end0:
.L_simem_size_0:
called_computation.1_lowered:
.L_overlay_start_0:
0x88: {  	s2 =	sld [smem:$0x3FD9]  }
0x89: {  	s3 =	sld [smem:$0x3FFE];
	_ =	sdelay $0x1  }
0x8a: {  	s1 =	srdreg.scid  }
0x8b: {  	s0 =	sand.u32 $0x1, s1  }
0x8c: {  	s17 =	sshll.u32 s0, $0xA;
	s2 =	sadd.s32 s3, s2  }
0x8d: {  	s2 =	sadd.s32 s2, s17  }
0x8e: {  	[smem:$0x3FAE] =	sst s2  }
0x8f: {  	_ = 	snop  }
0x90: {  	s2 =	sld [smem:$0x3FD0];
	(tm) =	ssettm $0x1  }
0x91: {  	s18 =	sld [smem:$0x3FFB];
	_ =	sdelay $0x3  }
0x92: {  	_ =	strace s18  }
0x93: {  	s3 =	sld [smem:$0x3FFC];
	_ =	sdelay $0x3  }
0x94: {  	_ =	strace s3  }
0x95: {  	s3 =	sld [smem:$0x3FFD];
	_ =	sdelay $0x3  }
0x96: {  	_ =	strace s3  }
0x97: {  	_ =	strace $0x8FFFFFFF  }
0x98: {  	s19 =	sld [smem:$0x3FDB];
	_ =	sdelay $0x1  }
0x99: {  	s4 =	simm.s32 $_scs_section_size  }
0x9a: {  	s5 =	simm.s32 $_size__tile_overlayer_lowered;
	s6 =	simm.s32 $_tile_overlayer_lowered  }
0x9b: {  	s22 =	simm.s32 $0x1BFF;
	s21 =	sshll.u32 s6, $0x1;
	s3 =	sadd.s32 s4, s19  }
0x9c: {  	s7 =	simm.s32 $0x0;
	s20 =	sshll.u32 s5, $0x1;
	s5 =	sadd.s32 s21, s3  }
0x9d: {  	[timem:s7], [sflag:s22] =	dma.local [hbm:s5], s20  }
0x9e: {  	_ =	swait.ge [sflag:s22], s20  }
0x9f: {  	s4 =	ssub.s32 $0x0, s20;
	[sflag:s22] =	ssyncset.done $0x0  }
0xa0: {  	[sflag:s22] =	ssyncadd.s32 s4;
	_ =	sdelay $0x1  }
0xa1: {  	s23 =	simm.s32 $0x1B8B  }
0xa2: {  	_ =	swait.ge [sflag:s23], $0x1  }
0xa3: {  	[sflag:s23] =	ssyncset.done $0x0  }
0xa4: {  	s25 =	simm.s32 $0x1B8E;
	s24 =	sld [smem:$0x3FFE];
	[sflag:s23] =	ssyncadd.s32 $0xFFFFFFFF  }
0xa5: {  	s26 =	simm.s32 $execute0_lowered;
	[smem:$0x3FD2] =	sst s25  }
0xa6: {  	s5 =	sshll.u32 s26, $0x1;
	_ =	strace $0x80000049;
	[dreg:$0x1] =	wrdreg $0xFFFFFFFF  }
0xa7: {  	s28 =	simm.s32 $_size_execute0_lowered;
	s3 =	sadd.s32 s3, s5;
	[dreg:$0x0] =	wrdreg $0x0  }
0xa8: {  	s5 =	sshll.u32 s28, $0x1;
	[dreg:$0x2] =	wrdreg s3  }
0xa9: {  	[dreg:$0x3] =	wrdreg s5  }
0xaa: {  	[dreg:$0x4] =	wrdreg $0xC0  }
0xab: {  	_ =	task [dreg:s7], $0x5FFFF  }
0xac: {  	[dreg:$0x1] =	wrdreg $0xFFFFFFFF  }
0xad: {  	[dreg:$0x0] =	wrdreg $0x60  }
0xae: {  	[dreg:$0x2] =	wrdreg s24  }
0xaf: {  	[dreg:$0x3] =	wrdreg s2  }
0xb0: {  	[dreg:$0x4] =	wrdreg $0x0  }
0xb1: {  	[dreg:$0x5] =	wrdreg $0x140000  }
0xb2: {  	[dreg:$0x6] =	wrdreg $0x9  }
0xb3: {  	_ =	task.clear_ibuf [dreg:s7], $0x7FFFF;
	_ =	strace $0x90000049  }
0xb4: {  	s29 =	simm.s32 $0x9;
	_ =	strace $0x8000004B  }
0xb5: {  	_ =	swait.ge [sflag:s29], $0x1  }
0xb6: {  	[sflag:s29] =	ssyncadd.s32 $0xFFFFFFFF  }
0xb7: {  	_ =	strace $0x9000004B  }
0xb8: {  	_ =	sfence  }
0xb9: {  	s30 =	sld [smem:$0x0];
	_ =	sdelay $0x2  }
0xba: {  	s31 =	sshll.u32 s1, $0xD;
	s1 =	sshrl.u32 s1, $0x2  }
0xbb: {  	s3 =	sand.u32 $0x4000, s31;
	s1 =	sadd.s32 s1, s30  }
0xbc: {  	s0 =	sor.u32 s3, s0;
	s1 =	sshll.u32 s1, $0x11  }
0xbd: {  	s0 =	sor.u32 s1, s0  }
0xbe: {  	s0 =	sadd.s32 $0x8F2B, s0  }
0xbf: {  	[sflag:s0] =	ssyncadd.remote.s32 $0x1  }
0xc0: {  	_ =	sfence.sel $0xFFFF  }
0xc1: {  	[dreg:$0x0] =	wrdreg $0xFFFFFFFF;
	(pc) =	sbr.abs _section_cstart, $3  }
0xc2: {  	[dreg:$0x1] =	wrdreg $0xFFFFFFFF  }
0xc3: {  	_ =	task.clear_ibuf [dreg:s7], $0x2FFFF;
	_ =	strace $0x9FFFFFFF  }
0xc4: {  	(tm) =	ssettm $0x7FFFFFFF  }
0xc5: {  	_ =	shalt  }
tec
execute0_lowered:
.L_overlay_start_1:
0x0: {  	(tag) =	ssettag $0x1  }
0x1: {  	s0 =	rddreg [dreg:$0x0]  }
0x2: {  	s1 =	rddreg [dreg:$0x1]  }
0x3: {  	s2 =	rddreg [dreg:$0x2]  }
0x4: {  	s3 =	rddreg [dreg:$0x3];
	s4 =	simm.s32 $0x0;
	s17 =	stileid.u32  }
0x5: {  	s5 =	srdreg.scid;
	s28 =	simm.s32 $0x14780;
	s6 =	smul.u32 $0x14000, s17  }
0x6: {  	s30 =	simm.s32 $0x4;
	[smem:$0x7FF] =	sst s4;
	s10 =	smul.u32 $0x280, s17  }
0x7: {  	s7 =	sand.u32 $0x1, s5;
	s5 =	sadd.s32 $0x40600, s0;
	s12 =	smul.u32 $0x50000, s17  }
0x8: {  	s11 =	sadd.s32 $0x91000, s0;
	s15 =	smul.u32 $0x4E20, s17;
	s24 =	sshll.u32 s17, $0x6  }
0x9: {  	_ =	strace $0x8000004A;
	s8 =	smul.u32 $0x140000, s7;
	s13 =	ssub.s32 $0x2, s7  }
0xa: {  	s16 =	smul.u32 $0x2800, s7;
	p0 =	sne.s32 s7, $0x0;
	p1 =	seq.s32 s7, $0x0  }
0xb: {  	s23 =	sshrl.u32 s10, $0x3;
	s12 =	sshrl.u32 s12, $0x2;
	s10 =	sadd.s32 s10, s3  }
0xc: {  	s9 =	sshrl.u32 s6, $0x3;
	s12 =	sadd.s32 s12, s2;
	[dreg:$0x8] =	wrdreg s10  }
0xd: {  	s25 =	sshrl.u32 s15, $0x3;
	s1 =	sadd.s32 s1, s23;
	[dreg:$0x5] =	wrdreg s12  }
0xe: {  	s9 =	sadd.s32 s9, s0;
	s10 =	sadd.s32 s11, s25;
	[dreg:$0xa] =	wrdreg s1  }
0xf: {  	s7 =	simm.s32 $0x14480;
	s9 =	sadd.s32 $0x18600, s9;
	[dreg:$0x9] =	wrdreg s10  }
0x10: {  	s14 =	sshrl.u32 s13, $0x1;
	s26 =	sadd.s32 $0x9C40, s10;
	[dreg:$0x6] =	wrdreg s9  }
0x11: {  	s6 =	sadd.s32 s6, s8;
	s29 =	sadd.s32 $0xA, s10;
	[dreg:$0xb] =	wrdreg s26  }
0x12: {  	s13 =	ssub.s32 s13, s14;
	s31 =	sadd.s32 $0x9C4A, s10;
	[dreg:$0xc] =	wrdreg s29  }
0x13: {  	s6 =	sshrl.u32 s6, $0x3;
	s8 =	sadd.s32 $0x14, s10;
	[dreg:$0xd] =	wrdreg s31  }
0x14: {  	s12 =	smul.u32 $0x9C4, s17;
	s14 =	sadd.s32 $0x9C54, s10;
	[dreg:$0xe] =	wrdreg s8  }
0x15: {  	s15 =	sadd.s32 $0x1E, s10;
	s17 =	sadd.s32 $0x9C5E, s10;
	[dreg:$0xf] =	wrdreg s14  }
0x16: {  	s18 =	sadd.s32 $0x28, s10;
	s20 =	sadd.s32 $0x9C68, s10;
	[dreg:$0x10] =	wrdreg s15  }
0x17: {  	s22 =	smax.u32 s13, $0x1;
	s25 =	sadd.s32 $0x3C, s10;
	[dreg:$0x11] =	wrdreg s17  }
0x18: {  	s13 =	simm.s32 $0x14280;
	s1 =	simm.s32 $0x14400;
	[dreg:$0x12] =	wrdreg s18  }
0x19: {  	s6 =	sadd.s32 s6, s0;
	s0 =	sadd.s32 s23, s0;
	[dreg:$0x13] =	wrdreg s20  }
0x1a: {  	s9 =	sor.u32 $0x1C0B, s24;
	[dreg:$0x16] =	wrdreg s22;
	s23 =	sadd.s32 $0x32, s10  }
0x1b: {  	s24 =	sadd.s32 $0x9C72, s10;
	[dreg:$0x19] =	wrdreg s25;
	s26 =	sadd.s32 $0x9C7C, s10  }
0x1c: {  	s29 =	sadd.s32 $0x46, s10;
	s31 =	sadd.s32 $0x9C86, s10;
	s15 =	simm.s32 $0xA  }
0x1d: {  	s17 =	simm.s32 $0x14500;
	s18 =	simm.s32 $0x14600;
	[dreg:$0x17] =	wrdreg s23  }
0x1e: {  	s20 =	simm.s32 $0x1C080;
	s25 =	simm.s32 $0x2;
	[dreg:$0x18] =	wrdreg s24  }
0x1f: {  	s22 =	simm.s32 $0x3;
	s8 =	simm.s32 $0x0;
	[dreg:$0x1a] =	wrdreg s26  }
0x20: {  	s19 =	sadd.s32 s12, s11;
	s21 =	sadd.s32 $0xA4A00, s6;
	[dreg:$0x1b] =	wrdreg s29  }
0x21: {  	s0 =	sadd.s32 $0x90600, s0;
	[dreg:$0x1c] =	wrdreg s31;
	s6 =	simm.s32 $0xB  }
0x22: {  	s23 =	simm.s32 $0x14380;
	s24 =	simm.s32 $0x14300;
	[dreg:$0x7] =	wrdreg s9  }
0x23: {  	s11 =	simm.s32 $0x9;
	s12 =	simm.s32 $0x50;
	[dreg:$0x14] =	wrdreg s21  }
0x24: {  	v1 =	vimm.f32 $1.000000000e+00;
	v0 =	vmov s16;
	s26 =	simm.s32 $0x19880;
	[dreg:$0x15] =	wrdreg s0;
	s21 =	simm.s32 $0x14800  }
.LBB2_1:
0x25: {  	[dreg:$0x1d] =	wrdreg s8  }
0x26: {  	s0 =	rddreg [dreg:$0x5]  }
0x27: {  	s14 =	rddreg [dreg:$0x6];
	s10 =	sshrl.u32 s0, $0x3  }
0x28: {  	[dreg:$0x1e] =	wrdreg s10  }
0x29: {  	[spmem:s10], [sflag:s9] =	dma.local [hbm:s14], $0x2800  }
0x2a: {  	_ =	swait.ge [sflag:s6], $0x2800  }
0x2b: {  	[sflag:s6] =	ssyncset.done $0x0;
	s0 =	rddreg [dreg:$0x8]  }
0x2c: {  	[sflag:s6] =	ssyncadd.s32 $0xFFFFD800;
	s6 =	sshrl.u32 @!p0 s0, $0x3;
	s0 =	rddreg [dreg:$0xa]  }
0x2d: {  	[dreg:$0x1f] =	wrdreg s6  }
0x2e: {  	[spmem:s6], [sflag:s9] =	dma.local @!p0 [hbm:s0], $0x50  }
0x2f: {  	s0 =	simm.s32 @!p0 $0xB  }
0x30: {  	_ =	swait.ge @!p0 [sflag:s0], $0x50  }
0x31: {  	[sflag:s0] =	ssyncset.done @!p0 $0x0  }
0x32: {  	[sflag:s0] =	ssyncadd.s32 @!p0 $0xFFFFFFB0  }
0x33: {  	[tilespmem:$0x1E880] =	vst v1  }
0x34: {  	[tilespmem:$0x1E890] =	vst v1  }
0x35: {  	[tilespmem:$0x1E8A0] =	vst v1  }
0x36: {  	[tilespmem:$0x1E8B0] =	vst v1  }
0x37: {  	[tilespmem:$0x1E8C0] =	vst v1  }
0x38: {  	[bflag:$0x0] =	sbarrier.arrive $0xFFFF  }
0x39: {  	s16 =	rddreg [dreg:$0x9]  }
0x3a: {  	[tilespmem:s13], [sflag:$0x9] =	stream.linear.gather [hbm4b:s16+s4], $0x50, $0x38;
	[tilespmem:$0x1E900] =	vst v63  }
0x3b: {  	s6 =	rddreg [dreg:$0xb]  }
0x3c: {  	[tilespmem:s23], [sflag:$0x9] =	stream.linear.gather [hbm4b:s6+s4], $0x50, $0x38;
	[tilespmem:$0x1E900] =	vst v63  }
0x3d: {  	s8 =	rddreg [dreg:$0xc]  }
0x3e: {  	[tilespmem:s24], [sflag:$0xA] =	stream.linear.gather [hbm4b:s8+s4], $0x50, $0x38;
	[tilespmem:$0x1E900] =	vst v63  }
0x3f: {  	s9 =	rddreg [dreg:$0xd]  }
0x40: {  	[tilespmem:s1], [sflag:$0xA] =	stream.linear.gather [hbm4b:s9+s4], $0x50, $0x38;
	[tilespmem:$0x1E900] =	vst v63  }
0x41: {  	_ =	swait.ge [sflag:s11], $0x50  }
0x42: {  	[sflag:s11] =	ssyncset.done $0x0  }
0x43: {  	[sflag:s11] =	ssyncadd.s32 $0xFFFFFFB0  }
0x44: {  	_ =	swait.ge [sflag:s11], $0x50  }
0x45: {  	[sflag:s11] =	ssyncset.done $0x0  }
0x46: {  	[sflag:s11] =	ssyncadd.s32 $0xFFFFFFB0  }
0x47: {  	v2 =	vld [tilespmem:$0x14280]  }
0x48: {  	v3 =	vld [tilespmem:$0x14380]  }
0x49: {  	v5 =	vld [tilespmem:$0x14390]  }
0x4a: {  	v4 =	vld [tilespmem:$0x14290]  }
0x4b: {  	v6 =	vld [tilespmem:$0x142A0]  }
0x4c: {  	v7 =	vld [tilespmem:$0x143A0]  }
0x4d: {  	v19 =	vld [tilespmem:$0x143B0];
	[tilespmem:$0x14680] =	vst v3  }
0x4e: {  	v21 =	vld [tilespmem:$0x143C0];
	v2 =	vadd.s32 v0, v2;
	[tilespmem:$0x14690] =	vst v5  }
0x4f: {  	v3 =	vadd.s32 v0, v4;
	[tilespmem:$0x14480] =	vst v2;
	v2 =	vld [tilespmem:$0x142B0]  }
0x50: {  	[tilespmem:$0x14490] =	vst v3;
	v3 =	vld [tilespmem:$0x142C0]  }
0x51: {  	[tilespmem:$0x146A0] =	vst v7  }
0x52: {  	[tilespmem:$0x146B0] =	vst v19  }
0x53: {  	v20 =	vadd.s32 v0, v6;
	[tilespmem:$0x146C0] =	vst v21  }
0x54: {  	[tilespmem:$0x144A0] =	vst v20;
	v2 =	vadd.s32 v0, v2  }
0x55: {  	[tilespmem:$0x144B0] =	vst v2;
	v2 =	vadd.s32 v0, v3  }
0x56: {  	s6 =	simm.s32 $0x14880;
	[tilespmem:$0x144C0] =	vst v2  }
0x57: {  	[tilespmem:s6], [sflag:$0x1] =	stream.indirect.gather [hbm4b:s5+s12], $0x80, s7, s12, $0xb8;
	[tilespmem:$0x1E900] =	vst v63  }
0x58: {  	s10 =	rddreg [dreg:$0xe]  }
0x59: {  	[tilespmem:s13], [sflag:$0x9] =	stream.linear.gather [hbm4b:s10+s4], $0x50, $0x38;
	[tilespmem:$0x1E900] =	vst v63  }
0x5a: {  	s14 =	rddreg [dreg:$0xf]  }
0x5b: {  	[tilespmem:s23], [sflag:$0x9] =	stream.linear.gather [hbm4b:s14+s4], $0x50, $0x38;
	[tilespmem:$0x1E900] =	vst v63  }
0x5c: {  	_ =	swait.ge [sflag:s15], $0x50  }
0x5d: {  	[sflag:s15] =	ssyncset.done $0x0  }
0x5e: {  	[sflag:s15] =	ssyncadd.s32 $0xFFFFFFB0  }
0x5f: {  	_ =	swait.ge [sflag:s15], $0x50  }
0x60: {  	[sflag:s15] =	ssyncset.done $0x0  }
0x61: {  	[sflag:s15] =	ssyncadd.s32 $0xFFFFFFB0  }
0x62: {  	v2 =	vld [tilespmem:$0x14300]  }
0x63: {  	v3 =	vld [tilespmem:$0x14400]  }
0x64: {  	v23 =	vld [tilespmem:$0x14410]  }
0x65: {  	v22 =	vld [tilespmem:$0x14310]  }
0x66: {  	v24 =	vld [tilespmem:$0x14320]  }
0x67: {  	v25 =	vld [tilespmem:$0x14420]  }
0x68: {  	v26 =	vld [tilespmem:$0x14430];
	[tilespmem:$0x14700] =	vst v3  }
0x69: {  	v28 =	vld [tilespmem:$0x14440];
	v2 =	vadd.s32 v0, v2;
	[tilespmem:$0x14710] =	vst v23  }
0x6a: {  	v3 =	vadd.s32 v0, v22;
	[tilespmem:$0x14500] =	vst v2;
	v2 =	vld [tilespmem:$0x14330]  }
0x6b: {  	[tilespmem:$0x14510] =	vst v3;
	v3 =	vld [tilespmem:$0x14340]  }
0x6c: {  	[tilespmem:$0x14720] =	vst v25  }
0x6d: {  	[tilespmem:$0x14730] =	vst v26  }
0x6e: {  	v27 =	vadd.s32 v0, v24;
	[tilespmem:$0x14740] =	vst v28  }
0x6f: {  	[tilespmem:$0x14520] =	vst v27;
	v2 =	vadd.s32 v0, v2  }
0x70: {  	[tilespmem:$0x14530] =	vst v2;
	v2 =	vadd.s32 v0, v3  }
0x71: {  	s9 =	simm.s32 $0x17080;
	[tilespmem:$0x14540] =	vst v2  }
0x72: {  	[tilespmem:s9], [sflag:$0x2] =	stream.indirect.gather [hbm4b:s5+s12], $0x80, s17, s12, $0xb8;
	[tilespmem:$0x1E900] =	vst v63  }
0x73: {  	s16 =	rddreg [dreg:$0x10]  }
0x74: {  	[tilespmem:s24], [sflag:$0xA] =	stream.linear.gather [hbm4b:s16+s4], $0x50, $0x38;
	[tilespmem:$0x1E900] =	vst v63  }
0x75: {  	s8 =	rddreg [dreg:$0x11]  }
0x76: {  	[tilespmem:s1], [sflag:$0xA] =	stream.linear.gather [hbm4b:s8+s4], $0x50, $0x38;
	[tilespmem:$0x1E900] =	vst v63  }
0x77: {  	_ =	swait.ge [sflag:s11], $0x50  }
0x78: {  	[sflag:s11] =	ssyncset.done $0x0  }
0x79: {  	[sflag:s11] =	ssyncadd.s32 $0xFFFFFFB0  }
0x7a: {  	_ =	swait.ge [sflag:s11], $0x50  }
0x7b: {  	[sflag:s11] =	ssyncset.done $0x0  }
0x7c: {  	[sflag:s11] =	ssyncadd.s32 $0xFFFFFFB0  }
0x7d: {  	v2 =	vld [tilespmem:$0x14280]  }
0x7e: {  	v3 =	vld [tilespmem:$0x14380]  }
0x7f: {  	v30 =	vld [tilespmem:$0x14390]  }
0x80: {  	v29 =	vld [tilespmem:$0x14290]  }
0x81: {  	v31 =	vld [tilespmem:$0x142A0]  }
0x82: {  	v32 =	vld [tilespmem:$0x143A0]  }
0x83: {  	v33 =	vld [tilespmem:$0x143B0];
	[tilespmem:$0x14780] =	vst v3  }
0x84: {  	v35 =	vld [tilespmem:$0x143C0];
	v2 =	vadd.s32 v0, v2;
	[tilespmem:$0x14790] =	vst v30  }
0x85: {  	v3 =	vadd.s32 v0, v29;
	[tilespmem:$0x14580] =	vst v2;
	v2 =	vld [tilespmem:$0x142B0]  }
0x86: {  	[tilespmem:$0x14590] =	vst v3;
	v3 =	vld [tilespmem:$0x142C0]  }
0x87: {  	[tilespmem:$0x147A0] =	vst v32  }
0x88: {  	[tilespmem:$0x147B0] =	vst v33  }
0x89: {  	v34 =	vadd.s32 v0, v31;
	[tilespmem:$0x147C0] =	vst v35  }
0x8a: {  	[tilespmem:$0x145A0] =	vst v34;
	v2 =	vadd.s32 v0, v2  }
0x8b: {  	[tilespmem:$0x145B0] =	vst v2;
	v2 =	vadd.s32 v0, v3  }
0x8c: {  	s10 =	simm.s32 $0x1;
	s14 =	simm.s32 $0x14580;
	[tilespmem:$0x145C0] =	vst v2  }
0x8d: {  	[tilespmem:s26], [sflag:$0x3] =	stream.indirect.gather [hbm4b:s5+s12], $0x80, s14, s12, $0xb8;
	[tilespmem:$0x1E900] =	vst v63  }
0x8e: {  	_ =	swait.ge [sflag:s10], $0x2800  }
0x8f: {  	[sflag:s10] =	ssyncset.done $0x0  }
0x90: {  	s16 =	simm.s32 $0x14680;
	[sflag:s10] =	ssyncadd.s32 $0xFFFFD800  }
0x91: {  	[spmem:s2] =	stream.indirect.scatter.add.f32 [tilespmem:s6], [sflag:$0x5], $0x80, s16, s12, $0xb8;
	[tilespmem:$0x1E900] =	vst v63  }
0x92: {  	s0 =	simm.s32 @!p0 $0x14680;
	s8 =	simm.s32 @!p0 $0x1E880;
	s10 =	simm.s32 @!p0 $0x50  }
0x93: {  	[spmem:s3] =	stream.indirect.scatter.add.f32 @!p0 [tilespmem:s8], [sflag:$0x5], $0x1, s0, s10, $0xb8;
	[tilespmem:$0x1E900] =	vst v63  }
0x94: {  	_ =	swait.ge [sflag:s15], $0x50  }
0x95: {  	[sflag:s15] =	ssyncset.done $0x0  }
0x96: {  	[sflag:s15] =	ssyncadd.s32 $0xFFFFFFB0  }
0x97: {  	_ =	swait.ge [sflag:s15], $0x50  }
0x98: {  	[sflag:s15] =	ssyncset.done $0x0  }
0x99: {  	[sflag:s15] =	ssyncadd.s32 $0xFFFFFFB0  }
0x9a: {  	v2 =	vld [tilespmem:$0x14300]  }
0x9b: {  	v3 =	vld [tilespmem:$0x14400]  }
0x9c: {  	v37 =	vld [tilespmem:$0x14410]  }
0x9d: {  	v36 =	vld [tilespmem:$0x14310]  }
0x9e: {  	v38 =	vld [tilespmem:$0x14320]  }
0x9f: {  	v39 =	vld [tilespmem:$0x14420]  }
0xa0: {  	v40 =	vld [tilespmem:$0x14430];
	[tilespmem:$0x14800] =	vst v3  }
0xa1: {  	v42 =	vld [tilespmem:$0x14440];
	v2 =	vadd.s32 v0, v2;
	[tilespmem:$0x14810] =	vst v37  }
0xa2: {  	v3 =	vadd.s32 v0, v36;
	[tilespmem:$0x14600] =	vst v2;
	v2 =	vld [tilespmem:$0x14330]  }
0xa3: {  	[tilespmem:$0x14610] =	vst v3;
	v3 =	vld [tilespmem:$0x14340]  }
0xa4: {  	[tilespmem:$0x14820] =	vst v39  }
0xa5: {  	[tilespmem:$0x14830] =	vst v40  }
0xa6: {  	v41 =	vadd.s32 v0, v38;
	[tilespmem:$0x14840] =	vst v42  }
0xa7: {  	[tilespmem:$0x14620] =	vst v41;
	v2 =	vadd.s32 v0, v2  }
0xa8: {  	[tilespmem:$0x14630] =	vst v2;
	v2 =	vadd.s32 v0, v3  }
0xa9: {  	[tilespmem:$0x14640] =	vst v2  }
0xaa: {  	[tilespmem:s20], [sflag:$0x4] =	stream.indirect.gather [hbm4b:s5+s12], $0x80, s18, s12, $0xb8;
	[tilespmem:$0x1E900] =	vst v63  }
0xab: {  	s18 =	rddreg [dreg:$0x12]  }
0xac: {  	[tilespmem:s13], [sflag:$0x9] =	stream.linear.gather [hbm4b:s18+s4], $0x50, $0x38;
	[tilespmem:$0x1E900] =	vst v63  }
0xad: {  	s16 =	rddreg [dreg:$0x13]  }
0xae: {  	[tilespmem:s23], [sflag:$0x9] =	stream.linear.gather [hbm4b:s16+s4], $0x50, $0x38;
	[tilespmem:$0x1E900] =	vst v63  }
0xaf: {  	_ =	swait.ge [sflag:s25], $0x2800  }
0xb0: {  	[sflag:s25] =	ssyncset.done $0x0  }
0xb1: {  	s18 =	simm.s32 $0x14700;
	[sflag:s25] =	ssyncadd.s32 $0xFFFFD800  }
0xb2: {  	[spmem:s2] =	stream.indirect.scatter.add.f32 [tilespmem:s9], [sflag:$0x6], $0x80, s18, s12, $0xb8;
	[tilespmem:$0x1E900] =	vst v63  }
0xb3: {  	s18 =	simm.s32 @p0 $0x5  }
0xb4: {  	_ =	swait.ge @p0 [sflag:s18], $0x2800  }
0xb5: {  	[sflag:s18] =	ssyncset.done @p0 $0x0  }
0xb6: {  	s29 =	simm.s32 @!p0 $0x5;
	s0 =	simm.s32 @!p0 $0x14700;
	[sflag:s18] =	ssyncadd.s32 @p0 $0xFFFFD800  }
0xb7: {  	[spmem:s3] =	stream.indirect.scatter.add.f32 @!p0 [tilespmem:s8], [sflag:$0x6], $0x1, s0, s10, $0xb8;
	[tilespmem:$0x1E900] =	vst v63  }
0xb8: {  	_ =	swait.ge @!p0 [sflag:s29], $0x2800  }
0xb9: {  	[sflag:s29] =	ssyncset.done @!p0 $0x0  }
0xba: {  	[sflag:s29] =	ssyncadd.s32 @!p0 $0xFFFFD800  }
0xbb: {  	_ =	swait.ge @!p0 [sflag:s29], $0x50  }
0xbc: {  	[sflag:s29] =	ssyncset.done @!p0 $0x0  }
0xbd: {  	[sflag:s29] =	ssyncadd.s32 @!p0 $0xFFFFFFB0  }
0xbe: {  	_ =	swait.ge [sflag:s11], $0x50  }
0xbf: {  	[sflag:s11] =	ssyncset.done $0x0  }
0xc0: {  	[sflag:s11] =	ssyncadd.s32 $0xFFFFFFB0  }
0xc1: {  	_ =	swait.ge [sflag:s11], $0x50  }
0xc2: {  	[sflag:s11] =	ssyncset.done $0x0  }
0xc3: {  	[sflag:s11] =	ssyncadd.s32 $0xFFFFFFB0  }
0xc4: {  	v2 =	vld [tilespmem:$0x14280]  }
0xc5: {  	v3 =	vld [tilespmem:$0x14380]  }
0xc6: {  	v44 =	vld [tilespmem:$0x14390]  }
0xc7: {  	v43 =	vld [tilespmem:$0x14290]  }
0xc8: {  	v45 =	vld [tilespmem:$0x142A0]  }
0xc9: {  	v46 =	vld [tilespmem:$0x143A0]  }
0xca: {  	v47 =	vld [tilespmem:$0x143B0];
	[tilespmem:$0x14680] =	vst v3  }
0xcb: {  	v49 =	vld [tilespmem:$0x143C0];
	v2 =	vadd.s32 v0, v2;
	[tilespmem:$0x14690] =	vst v44  }
0xcc: {  	v3 =	vadd.s32 v0, v43;
	[tilespmem:$0x14480] =	vst v2;
	v2 =	vld [tilespmem:$0x142B0]  }
0xcd: {  	[tilespmem:$0x14490] =	vst v3;
	v3 =	vld [tilespmem:$0x142C0]  }
0xce: {  	[tilespmem:$0x146A0] =	vst v46  }
0xcf: {  	[tilespmem:$0x146B0] =	vst v47  }
0xd0: {  	v48 =	vadd.s32 v0, v45;
	[tilespmem:$0x146C0] =	vst v49  }
0xd1: {  	[tilespmem:$0x144A0] =	vst v48;
	v2 =	vadd.s32 v0, v2  }
0xd2: {  	[tilespmem:$0x144B0] =	vst v2;
	v2 =	vadd.s32 v0, v3  }
0xd3: {  	[tilespmem:$0x144C0] =	vst v2  }
0xd4: {  	[tilespmem:s6], [sflag:$0x1] =	stream.indirect.gather [hbm4b:s5+s12], $0x80, s7, s12, $0xb8;
	[tilespmem:$0x1E900] =	vst v63  }
0xd5: {  	s16 =	rddreg [dreg:$0x17]  }
0xd6: {  	[tilespmem:s24], [sflag:$0xA] =	stream.linear.gather [hbm4b:s16+s4], $0x50, $0x38;
	[tilespmem:$0x1E900] =	vst v63  }
0xd7: {  	s6 =	rddreg [dreg:$0x18]  }
0xd8: {  	[tilespmem:s1], [sflag:$0xA] =	stream.linear.gather [hbm4b:s6+s4], $0x50, $0x38;
	[tilespmem:$0x1E900] =	vst v63  }
0xd9: {  	_ =	swait.ge [sflag:s22], $0x2800  }
0xda: {  	[sflag:s22] =	ssyncset.done $0x0  }
0xdb: {  	s31 =	simm.s32 @p0 $0x6;
	[sflag:s22] =	ssyncadd.s32 $0xFFFFD800  }
0xdc: {  	[spmem:s2] =	stream.indirect.scatter.add.f32 [tilespmem:s26], [sflag:$0x7], $0x80, s28, s12, $0xb8;
	[tilespmem:$0x1E900] =	vst v63  }
0xdd: {  	_ =	swait.ge @p0 [sflag:s31], $0x2800  }
0xde: {  	[sflag:s31] =	ssyncset.done @p0 $0x0  }
0xdf: {  	s0 =	simm.s32 @!p0 $0x14780;
	s16 =	simm.s32 @!p0 $0x6;
	[sflag:s31] =	ssyncadd.s32 @p0 $0xFFFFD800  }
0xe0: {  	[spmem:s3] =	stream.indirect.scatter.add.f32 @!p0 [tilespmem:s8], [sflag:$0x7], $0x1, s0, s10, $0xb8;
	[tilespmem:$0x1E900] =	vst v63  }
0xe1: {  	_ =	swait.ge @!p0 [sflag:s16], $0x2800  }
0xe2: {  	[sflag:s16] =	ssyncset.done @!p0 $0x0  }
0xe3: {  	[sflag:s16] =	ssyncadd.s32 @!p0 $0xFFFFD800  }
0xe4: {  	_ =	swait.ge @!p0 [sflag:s16], $0x50  }
0xe5: {  	[sflag:s16] =	ssyncset.done @!p0 $0x0  }
0xe6: {  	[sflag:s16] =	ssyncadd.s32 @!p0 $0xFFFFFFB0  }
0xe7: {  	_ =	swait.ge [sflag:s15], $0x50  }
0xe8: {  	[sflag:s15] =	ssyncset.done $0x0  }
0xe9: {  	[sflag:s15] =	ssyncadd.s32 $0xFFFFFFB0  }
0xea: {  	_ =	swait.ge [sflag:s15], $0x50  }
0xeb: {  	[sflag:s15] =	ssyncset.done $0x0  }
0xec: {  	[sflag:s15] =	ssyncadd.s32 $0xFFFFFFB0  }
0xed: {  	v2 =	vld [tilespmem:$0x14300]  }
0xee: {  	v3 =	vld [tilespmem:$0x14400]  }
0xef: {  	v51 =	vld [tilespmem:$0x14410]  }
0xf0: {  	v50 =	vld [tilespmem:$0x14310]  }
0xf1: {  	v52 =	vld [tilespmem:$0x14320]  }
0xf2: {  	v53 =	vld [tilespmem:$0x14420]  }
0xf3: {  	v54 =	vld [tilespmem:$0x14430];
	[tilespmem:$0x14700] =	vst v3  }
0xf4: {  	v56 =	vld [tilespmem:$0x14440];
	v2 =	vadd.s32 v0, v2;
	[tilespmem:$0x14710] =	vst v51  }
0xf5: {  	v3 =	vadd.s32 v0, v50;
	[tilespmem:$0x14500] =	vst v2;
	v2 =	vld [tilespmem:$0x14330]  }
0xf6: {  	[tilespmem:$0x14510] =	vst v3;
	v3 =	vld [tilespmem:$0x14340]  }
0xf7: {  	[tilespmem:$0x14720] =	vst v53  }
0xf8: {  	[tilespmem:$0x14730] =	vst v54  }
0xf9: {  	v55 =	vadd.s32 v0, v52;
	[tilespmem:$0x14740] =	vst v56  }
0xfa: {  	[tilespmem:$0x14520] =	vst v55;
	v2 =	vadd.s32 v0, v2  }
0xfb: {  	[tilespmem:$0x14530] =	vst v2;
	v2 =	vadd.s32 v0, v3  }
0xfc: {  	[tilespmem:$0x14540] =	vst v2  }
0xfd: {  	[tilespmem:s9], [sflag:$0x2] =	stream.indirect.gather [hbm4b:s5+s12], $0x80, s17, s12, $0xb8;
	[tilespmem:$0x1E900] =	vst v63  }
0xfe: {  	s7 =	rddreg [dreg:$0x19]  }
0xff: {  	[tilespmem:s13], [sflag:$0x9] =	stream.linear.gather [hbm4b:s7+s4], $0x50, $0x38;
	[tilespmem:$0x1E900] =	vst v63  }
0x100: {  	s9 =	rddreg [dreg:$0x1a]  }
0x101: {  	[tilespmem:s23], [sflag:$0x9] =	stream.linear.gather [hbm4b:s9+s4], $0x50, $0x38;
	[tilespmem:$0x1E900] =	vst v63  }
0x102: {  	_ =	swait.ge [sflag:s30], $0x2800  }
0x103: {  	[sflag:s30] =	ssyncset.done $0x0  }
0x104: {  	s22 =	simm.s32 @p0 $0x7;
	[sflag:s30] =	ssyncadd.s32 $0xFFFFD800  }
0x105: {  	[spmem:s2] =	stream.indirect.scatter.add.f32 [tilespmem:s20], [sflag:$0x8], $0x80, s21, s12, $0xb8;
	[tilespmem:$0x1E900] =	vst v63  }
0x106: {  	_ =	swait.ge @p0 [sflag:s22], $0x2800  }
0x107: {  	[sflag:s22] =	ssyncset.done @p0 $0x0  }
0x108: {  	s0 =	simm.s32 @!p0 $0x14800;
	s20 =	simm.s32 @!p0 $0x7;
	[sflag:s22] =	ssyncadd.s32 @p0 $0xFFFFD800  }
0x109: {  	[spmem:s3] =	stream.indirect.scatter.add.f32 @!p0 [tilespmem:s8], [sflag:$0x8], $0x1, s0, s10, $0xb8;
	[tilespmem:$0x1E900] =	vst v63  }
0x10a: {  	_ =	swait.ge @!p0 [sflag:s20], $0x2800  }
0x10b: {  	[sflag:s20] =	ssyncset.done @!p0 $0x0  }
0x10c: {  	[sflag:s20] =	ssyncadd.s32 @!p0 $0xFFFFD800  }
0x10d: {  	_ =	swait.ge @!p0 [sflag:s20], $0x50  }
0x10e: {  	[sflag:s20] =	ssyncset.done @!p0 $0x0  }
0x10f: {  	[sflag:s20] =	ssyncadd.s32 @!p0 $0xFFFFFFB0  }
0x110: {  	_ =	swait.ge [sflag:s11], $0x50  }
0x111: {  	[sflag:s11] =	ssyncset.done $0x0  }
0x112: {  	[sflag:s11] =	ssyncadd.s32 $0xFFFFFFB0  }
0x113: {  	_ =	swait.ge [sflag:s11], $0x50  }
0x114: {  	[sflag:s11] =	ssyncset.done $0x0  }
0x115: {  	[sflag:s11] =	ssyncadd.s32 $0xFFFFFFB0  }
0x116: {  	v2 =	vld [tilespmem:$0x14280]  }
0x117: {  	v3 =	vld [tilespmem:$0x14380]  }
0x118: {  	v58 =	vld [tilespmem:$0x14390]  }
0x119: {  	v57 =	vld [tilespmem:$0x14290]  }
0x11a: {  	v59 =	vld [tilespmem:$0x142A0]  }
0x11b: {  	v60 =	vld [tilespmem:$0x143A0]  }
0x11c: {  	v61 =	vld [tilespmem:$0x143B0];
	[tilespmem:$0x14780] =	vst v3  }
0x11d: {  	v63 =	vld [tilespmem:$0x143C0];
	v2 =	vadd.s32 v0, v2;
	[tilespmem:$0x14790] =	vst v58  }
0x11e: {  	v3 =	vadd.s32 v0, v57;
	[tilespmem:$0x14580] =	vst v2;
	v2 =	vld [tilespmem:$0x142B0]  }
0x11f: {  	[tilespmem:$0x14590] =	vst v3;
	v3 =	vld [tilespmem:$0x142C0]  }
0x120: {  	[tilespmem:$0x147A0] =	vst v60  }
0x121: {  	[tilespmem:$0x147B0] =	vst v61  }
0x122: {  	v62 =	vadd.s32 v0, v59;
	[tilespmem:$0x147C0] =	vst v63  }
0x123: {  	[tilespmem:$0x145A0] =	vst v62;
	v2 =	vadd.s32 v0, v2  }
0x124: {  	[tilespmem:$0x145B0] =	vst v2;
	v2 =	vadd.s32 v0, v3  }
0x125: {  	[tilespmem:$0x145C0] =	vst v2  }
0x126: {  	[tilespmem:s26], [sflag:$0x3] =	stream.indirect.gather [hbm4b:s5+s12], $0x80, s14, s12, $0xb8;
	[tilespmem:$0x1E900] =	vst v63  }
0x127: {  	s28 =	simm.s32 $0x1C080;
	s7 =	simm.s32 $0x0;
	s17 =	rddreg [dreg:$0x1b]  }
0x128: {  	[tilespmem:s24], [sflag:$0xA] =	stream.linear.gather [hbm4b:s17+s4], $0x50, $0x38;
	[tilespmem:$0x1E900] =	vst v63  }
0x129: {  	s30 =	simm.s32 $0x3;
	s21 =	simm.s32 $0x4;
	s26 =	rddreg [dreg:$0x1c]  }
0x12a: {  	[tilespmem:s1], [sflag:$0xA] =	stream.linear.gather [hbm4b:s26+s4], $0x50, $0x38;
	[tilespmem:$0x1E900] =	vst v63  }
.LBB2_2:
0x12b: {  	s0 =	simm.s32 $0x1  }
0x12c: {  	_ =	swait.ge [sflag:s0], $0x2800  }
0x12d: {  	s17 =	simm.s32 $0x14880;
	[sflag:s0] =	ssyncset.done $0x0  }
0x12e: {  	s9 =	simm.s32 $0x14680;
	s6 =	simm.s32 @p0 $0x8;
	[sflag:s0] =	ssyncadd.s32 $0xFFFFD800  }
0x12f: {  	[spmem:s2] =	stream.indirect.scatter.add.f32 [tilespmem:s17], [sflag:$0x5], $0x80, s9, s12, $0xb8;
	[tilespmem:$0x1E900] =	vst v63  }
0x130: {  	_ =	swait.ge @p0 [sflag:s6], $0x2800  }
0x131: {  	[sflag:s6] =	ssyncset.done @p0 $0x0  }
0x132: {  	s1 =	simm.s32 @!p0 $0x8;
	s0 =	simm.s32 @!p0 $0x14680;
	[sflag:s6] =	ssyncadd.s32 @p0 $0xFFFFD800  }
0x133: {  	[spmem:s3] =	stream.indirect.scatter.add.f32 @!p0 [tilespmem:s8], [sflag:$0x5], $0x1, s0, s10, $0xb8;
	[tilespmem:$0x1E900] =	vst v63  }
0x134: {  	_ =	swait.ge @!p0 [sflag:s1], $0x2800  }
0x135: {  	[sflag:s1] =	ssyncset.done @!p0 $0x0  }
0x136: {  	[sflag:s1] =	ssyncadd.s32 @!p0 $0xFFFFD800  }
0x137: {  	_ =	swait.ge @!p0 [sflag:s1], $0x50  }
0x138: {  	[sflag:s1] =	ssyncset.done @!p0 $0x0  }
0x139: {  	[sflag:s1] =	ssyncadd.s32 @!p0 $0xFFFFFFB0  }
0x13a: {  	_ =	swait.ge [sflag:s15], $0x50  }
0x13b: {  	[sflag:s15] =	ssyncset.done $0x0  }
0x13c: {  	[sflag:s15] =	ssyncadd.s32 $0xFFFFFFB0  }
0x13d: {  	_ =	swait.ge [sflag:s15], $0x50  }
0x13e: {  	[sflag:s15] =	ssyncset.done $0x0  }
0x13f: {  	[sflag:s15] =	ssyncadd.s32 $0xFFFFFFB0  }
0x140: {  	v2 =	vld [tilespmem:$0x14300]  }
0x141: {  	v3 =	vld [tilespmem:$0x14400]  }
0x142: {  	v5 =	vld [tilespmem:$0x14410]  }
0x143: {  	v4 =	vld [tilespmem:$0x14310]  }
0x144: {  	v6 =	vld [tilespmem:$0x14320]  }
0x145: {  	v7 =	vld [tilespmem:$0x14420]  }
0x146: {  	v47 =	vld [tilespmem:$0x14430];
	[tilespmem:$0x14800] =	vst v3  }
0x147: {  	v49 =	vld [tilespmem:$0x14440];
	v2 =	vadd.s32 v0, v2;
	[tilespmem:$0x14810] =	vst v5  }
0x148: {  	v3 =	vadd.s32 v0, v4;
	[tilespmem:$0x14600] =	vst v2;
	v2 =	vld [tilespmem:$0x14330]  }
0x149: {  	[tilespmem:$0x14610] =	vst v3;
	v3 =	vld [tilespmem:$0x14340]  }
0x14a: {  	[tilespmem:$0x14820] =	vst v7  }
0x14b: {  	[tilespmem:$0x14830] =	vst v47  }
0x14c: {  	v48 =	vadd.s32 v0, v6;
	[tilespmem:$0x14840] =	vst v49  }
0x14d: {  	[tilespmem:$0x14620] =	vst v48;
	v2 =	vadd.s32 v0, v2  }
0x14e: {  	[tilespmem:$0x14630] =	vst v2;
	v2 =	vadd.s32 v0, v3  }
0x14f: {  	s14 =	simm.s32 $0x14600;
	s9 =	sadd.s32 s7, s19;
	[tilespmem:$0x14640] =	vst v2  }
0x150: {  	[tilespmem:s28], [sflag:$0x4] =	stream.indirect.gather [hbm4b:s5+s12], $0x80, s14, s12, $0xb8;
	[tilespmem:$0x1E900] =	vst v63  }
0x151: {  	s26 =	sadd.s32 $0x50, s9  }
0x152: {  	[tilespmem:s13], [sflag:$0x9] =	stream.linear.gather [hbm4b:s26+s4], $0x50, $0x38;
	[tilespmem:$0x1E900] =	vst v63  }
0x153: {  	s13 =	sadd.s32 $0x9C90, s9  }
0x154: {  	[tilespmem:s23], [sflag:$0x9] =	stream.linear.gather [hbm4b:s13+s4], $0x50, $0x38;
	[tilespmem:$0x1E900] =	vst v63  }
0x155: {  	_ =	swait.ge [sflag:s25], $0x2800  }
0x156: {  	[sflag:s25] =	ssyncset.done $0x0  }
0x157: {  	s14 =	simm.s32 $0x14700;
	s13 =	simm.s32 $0x17080;
	[sflag:s25] =	ssyncadd.s32 $0xFFFFD800  }
0x158: {  	[spmem:s2] =	stream.indirect.scatter.add.f32 [tilespmem:s13], [sflag:$0x6], $0x80, s14, s12, $0xb8;
	[tilespmem:$0x1E900] =	vst v63  }
0x159: {  	_ =	swait.ge @p0 [sflag:s18], $0x2800  }
0x15a: {  	[sflag:s18] =	ssyncset.done @p0 $0x0  }
0x15b: {  	s0 =	simm.s32 @!p0 $0x14700;
	[sflag:s18] =	ssyncadd.s32 @p0 $0xFFFFD800  }
0x15c: {  	[spmem:s3] =	stream.indirect.scatter.add.f32 @!p0 [tilespmem:s8], [sflag:$0x6], $0x1, s0, s10, $0xb8;
	[tilespmem:$0x1E900] =	vst v63  }
0x15d: {  	_ =	swait.ge @!p0 [sflag:s29], $0x2800  }
0x15e: {  	[sflag:s29] =	ssyncset.done @!p0 $0x0  }
0x15f: {  	[sflag:s29] =	ssyncadd.s32 @!p0 $0xFFFFD800  }
0x160: {  	_ =	swait.ge @!p0 [sflag:s29], $0x50  }
0x161: {  	[sflag:s29] =	ssyncset.done @!p0 $0x0  }
0x162: {  	[sflag:s29] =	ssyncadd.s32 @!p0 $0xFFFFFFB0  }
0x163: {  	_ =	swait.ge [sflag:s11], $0x50  }
0x164: {  	[sflag:s11] =	ssyncset.done $0x0  }
0x165: {  	[sflag:s11] =	ssyncadd.s32 $0xFFFFFFB0  }
0x166: {  	_ =	swait.ge [sflag:s11], $0x50  }
0x167: {  	[sflag:s11] =	ssyncset.done $0x0  }
0x168: {  	[sflag:s11] =	ssyncadd.s32 $0xFFFFFFB0  }
0x169: {  	v2 =	vld [tilespmem:$0x14280]  }
0x16a: {  	v3 =	vld [tilespmem:$0x14380]  }
0x16b: {  	v51 =	vld [tilespmem:$0x14390]  }
0x16c: {  	v50 =	vld [tilespmem:$0x14290]  }
0x16d: {  	v52 =	vld [tilespmem:$0x142A0]  }
0x16e: {  	v53 =	vld [tilespmem:$0x143A0]  }
0x16f: {  	v54 =	vld [tilespmem:$0x143B0];
	[tilespmem:$0x14680] =	vst v3  }
0x170: {  	v56 =	vld [tilespmem:$0x143C0];
	v2 =	vadd.s32 v0, v2;
	[tilespmem:$0x14690] =	vst v51  }
0x171: {  	v3 =	vadd.s32 v0, v50;
	[tilespmem:$0x14480] =	vst v2;
	v2 =	vld [tilespmem:$0x142B0]  }
0x172: {  	[tilespmem:$0x14490] =	vst v3;
	v3 =	vld [tilespmem:$0x142C0]  }
0x173: {  	[tilespmem:$0x146A0] =	vst v53  }
0x174: {  	[tilespmem:$0x146B0] =	vst v54  }
0x175: {  	v55 =	vadd.s32 v0, v52;
	[tilespmem:$0x146C0] =	vst v56  }
0x176: {  	[tilespmem:$0x144A0] =	vst v55;
	v2 =	vadd.s32 v0, v2  }
0x177: {  	[tilespmem:$0x144B0] =	vst v2;
	v2 =	vadd.s32 v0, v3  }
0x178: {  	s23 =	simm.s32 $0x14480;
	[tilespmem:$0x144C0] =	vst v2  }
0x179: {  	[tilespmem:s17], [sflag:$0x1] =	stream.indirect.gather [hbm4b:s5+s12], $0x80, s23, s12, $0xb8;
	[tilespmem:$0x1E900] =	vst v63  }
0x17a: {  	s14 =	sadd.s32 $0x5A, s9  }
0x17b: {  	[tilespmem:s24], [sflag:$0xA] =	stream.linear.gather [hbm4b:s14+s4], $0x50, $0x38;
	[tilespmem:$0x1E900] =	vst v63  }
0x17c: {  	s23 =	sadd.s32 $0x9C9A, s9;
	s24 =	simm.s32 $0x14400  }
0x17d: {  	[tilespmem:s24], [sflag:$0xA] =	stream.linear.gather [hbm4b:s23+s4], $0x50, $0x38;
	[tilespmem:$0x1E900] =	vst v63  }
0x17e: {  	_ =	swait.ge [sflag:s30], $0x2800  }
0x17f: {  	[sflag:s30] =	ssyncset.done $0x0  }
0x180: {  	s14 =	simm.s32 $0x14780;
	s23 =	simm.s32 $0x19880;
	[sflag:s30] =	ssyncadd.s32 $0xFFFFD800  }
0x181: {  	[spmem:s2] =	stream.indirect.scatter.add.f32 [tilespmem:s23], [sflag:$0x7], $0x80, s14, s12, $0xb8;
	[tilespmem:$0x1E900] =	vst v63  }
0x182: {  	_ =	swait.ge @p0 [sflag:s31], $0x2800  }
0x183: {  	[sflag:s31] =	ssyncset.done @p0 $0x0  }
0x184: {  	s0 =	simm.s32 @!p0 $0x14780;
	[sflag:s31] =	ssyncadd.s32 @p0 $0xFFFFD800  }
0x185: {  	[spmem:s3] =	stream.indirect.scatter.add.f32 @!p0 [tilespmem:s8], [sflag:$0x7], $0x1, s0, s10, $0xb8;
	[tilespmem:$0x1E900] =	vst v63  }
0x186: {  	_ =	swait.ge @!p0 [sflag:s16], $0x2800  }
0x187: {  	[sflag:s16] =	ssyncset.done @!p0 $0x0  }
0x188: {  	[sflag:s16] =	ssyncadd.s32 @!p0 $0xFFFFD800  }
0x189: {  	_ =	swait.ge @!p0 [sflag:s16], $0x50  }
0x18a: {  	[sflag:s16] =	ssyncset.done @!p0 $0x0  }
0x18b: {  	[sflag:s16] =	ssyncadd.s32 @!p0 $0xFFFFFFB0  }
0x18c: {  	_ =	swait.ge [sflag:s15], $0x50  }
0x18d: {  	[sflag:s15] =	ssyncset.done $0x0  }
0x18e: {  	[sflag:s15] =	ssyncadd.s32 $0xFFFFFFB0  }
0x18f: {  	_ =	swait.ge [sflag:s15], $0x50  }
0x190: {  	[sflag:s15] =	ssyncset.done $0x0  }
0x191: {  	[sflag:s15] =	ssyncadd.s32 $0xFFFFFFB0  }
0x192: {  	v2 =	vld [tilespmem:$0x14300]  }
0x193: {  	v3 =	vld [tilespmem:$0x14400]  }
0x194: {  	v58 =	vld [tilespmem:$0x14410]  }
0x195: {  	v57 =	vld [tilespmem:$0x14310]  }
0x196: {  	v59 =	vld [tilespmem:$0x14320]  }
0x197: {  	v60 =	vld [tilespmem:$0x14420]  }
0x198: {  	v61 =	vld [tilespmem:$0x14430];
	[tilespmem:$0x14700] =	vst v3  }
0x199: {  	v63 =	vld [tilespmem:$0x14440];
	v2 =	vadd.s32 v0, v2;
	[tilespmem:$0x14710] =	vst v58  }
0x19a: {  	v3 =	vadd.s32 v0, v57;
	[tilespmem:$0x14500] =	vst v2;
	v2 =	vld [tilespmem:$0x14330]  }
0x19b: {  	[tilespmem:$0x14510] =	vst v3;
	v3 =	vld [tilespmem:$0x14340]  }
0x19c: {  	[tilespmem:$0x14720] =	vst v60  }
0x19d: {  	[tilespmem:$0x14730] =	vst v61  }
0x19e: {  	v62 =	vadd.s32 v0, v59;
	[tilespmem:$0x14740] =	vst v63  }
0x19f: {  	[tilespmem:$0x14520] =	vst v62;
	v2 =	vadd.s32 v0, v2  }
0x1a0: {  	p2 =	seq.s32 s7, $0x960;
	[tilespmem:$0x14530] =	vst v2;
	v2 =	vadd.s32 v0, v3  }
0x1a1: {  	s17 =	simm.s32 $0x14500;
	s0 =	sadd.s32 @!p2 s7, s19;
	[tilespmem:$0x14540] =	vst v2  }
0x1a2: {  	[tilespmem:s13], [sflag:$0x2] =	stream.indirect.gather [hbm4b:s5+s12], $0x80, s17, s12, $0xb8;
	[tilespmem:$0x1E900] =	vst v63  }
0x1a3: {  	s23 =	simm.s32 @!p2 $0x0;
	s9 =	sadd.s32 @!p2 $0x64, s0;
	s13 =	simm.s32 @!p2 $0x14280  }
0x1a4: {  	[tilespmem:s13], [sflag:$0x9] =	stream.linear.gather @!p2 [hbm4b:s9+s23], $0x50, $0x38;
	[tilespmem:$0x1E900] =	vst v63  }
0x1a5: {  	s9 =	sadd.s32 @!p2 $0x9CA4, s0;
	s13 =	simm.s32 @!p2 $0x14380  }
0x1a6: {  	[tilespmem:s13], [sflag:$0x9] =	stream.linear.gather @!p2 [hbm4b:s9+s23], $0x50, $0x38;
	[tilespmem:$0x1E900] =	vst v63  }
0x1a7: {  	_ =	swait.ge [sflag:s21], $0x2800  }
0x1a8: {  	[sflag:s21] =	ssyncset.done $0x0  }
0x1a9: {  	s24 =	simm.s32 $0x14800;
	[sflag:s21] =	ssyncadd.s32 $0xFFFFD800  }
0x1aa: {  	[spmem:s2] =	stream.indirect.scatter.add.f32 [tilespmem:s28], [sflag:$0x8], $0x80, s24, s12, $0xb8;
	[tilespmem:$0x1E900] =	vst v63  }
0x1ab: {  	_ =	swait.ge @p0 [sflag:s22], $0x2800  }
0x1ac: {  	[sflag:s22] =	ssyncset.done @p0 $0x0  }
0x1ad: {  	s9 =	simm.s32 @!p0 $0x14800;
	[sflag:s22] =	ssyncadd.s32 @p0 $0xFFFFD800  }
0x1ae: {  	[spmem:s3] =	stream.indirect.scatter.add.f32 @!p0 [tilespmem:s8], [sflag:$0x8], $0x1, s9, s10, $0xb8;
	[tilespmem:$0x1E900] =	vst v63  }
0x1af: {  	_ =	swait.ge @!p0 [sflag:s20], $0x2800  }
0x1b0: {  	[sflag:s20] =	ssyncset.done @!p0 $0x0  }
0x1b1: {  	[sflag:s20] =	ssyncadd.s32 @!p0 $0xFFFFD800  }
0x1b2: {  	_ =	swait.ge @!p0 [sflag:s20], $0x50  }
0x1b3: {  	[sflag:s20] =	ssyncset.done @!p0 $0x0  }
0x1b4: {  	s9 =	simm.s32 @!p2 $0x9;
	[sflag:s20] =	ssyncadd.s32 @!p0 $0xFFFFFFB0  }
0x1b5: {  	_ =	swait.ge @!p2 [sflag:s9], $0x50  }
0x1b6: {  	[sflag:s9] =	ssyncset.done @!p2 $0x0  }
0x1b7: {  	[sflag:s9] =	ssyncadd.s32 @!p2 $0xFFFFFFB0  }
0x1b8: {  	_ =	swait.ge @!p2 [sflag:s9], $0x50  }
0x1b9: {  	[sflag:s9] =	ssyncset.done @!p2 $0x0  }
0x1ba: {  	[sflag:s9] =	ssyncadd.s32 @!p2 $0xFFFFFFB0  }
0x1bb: {  	v2 =	vld @!p2 [tilespmem:$0x14280]  }
0x1bc: {  	v3 =	vld @!p2 [tilespmem:$0x14380]  }
0x1bd: {  	v4 =	vld @!p2 [tilespmem:$0x14290]  }
0x1be: {  	v5 =	vld @!p2 [tilespmem:$0x14390]  }
0x1bf: {  	v6 =	vld @!p2 [tilespmem:$0x142A0];
	_ =	sdelay $0x2  }
0x1c0: {  	v7 =	vld @!p2 [tilespmem:$0x143A0];
	[tilespmem:$0x14780] =	vst @!p2 v3  }
0x1c1: {  	v2 =	vadd.s32 @!p2 v0, v2;
	v3 =	vadd.s32 @!p2 v0, v4;
	v4 =	vld @!p2 [tilespmem:$0x143B0];
	[tilespmem:$0x14790] =	vst @!p2 v5  }
0x1c2: {  	v5 =	vadd.s32 @!p2 v0, v6;
	[tilespmem:$0x14580] =	vst @!p2 v2;
	v2 =	vld @!p2 [tilespmem:$0x142B0]  }
0x1c3: {  	[tilespmem:$0x145A0] =	vst @!p2 v5;
	v5 =	vld @!p2 [tilespmem:$0x143C0]  }
0x1c4: {  	[tilespmem:$0x14590] =	vst @!p2 v3;
	v3 =	vld @!p2 [tilespmem:$0x142C0];
	_ =	sdelay $0x1  }
0x1c5: {  	[tilespmem:$0x147A0] =	vst @!p2 v7  }
0x1c6: {  	[tilespmem:$0x147B0] =	vst @!p2 v4  }
0x1c7: {  	v2 =	vadd.s32 @!p2 v0, v2;
	[tilespmem:$0x147C0] =	vst @!p2 v5  }
0x1c8: {  	[tilespmem:$0x145B0] =	vst @!p2 v2;
	v2 =	vadd.s32 @!p2 v0, v3  }
0x1c9: {  	s13 =	simm.s32 @!p2 $0x14580;
	s24 =	simm.s32 @!p2 $0x19880;
	s9 =	simm.s32 @!p2 $0x50;
	[tilespmem:$0x145C0] =	vst @!p2 v2  }
0x1ca: {  	[tilespmem:s24], [sflag:$0x3] =	stream.indirect.gather @!p2 [hbm4b:s5+s9], $0x80, s13, s9, $0xb8;
	[tilespmem:$0x1E900] =	vst v63  }
0x1cb: {  	s7 =	sadd.s32 @!p2 $0x28, s7;
	s9 =	sadd.s32 @!p2 $0x6E, s0;
	s13 =	simm.s32 @!p2 $0x14300  }
0x1cc: {  	[tilespmem:s13], [sflag:$0xA] =	stream.linear.gather @!p2 [hbm4b:s9+s23], $0x50, $0x38;
	[tilespmem:$0x1E900] =	vst v63  }
0x1cd: {  	p3 =	sne.s32 @!p2 s7, $0x988;
	s0 =	sadd.s32 @!p2 $0x9CAE, s0;
	s9 =	simm.s32 @!p2 $0x14400  }
0x1ce: {  	[tilespmem:s9], [sflag:$0xA] =	stream.linear.gather @!p2 [hbm4b:s0+s23], $0x50, $0x38;
	[tilespmem:$0x1E900] =	vst v63  }
0x1cf: {  	p2 =	por p2, !p3  }
.Ltmp0:
0x1d0: {  	_ = 	snop;
	(pc) =	sbr.rel @!p2 .LBB2_2-.Ltmp0, $3  }
0x1d1: {  	_ =	sdelay $0x1  }
0x1d2: {  	s26 =	simm.s32 $0x14880;
	s14 =	simm.s32 $0x17080  }
0x1d3: {  	s24 =	simm.s32 $0x14300;
	s13 =	simm.s32 $0x14280;
	s23 =	simm.s32 $0x14380  }
0x1d4: {  	s0 =	simm.s32 $0x1  }
0x1d5: {  	_ =	swait.ge [sflag:s0], $0x2800  }
0x1d6: {  	[sflag:s0] =	ssyncset.done $0x0  }
0x1d7: {  	s21 =	simm.s32 $0x14680;
	[sflag:s0] =	ssyncadd.s32 $0xFFFFD800  }
0x1d8: {  	[spmem:s2] =	stream.indirect.scatter.add.f32 [tilespmem:s26], [sflag:$0x5], $0x80, s21, s12, $0xb8;
	[tilespmem:$0x1E900] =	vst v63  }
0x1d9: {  	_ =	swait.ge @p0 [sflag:s6], $0x2800  }
0x1da: {  	s7 =	simm.s32 @!p0 $0x1E880;
	[sflag:s6] =	ssyncset.done @p0 $0x0  }
0x1db: {  	s0 =	simm.s32 @!p0 $0x50;
	[sflag:s6] =	ssyncadd.s32 @p0 $0xFFFFD800;
	s6 =	simm.s32 @!p0 $0x14680  }
0x1dc: {  	[spmem:s3] =	stream.indirect.scatter.add.f32 @!p0 [tilespmem:s7], [sflag:$0x5], $0x1, s6, s0, $0xb8;
	[tilespmem:$0x1E900] =	vst v63  }
0x1dd: {  	_ =	swait.ge @!p0 [sflag:s1], $0x2800  }
0x1de: {  	[sflag:s1] =	ssyncset.done @!p0 $0x0  }
0x1df: {  	[sflag:s1] =	ssyncadd.s32 @!p0 $0xFFFFD800  }
0x1e0: {  	_ =	swait.ge @!p0 [sflag:s1], $0x50  }
0x1e1: {  	[sflag:s1] =	ssyncset.done @!p0 $0x0  }
0x1e2: {  	[sflag:s1] =	ssyncadd.s32 @!p0 $0xFFFFFFB0  }
0x1e3: {  	_ =	swait.ge [sflag:s25], $0x2800  }
0x1e4: {  	[sflag:s25] =	ssyncset.done $0x0  }
0x1e5: {  	s22 =	simm.s32 $0x14700;
	[sflag:s25] =	ssyncadd.s32 $0xFFFFD800  }
0x1e6: {  	[spmem:s2] =	stream.indirect.scatter.add.f32 [tilespmem:s14], [sflag:$0x6], $0x80, s22, s12, $0xb8;
	[tilespmem:$0x1E900] =	vst v63  }
0x1e7: {  	s0 =	simm.s32 @p1 $0x50;
	s6 =	simm.s32 @p1 $0x1E880;
	s1 =	simm.s32 @p1 $0x14700  }
0x1e8: {  	[spmem:s3] =	stream.indirect.scatter.add.f32 @p1 [tilespmem:s6], [sflag:$0x6], $0x1, s1, s0, $0xb8;
	[tilespmem:$0x1E900] =	vst v63  }
0x1e9: {  	s0 =	simm.s32 @p1 $0x5  }
0x1ea: {  	_ =	swait.ge @p1 [sflag:s0], $0x2800  }
0x1eb: {  	[sflag:s0] =	ssyncset.done @p1 $0x0  }
0x1ec: {  	[sflag:s0] =	ssyncadd.s32 @p1 $0xFFFFD800  }
0x1ed: {  	_ =	swait.ge @p1 [sflag:s0], $0x50  }
0x1ee: {  	[sflag:s0] =	ssyncset.done @p1 $0x0  }
0x1ef: {  	[sflag:s0] =	ssyncadd.s32 @p1 $0xFFFFFFB0;
	s0 =	simm.s32 @p1 $0x6  }
0x1f0: {  	_ =	swait.ge @p1 [sflag:s0], $0x2800  }
0x1f1: {  	[sflag:s0] =	ssyncset.done @p1 $0x0  }
0x1f2: {  	[sflag:s0] =	ssyncadd.s32 @p1 $0xFFFFD800  }
0x1f3: {  	_ =	swait.ge @p1 [sflag:s0], $0x50  }
0x1f4: {  	[sflag:s0] =	ssyncset.done @p1 $0x0  }
0x1f5: {  	[sflag:s0] =	ssyncadd.s32 @p1 $0xFFFFFFB0;
	s0 =	simm.s32 @!p1 $0x5  }
0x1f6: {  	_ =	swait.ge @!p1 [sflag:s0], $0x2800  }
0x1f7: {  	[sflag:s0] =	ssyncset.done @!p1 $0x0  }
0x1f8: {  	[sflag:s0] =	ssyncadd.s32 @!p1 $0xFFFFD800;
	s0 =	simm.s32 @!p1 $0x6  }
0x1f9: {  	_ =	swait.ge @!p1 [sflag:s0], $0x2800  }
0x1fa: {  	[sflag:s0] =	ssyncset.done @!p1 $0x0  }
0x1fb: {  	[sflag:s0] =	ssyncadd.s32 @!p1 $0xFFFFD800  }
0x1fc: {  	[bflag:$0x0] =	sbarrier.arrive $0xFFFF  }
0x1fd: {  	s9 =	rddreg [dreg:$0x7]  }
0x1fe: {  	s26 =	rddreg [dreg:$0x14]  }
0x1ff: {  	s6 =	simm.s32 $0xB;
	s29 =	rddreg [dreg:$0x1e]  }
0x200: {  	[hbm:s26], [sflag:s9] =	dma.local [spmem:s29], $0x2800  }
0x201: {  	_ =	swait.ge [sflag:s6], $0x2800  }
0x202: {  	[sflag:s6] =	ssyncset.done $0x0;
	s0 =	rddreg [dreg:$0x15]  }
0x203: {  	s1 =	rddreg [dreg:$0x1f];
	[sflag:s6] =	ssyncadd.s32 $0xFFFFD800  }
0x204: {  	[hbm:s0], [sflag:s9] =	dma.local @!p0 [spmem:s1], $0x50  }
0x205: {  	s0 =	simm.s32 @!p0 $0xB  }
0x206: {  	_ =	swait.ge @!p0 [sflag:s0], $0x50  }
0x207: {  	s8 =	rddreg [dreg:$0x1d]  }
0x208: {  	s31 =	rddreg [dreg:$0x16];
	s8 =	sadd.s32 $0x1, s8  }
0x209: {  	p2 =	sne.s32 s8, s31  }
.Ltmp1:
0x20a: {  	_ = 	snop;
	(pc) =	sbr.rel @p2 .LBB2_1-.Ltmp1, $4  }
0x20b: {  	s18 =	simm.s32 $0x14600;
	s20 =	simm.s32 $0x1C080  }
0x20c: {  	s28 =	simm.s32 $0x14780;
	s30 =	simm.s32 $0x4;
	s21 =	simm.s32 $0x14800  }
0x20d: {  	s7 =	simm.s32 $0x14480;
	s22 =	simm.s32 $0x3;
	[sflag:s0] =	ssyncset.done @!p0 $0x0  }
0x20e: {  	s26 =	simm.s32 $0x19880;
	s1 =	simm.s32 $0x14400;
	[sflag:s0] =	ssyncadd.s32 @!p0 $0xFFFFFFB0  }
0x20f: {  	_ =	sfence.sel $0x180000  }
0x210: {  	[bflag:$0x0] =	sbarrier.arrive $0xFFFF  }
0x211: {  	_ =	strace $0x9000004A  }
0x212: {  	s0 =	stileid.u32;
	[bflag:$0x2] =	sbarrier.arrive $0xFFFF  }
0x213: {  	p0 =	sne.s32 s0, $0x0;
	s0 =	rddreg [dreg:$0x4]  }
0x214: {  	s0 =	sadd.s32 @!p0 $0x100000, s0  }
0x215: {  	[sflag:s0] =	ssyncadd.tile.s32 @!p0 $0x1;
	_ =	shalt  }
.Lfunc_end2:
_tile_overlayer_lowered:
.L_overlay_start_2:
0x216: {  	(tag) =	ssettag $0x2  }
0x217: {  	s0 =	rddreg [dreg:$0x0];
	s2 =	stileid.u32  }
0x218: {  	s1 =	rddreg [dreg:$0x1];
	p0 =	sne.s32 s2, $0x0  }
0x219: {  	s3 =	rddreg [dreg:$0x2];
	[bflag:$0x3] =	sbarrier.arrive $0xFFFF;
	s2 =	simm.s32 @!p0 $0x1C0B  }
0x21a: {  	[timem:s3], [sflag:s2] =	dma.local @!p0 [hbm:s0], s1  }
0x21b: {  	s0 =	simm.s32 @!p0 $0xB  }
0x21c: {  	_ =	swait.ge @!p0 [sflag:s0], s1  }
0x21d: {  	s1 =	ssub.s32 @!p0 $0x0, s1;
	[sflag:s0] =	ssyncset.done @!p0 $0x0  }
0x21e: {  	[sflag:s0] =	ssyncadd.s32 @!p0 s1  }
0x21f: {  	[bflag:$0x3] =	sbarrier.arrive $0xFFFF  }
0x220: {  	_ =	shalt  }

</sc_bundles>
